<compile_context>
chip_gen: v7x
topology: tpu7x:2x2x1
jax: 0.10.2.dev20260603
libtpu: 0.0.44.dev20260713+nightly
codegen_flags: <defaults>
</compile_context>

<pallas_src>
import functools

import jax
import jax.numpy as jnp
from jax import lax
from jax.experimental import pallas as pl
from jax.experimental.pallas import tpu as pltpu
from jax.experimental.pallas import tpu_sc as plsc

N = 50000
E = 3200000
IN_F = 1433
HID = 16
CLS = 7

NC, NS = 2, 16
NW = NC * NS
RPT = 3200
NPAD = NS * RPT
STREAM = 128
SPC = 8
CHUNK = STREAM * SPC
EP = -(-E // (NW * CHUNK)) * (NW * CHUNK)
GROUPS = EP // STREAM
GPW = GROUPS // NW
CPW = EP // (NW * CHUNK)

_MESH = plsc.VectorSubcoreMesh(core_axis_name="c", subcore_axis_name="s")
_SC_PARAMS = pltpu.CompilerParams(use_tc_tiling_on_sc=False,
                                  internal_scratch_in_bytes=256 * 1024)



SGD = 49
NSCD = GPW // SGD
SG = 14
NSC = GPW // SG
ZR = 1600


@functools.partial(
    pl.kernel,
    out_type=jax.ShapeDtypeStruct((NC * NPAD,), jnp.float32),
    mesh=_MESH,
    compiler_params=_SC_PARAMS,
    scratch_types=[
        pltpu.VMEM((SGD, STREAM), jnp.int32),
        pltpu.VMEM((SGD, STREAM), jnp.int32),
        pltpu.VMEM((STREAM,), jnp.float32),
        pltpu.VMEM((RPT,), jnp.float32),
        pltpu.VMEM_SHARED((NPAD,), jnp.float32),
        pltpu.SemaphoreType.DMA,
        pltpu.SemaphoreType.DMA,
        pltpu.SemaphoreType.DMA,
        pltpu.SemaphoreType.DMA,
    ],
)
def _deg_kernel(dst_hbm, zeros_hbm, out_hbm, didx0, didx1, ones_v, tmp, acc,
                isem0, isem1, ssem0, ssem1):
    c = lax.axis_index("c")
    s = lax.axis_index("s")
    w = c * NS + s
    base = s * RPT
    gw = w * GPW
    didx = (didx0, didx1)
    isem = (isem0, isem1)
    ssem = (ssem0, ssem1)

    def fire_i(t, b):
        pltpu.async_copy(dst_hbm.at[pl.ds(gw + t * SGD, SGD)], didx[b],
                         isem[b])

    def wait_i(b):
        pltpu.make_async_copy(dst_hbm.at[pl.ds(0, SGD)], didx[b],
                              isem[b]).wait()

    def fire_s(b):
        def body(j, carry):
            pltpu.async_copy(ones_v, acc.at[didx[b].at[j]], ssem[b],
                             add=True)
            return carry
        lax.fori_loop(0, SGD, body, 0)

    def wait_s(b):
        def body(j, carry):
            pltpu.make_async_copy(ones_v, acc.at[didx[b].at[j]],
                                  ssem[b]).wait()
            return carry
        lax.fori_loop(0, SGD, body, 0)

    for i in range(STREAM // 16):
        ones_v[pl.ds(i * 16, 16)] = jnp.ones((16,), jnp.float32)
    pltpu.sync_copy(zeros_hbm, tmp)
    pltpu.sync_copy(tmp, acc.at[pl.ds(base, RPT)])
    plsc.subcore_barrier()

    fire_i(0, 0)
    wait_i(0)
    fire_s(0)
    fire_i(1, 1)

    def pair(i, carry):
        t0 = 2 * i + 1
        wait_i(1)
        fire_s(1)
        wait_s(0)
        fire_i(t0 + 1, 0)
        wait_i(0)
        fire_s(0)
        wait_s(1)
        fire_i(t0 + 2, 1)
        return carry

    lax.fori_loop(0, (NSCD - 2) // 2, pair, 0)
    wait_i(1)
    fire_s(1)
    wait_s(0)
    wait_s(1)
    plsc.subcore_barrier()
    pltpu.sync_copy(acc.at[pl.ds(base, RPT)], tmp)
    pltpu.sync_copy(tmp, out_hbm.at[pl.ds(c * NPAD + base, RPT)])


@functools.partial(
    pl.kernel,
    out_type=jax.ShapeDtypeStruct((NC, NPAD, HID), jnp.float32),
    mesh=_MESH,
    compiler_params=_SC_PARAMS,
    scratch_types=[
        pltpu.VMEM((SG, STREAM), jnp.int32),
        pltpu.VMEM((SG, STREAM), jnp.int32),
        pltpu.VMEM((SG, STREAM), jnp.int32),
        pltpu.VMEM((SG, STREAM), jnp.int32),
        pltpu.VMEM((SG * STREAM, HID), jnp.float32),
        pltpu.VMEM((SG * STREAM, HID), jnp.float32),
        pltpu.VMEM_SHARED((NPAD, HID), jnp.float32),
        pltpu.SemaphoreType.DMA,
        pltpu.SemaphoreType.DMA,
        pltpu.SemaphoreType.DMA,
        pltpu.SemaphoreType.DMA,
        pltpu.SemaphoreType.DMA,
        pltpu.SemaphoreType.DMA,
    ],
)
def _agg_kernel(src_hbm, dst_hbm, feat_hbm, zeros_hbm, out_hbm,
                sidx0, sidx1, didx0, didx1, rows0, rows1, acc,
                isem0, isem1, gsem0, gsem1, ssem0, ssem1):
    c = lax.axis_index("c")
    s = lax.axis_index("s")
    w = c * NS + s
    base = s * RPT
    gw = w * GPW
    sidx = (sidx0, sidx1)
    didx = (didx0, didx1)
    rows = (rows0, rows1)
    isem = (isem0, isem1)
    gsem = (gsem0, gsem1)
    ssem = (ssem0, ssem1)

    def fire_i(t, b):
        g = gw + t * SG
        pltpu.async_copy(src_hbm.at[pl.ds(g, SG)], sidx[b], isem[b])
        pltpu.async_copy(dst_hbm.at[pl.ds(g, SG)], didx[b], isem[b])

    def wait_i(b):
        pltpu.make_async_copy(src_hbm.at[pl.ds(0, SG)], sidx[b],
                              isem[b]).wait()
        pltpu.make_async_copy(dst_hbm.at[pl.ds(0, SG)], didx[b],
                              isem[b]).wait()

    def fire_g(b):
        def body(j, carry):
            pltpu.async_copy(feat_hbm.at[sidx[b].at[j]],
                             rows[b].at[pl.ds(j * STREAM, STREAM)], gsem[b])
            return carry
        lax.fori_loop(0, SG, body, 0)

    def wait_g(b):
        def body(j, carry):
            pltpu.make_async_copy(feat_hbm.at[sidx[b].at[j]],
                                  rows[b].at[pl.ds(j * STREAM, STREAM)],
                                  gsem[b]).wait()
            return carry
        lax.fori_loop(0, SG, body, 0)

    def fire_s(b):
        def body(j, carry):
            pltpu.async_copy(rows[b].at[pl.ds(j * STREAM, STREAM)],
                             acc.at[didx[b].at[j]], ssem[b], add=True)
            return carry
        lax.fori_loop(0, SG, body, 0)

    def wait_s(b):
        def body(j, carry):
            pltpu.make_async_copy(rows[b].at[pl.ds(j * STREAM, STREAM)],
                                  acc.at[didx[b].at[j]], ssem[b]).wait()
            return carry
        lax.fori_loop(0, SG, body, 0)

    for q in range(RPT // ZR):
        pltpu.sync_copy(zeros_hbm, rows0.at[pl.ds(0, ZR)])
        pltpu.sync_copy(rows0.at[pl.ds(0, ZR)],
                        acc.at[pl.ds(base + q * ZR, ZR)])
    plsc.subcore_barrier()

    fire_i(0, 0)
    wait_i(0)
    fire_g(0)
    fire_i(1, 1)

    def pair(i, carry):
        t0 = 2 * i + 1
        wait_i(1)
        fire_g(1)
        wait_g(0)
        fire_s(0)
        wait_s(0)
        fire_i(t0 + 1, 0)
        wait_i(0)
        fire_g(0)
        wait_g(1)
        fire_s(1)
        wait_s(1)
        fire_i(t0 + 2, 1)
        return carry

    lax.fori_loop(0, (NSC - 2) // 2, pair, 0)
    wait_i(1)
    fire_g(1)
    wait_g(0)
    fire_s(0)
    wait_s(0)
    wait_g(1)
    fire_s(1)
    wait_s(1)
    plsc.subcore_barrier()
    for q in range(RPT // ZR):
        pltpu.sync_copy(acc.at[pl.ds(base + q * ZR, ZR)],
                        rows0.at[pl.ds(0, ZR)])
        pltpu.sync_copy(rows0.at[pl.ds(0, ZR)],
                        out_hbm.at[c, pl.ds(base + q * ZR, ZR)])



BN = 400
BD = 5120


BM = 1024


def _mm_body(w_ref, xt_ref, o_ref):
    o_ref[...] = lax.dot_general(w_ref[...].astype(jnp.bfloat16),
                                 xt_ref[...].astype(jnp.bfloat16),
                                 (((0,), (0,)), ((), ())),
                                 preferred_element_type=jnp.float32)


def _matmul(xt, W1):
    return pl.pallas_call(
        _mm_body,
        grid=(-(-N // BM),),
        in_specs=[pl.BlockSpec((IN_F, HID), lambda i: (0, 0)),
                  pl.BlockSpec((IN_F, BM), lambda i: (0, i))],
        out_specs=pl.BlockSpec((HID, BM), lambda i: (0, i)),
        out_shape=jax.ShapeDtypeStruct((HID, N), jnp.float32),
    )(W1, xt)


def _dinv_body(d0_ref, d1_ref, o_ref):
    o_ref[...] = lax.rsqrt(d0_ref[...] + d1_ref[...] + 1.0)[None, :]


def _dinv(degp):
    nb = NPAD // BD
    return pl.pallas_call(
        _dinv_body,
        grid=(nb,),
        in_specs=[pl.BlockSpec((BD,), lambda i: (i,)),
                  pl.BlockSpec((BD,), lambda i, _nb=nb: (i + _nb,))],
        out_specs=pl.BlockSpec((1, BD), lambda i: (0, i)),
        out_shape=jax.ShapeDtypeStruct((1, NPAD), jnp.float32),
    )(degp, degp)


def _scale_body(h_ref, v_ref, o_ref):
    o_ref[...] = h_ref[...] * v_ref[...]


def _scale(ht, dinvr):
    return pl.pallas_call(
        _scale_body,
        grid=(-(-N // BM),),
        in_specs=[pl.BlockSpec((HID, BM), lambda i: (0, i)),
                  pl.BlockSpec((1, BM), lambda i: (0, i))],
        out_specs=pl.BlockSpec((HID, BM), lambda i: (0, i)),
        out_shape=jax.ShapeDtypeStruct((HID, N), jnp.float32),
    )(ht, dinvr)


def _mid_body(p_ref, h_ref, v_ref, b_ref, o_ref):
    v = v_ref[...]
    agg = v * (p_ref[0] + p_ref[1] + h_ref[...])
    g = jnp.maximum(agg + b_ref[...], 0.0)
    o_ref[...] = v * g


def _mid(p1t, hs1t, dinvr, b1c):
    return pl.pallas_call(
        _mid_body,
        grid=(-(-N // BM),),
        in_specs=[pl.BlockSpec((NC, HID, BM), lambda i: (0, 0, i)),
                  pl.BlockSpec((HID, BM), lambda i: (0, i)),
                  pl.BlockSpec((1, BM), lambda i: (0, i)),
                  pl.BlockSpec((HID, 1), lambda i: (0, 0))],
        out_specs=pl.BlockSpec((HID, BM), lambda i: (0, i)),
        out_shape=jax.ShapeDtypeStruct((HID, N), jnp.float32),
    )(p1t, hs1t, dinvr, b1c)


def _out_body(p_ref, h_ref, v_ref, w_ref, b_ref, o_ref):
    v = v_ref[...]
    t = v * (p_ref[0] + p_ref[1] + h_ref[...])
    logits = lax.dot_general(w_ref[...], t, (((0,), (0,)), ((), ())),
                             preferred_element_type=jnp.float32) + b_ref[...]
    ml = jnp.max(logits, axis=0, keepdims=True)
    lse = jnp.log(jnp.sum(jnp.exp(logits - ml), axis=0, keepdims=True))
    o_ref[...] = logits - ml - lse


def _outk(p2t, hs2t, dinvr, W2, b2c):
    return pl.pallas_call(
        _out_body,
        grid=(-(-N // BM),),
        in_specs=[pl.BlockSpec((NC, HID, BM), lambda i: (0, 0, i)),
                  pl.BlockSpec((HID, BM), lambda i: (0, i)),
                  pl.BlockSpec((1, BM), lambda i: (0, i)),
                  pl.BlockSpec((HID, CLS), lambda i: (0, 0)),
                  pl.BlockSpec((CLS, 1), lambda i: (0, 0))],
        out_specs=pl.BlockSpec((CLS, BM), lambda i: (0, i)),
        out_shape=jax.ShapeDtypeStruct((CLS, N), jnp.float32),
    )(p2t, hs2t, dinvr, W2, b2c)



def kernel(x, edge_index, W1, b1, W2, b2):
    src = edge_index[0]
    dst = edge_index[1]
    pad_n = EP - E
    pad_src = (jnp.arange(pad_n, dtype=jnp.int32) * 37) % N
    pad_dst = jnp.full((pad_n,), N, dtype=jnp.int32)
    src_p = jnp.concatenate([src, pad_src]).reshape(GROUPS, STREAM)
    dst_p = jnp.concatenate([dst, pad_dst]).reshape(GROUPS, STREAM)
    zeros1 = jnp.zeros((RPT,), jnp.float32)
    zeros2 = jnp.zeros((ZR, HID), jnp.float32)
    b1c = b1.reshape(HID, 1)
    b2c = b2.reshape(CLS, 1)

    h1t = _matmul(jnp.transpose(x), W1)
    degp = _deg_kernel(dst_p, zeros1)
    dinvr = _dinv(degp)
    hs1t = _scale(h1t, dinvr)
    hs1 = jnp.transpose(hs1t)
    p1 = _agg_kernel(src_p, dst_p, hs1, zeros2)
    hs2t = _mid(jnp.transpose(p1, (0, 2, 1)), hs1t, dinvr, b1c)
    hs2 = jnp.transpose(hs2t)
    p2 = _agg_kernel(src_p, dst_p, hs2, zeros2)
    outt = _outk(jnp.transpose(p2, (0, 2, 1)), hs2t, dinvr, W2, b2c)
    return jnp.transpose(outt)

# --- scband reference (transcript-rebuilt; emitter-appended) ---
"""Pipeline reference for scband-gcn-39350490366357 (READ-ONLY COPY).

The authoritative reference and input builder live on the scoring server;
editing this copy changes nothing except your own understanding.
"""

import jax, jax.numpy as jnp
import numpy as np

N = 50000
E = 3200000
IN_F = 1433
HID = 16
CLS = 7


def setup_inputs(seed: int = 0) -> dict:
    key = jax.random.key(seed)
    k1, k2, k3, k4 = jax.random.split(key, 4)
    x = jax.random.normal(k1, (N, IN_F), dtype=jnp.float32)
    edge_index = jax.random.randint(k2, (2, E), 0, N, dtype=jnp.int32)
    W1 = jax.random.normal(k3, (IN_F, HID), dtype=jnp.float32) * (1.0 / np.sqrt(IN_F))
    b1 = jnp.zeros((HID,), dtype=jnp.float32)
    W2 = jax.random.normal(k4, (HID, CLS), dtype=jnp.float32) * (1.0 / np.sqrt(HID))
    b2 = jnp.zeros((CLS,), dtype=jnp.float32)
    return {"x": x, "edge_index": edge_index, "W1": W1, "b1": b1, "W2": W2, "b2": b2}


def gcn_conv(x, edge_index, W, b):
    # GCNConv: out = D^{-1/2} (A + I) D^{-1/2} X W + b
    n = x.shape[0]
    loops = jnp.arange(n, dtype=edge_index.dtype)
    src = jnp.concatenate([edge_index[0], loops])
    dst = jnp.concatenate([edge_index[1], loops])
    deg = jnp.zeros((n,), dtype=x.dtype).at[dst].add(1.0)
    dinv = jnp.where(deg > 0, deg ** -0.5, 0.0)
    norm = dinv[src] * dinv[dst]
    h = x @ W
    msg = h[src] * norm[:, None]
    out = jnp.zeros((n, W.shape[1]), dtype=x.dtype).at[dst].add(msg)
    return out + b


def reference(x, edge_index, W1, b1, W2, b2):
    h = gcn_conv(x, edge_index, W1, b1)
    h = jax.nn.relu(h)
    h = gcn_conv(h, edge_index, W2, b2)
    return jax.nn.log_softmax(h, axis=1)

if __name__ == "__main__":
    import jax
    _d = setup_inputs()
    print(jax.jit(kernel)(*tuple(_d.values())))

</pallas_src>

<mosaic_0001>
#map = affine_map<(d0, d1) -> (0, 0)>
#map1 = affine_map<(d0, d1) -> (0)>
module attributes {stable_mosaic.version = 14 : i64} {
  func.func @_deg_kernel(%arg0: i32, %arg1: i32, %arg2: memref<25088x128xi32, #tpu.memory_space<hbm>>, %arg3: memref<3200xf32, #tpu.memory_space<hbm>>, %arg4: memref<102400xf32, #tpu.memory_space<hbm>>, %arg5: memref<49x128xi32, #tpu.memory_space<vmem>>, %arg6: memref<49x128xi32, #tpu.memory_space<vmem>>, %arg7: memref<128xf32, #tpu.memory_space<vmem>>, %arg8: memref<3200xf32, #tpu.memory_space<vmem>>, %arg9: memref<51200xf32, #tpu.memory_space<vmem_shared>>, %arg10: memref<!tpu.dma_semaphore, #tpu.memory_space<semaphore_mem>>, %arg11: memref<!tpu.dma_semaphore, #tpu.memory_space<semaphore_mem>>, %arg12: memref<!tpu.dma_semaphore, #tpu.memory_space<semaphore_mem>>, %arg13: memref<!tpu.dma_semaphore, #tpu.memory_space<semaphore_mem>>) attributes {dimension_semantics = [#tpu.dimension_semantics<core_parallel>, #tpu.dimension_semantics<subcore_parallel>], iteration_bounds = array<i64: 2, 16>, scalar_prefetch = 0 : i64, scratch_operands = 9 : i64, tpu.core_type = #tpu.core_type<sc_vector_subcore>, window_params = [{transform_indices = #map}, {transform_indices = #map1}, {transform_indices = #map1}]} {
    %mul3A = arith.constant 16 : i32
    %mul3A_0 = arith.muli %arg0, %mul3A : i32
    %add3A = arith.addi %mul3A_0, %arg1 : i32
    %mul3A_1 = arith.constant 3200 : i32
    %mul3A_2 = arith.muli %arg1, %mul3A_1 : i32
    %mul3A_3 = arith.constant 784 : i32
    %mul3A_4 = arith.muli %add3A, %mul3A_3 : i32
    %broadcast_in_dim3A = arith.constant 1.000000e+00 : f32
    %broadcast_in_dim3A_5 = vector.broadcast %broadcast_in_dim3A : f32 to vector<16xf32>
    %swap3A = arith.constant 0 : index
    %swap3A_6 = tpu.vector_load %arg7[%swap3A] {strides = array<i32>} : memref<128xf32, #tpu.memory_space<vmem>>, vector<16xf32>,
    %swap3A_7 = vector.shape_cast %swap3A_6 : vector<16xf32> to vector<16xf32>
    %swap3A_8 = vector.shape_cast %broadcast_in_dim3A_5 : vector<16xf32> to vector<16xf32>
    tpu.vector_store %arg7[%swap3A], %swap3A_8 {strides = array<i32>} : memref<128xf32, #tpu.memory_space<vmem>>, vector<16xf32>,
    %broadcast_in_dim3A_9 = arith.constant 1.000000e+00 : f32
    %broadcast_in_dim3A_10 = vector.broadcast %broadcast_in_dim3A_9 : f32 to vector<16xf32>
    %swap3A_11 = arith.constant 16 : index
    %swap3A_12 = tpu.vector_load %arg7[%swap3A_11] {strides = array<i32>} : memref<128xf32, #tpu.memory_space<vmem>>, vector<16xf32>,
    %swap3A_13 = vector.shape_cast %swap3A_12 : vector<16xf32> to vector<16xf32>
    %swap3A_14 = vector.shape_cast %broadcast_in_dim3A_10 : vector<16xf32> to vector<16xf32>
    tpu.vector_store %arg7[%swap3A_11], %swap3A_14 {strides = array<i32>} : memref<128xf32, #tpu.memory_space<vmem>>, vector<16xf32>,
    %broadcast_in_dim3A_15 = arith.constant 1.000000e+00 : f32
    %broadcast_in_dim3A_16 = vector.broadcast %broadcast_in_dim3A_15 : f32 to vector<16xf32>
    %swap3A_17 = arith.constant 32 : index
    %swap3A_18 = tpu.vector_load %arg7[%swap3A_17] {strides = array<i32>} : memref<128xf32, #tpu.memory_space<vmem>>, vector<16xf32>,
    %swap3A_19 = vector.shape_cast %swap3A_18 : vector<16xf32> to vector<16xf32>
    %swap3A_20 = vector.shape_cast %broadcast_in_dim3A_16 : vector<16xf32> to vector<16xf32>
    tpu.vector_store %arg7[%swap3A_17], %swap3A_20 {strides = array<i32>} : memref<128xf32, #tpu.memory_space<vmem>>, vector<16xf32>,
    %broadcast_in_dim3A_21 = arith.constant 1.000000e+00 : f32
    %broadcast_in_dim3A_22 = vector.broadcast %broadcast_in_dim3A_21 : f32 to vector<16xf32>
    %swap3A_23 = arith.constant 48 : index
    %swap3A_24 = tpu.vector_load %arg7[%swap3A_23] {strides = array<i32>} : memref<128xf32, #tpu.memory_space<vmem>>, vector<16xf32>,
    %swap3A_25 = vector.shape_cast %swap3A_24 : vector<16xf32> to vector<16xf32>
    %swap3A_26 = vector.shape_cast %broadcast_in_dim3A_22 : vector<16xf32> to vector<16xf32>
    tpu.vector_store %arg7[%swap3A_23], %swap3A_26 {strides = array<i32>} : memref<128xf32, #tpu.memory_space<vmem>>, vector<16xf32>,
    %broadcast_in_dim3A_27 = arith.constant 1.000000e+00 : f32
    %broadcast_in_dim3A_28 = vector.broadcast %broadcast_in_dim3A_27 : f32 to vector<16xf32>
    %swap3A_29 = arith.constant 64 : index
    %swap3A_30 = tpu.vector_load %arg7[%swap3A_29] {strides = array<i32>} : memref<128xf32, #tpu.memory_space<vmem>>, vector<16xf32>,
    %swap3A_31 = vector.shape_cast %swap3A_30 : vector<16xf32> to vector<16xf32>
    %swap3A_32 = vector.shape_cast %broadcast_in_dim3A_28 : vector<16xf32> to vector<16xf32>
    tpu.vector_store %arg7[%swap3A_29], %swap3A_32 {strides = array<i32>} : memref<128xf32, #tpu.memory_space<vmem>>, vector<16xf32>,
    %broadcast_in_dim3A_33 = arith.constant 1.000000e+00 : f32
    %broadcast_in_dim3A_34 = vector.broadcast %broadcast_in_dim3A_33 : f32 to vector<16xf32>
    %swap3A_35 = arith.constant 80 : index
    %swap3A_36 = tpu.vector_load %arg7[%swap3A_35] {strides = array<i32>} : memref<128xf32, #tpu.memory_space<vmem>>, vector<16xf32>,
    %swap3A_37 = vector.shape_cast %swap3A_36 : vector<16xf32> to vector<16xf32>
    %swap3A_38 = vector.shape_cast %broadcast_in_dim3A_34 : vector<16xf32> to vector<16xf32>
    tpu.vector_store %arg7[%swap3A_35], %swap3A_38 {strides = array<i32>} : memref<128xf32, #tpu.memory_space<vmem>>, vector<16xf32>,
    %broadcast_in_dim3A_39 = arith.constant 1.000000e+00 : f32
    %broadcast_in_dim3A_40 = vector.broadcast %broadcast_in_dim3A_39 : f32 to vector<16xf32>
    %swap3A_41 = arith.constant 96 : index
    %swap3A_42 = tpu.vector_load %arg7[%swap3A_41] {strides = array<i32>} : memref<128xf32, #tpu.memory_space<vmem>>, vector<16xf32>,
    %swap3A_43 = vector.shape_cast %swap3A_42 : vector<16xf32> to vector<16xf32>
    %swap3A_44 = vector.shape_cast %broadcast_in_dim3A_40 : vector<16xf32> to vector<16xf32>
    tpu.vector_store %arg7[%swap3A_41], %swap3A_44 {strides = array<i32>} : memref<128xf32, #tpu.memory_space<vmem>>, vector<16xf32>,
    %broadcast_in_dim3A_45 = arith.constant 1.000000e+00 : f32
    %broadcast_in_dim3A_46 = vector.broadcast %broadcast_in_dim3A_45 : f32 to vector<16xf32>
    %swap3A_47 = arith.constant 112 : index
    %swap3A_48 = tpu.vector_load %arg7[%swap3A_47] {strides = array<i32>} : memref<128xf32, #tpu.memory_space<vmem>>, vector<16xf32>,
    %swap3A_49 = vector.shape_cast %swap3A_48 : vector<16xf32> to vector<16xf32>
    %swap3A_50 = vector.shape_cast %broadcast_in_dim3A_46 : vector<16xf32> to vector<16xf32>
    tpu.vector_store %arg7[%swap3A_47], %swap3A_50 {strides = array<i32>} : memref<128xf32, #tpu.memory_space<vmem>>, vector<16xf32>,
    "tpu.region"() ({
      %run_scoped3A = tpu.sem_alloc : memref<!tpu.dma_semaphore, #tpu.memory_space<semaphore_mem>>
      tpu.enqueue_dma source(%arg3 : memref<3200xf32, #tpu.memory_space<hbm>>) target(%arg8 : memref<3200xf32, #tpu.memory_space<vmem>>) target_semaphore(%run_scoped3A : memref<!tpu.dma_semaphore, #tpu.memory_space<semaphore_mem>>)
      tpu.wait_dma2 semaphore(%run_scoped3A : memref<!tpu.dma_semaphore, #tpu.memory_space<semaphore_mem>>) src(%arg3 : memref<3200xf32, #tpu.memory_space<hbm>>) dst(%arg8 : memref<3200xf32, #tpu.memory_space<vmem>>)
      tpu.yield
    }) : () -> ()
    "tpu.region"() ({
      %run_scoped3A = tpu.sem_alloc : memref<!tpu.dma_semaphore, #tpu.memory_space<semaphore_mem>>
      %dma_start3A_106 = tpu.memref_slice %arg9[%mul3A_2] : memref<51200xf32, #tpu.memory_space<vmem_shared>> -> memref<3200xf32, #tpu.memory_space<vmem_shared>>
      %dma_start3A_107 = tpu.memref_slice %arg9[%mul3A_2] : memref<51200xf32, #tpu.memory_space<vmem_shared>> -> memref<3200xf32, #tpu.memory_space<vmem_shared>>
      tpu.enqueue_dma source(%arg8 : memref<3200xf32, #tpu.memory_space<vmem>>) target(%dma_start3A_107 : memref<3200xf32, #tpu.memory_space<vmem_shared>>) target_semaphore(%run_scoped3A : memref<!tpu.dma_semaphore, #tpu.memory_space<semaphore_mem>>)
      %dma_wait3A_108 = tpu.memref_slice %arg9[%mul3A_2] : memref<51200xf32, #tpu.memory_space<vmem_shared>> -> memref<3200xf32, #tpu.memory_space<vmem_shared>>
      %dma_wait3A_109 = tpu.memref_slice %arg9[%mul3A_2] : memref<51200xf32, #tpu.memory_space<vmem_shared>> -> memref<3200xf32, #tpu.memory_space<vmem_shared>>
      tpu.wait_dma2 semaphore(%run_scoped3A : memref<!tpu.dma_semaphore, #tpu.memory_space<semaphore_mem>>) src(%arg8 : memref<3200xf32, #tpu.memory_space<vmem>>) dst(%dma_wait3A_109 : memref<3200xf32, #tpu.memory_space<vmem_shared>>)
      tpu.yield
    }) : () -> ()
    %barrier3A = arith.constant 0 : index
    tpu.barrier barrier_id(%barrier3A)
    %add3A_51 = arith.constant 0 : i32
    %add3A_52 = arith.addi %mul3A_4, %add3A_51 : i32
    %dma_start3A = arith.constant 0 : i32
    %dma_start3A_53 = tpu.memref_slice %arg2[%add3A_52, %dma_start3A] : memref<25088x128xi32, #tpu.memory_space<hbm>> -> memref<49x128xi32, #tpu.memory_space<hbm>>
    %dma_start3A_54 = arith.constant 0 : i32
    %dma_start3A_55 = tpu.memref_slice %arg2[%add3A_52, %dma_start3A_54] : memref<25088x128xi32, #tpu.memory_space<hbm>> -> memref<49x128xi32, #tpu.memory_space<hbm>>
    tpu.enqueue_dma source(%dma_start3A_55 : memref<49x128xi32, #tpu.memory_space<hbm>>) target(%arg5 : memref<49x128xi32, #tpu.memory_space<vmem>>) target_semaphore(%arg10 : memref<!tpu.dma_semaphore, #tpu.memory_space<semaphore_mem>>)
    %dma_wait3A = arith.constant 0 : i32
    %dma_wait3A_56 = arith.constant 0 : i32
    %dma_wait3A_57 = tpu.memref_slice %arg2[%dma_wait3A, %dma_wait3A_56] : memref<25088x128xi32, #tpu.memory_space<hbm>> -> memref<49x128xi32, #tpu.memory_space<hbm>>
    %dma_wait3A_58 = arith.constant 0 : i32
    %dma_wait3A_59 = arith.constant 0 : i32
    %dma_wait3A_60 = tpu.memref_slice %arg2[%dma_wait3A_58, %dma_wait3A_59] : memref<25088x128xi32, #tpu.memory_space<hbm>> -> memref<49x128xi32, #tpu.memory_space<hbm>>
    tpu.wait_dma2 semaphore(%arg10 : memref<!tpu.dma_semaphore, #tpu.memory_space<semaphore_mem>>) src(%dma_wait3A_60 : memref<49x128xi32, #tpu.memory_space<hbm>>) dst(%arg5 : memref<49x128xi32, #tpu.memory_space<vmem>>)
    %scan3A = arith.constant 0 : i32
    %scan3A_61 = arith.constant 0 : i32
    %scan3A_62 = arith.constant 49 : i32
    %scan3A_63 = arith.addi %scan3A_61, %scan3A_62 : i32
    %scan3A_64 = arith.constant 1 : i32
    scf.for %scan3A_106 = %scan3A_61 to %scan3A_63 step %scan3A_64  : i32 {
      %dma_start3A_107 = arith.constant 0 : i32
      %dma_start3A_108 = tpu.memref_slice %arg5[%scan3A_106, %dma_start3A_107] : memref<49x128xi32, #tpu.memory_space<vmem>> -> memref<1x128xi32, #tpu.memory_space<vmem>>
      %dma_start3A_109 = tpu.memref_squeeze %dma_start3A_108 : memref<1x128xi32, #tpu.memory_space<vmem>> -> memref<128xi32, #tpu.memory_space<vmem>>
      %dma_start3A_110 = arith.constant 0 : i32
      %dma_start3A_111 = tpu.memref_slice %arg9[%dma_start3A_110] : memref<51200xf32, #tpu.memory_space<vmem_shared>> -> memref<51200xf32, #tpu.memory_space<vmem_shared>>
      tpu.enqueue_indirect_dma source(%arg7 : memref<128xf32, #tpu.memory_space<vmem>>) target(%dma_start3A_111 : memref<51200xf32, #tpu.memory_space<vmem_shared>>) offsets(%dma_start3A_109 : memref<128xi32, #tpu.memory_space<vmem>>) semaphore(%arg12 : memref<!tpu.dma_semaphore, #tpu.memory_space<semaphore_mem>>) {add = true}
    }
    %scan3A_65 = arith.constant 49 : i32
    %add3A_66 = arith.constant 49 : i32
    %add3A_67 = arith.addi %mul3A_4, %add3A_66 : i32
    %dma_start3A_68 = arith.constant 0 : i32
    %dma_start3A_69 = tpu.memref_slice %arg2[%add3A_67, %dma_start3A_68] : memref<25088x128xi32, #tpu.memory_space<hbm>> -> memref<49x128xi32, #tpu.memory_space<hbm>>
    %dma_start3A_70 = arith.constant 0 : i32
    %dma_start3A_71 = tpu.memref_slice %arg2[%add3A_67, %dma_start3A_70] : memref<25088x128xi32, #tpu.memory_space<hbm>> -> memref<49x128xi32, #tpu.memory_space<hbm>>
    tpu.enqueue_dma source(%dma_start3A_71 : memref<49x128xi32, #tpu.memory_space<hbm>>) target(%arg6 : memref<49x128xi32, #tpu.memory_space<vmem>>) target_semaphore(%arg11 : memref<!tpu.dma_semaphore, #tpu.memory_space<semaphore_mem>>)
    %scan3A_72 = arith.constant 0 : i32
    %scan3A_73 = arith.constant 0 : i32
    %scan3A_74 = arith.constant 7 : i32
    %scan3A_75 = arith.addi %scan3A_73, %scan3A_74 : i32
    %scan3A_76 = arith.constant 1 : i32
    scf.for %scan3A_106 = %scan3A_73 to %scan3A_75 step %scan3A_76  : i32 {
      %mul3A_107 = arith.constant 2 : i32
      %mul3A_108 = arith.muli %mul3A_107, %scan3A_106 : i32
      %add3A_109 = arith.constant 1 : i32
      %add3A_110 = arith.addi %mul3A_108, %add3A_109 : i32
      %dma_wait3A_111 = arith.constant 0 : i32
      %dma_wait3A_112 = arith.constant 0 : i32
      %dma_wait3A_113 = tpu.memref_slice %arg2[%dma_wait3A_111, %dma_wait3A_112] : memref<25088x128xi32, #tpu.memory_space<hbm>> -> memref<49x128xi32, #tpu.memory_space<hbm>>
      %dma_wait3A_114 = arith.constant 0 : i32
      %dma_wait3A_115 = arith.constant 0 : i32
      %dma_wait3A_116 = tpu.memref_slice %arg2[%dma_wait3A_114, %dma_wait3A_115] : memref<25088x128xi32, #tpu.memory_space<hbm>> -> memref<49x128xi32, #tpu.memory_space<hbm>>
      tpu.wait_dma2 semaphore(%arg11 : memref<!tpu.dma_semaphore, #tpu.memory_space<semaphore_mem>>) src(%dma_wait3A_116 : memref<49x128xi32, #tpu.memory_space<hbm>>) dst(%arg6 : memref<49x128xi32, #tpu.memory_space<vmem>>)
      %scan3A_117 = arith.constant 0 : i32
      %scan3A_118 = arith.constant 0 : i32
      %scan3A_119 = arith.constant 49 : i32
      %scan3A_120 = arith.addi %scan3A_118, %scan3A_119 : i32
      %scan3A_121 = arith.constant 1 : i32
      scf.for %scan3A_165 = %scan3A_118 to %scan3A_120 step %scan3A_121  : i32 {
        %dma_start3A_166 = arith.constant 0 : i32
        %dma_start3A_167 = tpu.memref_slice %arg6[%scan3A_165, %dma_start3A_166] : memref<49x128xi32, #tpu.memory_space<vmem>> -> memref<1x128xi32, #tpu.memory_space<vmem>>
        %dma_start3A_168 = tpu.memref_squeeze %dma_start3A_167 : memref<1x128xi32, #tpu.memory_space<vmem>> -> memref<128xi32, #tpu.memory_space<vmem>>
        %dma_start3A_169 = arith.constant 0 : i32
        %dma_start3A_170 = tpu.memref_slice %arg9[%dma_start3A_169] : memref<51200xf32, #tpu.memory_space<vmem_shared>> -> memref<51200xf32, #tpu.memory_space<vmem_shared>>
        tpu.enqueue_indirect_dma source(%arg7 : memref<128xf32, #tpu.memory_space<vmem>>) target(%dma_start3A_170 : memref<51200xf32, #tpu.memory_space<vmem_shared>>) offsets(%dma_start3A_168 : memref<128xi32, #tpu.memory_space<vmem>>) semaphore(%arg13 : memref<!tpu.dma_semaphore, #tpu.memory_space<semaphore_mem>>) {add = true}
      }
      %scan3A_122 = arith.constant 49 : i32
      %scan3A_123 = arith.constant 0 : i32
      %scan3A_124 = arith.constant 0 : i32
      %scan3A_125 = arith.constant 49 : i32
      %scan3A_126 = arith.addi %scan3A_124, %scan3A_125 : i32
      %scan3A_127 = arith.constant 1 : i32
      scf.for %scan3A_165 = %scan3A_124 to %scan3A_126 step %scan3A_127  : i32 {
        %dma_wait3A_166 = arith.constant 0 : i32
        %dma_wait3A_167 = tpu.memref_slice %arg5[%scan3A_165, %dma_wait3A_166] : memref<49x128xi32, #tpu.memory_space<vmem>> -> memref<1x128xi32, #tpu.memory_space<vmem>>
        %dma_wait3A_168 = tpu.memref_squeeze %dma_wait3A_167 : memref<1x128xi32, #tpu.memory_space<vmem>> -> memref<128xi32, #tpu.memory_space<vmem>>
        %dma_wait3A_169 = arith.constant 0 : i32
        %dma_wait3A_170 = tpu.memref_slice %arg9[%dma_wait3A_169] : memref<51200xf32, #tpu.memory_space<vmem_shared>> -> memref<51200xf32, #tpu.memory_space<vmem_shared>>
        tpu.wait_indirect_dma semaphore(%arg12 : memref<!tpu.dma_semaphore, #tpu.memory_space<semaphore_mem>>) src(%arg7 : memref<128xf32, #tpu.memory_space<vmem>>) dst(%dma_wait3A_170 : memref<51200xf32, #tpu.memory_space<vmem_shared>>)
      }
      %scan3A_128 = arith.constant 49 : i32
      %add3A_129 = arith.constant 1 : i32
      %add3A_130 = arith.addi %add3A_110, %add3A_129 : i32
      %mul3A_131 = arith.constant 49 : i32
      %mul3A_132 = arith.muli %add3A_130, %mul3A_131 : i32
      %add3A_133 = arith.addi %mul3A_4, %mul3A_132 : i32
      %dma_start3A_134 = arith.constant 0 : i32
      %dma_start3A_135 = tpu.memref_slice %arg2[%add3A_133, %dma_start3A_134] : memref<25088x128xi32, #tpu.memory_space<hbm>> -> memref<49x128xi32, #tpu.memory_space<hbm>>
      %dma_start3A_136 = arith.constant 0 : i32
      %dma_start3A_137 = tpu.memref_slice %arg2[%add3A_133, %dma_start3A_136] : memref<25088x128xi32, #tpu.memory_space<hbm>> -> memref<49x128xi32, #tpu.memory_space<hbm>>
      tpu.enqueue_dma source(%dma_start3A_137 : memref<49x128xi32, #tpu.memory_space<hbm>>) target(%arg5 : memref<49x128xi32, #tpu.memory_space<vmem>>) target_semaphore(%arg10 : memref<!tpu.dma_semaphore, #tpu.memory_space<semaphore_mem>>)
      %dma_wait3A_138 = arith.constant 0 : i32
      %dma_wait3A_139 = arith.constant 0 : i32
      %dma_wait3A_140 = tpu.memref_slice %arg2[%dma_wait3A_138, %dma_wait3A_139] : memref<25088x128xi32, #tpu.memory_space<hbm>> -> memref<49x128xi32, #tpu.memory_space<hbm>>
      %dma_wait3A_141 = arith.constant 0 : i32
      %dma_wait3A_142 = arith.constant 0 : i32
      %dma_wait3A_143 = tpu.memref_slice %arg2[%dma_wait3A_141, %dma_wait3A_142] : memref<25088x128xi32, #tpu.memory_space<hbm>> -> memref<49x128xi32, #tpu.memory_space<hbm>>
      tpu.wait_dma2 semaphore(%arg10 : memref<!tpu.dma_semaphore, #tpu.memory_space<semaphore_mem>>) src(%dma_wait3A_143 : memref<49x128xi32, #tpu.memory_space<hbm>>) dst(%arg5 : memref<49x128xi32, #tpu.memory_space<vmem>>)
      %scan3A_144 = arith.constant 0 : i32
      %scan3A_145 = arith.constant 0 : i32
      %scan3A_146 = arith.constant 49 : i32
      %scan3A_147 = arith.addi %scan3A_145, %scan3A_146 : i32
      %scan3A_148 = arith.constant 1 : i32
      scf.for %scan3A_165 = %scan3A_145 to %scan3A_147 step %scan3A_148  : i32 {
        %dma_start3A_166 = arith.constant 0 : i32
        %dma_start3A_167 = tpu.memref_slice %arg5[%scan3A_165, %dma_start3A_166] : memref<49x128xi32, #tpu.memory_space<vmem>> -> memref<1x128xi32, #tpu.memory_space<vmem>>
        %dma_start3A_168 = tpu.memref_squeeze %dma_start3A_167 : memref<1x128xi32, #tpu.memory_space<vmem>> -> memref<128xi32, #tpu.memory_space<vmem>>
        %dma_start3A_169 = arith.constant 0 : i32
        %dma_start3A_170 = tpu.memref_slice %arg9[%dma_start3A_169] : memref<51200xf32, #tpu.memory_space<vmem_shared>> -> memref<51200xf32, #tpu.memory_space<vmem_shared>>
        tpu.enqueue_indirect_dma source(%arg7 : memref<128xf32, #tpu.memory_space<vmem>>) target(%dma_start3A_170 : memref<51200xf32, #tpu.memory_space<vmem_shared>>) offsets(%dma_start3A_168 : memref<128xi32, #tpu.memory_space<vmem>>) semaphore(%arg12 : memref<!tpu.dma_semaphore, #tpu.memory_space<semaphore_mem>>) {add = true}
      }
      %scan3A_149 = arith.constant 49 : i32
      %scan3A_150 = arith.constant 0 : i32
      %scan3A_151 = arith.constant 0 : i32
      %scan3A_152 = arith.constant 49 : i32
      %scan3A_153 = arith.addi %scan3A_151, %scan3A_152 : i32
      %scan3A_154 = arith.constant 1 : i32
      scf.for %scan3A_165 = %scan3A_151 to %scan3A_153 step %scan3A_154  : i32 {
        %dma_wait3A_166 = arith.constant 0 : i32
        %dma_wait3A_167 = tpu.memref_slice %arg6[%scan3A_165, %dma_wait3A_166] : memref<49x128xi32, #tpu.memory_space<vmem>> -> memref<1x128xi32, #tpu.memory_space<vmem>>
        %dma_wait3A_168 = tpu.memref_squeeze %dma_wait3A_167 : memref<1x128xi32, #tpu.memory_space<vmem>> -> memref<128xi32, #tpu.memory_space<vmem>>
        %dma_wait3A_169 = arith.constant 0 : i32
        %dma_wait3A_170 = tpu.memref_slice %arg9[%dma_wait3A_169] : memref<51200xf32, #tpu.memory_space<vmem_shared>> -> memref<51200xf32, #tpu.memory_space<vmem_shared>>
        tpu.wait_indirect_dma semaphore(%arg13 : memref<!tpu.dma_semaphore, #tpu.memory_space<semaphore_mem>>) src(%arg7 : memref<128xf32, #tpu.memory_space<vmem>>) dst(%dma_wait3A_170 : memref<51200xf32, #tpu.memory_space<vmem_shared>>)
      }
      %scan3A_155 = arith.constant 49 : i32
      %add3A_156 = arith.constant 2 : i32
      %add3A_157 = arith.addi %add3A_110, %add3A_156 : i32
      %mul3A_158 = arith.constant 49 : i32
      %mul3A_159 = arith.muli %add3A_157, %mul3A_158 : i32
      %add3A_160 = arith.addi %mul3A_4, %mul3A_159 : i32
      %dma_start3A_161 = arith.constant 0 : i32
      %dma_start3A_162 = tpu.memref_slice %arg2[%add3A_160, %dma_start3A_161] : memref<25088x128xi32, #tpu.memory_space<hbm>> -> memref<49x128xi32, #tpu.memory_space<hbm>>
      %dma_start3A_163 = arith.constant 0 : i32
      %dma_start3A_164 = tpu.memref_slice %arg2[%add3A_160, %dma_start3A_163] : memref<25088x128xi32, #tpu.memory_space<hbm>> -> memref<49x128xi32, #tpu.memory_space<hbm>>
      tpu.enqueue_dma source(%dma_start3A_164 : memref<49x128xi32, #tpu.memory_space<hbm>>) target(%arg6 : memref<49x128xi32, #tpu.memory_space<vmem>>) target_semaphore(%arg11 : memref<!tpu.dma_semaphore, #tpu.memory_space<semaphore_mem>>)
    }
    %scan3A_77 = arith.constant 7 : i32
    %dma_wait3A_78 = arith.constant 0 : i32
    %dma_wait3A_79 = arith.constant 0 : i32
    %dma_wait3A_80 = tpu.memref_slice %arg2[%dma_wait3A_78, %dma_wait3A_79] : memref<25088x128xi32, #tpu.memory_space<hbm>> -> memref<49x128xi32, #tpu.memory_space<hbm>>
    %dma_wait3A_81 = arith.constant 0 : i32
    %dma_wait3A_82 = arith.constant 0 : i32
    %dma_wait3A_83 = tpu.memref_slice %arg2[%dma_wait3A_81, %dma_wait3A_82] : memref<25088x128xi32, #tpu.memory_space<hbm>> -> memref<49x128xi32, #tpu.memory_space<hbm>>
    tpu.wait_dma2 semaphore(%arg11 : memref<!tpu.dma_semaphore, #tpu.memory_space<semaphore_mem>>) src(%dma_wait3A_83 : memref<49x128xi32, #tpu.memory_space<hbm>>) dst(%arg6 : memref<49x128xi32, #tpu.memory_space<vmem>>)
    %scan3A_84 = arith.constant 0 : i32
    %scan3A_85 = arith.constant 0 : i32
    %scan3A_86 = arith.constant 49 : i32
    %scan3A_87 = arith.addi %scan3A_85, %scan3A_86 : i32
    %scan3A_88 = arith.constant 1 : i32
    scf.for %scan3A_106 = %scan3A_85 to %scan3A_87 step %scan3A_88  : i32 {
      %dma_start3A_107 = arith.constant 0 : i32
      %dma_start3A_108 = tpu.memref_slice %arg6[%scan3A_106, %dma_start3A_107] : memref<49x128xi32, #tpu.memory_space<vmem>> -> memref<1x128xi32, #tpu.memory_space<vmem>>
      %dma_start3A_109 = tpu.memref_squeeze %dma_start3A_108 : memref<1x128xi32, #tpu.memory_space<vmem>> -> memref<128xi32, #tpu.memory_space<vmem>>
      %dma_start3A_110 = arith.constant 0 : i32
      %dma_start3A_111 = tpu.memref_slice %arg9[%dma_start3A_110] : memref<51200xf32, #tpu.memory_space<vmem_shared>> -> memref<51200xf32, #tpu.memory_space<vmem_shared>>
      tpu.enqueue_indirect_dma source(%arg7 : memref<128xf32, #tpu.memory_space<vmem>>) target(%dma_start3A_111 : memref<51200xf32, #tpu.memory_space<vmem_shared>>) offsets(%dma_start3A_109 : memref<128xi32, #tpu.memory_space<vmem>>) semaphore(%arg13 : memref<!tpu.dma_semaphore, #tpu.memory_space<semaphore_mem>>) {add = true}
    }
    %scan3A_89 = arith.constant 49 : i32
    %scan3A_90 = arith.constant 0 : i32
    %scan3A_91 = arith.constant 0 : i32
    %scan3A_92 = arith.constant 49 : i32
    %scan3A_93 = arith.addi %scan3A_91, %scan3A_92 : i32
    %scan3A_94 = arith.constant 1 : i32
    scf.for %scan3A_106 = %scan3A_91 to %scan3A_93 step %scan3A_94  : i32 {
      %dma_wait3A_107 = arith.constant 0 : i32
      %dma_wait3A_108 = tpu.memref_slice %arg5[%scan3A_106, %dma_wait3A_107] : memref<49x128xi32, #tpu.memory_space<vmem>> -> memref<1x128xi32, #tpu.memory_space<vmem>>
      %dma_wait3A_109 = tpu.memref_squeeze %dma_wait3A_108 : memref<1x128xi32, #tpu.memory_space<vmem>> -> memref<128xi32, #tpu.memory_space<vmem>>
      %dma_wait3A_110 = arith.constant 0 : i32
      %dma_wait3A_111 = tpu.memref_slice %arg9[%dma_wait3A_110] : memref<51200xf32, #tpu.memory_space<vmem_shared>> -> memref<51200xf32, #tpu.memory_space<vmem_shared>>
      tpu.wait_indirect_dma semaphore(%arg12 : memref<!tpu.dma_semaphore, #tpu.memory_space<semaphore_mem>>) src(%arg7 : memref<128xf32, #tpu.memory_space<vmem>>) dst(%dma_wait3A_111 : memref<51200xf32, #tpu.memory_space<vmem_shared>>)
    }
    %scan3A_95 = arith.constant 49 : i32
    %scan3A_96 = arith.constant 0 : i32
    %scan3A_97 = arith.constant 0 : i32
    %scan3A_98 = arith.constant 49 : i32
    %scan3A_99 = arith.addi %scan3A_97, %scan3A_98 : i32
    %scan3A_100 = arith.constant 1 : i32
    scf.for %scan3A_106 = %scan3A_97 to %scan3A_99 step %scan3A_100  : i32 {
      %dma_wait3A_107 = arith.constant 0 : i32
      %dma_wait3A_108 = tpu.memref_slice %arg6[%scan3A_106, %dma_wait3A_107] : memref<49x128xi32, #tpu.memory_space<vmem>> -> memref<1x128xi32, #tpu.memory_space<vmem>>
      %dma_wait3A_109 = tpu.memref_squeeze %dma_wait3A_108 : memref<1x128xi32, #tpu.memory_space<vmem>> -> memref<128xi32, #tpu.memory_space<vmem>>
      %dma_wait3A_110 = arith.constant 0 : i32
      %dma_wait3A_111 = tpu.memref_slice %arg9[%dma_wait3A_110] : memref<51200xf32, #tpu.memory_space<vmem_shared>> -> memref<51200xf32, #tpu.memory_space<vmem_shared>>
      tpu.wait_indirect_dma semaphore(%arg13 : memref<!tpu.dma_semaphore, #tpu.memory_space<semaphore_mem>>) src(%arg7 : memref<128xf32, #tpu.memory_space<vmem>>) dst(%dma_wait3A_111 : memref<51200xf32, #tpu.memory_space<vmem_shared>>)
    }
    %scan3A_101 = arith.constant 49 : i32
    %barrier3A_102 = arith.constant 0 : index
    tpu.barrier barrier_id(%barrier3A_102)
    "tpu.region"() ({
      %run_scoped3A = tpu.sem_alloc : memref<!tpu.dma_semaphore, #tpu.memory_space<semaphore_mem>>
      %dma_start3A_106 = tpu.memref_slice %arg9[%mul3A_2] : memref<51200xf32, #tpu.memory_space<vmem_shared>> -> memref<3200xf32, #tpu.memory_space<vmem_shared>>
      %dma_start3A_107 = tpu.memref_slice %arg9[%mul3A_2] : memref<51200xf32, #tpu.memory_space<vmem_shared>> -> memref<3200xf32, #tpu.memory_space<vmem_shared>>
      tpu.enqueue_dma source(%dma_start3A_107 : memref<3200xf32, #tpu.memory_space<vmem_shared>>) target(%arg8 : memref<3200xf32, #tpu.memory_space<vmem>>) target_semaphore(%run_scoped3A : memref<!tpu.dma_semaphore, #tpu.memory_space<semaphore_mem>>)
      %dma_wait3A_108 = tpu.memref_slice %arg9[%mul3A_2] : memref<51200xf32, #tpu.memory_space<vmem_shared>> -> memref<3200xf32, #tpu.memory_space<vmem_shared>>
      %dma_wait3A_109 = tpu.memref_slice %arg9[%mul3A_2] : memref<51200xf32, #tpu.memory_space<vmem_shared>> -> memref<3200xf32, #tpu.memory_space<vmem_shared>>
      tpu.wait_dma2 semaphore(%run_scoped3A : memref<!tpu.dma_semaphore, #tpu.memory_space<semaphore_mem>>) src(%dma_wait3A_109 : memref<3200xf32, #tpu.memory_space<vmem_shared>>) dst(%arg8 : memref<3200xf32, #tpu.memory_space<vmem>>)
      tpu.yield
    }) : () -> ()
    %mul3A_103 = arith.constant 51200 : i32
    %mul3A_104 = arith.muli %arg0, %mul3A_103 : i32
    %add3A_105 = arith.addi %mul3A_104, %mul3A_2 : i32
    "tpu.region"() ({
      %run_scoped3A = tpu.sem_alloc : memref<!tpu.dma_semaphore, #tpu.memory_space<semaphore_mem>>
      %dma_start3A_106 = tpu.memref_slice %arg4[%add3A_105] : memref<102400xf32, #tpu.memory_space<hbm>> -> memref<3200xf32, #tpu.memory_space<hbm>>
      %dma_start3A_107 = tpu.memref_slice %arg4[%add3A_105] : memref<102400xf32, #tpu.memory_space<hbm>> -> memref<3200xf32, #tpu.memory_space<hbm>>
      tpu.enqueue_dma source(%arg8 : memref<3200xf32, #tpu.memory_space<vmem>>) target(%dma_start3A_107 : memref<3200xf32, #tpu.memory_space<hbm>>) target_semaphore(%run_scoped3A : memref<!tpu.dma_semaphore, #tpu.memory_space<semaphore_mem>>)
      %dma_wait3A_108 = tpu.memref_slice %arg4[%add3A_105] : memref<102400xf32, #tpu.memory_space<hbm>> -> memref<3200xf32, #tpu.memory_space<hbm>>
      %dma_wait3A_109 = tpu.memref_slice %arg4[%add3A_105] : memref<102400xf32, #tpu.memory_space<hbm>> -> memref<3200xf32, #tpu.memory_space<hbm>>
      tpu.wait_dma2 semaphore(%run_scoped3A : memref<!tpu.dma_semaphore, #tpu.memory_space<semaphore_mem>>) src(%arg8 : memref<3200xf32, #tpu.memory_space<vmem>>) dst(%dma_wait3A_109 : memref<3200xf32, #tpu.memory_space<hbm>>)
      tpu.yield
    }) : () -> ()
    return
  }
}

#map = affine_map<(d0, d1) -> (0, 0)>
#map1 = affine_map<(d0, d1) -> (0, 0, 0)>
module attributes {stable_mosaic.version = 14 : i64} {
  func.func @_agg_kernel(%arg0: i32, %arg1: i32, %arg2: memref<25088x128xi32, #tpu.memory_space<hbm>>, %arg3: memref<25088x128xi32, #tpu.memory_space<hbm>>, %arg4: memref<50000x16xf32, #tpu.memory_space<hbm>>, %arg5: memref<1600x16xf32, #tpu.memory_space<hbm>>, %arg6: memref<2x51200x16xf32, #tpu.memory_space<hbm>>, %arg7: memref<14x128xi32, #tpu.memory_space<vmem>>, %arg8: memref<14x128xi32, #tpu.memory_space<vmem>>, %arg9: memref<14x128xi32, #tpu.memory_space<vmem>>, %arg10: memref<14x128xi32, #tpu.memory_space<vmem>>, %arg11: memref<1792x16xf32, #tpu.memory_space<vmem>>, %arg12: memref<1792x16xf32, #tpu.memory_space<vmem>>, %arg13: memref<51200x16xf32, #tpu.memory_space<vmem_shared>>, %arg14: memref<!tpu.dma_semaphore, #tpu.memory_space<semaphore_mem>>, %arg15: memref<!tpu.dma_semaphore, #tpu.memory_space<semaphore_mem>>, %arg16: memref<!tpu.dma_semaphore, #tpu.memory_space<semaphore_mem>>, %arg17: memref<!tpu.dma_semaphore, #tpu.memory_space<semaphore_mem>>, %arg18: memref<!tpu.dma_semaphore, #tpu.memory_space<semaphore_mem>>, %arg19: memref<!tpu.dma_semaphore, #tpu.memory_space<semaphore_mem>>) attributes {dimension_semantics = [#tpu.dimension_semantics<core_parallel>, #tpu.dimension_semantics<subcore_parallel>], iteration_bounds = array<i64: 2, 16>, scalar_prefetch = 0 : i64, scratch_operands = 13 : i64, tpu.core_type = #tpu.core_type<sc_vector_subcore>, window_params = [{transform_indices = #map}, {transform_indices = #map}, {transform_indices = #map}, {transform_indices = #map}, {transform_indices = #map1}]} {
    %mul3A = arith.constant 16 : i32
    %mul3A_0 = arith.muli %arg0, %mul3A : i32
    %add3A = arith.addi %mul3A_0, %arg1 : i32
    %mul3A_1 = arith.constant 3200 : i32
    %mul3A_2 = arith.muli %arg1, %mul3A_1 : i32
    %mul3A_3 = arith.constant 784 : i32
    %mul3A_4 = arith.muli %add3A, %mul3A_3 : i32
    "tpu.region"() ({
      %run_scoped3A = tpu.sem_alloc : memref<!tpu.dma_semaphore, #tpu.memory_space<semaphore_mem>>
      %dma_start3A_113 = arith.constant 0 : i32
      %dma_start3A_114 = arith.constant 0 : i32
      %dma_start3A_115 = tpu.memref_slice %arg11[%dma_start3A_113, %dma_start3A_114] : memref<1792x16xf32, #tpu.memory_space<vmem>> -> memref<1600x16xf32, #tpu.memory_space<vmem>>
      %dma_start3A_116 = arith.constant 0 : i32
      %dma_start3A_117 = arith.constant 0 : i32
      %dma_start3A_118 = tpu.memref_slice %arg11[%dma_start3A_116, %dma_start3A_117] : memref<1792x16xf32, #tpu.memory_space<vmem>> -> memref<1600x16xf32, #tpu.memory_space<vmem>>
      tpu.enqueue_dma source(%arg5 : memref<1600x16xf32, #tpu.memory_space<hbm>>) target(%dma_start3A_118 : memref<1600x16xf32, #tpu.memory_space<vmem>>) target_semaphore(%run_scoped3A : memref<!tpu.dma_semaphore, #tpu.memory_space<semaphore_mem>>)
      %dma_wait3A_119 = arith.constant 0 : i32
      %dma_wait3A_120 = arith.constant 0 : i32
      %dma_wait3A_121 = tpu.memref_slice %arg11[%dma_wait3A_119, %dma_wait3A_120] : memref<1792x16xf32, #tpu.memory_space<vmem>> -> memref<1600x16xf32, #tpu.memory_space<vmem>>
      %dma_wait3A_122 = arith.constant 0 : i32
      %dma_wait3A_123 = arith.constant 0 : i32
      %dma_wait3A_124 = tpu.memref_slice %arg11[%dma_wait3A_122, %dma_wait3A_123] : memref<1792x16xf32, #tpu.memory_space<vmem>> -> memref<1600x16xf32, #tpu.memory_space<vmem>>
      tpu.wait_dma2 semaphore(%run_scoped3A : memref<!tpu.dma_semaphore, #tpu.memory_space<semaphore_mem>>) src(%arg5 : memref<1600x16xf32, #tpu.memory_space<hbm>>) dst(%dma_wait3A_124 : memref<1600x16xf32, #tpu.memory_space<vmem>>)
      tpu.yield
    }) : () -> ()
    %add3A_5 = arith.constant 0 : i32
    %add3A_6 = arith.addi %mul3A_2, %add3A_5 : i32
    "tpu.region"() ({
      %run_scoped3A = tpu.sem_alloc : memref<!tpu.dma_semaphore, #tpu.memory_space<semaphore_mem>>
      %dma_start3A_113 = arith.constant 0 : i32
      %dma_start3A_114 = arith.constant 0 : i32
      %dma_start3A_115 = tpu.memref_slice %arg11[%dma_start3A_113, %dma_start3A_114] : memref<1792x16xf32, #tpu.memory_space<vmem>> -> memref<1600x16xf32, #tpu.memory_space<vmem>>
      %dma_start3A_116 = arith.constant 0 : i32
      %dma_start3A_117 = tpu.memref_slice %arg13[%add3A_6, %dma_start3A_116] : memref<51200x16xf32, #tpu.memory_space<vmem_shared>> -> memref<1600x16xf32, #tpu.memory_space<vmem_shared>>
      %dma_start3A_118 = arith.constant 0 : i32
      %dma_start3A_119 = tpu.memref_slice %arg13[%add3A_6, %dma_start3A_118] : memref<51200x16xf32, #tpu.memory_space<vmem_shared>> -> memref<1600x16xf32, #tpu.memory_space<vmem_shared>>
      %dma_start3A_120 = arith.constant 0 : i32
      %dma_start3A_121 = arith.constant 0 : i32
      %dma_start3A_122 = tpu.memref_slice %arg11[%dma_start3A_120, %dma_start3A_121] : memref<1792x16xf32, #tpu.memory_space<vmem>> -> memref<1600x16xf32, #tpu.memory_space<vmem>>
      tpu.enqueue_dma source(%dma_start3A_122 : memref<1600x16xf32, #tpu.memory_space<vmem>>) target(%dma_start3A_119 : memref<1600x16xf32, #tpu.memory_space<vmem_shared>>) target_semaphore(%run_scoped3A : memref<!tpu.dma_semaphore, #tpu.memory_space<semaphore_mem>>)
      %dma_wait3A_123 = arith.constant 0 : i32
      %dma_wait3A_124 = arith.constant 0 : i32
      %dma_wait3A_125 = tpu.memref_slice %arg11[%dma_wait3A_123, %dma_wait3A_124] : memref<1792x16xf32, #tpu.memory_space<vmem>> -> memref<1600x16xf32, #tpu.memory_space<vmem>>
      %dma_wait3A_126 = arith.constant 0 : i32
      %dma_wait3A_127 = tpu.memref_slice %arg13[%add3A_6, %dma_wait3A_126] : memref<51200x16xf32, #tpu.memory_space<vmem_shared>> -> memref<1600x16xf32, #tpu.memory_space<vmem_shared>>
      %dma_wait3A_128 = arith.constant 0 : i32
      %dma_wait3A_129 = tpu.memref_slice %arg13[%add3A_6, %dma_wait3A_128] : memref<51200x16xf32, #tpu.memory_space<vmem_shared>> -> memref<1600x16xf32, #tpu.memory_space<vmem_shared>>
      %dma_wait3A_130 = arith.constant 0 : i32
      %dma_wait3A_131 = arith.constant 0 : i32
      %dma_wait3A_132 = tpu.memref_slice %arg11[%dma_wait3A_130, %dma_wait3A_131] : memref<1792x16xf32, #tpu.memory_space<vmem>> -> memref<1600x16xf32, #tpu.memory_space<vmem>>
      tpu.wait_dma2 semaphore(%run_scoped3A : memref<!tpu.dma_semaphore, #tpu.memory_space<semaphore_mem>>) src(%dma_wait3A_132 : memref<1600x16xf32, #tpu.memory_space<vmem>>) dst(%dma_wait3A_129 : memref<1600x16xf32, #tpu.memory_space<vmem_shared>>)
      tpu.yield
    }) : () -> ()
    "tpu.region"() ({
      %run_scoped3A = tpu.sem_alloc : memref<!tpu.dma_semaphore, #tpu.memory_space<semaphore_mem>>
      %dma_start3A_113 = arith.constant 0 : i32
      %dma_start3A_114 = arith.constant 0 : i32
      %dma_start3A_115 = tpu.memref_slice %arg11[%dma_start3A_113, %dma_start3A_114] : memref<1792x16xf32, #tpu.memory_space<vmem>> -> memref<1600x16xf32, #tpu.memory_space<vmem>>
      %dma_start3A_116 = arith.constant 0 : i32
      %dma_start3A_117 = arith.constant 0 : i32
      %dma_start3A_118 = tpu.memref_slice %arg11[%dma_start3A_116, %dma_start3A_117] : memref<1792x16xf32, #tpu.memory_space<vmem>> -> memref<1600x16xf32, #tpu.memory_space<vmem>>
      tpu.enqueue_dma source(%arg5 : memref<1600x16xf32, #tpu.memory_space<hbm>>) target(%dma_start3A_118 : memref<1600x16xf32, #tpu.memory_space<vmem>>) target_semaphore(%run_scoped3A : memref<!tpu.dma_semaphore, #tpu.memory_space<semaphore_mem>>)
      %dma_wait3A_119 = arith.constant 0 : i32
      %dma_wait3A_120 = arith.constant 0 : i32
      %dma_wait3A_121 = tpu.memref_slice %arg11[%dma_wait3A_119, %dma_wait3A_120] : memref<1792x16xf32, #tpu.memory_space<vmem>> -> memref<1600x16xf32, #tpu.memory_space<vmem>>
      %dma_wait3A_122 = arith.constant 0 : i32
      %dma_wait3A_123 = arith.constant 0 : i32
      %dma_wait3A_124 = tpu.memref_slice %arg11[%dma_wait3A_122, %dma_wait3A_123] : memref<1792x16xf32, #tpu.memory_space<vmem>> -> memref<1600x16xf32, #tpu.memory_space<vmem>>
      tpu.wait_dma2 semaphore(%run_scoped3A : memref<!tpu.dma_semaphore, #tpu.memory_space<semaphore_mem>>) src(%arg5 : memref<1600x16xf32, #tpu.memory_space<hbm>>) dst(%dma_wait3A_124 : memref<1600x16xf32, #tpu.memory_space<vmem>>)
      tpu.yield
    }) : () -> ()
    %add3A_7 = arith.constant 1600 : i32
    %add3A_8 = arith.addi %mul3A_2, %add3A_7 : i32
    "tpu.region"() ({
      %run_scoped3A = tpu.sem_alloc : memref<!tpu.dma_semaphore, #tpu.memory_space<semaphore_mem>>
      %dma_start3A_113 = arith.constant 0 : i32
      %dma_start3A_114 = arith.constant 0 : i32
      %dma_start3A_115 = tpu.memref_slice %arg11[%dma_start3A_113, %dma_start3A_114] : memref<1792x16xf32, #tpu.memory_space<vmem>> -> memref<1600x16xf32, #tpu.memory_space<vmem>>
      %dma_start3A_116 = arith.constant 0 : i32
      %dma_start3A_117 = tpu.memref_slice %arg13[%add3A_8, %dma_start3A_116] : memref<51200x16xf32, #tpu.memory_space<vmem_shared>> -> memref<1600x16xf32, #tpu.memory_space<vmem_shared>>
      %dma_start3A_118 = arith.constant 0 : i32
      %dma_start3A_119 = tpu.memref_slice %arg13[%add3A_8, %dma_start3A_118] : memref<51200x16xf32, #tpu.memory_space<vmem_shared>> -> memref<1600x16xf32, #tpu.memory_space<vmem_shared>>
      %dma_start3A_120 = arith.constant 0 : i32
      %dma_start3A_121 = arith.constant 0 : i32
      %dma_start3A_122 = tpu.memref_slice %arg11[%dma_start3A_120, %dma_start3A_121] : memref<1792x16xf32, #tpu.memory_space<vmem>> -> memref<1600x16xf32, #tpu.memory_space<vmem>>
      tpu.enqueue_dma source(%dma_start3A_122 : memref<1600x16xf32, #tpu.memory_space<vmem>>) target(%dma_start3A_119 : memref<1600x16xf32, #tpu.memory_space<vmem_shared>>) target_semaphore(%run_scoped3A : memref<!tpu.dma_semaphore, #tpu.memory_space<semaphore_mem>>)
      %dma_wait3A_123 = arith.constant 0 : i32
      %dma_wait3A_124 = arith.constant 0 : i32
      %dma_wait3A_125 = tpu.memref_slice %arg11[%dma_wait3A_123, %dma_wait3A_124] : memref<1792x16xf32, #tpu.memory_space<vmem>> -> memref<1600x16xf32, #tpu.memory_space<vmem>>
      %dma_wait3A_126 = arith.constant 0 : i32
      %dma_wait3A_127 = tpu.memref_slice %arg13[%add3A_8, %dma_wait3A_126] : memref<51200x16xf32, #tpu.memory_space<vmem_shared>> -> memref<1600x16xf32, #tpu.memory_space<vmem_shared>>
      %dma_wait3A_128 = arith.constant 0 : i32
      %dma_wait3A_129 = tpu.memref_slice %arg13[%add3A_8, %dma_wait3A_128] : memref<51200x16xf32, #tpu.memory_space<vmem_shared>> -> memref<1600x16xf32, #tpu.memory_space<vmem_shared>>
      %dma_wait3A_130 = arith.constant 0 : i32
      %dma_wait3A_131 = arith.constant 0 : i32
      %dma_wait3A_132 = tpu.memref_slice %arg11[%dma_wait3A_130, %dma_wait3A_131] : memref<1792x16xf32, #tpu.memory_space<vmem>> -> memref<1600x16xf32, #tpu.memory_space<vmem>>
      tpu.wait_dma2 semaphore(%run_scoped3A : memref<!tpu.dma_semaphore, #tpu.memory_space<semaphore_mem>>) src(%dma_wait3A_132 : memref<1600x16xf32, #tpu.memory_space<vmem>>) dst(%dma_wait3A_129 : memref<1600x16xf32, #tpu.memory_space<vmem_shared>>)
      tpu.yield
    }) : () -> ()
    %barrier3A = arith.constant 0 : index
    tpu.barrier barrier_id(%barrier3A)
    %add3A_9 = arith.constant 0 : i32
    %add3A_10 = arith.addi %mul3A_4, %add3A_9 : i32
    %dma_start3A = arith.constant 0 : i32
    %dma_start3A_11 = tpu.memref_slice %arg2[%add3A_10, %dma_start3A] : memref<25088x128xi32, #tpu.memory_space<hbm>> -> memref<14x128xi32, #tpu.memory_space<hbm>>
    %dma_start3A_12 = arith.constant 0 : i32
    %dma_start3A_13 = tpu.memref_slice %arg2[%add3A_10, %dma_start3A_12] : memref<25088x128xi32, #tpu.memory_space<hbm>> -> memref<14x128xi32, #tpu.memory_space<hbm>>
    tpu.enqueue_dma source(%dma_start3A_13 : memref<14x128xi32, #tpu.memory_space<hbm>>) target(%arg7 : memref<14x128xi32, #tpu.memory_space<vmem>>) target_semaphore(%arg14 : memref<!tpu.dma_semaphore, #tpu.memory_space<semaphore_mem>>)
    %dma_start3A_14 = arith.constant 0 : i32
    %dma_start3A_15 = tpu.memref_slice %arg3[%add3A_10, %dma_start3A_14] : memref<25088x128xi32, #tpu.memory_space<hbm>> -> memref<14x128xi32, #tpu.memory_space<hbm>>
    %dma_start3A_16 = arith.constant 0 : i32
    %dma_start3A_17 = tpu.memref_slice %arg3[%add3A_10, %dma_start3A_16] : memref<25088x128xi32, #tpu.memory_space<hbm>> -> memref<14x128xi32, #tpu.memory_space<hbm>>
    tpu.enqueue_dma source(%dma_start3A_17 : memref<14x128xi32, #tpu.memory_space<hbm>>) target(%arg9 : memref<14x128xi32, #tpu.memory_space<vmem>>) target_semaphore(%arg14 : memref<!tpu.dma_semaphore, #tpu.memory_space<semaphore_mem>>)
    %dma_wait3A = arith.constant 0 : i32
    %dma_wait3A_18 = arith.constant 0 : i32
    %dma_wait3A_19 = tpu.memref_slice %arg2[%dma_wait3A, %dma_wait3A_18] : memref<25088x128xi32, #tpu.memory_space<hbm>> -> memref<14x128xi32, #tpu.memory_space<hbm>>
    %dma_wait3A_20 = arith.constant 0 : i32
    %dma_wait3A_21 = arith.constant 0 : i32
    %dma_wait3A_22 = tpu.memref_slice %arg2[%dma_wait3A_20, %dma_wait3A_21] : memref<25088x128xi32, #tpu.memory_space<hbm>> -> memref<14x128xi32, #tpu.memory_space<hbm>>
    tpu.wait_dma2 semaphore(%arg14 : memref<!tpu.dma_semaphore, #tpu.memory_space<semaphore_mem>>) src(%dma_wait3A_22 : memref<14x128xi32, #tpu.memory_space<hbm>>) dst(%arg7 : memref<14x128xi32, #tpu.memory_space<vmem>>)
    %dma_wait3A_23 = arith.constant 0 : i32
    %dma_wait3A_24 = arith.constant 0 : i32
    %dma_wait3A_25 = tpu.memref_slice %arg3[%dma_wait3A_23, %dma_wait3A_24] : memref<25088x128xi32, #tpu.memory_space<hbm>> -> memref<14x128xi32, #tpu.memory_space<hbm>>
    %dma_wait3A_26 = arith.constant 0 : i32
    %dma_wait3A_27 = arith.constant 0 : i32
    %dma_wait3A_28 = tpu.memref_slice %arg3[%dma_wait3A_26, %dma_wait3A_27] : memref<25088x128xi32, #tpu.memory_space<hbm>> -> memref<14x128xi32, #tpu.memory_space<hbm>>
    tpu.wait_dma2 semaphore(%arg14 : memref<!tpu.dma_semaphore, #tpu.memory_space<semaphore_mem>>) src(%dma_wait3A_28 : memref<14x128xi32, #tpu.memory_space<hbm>>) dst(%arg9 : memref<14x128xi32, #tpu.memory_space<vmem>>)
    %scan3A = arith.constant 0 : i32
    %scan3A_29 = arith.constant 0 : i32
    %scan3A_30 = arith.constant 14 : i32
    %scan3A_31 = arith.addi %scan3A_29, %scan3A_30 : i32
    %scan3A_32 = arith.constant 1 : i32
    scf.for %scan3A_113 = %scan3A_29 to %scan3A_31 step %scan3A_32  : i32 {
      %mul3A_114 = arith.constant 128 : i32
      %mul3A_115 = arith.muli %scan3A_113, %mul3A_114 : i32
      %dma_start3A_116 = arith.constant 0 : i32
      %dma_start3A_117 = tpu.memref_slice %arg11[%mul3A_115, %dma_start3A_116] : memref<1792x16xf32, #tpu.memory_space<vmem>> -> memref<128x16xf32, #tpu.memory_space<vmem>>
      %dma_start3A_118 = arith.constant 0 : i32
      %dma_start3A_119 = tpu.memref_slice %arg7[%scan3A_113, %dma_start3A_118] : memref<14x128xi32, #tpu.memory_space<vmem>> -> memref<1x128xi32, #tpu.memory_space<vmem>>
      %dma_start3A_120 = tpu.memref_squeeze %dma_start3A_119 : memref<1x128xi32, #tpu.memory_space<vmem>> -> memref<128xi32, #tpu.memory_space<vmem>>
      %dma_start3A_121 = arith.constant 0 : i32
      %dma_start3A_122 = arith.constant 0 : i32
      %dma_start3A_123 = tpu.memref_slice %arg4[%dma_start3A_121, %dma_start3A_122] : memref<50000x16xf32, #tpu.memory_space<hbm>> -> memref<50000x16xf32, #tpu.memory_space<hbm>>
      tpu.enqueue_indirect_dma source(%dma_start3A_123 : memref<50000x16xf32, #tpu.memory_space<hbm>>) target(%dma_start3A_117 : memref<128x16xf32, #tpu.memory_space<vmem>>) offsets(%dma_start3A_120 : memref<128xi32, #tpu.memory_space<vmem>>) semaphore(%arg16 : memref<!tpu.dma_semaphore, #tpu.memory_space<semaphore_mem>>)
    }
    %scan3A_33 = arith.constant 14 : i32
    %add3A_34 = arith.constant 14 : i32
    %add3A_35 = arith.addi %mul3A_4, %add3A_34 : i32
    %dma_start3A_36 = arith.constant 0 : i32
    %dma_start3A_37 = tpu.memref_slice %arg2[%add3A_35, %dma_start3A_36] : memref<25088x128xi32, #tpu.memory_space<hbm>> -> memref<14x128xi32, #tpu.memory_space<hbm>>
    %dma_start3A_38 = arith.constant 0 : i32
    %dma_start3A_39 = tpu.memref_slice %arg2[%add3A_35, %dma_start3A_38] : memref<25088x128xi32, #tpu.memory_space<hbm>> -> memref<14x128xi32, #tpu.memory_space<hbm>>
    tpu.enqueue_dma source(%dma_start3A_39 : memref<14x128xi32, #tpu.memory_space<hbm>>) target(%arg8 : memref<14x128xi32, #tpu.memory_space<vmem>>) target_semaphore(%arg15 : memref<!tpu.dma_semaphore, #tpu.memory_space<semaphore_mem>>)
    %dma_start3A_40 = arith.constant 0 : i32
    %dma_start3A_41 = tpu.memref_slice %arg3[%add3A_35, %dma_start3A_40] : memref<25088x128xi32, #tpu.memory_space<hbm>> -> memref<14x128xi32, #tpu.memory_space<hbm>>
    %dma_start3A_42 = arith.constant 0 : i32
    %dma_start3A_43 = tpu.memref_slice %arg3[%add3A_35, %dma_start3A_42] : memref<25088x128xi32, #tpu.memory_space<hbm>> -> memref<14x128xi32, #tpu.memory_space<hbm>>
    tpu.enqueue_dma source(%dma_start3A_43 : memref<14x128xi32, #tpu.memory_space<hbm>>) target(%arg10 : memref<14x128xi32, #tpu.memory_space<vmem>>) target_semaphore(%arg15 : memref<!tpu.dma_semaphore, #tpu.memory_space<semaphore_mem>>)
    %scan3A_44 = arith.constant 0 : i32
    %scan3A_45 = arith.constant 0 : i32
    %scan3A_46 = arith.constant 27 : i32
    %scan3A_47 = arith.addi %scan3A_45, %scan3A_46 : i32
    %scan3A_48 = arith.constant 1 : i32
    scf.for %scan3A_113 = %scan3A_45 to %scan3A_47 step %scan3A_48  : i32 {
      %mul3A_114 = arith.constant 2 : i32
      %mul3A_115 = arith.muli %mul3A_114, %scan3A_113 : i32
      %add3A_116 = arith.constant 1 : i32
      %add3A_117 = arith.addi %mul3A_115, %add3A_116 : i32
      %dma_wait3A_118 = arith.constant 0 : i32
      %dma_wait3A_119 = arith.constant 0 : i32
      %dma_wait3A_120 = tpu.memref_slice %arg2[%dma_wait3A_118, %dma_wait3A_119] : memref<25088x128xi32, #tpu.memory_space<hbm>> -> memref<14x128xi32, #tpu.memory_space<hbm>>
      %dma_wait3A_121 = arith.constant 0 : i32
      %dma_wait3A_122 = arith.constant 0 : i32
      %dma_wait3A_123 = tpu.memref_slice %arg2[%dma_wait3A_121, %dma_wait3A_122] : memref<25088x128xi32, #tpu.memory_space<hbm>> -> memref<14x128xi32, #tpu.memory_space<hbm>>
      tpu.wait_dma2 semaphore(%arg15 : memref<!tpu.dma_semaphore, #tpu.memory_space<semaphore_mem>>) src(%dma_wait3A_123 : memref<14x128xi32, #tpu.memory_space<hbm>>) dst(%arg8 : memref<14x128xi32, #tpu.memory_space<vmem>>)
      %dma_wait3A_124 = arith.constant 0 : i32
      %dma_wait3A_125 = arith.constant 0 : i32
      %dma_wait3A_126 = tpu.memref_slice %arg3[%dma_wait3A_124, %dma_wait3A_125] : memref<25088x128xi32, #tpu.memory_space<hbm>> -> memref<14x128xi32, #tpu.memory_space<hbm>>
      %dma_wait3A_127 = arith.constant 0 : i32
      %dma_wait3A_128 = arith.constant 0 : i32
      %dma_wait3A_129 = tpu.memref_slice %arg3[%dma_wait3A_127, %dma_wait3A_128] : memref<25088x128xi32, #tpu.memory_space<hbm>> -> memref<14x128xi32, #tpu.memory_space<hbm>>
      tpu.wait_dma2 semaphore(%arg15 : memref<!tpu.dma_semaphore, #tpu.memory_space<semaphore_mem>>) src(%dma_wait3A_129 : memref<14x128xi32, #tpu.memory_space<hbm>>) dst(%arg10 : memref<14x128xi32, #tpu.memory_space<vmem>>)
      %scan3A_130 = arith.constant 0 : i32
      %scan3A_131 = arith.constant 0 : i32
      %scan3A_132 = arith.constant 14 : i32
      %scan3A_133 = arith.addi %scan3A_131, %scan3A_132 : i32
      %scan3A_134 = arith.constant 1 : i32
      scf.for %scan3A_216 = %scan3A_131 to %scan3A_133 step %scan3A_134  : i32 {
        %mul3A_217 = arith.constant 128 : i32
        %mul3A_218 = arith.muli %scan3A_216, %mul3A_217 : i32
        %dma_start3A_219 = arith.constant 0 : i32
        %dma_start3A_220 = tpu.memref_slice %arg12[%mul3A_218, %dma_start3A_219] : memref<1792x16xf32, #tpu.memory_space<vmem>> -> memref<128x16xf32, #tpu.memory_space<vmem>>
        %dma_start3A_221 = arith.constant 0 : i32
        %dma_start3A_222 = tpu.memref_slice %arg8[%scan3A_216, %dma_start3A_221] : memref<14x128xi32, #tpu.memory_space<vmem>> -> memref<1x128xi32, #tpu.memory_space<vmem>>
        %dma_start3A_223 = tpu.memref_squeeze %dma_start3A_222 : memref<1x128xi32, #tpu.memory_space<vmem>> -> memref<128xi32, #tpu.memory_space<vmem>>
        %dma_start3A_224 = arith.constant 0 : i32
        %dma_start3A_225 = arith.constant 0 : i32
        %dma_start3A_226 = tpu.memref_slice %arg4[%dma_start3A_224, %dma_start3A_225] : memref<50000x16xf32, #tpu.memory_space<hbm>> -> memref<50000x16xf32, #tpu.memory_space<hbm>>
        tpu.enqueue_indirect_dma source(%dma_start3A_226 : memref<50000x16xf32, #tpu.memory_space<hbm>>) target(%dma_start3A_220 : memref<128x16xf32, #tpu.memory_space<vmem>>) offsets(%dma_start3A_223 : memref<128xi32, #tpu.memory_space<vmem>>) semaphore(%arg17 : memref<!tpu.dma_semaphore, #tpu.memory_space<semaphore_mem>>)
      }
      %scan3A_135 = arith.constant 14 : i32
      %scan3A_136 = arith.constant 0 : i32
      %scan3A_137 = arith.constant 0 : i32
      %scan3A_138 = arith.constant 14 : i32
      %scan3A_139 = arith.addi %scan3A_137, %scan3A_138 : i32
      %scan3A_140 = arith.constant 1 : i32
      scf.for %scan3A_216 = %scan3A_137 to %scan3A_139 step %scan3A_140  : i32 {
        %mul3A_217 = arith.constant 128 : i32
        %mul3A_218 = arith.muli %scan3A_216, %mul3A_217 : i32
        %dma_wait3A_219 = arith.constant 0 : i32
        %dma_wait3A_220 = tpu.memref_slice %arg11[%mul3A_218, %dma_wait3A_219] : memref<1792x16xf32, #tpu.memory_space<vmem>> -> memref<128x16xf32, #tpu.memory_space<vmem>>
        %dma_wait3A_221 = arith.constant 0 : i32
        %dma_wait3A_222 = tpu.memref_slice %arg7[%scan3A_216, %dma_wait3A_221] : memref<14x128xi32, #tpu.memory_space<vmem>> -> memref<1x128xi32, #tpu.memory_space<vmem>>
        %dma_wait3A_223 = tpu.memref_squeeze %dma_wait3A_222 : memref<1x128xi32, #tpu.memory_space<vmem>> -> memref<128xi32, #tpu.memory_space<vmem>>
        %dma_wait3A_224 = arith.constant 0 : i32
        %dma_wait3A_225 = arith.constant 0 : i32
        %dma_wait3A_226 = tpu.memref_slice %arg4[%dma_wait3A_224, %dma_wait3A_225] : memref<50000x16xf32, #tpu.memory_space<hbm>> -> memref<50000x16xf32, #tpu.memory_space<hbm>>
        tpu.wait_indirect_dma semaphore(%arg16 : memref<!tpu.dma_semaphore, #tpu.memory_space<semaphore_mem>>) src(%dma_wait3A_226 : memref<50000x16xf32, #tpu.memory_space<hbm>>) dst(%dma_wait3A_220 : memref<128x16xf32, #tpu.memory_space<vmem>>)
      }
      %scan3A_141 = arith.constant 14 : i32
      %scan3A_142 = arith.constant 0 : i32
      %scan3A_143 = arith.constant 0 : i32
      %scan3A_144 = arith.constant 14 : i32
      %scan3A_145 = arith.addi %scan3A_143, %scan3A_144 : i32
      %scan3A_146 = arith.constant 1 : i32
      scf.for %scan3A_216 = %scan3A_143 to %scan3A_145 step %scan3A_146  : i32 {
        %mul3A_217 = arith.constant 128 : i32
        %mul3A_218 = arith.muli %scan3A_216, %mul3A_217 : i32
        %dma_start3A_219 = arith.constant 0 : i32
        %dma_start3A_220 = tpu.memref_slice %arg11[%mul3A_218, %dma_start3A_219] : memref<1792x16xf32, #tpu.memory_space<vmem>> -> memref<128x16xf32, #tpu.memory_space<vmem>>
        %dma_start3A_221 = arith.constant 0 : i32
        %dma_start3A_222 = tpu.memref_slice %arg9[%scan3A_216, %dma_start3A_221] : memref<14x128xi32, #tpu.memory_space<vmem>> -> memref<1x128xi32, #tpu.memory_space<vmem>>
        %dma_start3A_223 = tpu.memref_squeeze %dma_start3A_222 : memref<1x128xi32, #tpu.memory_space<vmem>> -> memref<128xi32, #tpu.memory_space<vmem>>
        %dma_start3A_224 = arith.constant 0 : i32
        %dma_start3A_225 = arith.constant 0 : i32
        %dma_start3A_226 = tpu.memref_slice %arg13[%dma_start3A_224, %dma_start3A_225] : memref<51200x16xf32, #tpu.memory_space<vmem_shared>> -> memref<51200x16xf32, #tpu.memory_space<vmem_shared>>
        tpu.enqueue_indirect_dma source(%dma_start3A_220 : memref<128x16xf32, #tpu.memory_space<vmem>>) target(%dma_start3A_226 : memref<51200x16xf32, #tpu.memory_space<vmem_shared>>) offsets(%dma_start3A_223 : memref<128xi32, #tpu.memory_space<vmem>>) semaphore(%arg18 : memref<!tpu.dma_semaphore, #tpu.memory_space<semaphore_mem>>) {add = true}
      }
      %scan3A_147 = arith.constant 14 : i32
      %scan3A_148 = arith.constant 0 : i32
      %scan3A_149 = arith.constant 0 : i32
      %scan3A_150 = arith.constant 14 : i32
      %scan3A_151 = arith.addi %scan3A_149, %scan3A_150 : i32
      %scan3A_152 = arith.constant 1 : i32
      scf.for %scan3A_216 = %scan3A_149 to %scan3A_151 step %scan3A_152  : i32 {
        %mul3A_217 = arith.constant 128 : i32
        %mul3A_218 = arith.muli %scan3A_216, %mul3A_217 : i32
        %dma_wait3A_219 = arith.constant 0 : i32
        %dma_wait3A_220 = tpu.memref_slice %arg11[%mul3A_218, %dma_wait3A_219] : memref<1792x16xf32, #tpu.memory_space<vmem>> -> memref<128x16xf32, #tpu.memory_space<vmem>>
        %dma_wait3A_221 = arith.constant 0 : i32
        %dma_wait3A_222 = tpu.memref_slice %arg9[%scan3A_216, %dma_wait3A_221] : memref<14x128xi32, #tpu.memory_space<vmem>> -> memref<1x128xi32, #tpu.memory_space<vmem>>
        %dma_wait3A_223 = tpu.memref_squeeze %dma_wait3A_222 : memref<1x128xi32, #tpu.memory_space<vmem>> -> memref<128xi32, #tpu.memory_space<vmem>>
        %dma_wait3A_224 = arith.constant 0 : i32
        %dma_wait3A_225 = arith.constant 0 : i32
        %dma_wait3A_226 = tpu.memref_slice %arg13[%dma_wait3A_224, %dma_wait3A_225] : memref<51200x16xf32, #tpu.memory_space<vmem_shared>> -> memref<51200x16xf32, #tpu.memory_space<vmem_shared>>
        tpu.wait_indirect_dma semaphore(%arg18 : memref<!tpu.dma_semaphore, #tpu.memory_space<semaphore_mem>>) src(%dma_wait3A_220 : memref<128x16xf32, #tpu.memory_space<vmem>>) dst(%dma_wait3A_226 : memref<51200x16xf32, #tpu.memory_space<vmem_shared>>)
      }
      %scan3A_153 = arith.constant 14 : i32
      %add3A_154 = arith.constant 1 : i32
      %add3A_155 = arith.addi %add3A_117, %add3A_154 : i32
      %mul3A_156 = arith.constant 14 : i32
      %mul3A_157 = arith.muli %add3A_155, %mul3A_156 : i32
      %add3A_158 = arith.addi %mul3A_4, %mul3A_157 : i32
      %dma_start3A_159 = arith.constant 0 : i32
      %dma_start3A_160 = tpu.memref_slice %arg2[%add3A_158, %dma_start3A_159] : memref<25088x128xi32, #tpu.memory_space<hbm>> -> memref<14x128xi32, #tpu.memory_space<hbm>>
      %dma_start3A_161 = arith.constant 0 : i32
      %dma_start3A_162 = tpu.memref_slice %arg2[%add3A_158, %dma_start3A_161] : memref<25088x128xi32, #tpu.memory_space<hbm>> -> memref<14x128xi32, #tpu.memory_space<hbm>>
      tpu.enqueue_dma source(%dma_start3A_162 : memref<14x128xi32, #tpu.memory_space<hbm>>) target(%arg7 : memref<14x128xi32, #tpu.memory_space<vmem>>) target_semaphore(%arg14 : memref<!tpu.dma_semaphore, #tpu.memory_space<semaphore_mem>>)
      %dma_start3A_163 = arith.constant 0 : i32
      %dma_start3A_164 = tpu.memref_slice %arg3[%add3A_158, %dma_start3A_163] : memref<25088x128xi32, #tpu.memory_space<hbm>> -> memref<14x128xi32, #tpu.memory_space<hbm>>
      %dma_start3A_165 = arith.constant 0 : i32
      %dma_start3A_166 = tpu.memref_slice %arg3[%add3A_158, %dma_start3A_165] : memref<25088x128xi32, #tpu.memory_space<hbm>> -> memref<14x128xi32, #tpu.memory_space<hbm>>
      tpu.enqueue_dma source(%dma_start3A_166 : memref<14x128xi32, #tpu.memory_space<hbm>>) target(%arg9 : memref<14x128xi32, #tpu.memory_space<vmem>>) target_semaphore(%arg14 : memref<!tpu.dma_semaphore, #tpu.memory_space<semaphore_mem>>)
      %dma_wait3A_167 = arith.constant 0 : i32
      %dma_wait3A_168 = arith.constant 0 : i32
      %dma_wait3A_169 = tpu.memref_slice %arg2[%dma_wait3A_167, %dma_wait3A_168] : memref<25088x128xi32, #tpu.memory_space<hbm>> -> memref<14x128xi32, #tpu.memory_space<hbm>>
      %dma_wait3A_170 = arith.constant 0 : i32
      %dma_wait3A_171 = arith.constant 0 : i32
      %dma_wait3A_172 = tpu.memref_slice %arg2[%dma_wait3A_170, %dma_wait3A_171] : memref<25088x128xi32, #tpu.memory_space<hbm>> -> memref<14x128xi32, #tpu.memory_space<hbm>>
      tpu.wait_dma2 semaphore(%arg14 : memref<!tpu.dma_semaphore, #tpu.memory_space<semaphore_mem>>) src(%dma_wait3A_172 : memref<14x128xi32, #tpu.memory_space<hbm>>) dst(%arg7 : memref<14x128xi32, #tpu.memory_space<vmem>>)
      %dma_wait3A_173 = arith.constant 0 : i32
      %dma_wait3A_174 = arith.constant 0 : i32
      %dma_wait3A_175 = tpu.memref_slice %arg3[%dma_wait3A_173, %dma_wait3A_174] : memref<25088x128xi32, #tpu.memory_space<hbm>> -> memref<14x128xi32, #tpu.memory_space<hbm>>
      %dma_wait3A_176 = arith.constant 0 : i32
      %dma_wait3A_177 = arith.constant 0 : i32
      %dma_wait3A_178 = tpu.memref_slice %arg3[%dma_wait3A_176, %dma_wait3A_177] : memref<25088x128xi32, #tpu.memory_space<hbm>> -> memref<14x128xi32, #tpu.memory_space<hbm>>
      tpu.wait_dma2 semaphore(%arg14 : memref<!tpu.dma_semaphore, #tpu.memory_space<semaphore_mem>>) src(%dma_wait3A_178 : memref<14x128xi32, #tpu.memory_space<hbm>>) dst(%arg9 : memref<14x128xi32, #tpu.memory_space<vmem>>)
      %scan3A_179 = arith.constant 0 : i32
      %scan3A_180 = arith.constant 0 : i32
      %scan3A_181 = arith.constant 14 : i32
      %scan3A_182 = arith.addi %scan3A_180, %scan3A_181 : i32
      %scan3A_183 = arith.constant 1 : i32
      scf.for %scan3A_216 = %scan3A_180 to %scan3A_182 step %scan3A_183  : i32 {
        %mul3A_217 = arith.constant 128 : i32
        %mul3A_218 = arith.muli %scan3A_216, %mul3A_217 : i32
        %dma_start3A_219 = arith.constant 0 : i32
        %dma_start3A_220 = tpu.memref_slice %arg11[%mul3A_218, %dma_start3A_219] : memref<1792x16xf32, #tpu.memory_space<vmem>> -> memref<128x16xf32, #tpu.memory_space<vmem>>
        %dma_start3A_221 = arith.constant 0 : i32
        %dma_start3A_222 = tpu.memref_slice %arg7[%scan3A_216, %dma_start3A_221] : memref<14x128xi32, #tpu.memory_space<vmem>> -> memref<1x128xi32, #tpu.memory_space<vmem>>
        %dma_start3A_223 = tpu.memref_squeeze %dma_start3A_222 : memref<1x128xi32, #tpu.memory_space<vmem>> -> memref<128xi32, #tpu.memory_space<vmem>>
        %dma_start3A_224 = arith.constant 0 : i32
        %dma_start3A_225 = arith.constant 0 : i32
        %dma_start3A_226 = tpu.memref_slice %arg4[%dma_start3A_224, %dma_start3A_225] : memref<50000x16xf32, #tpu.memory_space<hbm>> -> memref<50000x16xf32, #tpu.memory_space<hbm>>
        tpu.enqueue_indirect_dma source(%dma_start3A_226 : memref<50000x16xf32, #tpu.memory_space<hbm>>) target(%dma_start3A_220 : memref<128x16xf32, #tpu.memory_space<vmem>>) offsets(%dma_start3A_223 : memref<128xi32, #tpu.memory_space<vmem>>) semaphore(%arg16 : memref<!tpu.dma_semaphore, #tpu.memory_space<semaphore_mem>>)
      }
      %scan3A_184 = arith.constant 14 : i32
      %scan3A_185 = arith.constant 0 : i32
      %scan3A_186 = arith.constant 0 : i32
      %scan3A_187 = arith.constant 14 : i32
      %scan3A_188 = arith.addi %scan3A_186, %scan3A_187 : i32
      %scan3A_189 = arith.constant 1 : i32
      scf.for %scan3A_216 = %scan3A_186 to %scan3A_188 step %scan3A_189  : i32 {
        %mul3A_217 = arith.constant 128 : i32
        %mul3A_218 = arith.muli %scan3A_216, %mul3A_217 : i32
        %dma_wait3A_219 = arith.constant 0 : i32
        %dma_wait3A_220 = tpu.memref_slice %arg12[%mul3A_218, %dma_wait3A_219] : memref<1792x16xf32, #tpu.memory_space<vmem>> -> memref<128x16xf32, #tpu.memory_space<vmem>>
        %dma_wait3A_221 = arith.constant 0 : i32
        %dma_wait3A_222 = tpu.memref_slice %arg8[%scan3A_216, %dma_wait3A_221] : memref<14x128xi32, #tpu.memory_space<vmem>> -> memref<1x128xi32, #tpu.memory_space<vmem>>
        %dma_wait3A_223 = tpu.memref_squeeze %dma_wait3A_222 : memref<1x128xi32, #tpu.memory_space<vmem>> -> memref<128xi32, #tpu.memory_space<vmem>>
        %dma_wait3A_224 = arith.constant 0 : i32
        %dma_wait3A_225 = arith.constant 0 : i32
        %dma_wait3A_226 = tpu.memref_slice %arg4[%dma_wait3A_224, %dma_wait3A_225] : memref<50000x16xf32, #tpu.memory_space<hbm>> -> memref<50000x16xf32, #tpu.memory_space<hbm>>
        tpu.wait_indirect_dma semaphore(%arg17 : memref<!tpu.dma_semaphore, #tpu.memory_space<semaphore_mem>>) src(%dma_wait3A_226 : memref<50000x16xf32, #tpu.memory_space<hbm>>) dst(%dma_wait3A_220 : memref<128x16xf32, #tpu.memory_space<vmem>>)
      }
      %scan3A_190 = arith.constant 14 : i32
      %scan3A_191 = arith.constant 0 : i32
      %scan3A_192 = arith.constant 0 : i32
      %scan3A_193 = arith.constant 14 : i32
      %scan3A_194 = arith.addi %scan3A_192, %scan3A_193 : i32
      %scan3A_195 = arith.constant 1 : i32
      scf.for %scan3A_216 = %scan3A_192 to %scan3A_194 step %scan3A_195  : i32 {
        %mul3A_217 = arith.constant 128 : i32
        %mul3A_218 = arith.muli %scan3A_216, %mul3A_217 : i32
        %dma_start3A_219 = arith.constant 0 : i32
        %dma_start3A_220 = tpu.memref_slice %arg12[%mul3A_218, %dma_start3A_219] : memref<1792x16xf32, #tpu.memory_space<vmem>> -> memref<128x16xf32, #tpu.memory_space<vmem>>
        %dma_start3A_221 = arith.constant 0 : i32
        %dma_start3A_222 = tpu.memref_slice %arg10[%scan3A_216, %dma_start3A_221] : memref<14x128xi32, #tpu.memory_space<vmem>> -> memref<1x128xi32, #tpu.memory_space<vmem>>
        %dma_start3A_223 = tpu.memref_squeeze %dma_start3A_222 : memref<1x128xi32, #tpu.memory_space<vmem>> -> memref<128xi32, #tpu.memory_space<vmem>>
        %dma_start3A_224 = arith.constant 0 : i32
        %dma_start3A_225 = arith.constant 0 : i32
        %dma_start3A_226 = tpu.memref_slice %arg13[%dma_start3A_224, %dma_start3A_225] : memref<51200x16xf32, #tpu.memory_space<vmem_shared>> -> memref<51200x16xf32, #tpu.memory_space<vmem_shared>>
        tpu.enqueue_indirect_dma source(%dma_start3A_220 : memref<128x16xf32, #tpu.memory_space<vmem>>) target(%dma_start3A_226 : memref<51200x16xf32, #tpu.memory_space<vmem_shared>>) offsets(%dma_start3A_223 : memref<128xi32, #tpu.memory_space<vmem>>) semaphore(%arg19 : memref<!tpu.dma_semaphore, #tpu.memory_space<semaphore_mem>>) {add = true}
      }
      %scan3A_196 = arith.constant 14 : i32
      %scan3A_197 = arith.constant 0 : i32
      %scan3A_198 = arith.constant 0 : i32
      %scan3A_199 = arith.constant 14 : i32
      %scan3A_200 = arith.addi %scan3A_198, %scan3A_199 : i32
      %scan3A_201 = arith.constant 1 : i32
      scf.for %scan3A_216 = %scan3A_198 to %scan3A_200 step %scan3A_201  : i32 {
        %mul3A_217 = arith.constant 128 : i32
        %mul3A_218 = arith.muli %scan3A_216, %mul3A_217 : i32
        %dma_wait3A_219 = arith.constant 0 : i32
        %dma_wait3A_220 = tpu.memref_slice %arg12[%mul3A_218, %dma_wait3A_219] : memref<1792x16xf32, #tpu.memory_space<vmem>> -> memref<128x16xf32, #tpu.memory_space<vmem>>
        %dma_wait3A_221 = arith.constant 0 : i32
        %dma_wait3A_222 = tpu.memref_slice %arg10[%scan3A_216, %dma_wait3A_221] : memref<14x128xi32, #tpu.memory_space<vmem>> -> memref<1x128xi32, #tpu.memory_space<vmem>>
        %dma_wait3A_223 = tpu.memref_squeeze %dma_wait3A_222 : memref<1x128xi32, #tpu.memory_space<vmem>> -> memref<128xi32, #tpu.memory_space<vmem>>
        %dma_wait3A_224 = arith.constant 0 : i32
        %dma_wait3A_225 = arith.constant 0 : i32
        %dma_wait3A_226 = tpu.memref_slice %arg13[%dma_wait3A_224, %dma_wait3A_225] : memref<51200x16xf32, #tpu.memory_space<vmem_shared>> -> memref<51200x16xf32, #tpu.memory_space<vmem_shared>>
        tpu.wait_indirect_dma semaphore(%arg19 : memref<!tpu.dma_semaphore, #tpu.memory_space<semaphore_mem>>) src(%dma_wait3A_220 : memref<128x16xf32, #tpu.memory_space<vmem>>) dst(%dma_wait3A_226 : memref<51200x16xf32, #tpu.memory_space<vmem_shared>>)
      }
      %scan3A_202 = arith.constant 14 : i32
      %add3A_203 = arith.constant 2 : i32
      %add3A_204 = arith.addi %add3A_117, %add3A_203 : i32
      %mul3A_205 = arith.constant 14 : i32
      %mul3A_206 = arith.muli %add3A_204, %mul3A_205 : i32
      %add3A_207 = arith.addi %mul3A_4, %mul3A_206 : i32
      %dma_start3A_208 = arith.constant 0 : i32
      %dma_start3A_209 = tpu.memref_slice %arg2[%add3A_207, %dma_start3A_208] : memref<25088x128xi32, #tpu.memory_space<hbm>> -> memref<14x128xi32, #tpu.memory_space<hbm>>
      %dma_start3A_210 = arith.constant 0 : i32
      %dma_start3A_211 = tpu.memref_slice %arg2[%add3A_207, %dma_start3A_210] : memref<25088x128xi32, #tpu.memory_space<hbm>> -> memref<14x128xi32, #tpu.memory_space<hbm>>
      tpu.enqueue_dma source(%dma_start3A_211 : memref<14x128xi32, #tpu.memory_space<hbm>>) target(%arg8 : memref<14x128xi32, #tpu.memory_space<vmem>>) target_semaphore(%arg15 : memref<!tpu.dma_semaphore, #tpu.memory_space<semaphore_mem>>)
      %dma_start3A_212 = arith.constant 0 : i32
      %dma_start3A_213 = tpu.memref_slice %arg3[%add3A_207, %dma_start3A_212] : memref<25088x128xi32, #tpu.memory_space<hbm>> -> memref<14x128xi32, #tpu.memory_space<hbm>>
      %dma_start3A_214 = arith.constant 0 : i32
      %dma_start3A_215 = tpu.memref_slice %arg3[%add3A_207, %dma_start3A_214] : memref<25088x128xi32, #tpu.memory_space<hbm>> -> memref<14x128xi32, #tpu.memory_space<hbm>>
      tpu.enqueue_dma source(%dma_start3A_215 : memref<14x128xi32, #tpu.memory_space<hbm>>) target(%arg10 : memref<14x128xi32, #tpu.memory_space<vmem>>) target_semaphore(%arg15 : memref<!tpu.dma_semaphore, #tpu.memory_space<semaphore_mem>>)
    }
    %scan3A_49 = arith.constant 27 : i32
    %dma_wait3A_50 = arith.constant 0 : i32
    %dma_wait3A_51 = arith.constant 0 : i32
    %dma_wait3A_52 = tpu.memref_slice %arg2[%dma_wait3A_50, %dma_wait3A_51] : memref<25088x128xi32, #tpu.memory_space<hbm>> -> memref<14x128xi32, #tpu.memory_space<hbm>>
    %dma_wait3A_53 = arith.constant 0 : i32
    %dma_wait3A_54 = arith.constant 0 : i32
    %dma_wait3A_55 = tpu.memref_slice %arg2[%dma_wait3A_53, %dma_wait3A_54] : memref<25088x128xi32, #tpu.memory_space<hbm>> -> memref<14x128xi32, #tpu.memory_space<hbm>>
    tpu.wait_dma2 semaphore(%arg15 : memref<!tpu.dma_semaphore, #tpu.memory_space<semaphore_mem>>) src(%dma_wait3A_55 : memref<14x128xi32, #tpu.memory_space<hbm>>) dst(%arg8 : memref<14x128xi32, #tpu.memory_space<vmem>>)
    %dma_wait3A_56 = arith.constant 0 : i32
    %dma_wait3A_57 = arith.constant 0 : i32
    %dma_wait3A_58 = tpu.memref_slice %arg3[%dma_wait3A_56, %dma_wait3A_57] : memref<25088x128xi32, #tpu.memory_space<hbm>> -> memref<14x128xi32, #tpu.memory_space<hbm>>
    %dma_wait3A_59 = arith.constant 0 : i32
    %dma_wait3A_60 = arith.constant 0 : i32
    %dma_wait3A_61 = tpu.memref_slice %arg3[%dma_wait3A_59, %dma_wait3A_60] : memref<25088x128xi32, #tpu.memory_space<hbm>> -> memref<14x128xi32, #tpu.memory_space<hbm>>
    tpu.wait_dma2 semaphore(%arg15 : memref<!tpu.dma_semaphore, #tpu.memory_space<semaphore_mem>>) src(%dma_wait3A_61 : memref<14x128xi32, #tpu.memory_space<hbm>>) dst(%arg10 : memref<14x128xi32, #tpu.memory_space<vmem>>)
    %scan3A_62 = arith.constant 0 : i32
    %scan3A_63 = arith.constant 0 : i32
    %scan3A_64 = arith.constant 14 : i32
    %scan3A_65 = arith.addi %scan3A_63, %scan3A_64 : i32
    %scan3A_66 = arith.constant 1 : i32
    scf.for %scan3A_113 = %scan3A_63 to %scan3A_65 step %scan3A_66  : i32 {
      %mul3A_114 = arith.constant 128 : i32
      %mul3A_115 = arith.muli %scan3A_113, %mul3A_114 : i32
      %dma_start3A_116 = arith.constant 0 : i32
      %dma_start3A_117 = tpu.memref_slice %arg12[%mul3A_115, %dma_start3A_116] : memref<1792x16xf32, #tpu.memory_space<vmem>> -> memref<128x16xf32, #tpu.memory_space<vmem>>
      %dma_start3A_118 = arith.constant 0 : i32
      %dma_start3A_119 = tpu.memref_slice %arg8[%scan3A_113, %dma_start3A_118] : memref<14x128xi32, #tpu.memory_space<vmem>> -> memref<1x128xi32, #tpu.memory_space<vmem>>
      %dma_start3A_120 = tpu.memref_squeeze %dma_start3A_119 : memref<1x128xi32, #tpu.memory_space<vmem>> -> memref<128xi32, #tpu.memory_space<vmem>>
      %dma_start3A_121 = arith.constant 0 : i32
      %dma_start3A_122 = arith.constant 0 : i32
      %dma_start3A_123 = tpu.memref_slice %arg4[%dma_start3A_121, %dma_start3A_122] : memref<50000x16xf32, #tpu.memory_space<hbm>> -> memref<50000x16xf32, #tpu.memory_space<hbm>>
      tpu.enqueue_indirect_dma source(%dma_start3A_123 : memref<50000x16xf32, #tpu.memory_space<hbm>>) target(%dma_start3A_117 : memref<128x16xf32, #tpu.memory_space<vmem>>) offsets(%dma_start3A_120 : memref<128xi32, #tpu.memory_space<vmem>>) semaphore(%arg17 : memref<!tpu.dma_semaphore, #tpu.memory_space<semaphore_mem>>)
    }
    %scan3A_67 = arith.constant 14 : i32
    %scan3A_68 = arith.constant 0 : i32
    %scan3A_69 = arith.constant 0 : i32
    %scan3A_70 = arith.constant 14 : i32
    %scan3A_71 = arith.addi %scan3A_69, %scan3A_70 : i32
    %scan3A_72 = arith.constant 1 : i32
    scf.for %scan3A_113 = %scan3A_69 to %scan3A_71 step %scan3A_72  : i32 {
      %mul3A_114 = arith.constant 128 : i32
      %mul3A_115 = arith.muli %scan3A_113, %mul3A_114 : i32
      %dma_wait3A_116 = arith.constant 0 : i32
      %dma_wait3A_117 = tpu.memref_slice %arg11[%mul3A_115, %dma_wait3A_116] : memref<1792x16xf32, #tpu.memory_space<vmem>> -> memref<128x16xf32, #tpu.memory_space<vmem>>
      %dma_wait3A_118 = arith.constant 0 : i32
      %dma_wait3A_119 = tpu.memref_slice %arg7[%scan3A_113, %dma_wait3A_118] : memref<14x128xi32, #tpu.memory_space<vmem>> -> memref<1x128xi32, #tpu.memory_space<vmem>>
      %dma_wait3A_120 = tpu.memref_squeeze %dma_wait3A_119 : memref<1x128xi32, #tpu.memory_space<vmem>> -> memref<128xi32, #tpu.memory_space<vmem>>
      %dma_wait3A_121 = arith.constant 0 : i32
      %dma_wait3A_122 = arith.constant 0 : i32
      %dma_wait3A_123 = tpu.memref_slice %arg4[%dma_wait3A_121, %dma_wait3A_122] : memref<50000x16xf32, #tpu.memory_space<hbm>> -> memref<50000x16xf32, #tpu.memory_space<hbm>>
      tpu.wait_indirect_dma semaphore(%arg16 : memref<!tpu.dma_semaphore, #tpu.memory_space<semaphore_mem>>) src(%dma_wait3A_123 : memref<50000x16xf32, #tpu.memory_space<hbm>>) dst(%dma_wait3A_117 : memref<128x16xf32, #tpu.memory_space<vmem>>)
    }
    %scan3A_73 = arith.constant 14 : i32
    %scan3A_74 = arith.constant 0 : i32
    %scan3A_75 = arith.constant 0 : i32
    %scan3A_76 = arith.constant 14 : i32
    %scan3A_77 = arith.addi %scan3A_75, %scan3A_76 : i32
    %scan3A_78 = arith.constant 1 : i32
    scf.for %scan3A_113 = %scan3A_75 to %scan3A_77 step %scan3A_78  : i32 {
      %mul3A_114 = arith.constant 128 : i32
      %mul3A_115 = arith.muli %scan3A_113, %mul3A_114 : i32
      %dma_start3A_116 = arith.constant 0 : i32
      %dma_start3A_117 = tpu.memref_slice %arg11[%mul3A_115, %dma_start3A_116] : memref<1792x16xf32, #tpu.memory_space<vmem>> -> memref<128x16xf32, #tpu.memory_space<vmem>>
      %dma_start3A_118 = arith.constant 0 : i32
      %dma_start3A_119 = tpu.memref_slice %arg9[%scan3A_113, %dma_start3A_118] : memref<14x128xi32, #tpu.memory_space<vmem>> -> memref<1x128xi32, #tpu.memory_space<vmem>>
      %dma_start3A_120 = tpu.memref_squeeze %dma_start3A_119 : memref<1x128xi32, #tpu.memory_space<vmem>> -> memref<128xi32, #tpu.memory_space<vmem>>
      %dma_start3A_121 = arith.constant 0 : i32
      %dma_start3A_122 = arith.constant 0 : i32
      %dma_start3A_123 = tpu.memref_slice %arg13[%dma_start3A_121, %dma_start3A_122] : memref<51200x16xf32, #tpu.memory_space<vmem_shared>> -> memref<51200x16xf32, #tpu.memory_space<vmem_shared>>
      tpu.enqueue_indirect_dma source(%dma_start3A_117 : memref<128x16xf32, #tpu.memory_space<vmem>>) target(%dma_start3A_123 : memref<51200x16xf32, #tpu.memory_space<vmem_shared>>) offsets(%dma_start3A_120 : memref<128xi32, #tpu.memory_space<vmem>>) semaphore(%arg18 : memref<!tpu.dma_semaphore, #tpu.memory_space<semaphore_mem>>) {add = true}
    }
    %scan3A_79 = arith.constant 14 : i32
    %scan3A_80 = arith.constant 0 : i32
    %scan3A_81 = arith.constant 0 : i32
    %scan3A_82 = arith.constant 14 : i32
    %scan3A_83 = arith.addi %scan3A_81, %scan3A_82 : i32
    %scan3A_84 = arith.constant 1 : i32
    scf.for %scan3A_113 = %scan3A_81 to %scan3A_83 step %scan3A_84  : i32 {
      %mul3A_114 = arith.constant 128 : i32
      %mul3A_115 = arith.muli %scan3A_113, %mul3A_114 : i32
      %dma_wait3A_116 = arith.constant 0 : i32
      %dma_wait3A_117 = tpu.memref_slice %arg11[%mul3A_115, %dma_wait3A_116] : memref<1792x16xf32, #tpu.memory_space<vmem>> -> memref<128x16xf32, #tpu.memory_space<vmem>>
      %dma_wait3A_118 = arith.constant 0 : i32
      %dma_wait3A_119 = tpu.memref_slice %arg9[%scan3A_113, %dma_wait3A_118] : memref<14x128xi32, #tpu.memory_space<vmem>> -> memref<1x128xi32, #tpu.memory_space<vmem>>
      %dma_wait3A_120 = tpu.memref_squeeze %dma_wait3A_119 : memref<1x128xi32, #tpu.memory_space<vmem>> -> memref<128xi32, #tpu.memory_space<vmem>>
      %dma_wait3A_121 = arith.constant 0 : i32
      %dma_wait3A_122 = arith.constant 0 : i32
      %dma_wait3A_123 = tpu.memref_slice %arg13[%dma_wait3A_121, %dma_wait3A_122] : memref<51200x16xf32, #tpu.memory_space<vmem_shared>> -> memref<51200x16xf32, #tpu.memory_space<vmem_shared>>
      tpu.wait_indirect_dma semaphore(%arg18 : memref<!tpu.dma_semaphore, #tpu.memory_space<semaphore_mem>>) src(%dma_wait3A_117 : memref<128x16xf32, #tpu.memory_space<vmem>>) dst(%dma_wait3A_123 : memref<51200x16xf32, #tpu.memory_space<vmem_shared>>)
    }
    %scan3A_85 = arith.constant 14 : i32
    %scan3A_86 = arith.constant 0 : i32
    %scan3A_87 = arith.constant 0 : i32
    %scan3A_88 = arith.constant 14 : i32
    %scan3A_89 = arith.addi %scan3A_87, %scan3A_88 : i32
    %scan3A_90 = arith.constant 1 : i32
    scf.for %scan3A_113 = %scan3A_87 to %scan3A_89 step %scan3A_90  : i32 {
      %mul3A_114 = arith.constant 128 : i32
      %mul3A_115 = arith.muli %scan3A_113, %mul3A_114 : i32
      %dma_wait3A_116 = arith.constant 0 : i32
      %dma_wait3A_117 = tpu.memref_slice %arg12[%mul3A_115, %dma_wait3A_116] : memref<1792x16xf32, #tpu.memory_space<vmem>> -> memref<128x16xf32, #tpu.memory_space<vmem>>
      %dma_wait3A_118 = arith.constant 0 : i32
      %dma_wait3A_119 = tpu.memref_slice %arg8[%scan3A_113, %dma_wait3A_118] : memref<14x128xi32, #tpu.memory_space<vmem>> -> memref<1x128xi32, #tpu.memory_space<vmem>>
      %dma_wait3A_120 = tpu.memref_squeeze %dma_wait3A_119 : memref<1x128xi32, #tpu.memory_space<vmem>> -> memref<128xi32, #tpu.memory_space<vmem>>
      %dma_wait3A_121 = arith.constant 0 : i32
      %dma_wait3A_122 = arith.constant 0 : i32
      %dma_wait3A_123 = tpu.memref_slice %arg4[%dma_wait3A_121, %dma_wait3A_122] : memref<50000x16xf32, #tpu.memory_space<hbm>> -> memref<50000x16xf32, #tpu.memory_space<hbm>>
      tpu.wait_indirect_dma semaphore(%arg17 : memref<!tpu.dma_semaphore, #tpu.memory_space<semaphore_mem>>) src(%dma_wait3A_123 : memref<50000x16xf32, #tpu.memory_space<hbm>>) dst(%dma_wait3A_117 : memref<128x16xf32, #tpu.memory_space<vmem>>)
    }
    %scan3A_91 = arith.constant 14 : i32
    %scan3A_92 = arith.constant 0 : i32
    %scan3A_93 = arith.constant 0 : i32
    %scan3A_94 = arith.constant 14 : i32
    %scan3A_95 = arith.addi %scan3A_93, %scan3A_94 : i32
    %scan3A_96 = arith.constant 1 : i32
    scf.for %scan3A_113 = %scan3A_93 to %scan3A_95 step %scan3A_96  : i32 {
      %mul3A_114 = arith.constant 128 : i32
      %mul3A_115 = arith.muli %scan3A_113, %mul3A_114 : i32
      %dma_start3A_116 = arith.constant 0 : i32
      %dma_start3A_117 = tpu.memref_slice %arg12[%mul3A_115, %dma_start3A_116] : memref<1792x16xf32, #tpu.memory_space<vmem>> -> memref<128x16xf32, #tpu.memory_space<vmem>>
      %dma_start3A_118 = arith.constant 0 : i32
      %dma_start3A_119 = tpu.memref_slice %arg10[%scan3A_113, %dma_start3A_118] : memref<14x128xi32, #tpu.memory_space<vmem>> -> memref<1x128xi32, #tpu.memory_space<vmem>>
      %dma_start3A_120 = tpu.memref_squeeze %dma_start3A_119 : memref<1x128xi32, #tpu.memory_space<vmem>> -> memref<128xi32, #tpu.memory_space<vmem>>
      %dma_start3A_121 = arith.constant 0 : i32
      %dma_start3A_122 = arith.constant 0 : i32
      %dma_start3A_123 = tpu.memref_slice %arg13[%dma_start3A_121, %dma_start3A_122] : memref<51200x16xf32, #tpu.memory_space<vmem_shared>> -> memref<51200x16xf32, #tpu.memory_space<vmem_shared>>
      tpu.enqueue_indirect_dma source(%dma_start3A_117 : memref<128x16xf32, #tpu.memory_space<vmem>>) target(%dma_start3A_123 : memref<51200x16xf32, #tpu.memory_space<vmem_shared>>) offsets(%dma_start3A_120 : memref<128xi32, #tpu.memory_space<vmem>>) semaphore(%arg19 : memref<!tpu.dma_semaphore, #tpu.memory_space<semaphore_mem>>) {add = true}
    }
    %scan3A_97 = arith.constant 14 : i32
    %scan3A_98 = arith.constant 0 : i32
    %scan3A_99 = arith.constant 0 : i32
    %scan3A_100 = arith.constant 14 : i32
    %scan3A_101 = arith.addi %scan3A_99, %scan3A_100 : i32
    %scan3A_102 = arith.constant 1 : i32
    scf.for %scan3A_113 = %scan3A_99 to %scan3A_101 step %scan3A_102  : i32 {
      %mul3A_114 = arith.constant 128 : i32
      %mul3A_115 = arith.muli %scan3A_113, %mul3A_114 : i32
      %dma_wait3A_116 = arith.constant 0 : i32
      %dma_wait3A_117 = tpu.memref_slice %arg12[%mul3A_115, %dma_wait3A_116] : memref<1792x16xf32, #tpu.memory_space<vmem>> -> memref<128x16xf32, #tpu.memory_space<vmem>>
      %dma_wait3A_118 = arith.constant 0 : i32
      %dma_wait3A_119 = tpu.memref_slice %arg10[%scan3A_113, %dma_wait3A_118] : memref<14x128xi32, #tpu.memory_space<vmem>> -> memref<1x128xi32, #tpu.memory_space<vmem>>
      %dma_wait3A_120 = tpu.memref_squeeze %dma_wait3A_119 : memref<1x128xi32, #tpu.memory_space<vmem>> -> memref<128xi32, #tpu.memory_space<vmem>>
      %dma_wait3A_121 = arith.constant 0 : i32
      %dma_wait3A_122 = arith.constant 0 : i32
      %dma_wait3A_123 = tpu.memref_slice %arg13[%dma_wait3A_121, %dma_wait3A_122] : memref<51200x16xf32, #tpu.memory_space<vmem_shared>> -> memref<51200x16xf32, #tpu.memory_space<vmem_shared>>
      tpu.wait_indirect_dma semaphore(%arg19 : memref<!tpu.dma_semaphore, #tpu.memory_space<semaphore_mem>>) src(%dma_wait3A_117 : memref<128x16xf32, #tpu.memory_space<vmem>>) dst(%dma_wait3A_123 : memref<51200x16xf32, #tpu.memory_space<vmem_shared>>)
    }
    %scan3A_103 = arith.constant 14 : i32
    %barrier3A_104 = arith.constant 0 : index
    tpu.barrier barrier_id(%barrier3A_104)
    %add3A_105 = arith.constant 0 : i32
    %add3A_106 = arith.addi %mul3A_2, %add3A_105 : i32
    "tpu.region"() ({
      %run_scoped3A = tpu.sem_alloc : memref<!tpu.dma_semaphore, #tpu.memory_space<semaphore_mem>>
      %dma_start3A_113 = arith.constant 0 : i32
      %dma_start3A_114 = arith.constant 0 : i32
      %dma_start3A_115 = tpu.memref_slice %arg11[%dma_start3A_113, %dma_start3A_114] : memref<1792x16xf32, #tpu.memory_space<vmem>> -> memref<1600x16xf32, #tpu.memory_space<vmem>>
      %dma_start3A_116 = arith.constant 0 : i32
      %dma_start3A_117 = tpu.memref_slice %arg13[%add3A_106, %dma_start3A_116] : memref<51200x16xf32, #tpu.memory_space<vmem_shared>> -> memref<1600x16xf32, #tpu.memory_space<vmem_shared>>
      %dma_start3A_118 = arith.constant 0 : i32
      %dma_start3A_119 = arith.constant 0 : i32
      %dma_start3A_120 = tpu.memref_slice %arg11[%dma_start3A_118, %dma_start3A_119] : memref<1792x16xf32, #tpu.memory_space<vmem>> -> memref<1600x16xf32, #tpu.memory_space<vmem>>
      %dma_start3A_121 = arith.constant 0 : i32
      %dma_start3A_122 = tpu.memref_slice %arg13[%add3A_106, %dma_start3A_121] : memref<51200x16xf32, #tpu.memory_space<vmem_shared>> -> memref<1600x16xf32, #tpu.memory_space<vmem_shared>>
      tpu.enqueue_dma source(%dma_start3A_122 : memref<1600x16xf32, #tpu.memory_space<vmem_shared>>) target(%dma_start3A_120 : memref<1600x16xf32, #tpu.memory_space<vmem>>) target_semaphore(%run_scoped3A : memref<!tpu.dma_semaphore, #tpu.memory_space<semaphore_mem>>)
      %dma_wait3A_123 = arith.constant 0 : i32
      %dma_wait3A_124 = arith.constant 0 : i32
      %dma_wait3A_125 = tpu.memref_slice %arg11[%dma_wait3A_123, %dma_wait3A_124] : memref<1792x16xf32, #tpu.memory_space<vmem>> -> memref<1600x16xf32, #tpu.memory_space<vmem>>
      %dma_wait3A_126 = arith.constant 0 : i32
      %dma_wait3A_127 = tpu.memref_slice %arg13[%add3A_106, %dma_wait3A_126] : memref<51200x16xf32, #tpu.memory_space<vmem_shared>> -> memref<1600x16xf32, #tpu.memory_space<vmem_shared>>
      %dma_wait3A_128 = arith.constant 0 : i32
      %dma_wait3A_129 = arith.constant 0 : i32
      %dma_wait3A_130 = tpu.memref_slice %arg11[%dma_wait3A_128, %dma_wait3A_129] : memref<1792x16xf32, #tpu.memory_space<vmem>> -> memref<1600x16xf32, #tpu.memory_space<vmem>>
      %dma_wait3A_131 = arith.constant 0 : i32
      %dma_wait3A_132 = tpu.memref_slice %arg13[%add3A_106, %dma_wait3A_131] : memref<51200x16xf32, #tpu.memory_space<vmem_shared>> -> memref<1600x16xf32, #tpu.memory_space<vmem_shared>>
      tpu.wait_dma2 semaphore(%run_scoped3A : memref<!tpu.dma_semaphore, #tpu.memory_space<semaphore_mem>>) src(%dma_wait3A_132 : memref<1600x16xf32, #tpu.memory_space<vmem_shared>>) dst(%dma_wait3A_130 : memref<1600x16xf32, #tpu.memory_space<vmem>>)
      tpu.yield
    }) : () -> ()
    %add3A_107 = arith.constant 0 : i32
    %add3A_108 = arith.addi %mul3A_2, %add3A_107 : i32
    "tpu.region"() ({
      %run_scoped3A = tpu.sem_alloc : memref<!tpu.dma_semaphore, #tpu.memory_space<semaphore_mem>>
      %dma_start3A_113 = arith.constant 0 : i32
      %dma_start3A_114 = arith.constant 0 : i32
      %dma_start3A_115 = tpu.memref_slice %arg11[%dma_start3A_113, %dma_start3A_114] : memref<1792x16xf32, #tpu.memory_space<vmem>> -> memref<1600x16xf32, #tpu.memory_space<vmem>>
      %dma_start3A_116 = arith.constant 0 : i32
      %dma_start3A_117 = tpu.memref_slice %arg6[%arg0, %add3A_108, %dma_start3A_116] : memref<2x51200x16xf32, #tpu.memory_space<hbm>> -> memref<1x1600x16xf32, #tpu.memory_space<hbm>>
      %dma_start3A_118 = tpu.memref_squeeze %dma_start3A_117 : memref<1x1600x16xf32, #tpu.memory_space<hbm>> -> memref<1600x16xf32, #tpu.memory_space<hbm>>
      %dma_start3A_119 = arith.constant 0 : i32
      %dma_start3A_120 = tpu.memref_slice %arg6[%arg0, %add3A_108, %dma_start3A_119] : memref<2x51200x16xf32, #tpu.memory_space<hbm>> -> memref<1x1600x16xf32, #tpu.memory_space<hbm>>
      %dma_start3A_121 = tpu.memref_squeeze %dma_start3A_120 : memref<1x1600x16xf32, #tpu.memory_space<hbm>> -> memref<1600x16xf32, #tpu.memory_space<hbm>>
      %dma_start3A_122 = arith.constant 0 : i32
      %dma_start3A_123 = arith.constant 0 : i32
      %dma_start3A_124 = tpu.memref_slice %arg11[%dma_start3A_122, %dma_start3A_123] : memref<1792x16xf32, #tpu.memory_space<vmem>> -> memref<1600x16xf32, #tpu.memory_space<vmem>>
      tpu.enqueue_dma source(%dma_start3A_124 : memref<1600x16xf32, #tpu.memory_space<vmem>>) target(%dma_start3A_121 : memref<1600x16xf32, #tpu.memory_space<hbm>>) target_semaphore(%run_scoped3A : memref<!tpu.dma_semaphore, #tpu.memory_space<semaphore_mem>>)
      %dma_wait3A_125 = arith.constant 0 : i32
      %dma_wait3A_126 = arith.constant 0 : i32
      %dma_wait3A_127 = tpu.memref_slice %arg11[%dma_wait3A_125, %dma_wait3A_126] : memref<1792x16xf32, #tpu.memory_space<vmem>> -> memref<1600x16xf32, #tpu.memory_space<vmem>>
      %dma_wait3A_128 = arith.constant 0 : i32
      %dma_wait3A_129 = tpu.memref_slice %arg6[%arg0, %add3A_108, %dma_wait3A_128] : memref<2x51200x16xf32, #tpu.memory_space<hbm>> -> memref<1x1600x16xf32, #tpu.memory_space<hbm>>
      %dma_wait3A_130 = tpu.memref_squeeze %dma_wait3A_129 : memref<1x1600x16xf32, #tpu.memory_space<hbm>> -> memref<1600x16xf32, #tpu.memory_space<hbm>>
      %dma_wait3A_131 = arith.constant 0 : i32
      %dma_wait3A_132 = tpu.memref_slice %arg6[%arg0, %add3A_108, %dma_wait3A_131] : memref<2x51200x16xf32, #tpu.memory_space<hbm>> -> memref<1x1600x16xf32, #tpu.memory_space<hbm>>
      %dma_wait3A_133 = tpu.memref_squeeze %dma_wait3A_132 : memref<1x1600x16xf32, #tpu.memory_space<hbm>> -> memref<1600x16xf32, #tpu.memory_space<hbm>>
      %dma_wait3A_134 = arith.constant 0 : i32
      %dma_wait3A_135 = arith.constant 0 : i32
      %dma_wait3A_136 = tpu.memref_slice %arg11[%dma_wait3A_134, %dma_wait3A_135] : memref<1792x16xf32, #tpu.memory_space<vmem>> -> memref<1600x16xf32, #tpu.memory_space<vmem>>
      tpu.wait_dma2 semaphore(%run_scoped3A : memref<!tpu.dma_semaphore, #tpu.memory_space<semaphore_mem>>) src(%dma_wait3A_136 : memref<1600x16xf32, #tpu.memory_space<vmem>>) dst(%dma_wait3A_133 : memref<1600x16xf32, #tpu.memory_space<hbm>>)
      tpu.yield
    }) : () -> ()
    %add3A_109 = arith.constant 1600 : i32
    %add3A_110 = arith.addi %mul3A_2, %add3A_109 : i32
    "tpu.region"() ({
      %run_scoped3A = tpu.sem_alloc : memref<!tpu.dma_semaphore, #tpu.memory_space<semaphore_mem>>
      %dma_start3A_113 = arith.constant 0 : i32
      %dma_start3A_114 = arith.constant 0 : i32
      %dma_start3A_115 = tpu.memref_slice %arg11[%dma_start3A_113, %dma_start3A_114] : memref<1792x16xf32, #tpu.memory_space<vmem>> -> memref<1600x16xf32, #tpu.memory_space<vmem>>
      %dma_start3A_116 = arith.constant 0 : i32
      %dma_start3A_117 = tpu.memref_slice %arg13[%add3A_110, %dma_start3A_116] : memref<51200x16xf32, #tpu.memory_space<vmem_shared>> -> memref<1600x16xf32, #tpu.memory_space<vmem_shared>>
      %dma_start3A_118 = arith.constant 0 : i32
      %dma_start3A_119 = arith.constant 0 : i32
      %dma_start3A_120 = tpu.memref_slice %arg11[%dma_start3A_118, %dma_start3A_119] : memref<1792x16xf32, #tpu.memory_space<vmem>> -> memref<1600x16xf32, #tpu.memory_space<vmem>>
      %dma_start3A_121 = arith.constant 0 : i32
      %dma_start3A_122 = tpu.memref_slice %arg13[%add3A_110, %dma_start3A_121] : memref<51200x16xf32, #tpu.memory_space<vmem_shared>> -> memref<1600x16xf32, #tpu.memory_space<vmem_shared>>
      tpu.enqueue_dma source(%dma_start3A_122 : memref<1600x16xf32, #tpu.memory_space<vmem_shared>>) target(%dma_start3A_120 : memref<1600x16xf32, #tpu.memory_space<vmem>>) target_semaphore(%run_scoped3A : memref<!tpu.dma_semaphore, #tpu.memory_space<semaphore_mem>>)
      %dma_wait3A_123 = arith.constant 0 : i32
      %dma_wait3A_124 = arith.constant 0 : i32
      %dma_wait3A_125 = tpu.memref_slice %arg11[%dma_wait3A_123, %dma_wait3A_124] : memref<1792x16xf32, #tpu.memory_space<vmem>> -> memref<1600x16xf32, #tpu.memory_space<vmem>>
      %dma_wait3A_126 = arith.constant 0 : i32
      %dma_wait3A_127 = tpu.memref_slice %arg13[%add3A_110, %dma_wait3A_126] : memref<51200x16xf32, #tpu.memory_space<vmem_shared>> -> memref<1600x16xf32, #tpu.memory_space<vmem_shared>>
      %dma_wait3A_128 = arith.constant 0 : i32
      %dma_wait3A_129 = arith.constant 0 : i32
      %dma_wait3A_130 = tpu.memref_slice %arg11[%dma_wait3A_128, %dma_wait3A_129] : memref<1792x16xf32, #tpu.memory_space<vmem>> -> memref<1600x16xf32, #tpu.memory_space<vmem>>
      %dma_wait3A_131 = arith.constant 0 : i32
      %dma_wait3A_132 = tpu.memref_slice %arg13[%add3A_110, %dma_wait3A_131] : memref<51200x16xf32, #tpu.memory_space<vmem_shared>> -> memref<1600x16xf32, #tpu.memory_space<vmem_shared>>
      tpu.wait_dma2 semaphore(%run_scoped3A : memref<!tpu.dma_semaphore, #tpu.memory_space<semaphore_mem>>) src(%dma_wait3A_132 : memref<1600x16xf32, #tpu.memory_space<vmem_shared>>) dst(%dma_wait3A_130 : memref<1600x16xf32, #tpu.memory_space<vmem>>)
      tpu.yield
    }) : () -> ()
    %add3A_111 = arith.constant 1600 : i32
    %add3A_112 = arith.addi %mul3A_2, %add3A_111 : i32
    "tpu.region"() ({
      %run_scoped3A = tpu.sem_alloc : memref<!tpu.dma_semaphore, #tpu.memory_space<semaphore_mem>>
      %dma_start3A_113 = arith.constant 0 : i32
      %dma_start3A_114 = arith.constant 0 : i32
      %dma_start3A_115 = tpu.memref_slice %arg11[%dma_start3A_113, %dma_start3A_114] : memref<1792x16xf32, #tpu.memory_space<vmem>> -> memref<1600x16xf32, #tpu.memory_space<vmem>>
      %dma_start3A_116 = arith.constant 0 : i32
      %dma_start3A_117 = tpu.memref_slice %arg6[%arg0, %add3A_112, %dma_start3A_116] : memref<2x51200x16xf32, #tpu.memory_space<hbm>> -> memref<1x1600x16xf32, #tpu.memory_space<hbm>>
      %dma_start3A_118 = tpu.memref_squeeze %dma_start3A_117 : memref<1x1600x16xf32, #tpu.memory_space<hbm>> -> memref<1600x16xf32, #tpu.memory_space<hbm>>
      %dma_start3A_119 = arith.constant 0 : i32
      %dma_start3A_120 = tpu.memref_slice %arg6[%arg0, %add3A_112, %dma_start3A_119] : memref<2x51200x16xf32, #tpu.memory_space<hbm>> -> memref<1x1600x16xf32, #tpu.memory_space<hbm>>
      %dma_start3A_121 = tpu.memref_squeeze %dma_start3A_120 : memref<1x1600x16xf32, #tpu.memory_space<hbm>> -> memref<1600x16xf32, #tpu.memory_space<hbm>>
      %dma_start3A_122 = arith.constant 0 : i32
      %dma_start3A_123 = arith.constant 0 : i32
      %dma_start3A_124 = tpu.memref_slice %arg11[%dma_start3A_122, %dma_start3A_123] : memref<1792x16xf32, #tpu.memory_space<vmem>> -> memref<1600x16xf32, #tpu.memory_space<vmem>>
      tpu.enqueue_dma source(%dma_start3A_124 : memref<1600x16xf32, #tpu.memory_space<vmem>>) target(%dma_start3A_121 : memref<1600x16xf32, #tpu.memory_space<hbm>>) target_semaphore(%run_scoped3A : memref<!tpu.dma_semaphore, #tpu.memory_space<semaphore_mem>>)
      %dma_wait3A_125 = arith.constant 0 : i32
      %dma_wait3A_126 = arith.constant 0 : i32
      %dma_wait3A_127 = tpu.memref_slice %arg11[%dma_wait3A_125, %dma_wait3A_126] : memref<1792x16xf32, #tpu.memory_space<vmem>> -> memref<1600x16xf32, #tpu.memory_space<vmem>>
      %dma_wait3A_128 = arith.constant 0 : i32
      %dma_wait3A_129 = tpu.memref_slice %arg6[%arg0, %add3A_112, %dma_wait3A_128] : memref<2x51200x16xf32, #tpu.memory_space<hbm>> -> memref<1x1600x16xf32, #tpu.memory_space<hbm>>
      %dma_wait3A_130 = tpu.memref_squeeze %dma_wait3A_129 : memref<1x1600x16xf32, #tpu.memory_space<hbm>> -> memref<1600x16xf32, #tpu.memory_space<hbm>>
      %dma_wait3A_131 = arith.constant 0 : i32
      %dma_wait3A_132 = tpu.memref_slice %arg6[%arg0, %add3A_112, %dma_wait3A_131] : memref<2x51200x16xf32, #tpu.memory_space<hbm>> -> memref<1x1600x16xf32, #tpu.memory_space<hbm>>
      %dma_wait3A_133 = tpu.memref_squeeze %dma_wait3A_132 : memref<1x1600x16xf32, #tpu.memory_space<hbm>> -> memref<1600x16xf32, #tpu.memory_space<hbm>>
      %dma_wait3A_134 = arith.constant 0 : i32
      %dma_wait3A_135 = arith.constant 0 : i32
      %dma_wait3A_136 = tpu.memref_slice %arg11[%dma_wait3A_134, %dma_wait3A_135] : memref<1792x16xf32, #tpu.memory_space<vmem>> -> memref<1600x16xf32, #tpu.memory_space<vmem>>
      tpu.wait_dma2 semaphore(%run_scoped3A : memref<!tpu.dma_semaphore, #tpu.memory_space<semaphore_mem>>) src(%dma_wait3A_136 : memref<1600x16xf32, #tpu.memory_space<vmem>>) dst(%dma_wait3A_133 : memref<1600x16xf32, #tpu.memory_space<hbm>>)
      tpu.yield
    }) : () -> ()
    return
  }
}

#map = affine_map<(d0, d1) -> (0, 0)>
#map1 = affine_map<(d0, d1) -> (0, 0, 0)>
module attributes {stable_mosaic.version = 14 : i64} {
  func.func @_agg_kernel(%arg0: i32, %arg1: i32, %arg2: memref<25088x128xi32, #tpu.memory_space<hbm>>, %arg3: memref<25088x128xi32, #tpu.memory_space<hbm>>, %arg4: memref<50000x16xf32, #tpu.memory_space<hbm>>, %arg5: memref<1600x16xf32, #tpu.memory_space<hbm>>, %arg6: memref<2x51200x16xf32, #tpu.memory_space<hbm>>, %arg7: memref<14x128xi32, #tpu.memory_space<vmem>>, %arg8: memref<14x128xi32, #tpu.memory_space<vmem>>, %arg9: memref<14x128xi32, #tpu.memory_space<vmem>>, %arg10: memref<14x128xi32, #tpu.memory_space<vmem>>, %arg11: memref<1792x16xf32, #tpu.memory_space<vmem>>, %arg12: memref<1792x16xf32, #tpu.memory_space<vmem>>, %arg13: memref<51200x16xf32, #tpu.memory_space<vmem_shared>>, %arg14: memref<!tpu.dma_semaphore, #tpu.memory_space<semaphore_mem>>, %arg15: memref<!tpu.dma_semaphore, #tpu.memory_space<semaphore_mem>>, %arg16: memref<!tpu.dma_semaphore, #tpu.memory_space<semaphore_mem>>, %arg17: memref<!tpu.dma_semaphore, #tpu.memory_space<semaphore_mem>>, %arg18: memref<!tpu.dma_semaphore, #tpu.memory_space<semaphore_mem>>, %arg19: memref<!tpu.dma_semaphore, #tpu.memory_space<semaphore_mem>>) attributes {dimension_semantics = [#tpu.dimension_semantics<core_parallel>, #tpu.dimension_semantics<subcore_parallel>], iteration_bounds = array<i64: 2, 16>, scalar_prefetch = 0 : i64, scratch_operands = 13 : i64, tpu.core_type = #tpu.core_type<sc_vector_subcore>, window_params = [{transform_indices = #map}, {transform_indices = #map}, {transform_indices = #map}, {transform_indices = #map}, {transform_indices = #map1}]} {
    %mul3A = arith.constant 16 : i32
    %mul3A_0 = arith.muli %arg0, %mul3A : i32
    %add3A = arith.addi %mul3A_0, %arg1 : i32
    %mul3A_1 = arith.constant 3200 : i32
    %mul3A_2 = arith.muli %arg1, %mul3A_1 : i32
    %mul3A_3 = arith.constant 784 : i32
    %mul3A_4 = arith.muli %add3A, %mul3A_3 : i32
    "tpu.region"() ({
      %run_scoped3A = tpu.sem_alloc : memref<!tpu.dma_semaphore, #tpu.memory_space<semaphore_mem>>
      %dma_start3A_113 = arith.constant 0 : i32
      %dma_start3A_114 = arith.constant 0 : i32
      %dma_start3A_115 = tpu.memref_slice %arg11[%dma_start3A_113, %dma_start3A_114] : memref<1792x16xf32, #tpu.memory_space<vmem>> -> memref<1600x16xf32, #tpu.memory_space<vmem>>
      %dma_start3A_116 = arith.constant 0 : i32
      %dma_start3A_117 = arith.constant 0 : i32
      %dma_start3A_118 = tpu.memref_slice %arg11[%dma_start3A_116, %dma_start3A_117] : memref<1792x16xf32, #tpu.memory_space<vmem>> -> memref<1600x16xf32, #tpu.memory_space<vmem>>
      tpu.enqueue_dma source(%arg5 : memref<1600x16xf32, #tpu.memory_space<hbm>>) target(%dma_start3A_118 : memref<1600x16xf32, #tpu.memory_space<vmem>>) target_semaphore(%run_scoped3A : memref<!tpu.dma_semaphore, #tpu.memory_space<semaphore_mem>>)
      %dma_wait3A_119 = arith.constant 0 : i32
      %dma_wait3A_120 = arith.constant 0 : i32
      %dma_wait3A_121 = tpu.memref_slice %arg11[%dma_wait3A_119, %dma_wait3A_120] : memref<1792x16xf32, #tpu.memory_space<vmem>> -> memref<1600x16xf32, #tpu.memory_space<vmem>>
      %dma_wait3A_122 = arith.constant 0 : i32
      %dma_wait3A_123 = arith.constant 0 : i32
      %dma_wait3A_124 = tpu.memref_slice %arg11[%dma_wait3A_122, %dma_wait3A_123] : memref<1792x16xf32, #tpu.memory_space<vmem>> -> memref<1600x16xf32, #tpu.memory_space<vmem>>
      tpu.wait_dma2 semaphore(%run_scoped3A : memref<!tpu.dma_semaphore, #tpu.memory_space<semaphore_mem>>) src(%arg5 : memref<1600x16xf32, #tpu.memory_space<hbm>>) dst(%dma_wait3A_124 : memref<1600x16xf32, #tpu.memory_space<vmem>>)
      tpu.yield
    }) : () -> ()
    %add3A_5 = arith.constant 0 : i32
    %add3A_6 = arith.addi %mul3A_2, %add3A_5 : i32
    "tpu.region"() ({
      %run_scoped3A = tpu.sem_alloc : memref<!tpu.dma_semaphore, #tpu.memory_space<semaphore_mem>>
      %dma_start3A_113 = arith.constant 0 : i32
      %dma_start3A_114 = arith.constant 0 : i32
      %dma_start3A_115 = tpu.memref_slice %arg11[%dma_start3A_113, %dma_start3A_114] : memref<1792x16xf32, #tpu.memory_space<vmem>> -> memref<1600x16xf32, #tpu.memory_space<vmem>>
      %dma_start3A_116 = arith.constant 0 : i32
      %dma_start3A_117 = tpu.memref_slice %arg13[%add3A_6, %dma_start3A_116] : memref<51200x16xf32, #tpu.memory_space<vmem_shared>> -> memref<1600x16xf32, #tpu.memory_space<vmem_shared>>
      %dma_start3A_118 = arith.constant 0 : i32
      %dma_start3A_119 = tpu.memref_slice %arg13[%add3A_6, %dma_start3A_118] : memref<51200x16xf32, #tpu.memory_space<vmem_shared>> -> memref<1600x16xf32, #tpu.memory_space<vmem_shared>>
      %dma_start3A_120 = arith.constant 0 : i32
      %dma_start3A_121 = arith.constant 0 : i32
      %dma_start3A_122 = tpu.memref_slice %arg11[%dma_start3A_120, %dma_start3A_121] : memref<1792x16xf32, #tpu.memory_space<vmem>> -> memref<1600x16xf32, #tpu.memory_space<vmem>>
      tpu.enqueue_dma source(%dma_start3A_122 : memref<1600x16xf32, #tpu.memory_space<vmem>>) target(%dma_start3A_119 : memref<1600x16xf32, #tpu.memory_space<vmem_shared>>) target_semaphore(%run_scoped3A : memref<!tpu.dma_semaphore, #tpu.memory_space<semaphore_mem>>)
      %dma_wait3A_123 = arith.constant 0 : i32
      %dma_wait3A_124 = arith.constant 0 : i32
      %dma_wait3A_125 = tpu.memref_slice %arg11[%dma_wait3A_123, %dma_wait3A_124] : memref<1792x16xf32, #tpu.memory_space<vmem>> -> memref<1600x16xf32, #tpu.memory_space<vmem>>
      %dma_wait3A_126 = arith.constant 0 : i32
      %dma_wait3A_127 = tpu.memref_slice %arg13[%add3A_6, %dma_wait3A_126] : memref<51200x16xf32, #tpu.memory_space<vmem_shared>> -> memref<1600x16xf32, #tpu.memory_space<vmem_shared>>
      %dma_wait3A_128 = arith.constant 0 : i32
      %dma_wait3A_129 = tpu.memref_slice %arg13[%add3A_6, %dma_wait3A_128] : memref<51200x16xf32, #tpu.memory_space<vmem_shared>> -> memref<1600x16xf32, #tpu.memory_space<vmem_shared>>
      %dma_wait3A_130 = arith.constant 0 : i32
      %dma_wait3A_131 = arith.constant 0 : i32
      %dma_wait3A_132 = tpu.memref_slice %arg11[%dma_wait3A_130, %dma_wait3A_131] : memref<1792x16xf32, #tpu.memory_space<vmem>> -> memref<1600x16xf32, #tpu.memory_space<vmem>>
      tpu.wait_dma2 semaphore(%run_scoped3A : memref<!tpu.dma_semaphore, #tpu.memory_space<semaphore_mem>>) src(%dma_wait3A_132 : memref<1600x16xf32, #tpu.memory_space<vmem>>) dst(%dma_wait3A_129 : memref<1600x16xf32, #tpu.memory_space<vmem_shared>>)
      tpu.yield
    }) : () -> ()
    "tpu.region"() ({
      %run_scoped3A = tpu.sem_alloc : memref<!tpu.dma_semaphore, #tpu.memory_space<semaphore_mem>>
      %dma_start3A_113 = arith.constant 0 : i32
      %dma_start3A_114 = arith.constant 0 : i32
      %dma_start3A_115 = tpu.memref_slice %arg11[%dma_start3A_113, %dma_start3A_114] : memref<1792x16xf32, #tpu.memory_space<vmem>> -> memref<1600x16xf32, #tpu.memory_space<vmem>>
      %dma_start3A_116 = arith.constant 0 : i32
      %dma_start3A_117 = arith.constant 0 : i32
      %dma_start3A_118 = tpu.memref_slice %arg11[%dma_start3A_116, %dma_start3A_117] : memref<1792x16xf32, #tpu.memory_space<vmem>> -> memref<1600x16xf32, #tpu.memory_space<vmem>>
      tpu.enqueue_dma source(%arg5 : memref<1600x16xf32, #tpu.memory_space<hbm>>) target(%dma_start3A_118 : memref<1600x16xf32, #tpu.memory_space<vmem>>) target_semaphore(%run_scoped3A : memref<!tpu.dma_semaphore, #tpu.memory_space<semaphore_mem>>)
      %dma_wait3A_119 = arith.constant 0 : i32
      %dma_wait3A_120 = arith.constant 0 : i32
      %dma_wait3A_121 = tpu.memref_slice %arg11[%dma_wait3A_119, %dma_wait3A_120] : memref<1792x16xf32, #tpu.memory_space<vmem>> -> memref<1600x16xf32, #tpu.memory_space<vmem>>
      %dma_wait3A_122 = arith.constant 0 : i32
      %dma_wait3A_123 = arith.constant 0 : i32
      %dma_wait3A_124 = tpu.memref_slice %arg11[%dma_wait3A_122, %dma_wait3A_123] : memref<1792x16xf32, #tpu.memory_space<vmem>> -> memref<1600x16xf32, #tpu.memory_space<vmem>>
      tpu.wait_dma2 semaphore(%run_scoped3A : memref<!tpu.dma_semaphore, #tpu.memory_space<semaphore_mem>>) src(%arg5 : memref<1600x16xf32, #tpu.memory_space<hbm>>) dst(%dma_wait3A_124 : memref<1600x16xf32, #tpu.memory_space<vmem>>)
      tpu.yield
    }) : () -> ()
    %add3A_7 = arith.constant 1600 : i32
    %add3A_8 = arith.addi %mul3A_2, %add3A_7 : i32
    "tpu.region"() ({
      %run_scoped3A = tpu.sem_alloc : memref<!tpu.dma_semaphore, #tpu.memory_space<semaphore_mem>>
      %dma_start3A_113 = arith.constant 0 : i32
      %dma_start3A_114 = arith.constant 0 : i32
      %dma_start3A_115 = tpu.memref_slice %arg11[%dma_start3A_113, %dma_start3A_114] : memref<1792x16xf32, #tpu.memory_space<vmem>> -> memref<1600x16xf32, #tpu.memory_space<vmem>>
      %dma_start3A_116 = arith.constant 0 : i32
      %dma_start3A_117 = tpu.memref_slice %arg13[%add3A_8, %dma_start3A_116] : memref<51200x16xf32, #tpu.memory_space<vmem_shared>> -> memref<1600x16xf32, #tpu.memory_space<vmem_shared>>
      %dma_start3A_118 = arith.constant 0 : i32
      %dma_start3A_119 = tpu.memref_slice %arg13[%add3A_8, %dma_start3A_118] : memref<51200x16xf32, #tpu.memory_space<vmem_shared>> -> memref<1600x16xf32, #tpu.memory_space<vmem_shared>>
      %dma_start3A_120 = arith.constant 0 : i32
      %dma_start3A_121 = arith.constant 0 : i32
      %dma_start3A_122 = tpu.memref_slice %arg11[%dma_start3A_120, %dma_start3A_121] : memref<1792x16xf32, #tpu.memory_space<vmem>> -> memref<1600x16xf32, #tpu.memory_space<vmem>>
      tpu.enqueue_dma source(%dma_start3A_122 : memref<1600x16xf32, #tpu.memory_space<vmem>>) target(%dma_start3A_119 : memref<1600x16xf32, #tpu.memory_space<vmem_shared>>) target_semaphore(%run_scoped3A : memref<!tpu.dma_semaphore, #tpu.memory_space<semaphore_mem>>)
      %dma_wait3A_123 = arith.constant 0 : i32
      %dma_wait3A_124 = arith.constant 0 : i32
      %dma_wait3A_125 = tpu.memref_slice %arg11[%dma_wait3A_123, %dma_wait3A_124] : memref<1792x16xf32, #tpu.memory_space<vmem>> -> memref<1600x16xf32, #tpu.memory_space<vmem>>
      %dma_wait3A_126 = arith.constant 0 : i32
      %dma_wait3A_127 = tpu.memref_slice %arg13[%add3A_8, %dma_wait3A_126] : memref<51200x16xf32, #tpu.memory_space<vmem_shared>> -> memref<1600x16xf32, #tpu.memory_space<vmem_shared>>
      %dma_wait3A_128 = arith.constant 0 : i32
      %dma_wait3A_129 = tpu.memref_slice %arg13[%add3A_8, %dma_wait3A_128] : memref<51200x16xf32, #tpu.memory_space<vmem_shared>> -> memref<1600x16xf32, #tpu.memory_space<vmem_shared>>
      %dma_wait3A_130 = arith.constant 0 : i32
      %dma_wait3A_131 = arith.constant 0 : i32
      %dma_wait3A_132 = tpu.memref_slice %arg11[%dma_wait3A_130, %dma_wait3A_131] : memref<1792x16xf32, #tpu.memory_space<vmem>> -> memref<1600x16xf32, #tpu.memory_space<vmem>>
      tpu.wait_dma2 semaphore(%run_scoped3A : memref<!tpu.dma_semaphore, #tpu.memory_space<semaphore_mem>>) src(%dma_wait3A_132 : memref<1600x16xf32, #tpu.memory_space<vmem>>) dst(%dma_wait3A_129 : memref<1600x16xf32, #tpu.memory_space<vmem_shared>>)
      tpu.yield
    }) : () -> ()
    %barrier3A = arith.constant 0 : index
    tpu.barrier barrier_id(%barrier3A)
    %add3A_9 = arith.constant 0 : i32
    %add3A_10 = arith.addi %mul3A_4, %add3A_9 : i32
    %dma_start3A = arith.constant 0 : i32
    %dma_start3A_11 = tpu.memref_slice %arg2[%add3A_10, %dma_start3A] : memref<25088x128xi32, #tpu.memory_space<hbm>> -> memref<14x128xi32, #tpu.memory_space<hbm>>
    %dma_start3A_12 = arith.constant 0 : i32
    %dma_start3A_13 = tpu.memref_slice %arg2[%add3A_10, %dma_start3A_12] : memref<25088x128xi32, #tpu.memory_space<hbm>> -> memref<14x128xi32, #tpu.memory_space<hbm>>
    tpu.enqueue_dma source(%dma_start3A_13 : memref<14x128xi32, #tpu.memory_space<hbm>>) target(%arg7 : memref<14x128xi32, #tpu.memory_space<vmem>>) target_semaphore(%arg14 : memref<!tpu.dma_semaphore, #tpu.memory_space<semaphore_mem>>)
    %dma_start3A_14 = arith.constant 0 : i32
    %dma_start3A_15 = tpu.memref_slice %arg3[%add3A_10, %dma_start3A_14] : memref<25088x128xi32, #tpu.memory_space<hbm>> -> memref<14x128xi32, #tpu.memory_space<hbm>>
    %dma_start3A_16 = arith.constant 0 : i32
    %dma_start3A_17 = tpu.memref_slice %arg3[%add3A_10, %dma_start3A_16] : memref<25088x128xi32, #tpu.memory_space<hbm>> -> memref<14x128xi32, #tpu.memory_space<hbm>>
    tpu.enqueue_dma source(%dma_start3A_17 : memref<14x128xi32, #tpu.memory_space<hbm>>) target(%arg9 : memref<14x128xi32, #tpu.memory_space<vmem>>) target_semaphore(%arg14 : memref<!tpu.dma_semaphore, #tpu.memory_space<semaphore_mem>>)
    %dma_wait3A = arith.constant 0 : i32
    %dma_wait3A_18 = arith.constant 0 : i32
    %dma_wait3A_19 = tpu.memref_slice %arg2[%dma_wait3A, %dma_wait3A_18] : memref<25088x128xi32, #tpu.memory_space<hbm>> -> memref<14x128xi32, #tpu.memory_space<hbm>>
    %dma_wait3A_20 = arith.constant 0 : i32
    %dma_wait3A_21 = arith.constant 0 : i32
    %dma_wait3A_22 = tpu.memref_slice %arg2[%dma_wait3A_20, %dma_wait3A_21] : memref<25088x128xi32, #tpu.memory_space<hbm>> -> memref<14x128xi32, #tpu.memory_space<hbm>>
    tpu.wait_dma2 semaphore(%arg14 : memref<!tpu.dma_semaphore, #tpu.memory_space<semaphore_mem>>) src(%dma_wait3A_22 : memref<14x128xi32, #tpu.memory_space<hbm>>) dst(%arg7 : memref<14x128xi32, #tpu.memory_space<vmem>>)
    %dma_wait3A_23 = arith.constant 0 : i32
    %dma_wait3A_24 = arith.constant 0 : i32
    %dma_wait3A_25 = tpu.memref_slice %arg3[%dma_wait3A_23, %dma_wait3A_24] : memref<25088x128xi32, #tpu.memory_space<hbm>> -> memref<14x128xi32, #tpu.memory_space<hbm>>
    %dma_wait3A_26 = arith.constant 0 : i32
    %dma_wait3A_27 = arith.constant 0 : i32
    %dma_wait3A_28 = tpu.memref_slice %arg3[%dma_wait3A_26, %dma_wait3A_27] : memref<25088x128xi32, #tpu.memory_space<hbm>> -> memref<14x128xi32, #tpu.memory_space<hbm>>
    tpu.wait_dma2 semaphore(%arg14 : memref<!tpu.dma_semaphore, #tpu.memory_space<semaphore_mem>>) src(%dma_wait3A_28 : memref<14x128xi32, #tpu.memory_space<hbm>>) dst(%arg9 : memref<14x128xi32, #tpu.memory_space<vmem>>)
    %scan3A = arith.constant 0 : i32
    %scan3A_29 = arith.constant 0 : i32
    %scan3A_30 = arith.constant 14 : i32
    %scan3A_31 = arith.addi %scan3A_29, %scan3A_30 : i32
    %scan3A_32 = arith.constant 1 : i32
    scf.for %scan3A_113 = %scan3A_29 to %scan3A_31 step %scan3A_32  : i32 {
      %mul3A_114 = arith.constant 128 : i32
      %mul3A_115 = arith.muli %scan3A_113, %mul3A_114 : i32
      %dma_start3A_116 = arith.constant 0 : i32
      %dma_start3A_117 = tpu.memref_slice %arg11[%mul3A_115, %dma_start3A_116] : memref<1792x16xf32, #tpu.memory_space<vmem>> -> memref<128x16xf32, #tpu.memory_space<vmem>>
      %dma_start3A_118 = arith.constant 0 : i32
      %dma_start3A_119 = tpu.memref_slice %arg7[%scan3A_113, %dma_start3A_118] : memref<14x128xi32, #tpu.memory_space<vmem>> -> memref<1x128xi32, #tpu.memory_space<vmem>>
      %dma_start3A_120 = tpu.memref_squeeze %dma_start3A_119 : memref<1x128xi32, #tpu.memory_space<vmem>> -> memref<128xi32, #tpu.memory_space<vmem>>
      %dma_start3A_121 = arith.constant 0 : i32
      %dma_start3A_122 = arith.constant 0 : i32
      %dma_start3A_123 = tpu.memref_slice %arg4[%dma_start3A_121, %dma_start3A_122] : memref<50000x16xf32, #tpu.memory_space<hbm>> -> memref<50000x16xf32, #tpu.memory_space<hbm>>
      tpu.enqueue_indirect_dma source(%dma_start3A_123 : memref<50000x16xf32, #tpu.memory_space<hbm>>) target(%dma_start3A_117 : memref<128x16xf32, #tpu.memory_space<vmem>>) offsets(%dma_start3A_120 : memref<128xi32, #tpu.memory_space<vmem>>) semaphore(%arg16 : memref<!tpu.dma_semaphore, #tpu.memory_space<semaphore_mem>>)
    }
    %scan3A_33 = arith.constant 14 : i32
    %add3A_34 = arith.constant 14 : i32
    %add3A_35 = arith.addi %mul3A_4, %add3A_34 : i32
    %dma_start3A_36 = arith.constant 0 : i32
    %dma_start3A_37 = tpu.memref_slice %arg2[%add3A_35, %dma_start3A_36] : memref<25088x128xi32, #tpu.memory_space<hbm>> -> memref<14x128xi32, #tpu.memory_space<hbm>>
    %dma_start3A_38 = arith.constant 0 : i32
    %dma_start3A_39 = tpu.memref_slice %arg2[%add3A_35, %dma_start3A_38] : memref<25088x128xi32, #tpu.memory_space<hbm>> -> memref<14x128xi32, #tpu.memory_space<hbm>>
    tpu.enqueue_dma source(%dma_start3A_39 : memref<14x128xi32, #tpu.memory_space<hbm>>) target(%arg8 : memref<14x128xi32, #tpu.memory_space<vmem>>) target_semaphore(%arg15 : memref<!tpu.dma_semaphore, #tpu.memory_space<semaphore_mem>>)
    %dma_start3A_40 = arith.constant 0 : i32
    %dma_start3A_41 = tpu.memref_slice %arg3[%add3A_35, %dma_start3A_40] : memref<25088x128xi32, #tpu.memory_space<hbm>> -> memref<14x128xi32, #tpu.memory_space<hbm>>
    %dma_start3A_42 = arith.constant 0 : i32
    %dma_start3A_43 = tpu.memref_slice %arg3[%add3A_35, %dma_start3A_42] : memref<25088x128xi32, #tpu.memory_space<hbm>> -> memref<14x128xi32, #tpu.memory_space<hbm>>
    tpu.enqueue_dma source(%dma_start3A_43 : memref<14x128xi32, #tpu.memory_space<hbm>>) target(%arg10 : memref<14x128xi32, #tpu.memory_space<vmem>>) target_semaphore(%arg15 : memref<!tpu.dma_semaphore, #tpu.memory_space<semaphore_mem>>)
    %scan3A_44 = arith.constant 0 : i32
    %scan3A_45 = arith.constant 0 : i32
    %scan3A_46 = arith.constant 27 : i32
    %scan3A_47 = arith.addi %scan3A_45, %scan3A_46 : i32
    %scan3A_48 = arith.constant 1 : i32
    scf.for %scan3A_113 = %scan3A_45 to %scan3A_47 step %scan3A_48  : i32 {
      %mul3A_114 = arith.constant 2 : i32
      %mul3A_115 = arith.muli %mul3A_114, %scan3A_113 : i32
      %add3A_116 = arith.constant 1 : i32
      %add3A_117 = arith.addi %mul3A_115, %add3A_116 : i32
      %dma_wait3A_118 = arith.constant 0 : i32
      %dma_wait3A_119 = arith.constant 0 : i32
      %dma_wait3A_120 = tpu.memref_slice %arg2[%dma_wait3A_118, %dma_wait3A_119] : memref<25088x128xi32, #tpu.memory_space<hbm>> -> memref<14x128xi32, #tpu.memory_space<hbm>>
      %dma_wait3A_121 = arith.constant 0 : i32
      %dma_wait3A_122 = arith.constant 0 : i32
      %dma_wait3A_123 = tpu.memref_slice %arg2[%dma_wait3A_121, %dma_wait3A_122] : memref<25088x128xi32, #tpu.memory_space<hbm>> -> memref<14x128xi32, #tpu.memory_space<hbm>>
      tpu.wait_dma2 semaphore(%arg15 : memref<!tpu.dma_semaphore, #tpu.memory_space<semaphore_mem>>) src(%dma_wait3A_123 : memref<14x128xi32, #tpu.memory_space<hbm>>) dst(%arg8 : memref<14x128xi32, #tpu.memory_space<vmem>>)
      %dma_wait3A_124 = arith.constant 0 : i32
      %dma_wait3A_125 = arith.constant 0 : i32
      %dma_wait3A_126 = tpu.memref_slice %arg3[%dma_wait3A_124, %dma_wait3A_125] : memref<25088x128xi32, #tpu.memory_space<hbm>> -> memref<14x128xi32, #tpu.memory_space<hbm>>
      %dma_wait3A_127 = arith.constant 0 : i32
      %dma_wait3A_128 = arith.constant 0 : i32
      %dma_wait3A_129 = tpu.memref_slice %arg3[%dma_wait3A_127, %dma_wait3A_128] : memref<25088x128xi32, #tpu.memory_space<hbm>> -> memref<14x128xi32, #tpu.memory_space<hbm>>
      tpu.wait_dma2 semaphore(%arg15 : memref<!tpu.dma_semaphore, #tpu.memory_space<semaphore_mem>>) src(%dma_wait3A_129 : memref<14x128xi32, #tpu.memory_space<hbm>>) dst(%arg10 : memref<14x128xi32, #tpu.memory_space<vmem>>)
      %scan3A_130 = arith.constant 0 : i32
      %scan3A_131 = arith.constant 0 : i32
      %scan3A_132 = arith.constant 14 : i32
      %scan3A_133 = arith.addi %scan3A_131, %scan3A_132 : i32
      %scan3A_134 = arith.constant 1 : i32
      scf.for %scan3A_216 = %scan3A_131 to %scan3A_133 step %scan3A_134  : i32 {
        %mul3A_217 = arith.constant 128 : i32
        %mul3A_218 = arith.muli %scan3A_216, %mul3A_217 : i32
        %dma_start3A_219 = arith.constant 0 : i32
        %dma_start3A_220 = tpu.memref_slice %arg12[%mul3A_218, %dma_start3A_219] : memref<1792x16xf32, #tpu.memory_space<vmem>> -> memref<128x16xf32, #tpu.memory_space<vmem>>
        %dma_start3A_221 = arith.constant 0 : i32
        %dma_start3A_222 = tpu.memref_slice %arg8[%scan3A_216, %dma_start3A_221] : memref<14x128xi32, #tpu.memory_space<vmem>> -> memref<1x128xi32, #tpu.memory_space<vmem>>
        %dma_start3A_223 = tpu.memref_squeeze %dma_start3A_222 : memref<1x128xi32, #tpu.memory_space<vmem>> -> memref<128xi32, #tpu.memory_space<vmem>>
        %dma_start3A_224 = arith.constant 0 : i32
        %dma_start3A_225 = arith.constant 0 : i32
        %dma_start3A_226 = tpu.memref_slice %arg4[%dma_start3A_224, %dma_start3A_225] : memref<50000x16xf32, #tpu.memory_space<hbm>> -> memref<50000x16xf32, #tpu.memory_space<hbm>>
        tpu.enqueue_indirect_dma source(%dma_start3A_226 : memref<50000x16xf32, #tpu.memory_space<hbm>>) target(%dma_start3A_220 : memref<128x16xf32, #tpu.memory_space<vmem>>) offsets(%dma_start3A_223 : memref<128xi32, #tpu.memory_space<vmem>>) semaphore(%arg17 : memref<!tpu.dma_semaphore, #tpu.memory_space<semaphore_mem>>)
      }
      %scan3A_135 = arith.constant 14 : i32
      %scan3A_136 = arith.constant 0 : i32
      %scan3A_137 = arith.constant 0 : i32
      %scan3A_138 = arith.constant 14 : i32
      %scan3A_139 = arith.addi %scan3A_137, %scan3A_138 : i32
      %scan3A_140 = arith.constant 1 : i32
      scf.for %scan3A_216 = %scan3A_137 to %scan3A_139 step %scan3A_140  : i32 {
        %mul3A_217 = arith.constant 128 : i32
        %mul3A_218 = arith.muli %scan3A_216, %mul3A_217 : i32
        %dma_wait3A_219 = arith.constant 0 : i32
        %dma_wait3A_220 = tpu.memref_slice %arg11[%mul3A_218, %dma_wait3A_219] : memref<1792x16xf32, #tpu.memory_space<vmem>> -> memref<128x16xf32, #tpu.memory_space<vmem>>
        %dma_wait3A_221 = arith.constant 0 : i32
        %dma_wait3A_222 = tpu.memref_slice %arg7[%scan3A_216, %dma_wait3A_221] : memref<14x128xi32, #tpu.memory_space<vmem>> -> memref<1x128xi32, #tpu.memory_space<vmem>>
        %dma_wait3A_223 = tpu.memref_squeeze %dma_wait3A_222 : memref<1x128xi32, #tpu.memory_space<vmem>> -> memref<128xi32, #tpu.memory_space<vmem>>
        %dma_wait3A_224 = arith.constant 0 : i32
        %dma_wait3A_225 = arith.constant 0 : i32
        %dma_wait3A_226 = tpu.memref_slice %arg4[%dma_wait3A_224, %dma_wait3A_225] : memref<50000x16xf32, #tpu.memory_space<hbm>> -> memref<50000x16xf32, #tpu.memory_space<hbm>>
        tpu.wait_indirect_dma semaphore(%arg16 : memref<!tpu.dma_semaphore, #tpu.memory_space<semaphore_mem>>) src(%dma_wait3A_226 : memref<50000x16xf32, #tpu.memory_space<hbm>>) dst(%dma_wait3A_220 : memref<128x16xf32, #tpu.memory_space<vmem>>)
      }
      %scan3A_141 = arith.constant 14 : i32
      %scan3A_142 = arith.constant 0 : i32
      %scan3A_143 = arith.constant 0 : i32
      %scan3A_144 = arith.constant 14 : i32
      %scan3A_145 = arith.addi %scan3A_143, %scan3A_144 : i32
      %scan3A_146 = arith.constant 1 : i32
      scf.for %scan3A_216 = %scan3A_143 to %scan3A_145 step %scan3A_146  : i32 {
        %mul3A_217 = arith.constant 128 : i32
        %mul3A_218 = arith.muli %scan3A_216, %mul3A_217 : i32
        %dma_start3A_219 = arith.constant 0 : i32
        %dma_start3A_220 = tpu.memref_slice %arg11[%mul3A_218, %dma_start3A_219] : memref<1792x16xf32, #tpu.memory_space<vmem>> -> memref<128x16xf32, #tpu.memory_space<vmem>>
        %dma_start3A_221 = arith.constant 0 : i32
        %dma_start3A_222 = tpu.memref_slice %arg9[%scan3A_216, %dma_start3A_221] : memref<14x128xi32, #tpu.memory_space<vmem>> -> memref<1x128xi32, #tpu.memory_space<vmem>>
        %dma_start3A_223 = tpu.memref_squeeze %dma_start3A_222 : memref<1x128xi32, #tpu.memory_space<vmem>> -> memref<128xi32, #tpu.memory_space<vmem>>
        %dma_start3A_224 = arith.constant 0 : i32
        %dma_start3A_225 = arith.constant 0 : i32
        %dma_start3A_226 = tpu.memref_slice %arg13[%dma_start3A_224, %dma_start3A_225] : memref<51200x16xf32, #tpu.memory_space<vmem_shared>> -> memref<51200x16xf32, #tpu.memory_space<vmem_shared>>
        tpu.enqueue_indirect_dma source(%dma_start3A_220 : memref<128x16xf32, #tpu.memory_space<vmem>>) target(%dma_start3A_226 : memref<51200x16xf32, #tpu.memory_space<vmem_shared>>) offsets(%dma_start3A_223 : memref<128xi32, #tpu.memory_space<vmem>>) semaphore(%arg18 : memref<!tpu.dma_semaphore, #tpu.memory_space<semaphore_mem>>) {add = true}
      }
      %scan3A_147 = arith.constant 14 : i32
      %scan3A_148 = arith.constant 0 : i32
      %scan3A_149 = arith.constant 0 : i32
      %scan3A_150 = arith.constant 14 : i32
      %scan3A_151 = arith.addi %scan3A_149, %scan3A_150 : i32
      %scan3A_152 = arith.constant 1 : i32
      scf.for %scan3A_216 = %scan3A_149 to %scan3A_151 step %scan3A_152  : i32 {
        %mul3A_217 = arith.constant 128 : i32
        %mul3A_218 = arith.muli %scan3A_216, %mul3A_217 : i32
        %dma_wait3A_219 = arith.constant 0 : i32
        %dma_wait3A_220 = tpu.memref_slice %arg11[%mul3A_218, %dma_wait3A_219] : memref<1792x16xf32, #tpu.memory_space<vmem>> -> memref<128x16xf32, #tpu.memory_space<vmem>>
        %dma_wait3A_221 = arith.constant 0 : i32
        %dma_wait3A_222 = tpu.memref_slice %arg9[%scan3A_216, %dma_wait3A_221] : memref<14x128xi32, #tpu.memory_space<vmem>> -> memref<1x128xi32, #tpu.memory_space<vmem>>
        %dma_wait3A_223 = tpu.memref_squeeze %dma_wait3A_222 : memref<1x128xi32, #tpu.memory_space<vmem>> -> memref<128xi32, #tpu.memory_space<vmem>>
        %dma_wait3A_224 = arith.constant 0 : i32
        %dma_wait3A_225 = arith.constant 0 : i32
        %dma_wait3A_226 = tpu.memref_slice %arg13[%dma_wait3A_224, %dma_wait3A_225] : memref<51200x16xf32, #tpu.memory_space<vmem_shared>> -> memref<51200x16xf32, #tpu.memory_space<vmem_shared>>
        tpu.wait_indirect_dma semaphore(%arg18 : memref<!tpu.dma_semaphore, #tpu.memory_space<semaphore_mem>>) src(%dma_wait3A_220 : memref<128x16xf32, #tpu.memory_space<vmem>>) dst(%dma_wait3A_226 : memref<51200x16xf32, #tpu.memory_space<vmem_shared>>)
      }
      %scan3A_153 = arith.constant 14 : i32
      %add3A_154 = arith.constant 1 : i32
      %add3A_155 = arith.addi %add3A_117, %add3A_154 : i32
      %mul3A_156 = arith.constant 14 : i32
      %mul3A_157 = arith.muli %add3A_155, %mul3A_156 : i32
      %add3A_158 = arith.addi %mul3A_4, %mul3A_157 : i32
      %dma_start3A_159 = arith.constant 0 : i32
      %dma_start3A_160 = tpu.memref_slice %arg2[%add3A_158, %dma_start3A_159] : memref<25088x128xi32, #tpu.memory_space<hbm>> -> memref<14x128xi32, #tpu.memory_space<hbm>>
      %dma_start3A_161 = arith.constant 0 : i32
      %dma_start3A_162 = tpu.memref_slice %arg2[%add3A_158, %dma_start3A_161] : memref<25088x128xi32, #tpu.memory_space<hbm>> -> memref<14x128xi32, #tpu.memory_space<hbm>>
      tpu.enqueue_dma source(%dma_start3A_162 : memref<14x128xi32, #tpu.memory_space<hbm>>) target(%arg7 : memref<14x128xi32, #tpu.memory_space<vmem>>) target_semaphore(%arg14 : memref<!tpu.dma_semaphore, #tpu.memory_space<semaphore_mem>>)
      %dma_start3A_163 = arith.constant 0 : i32
      %dma_start3A_164 = tpu.memref_slice %arg3[%add3A_158, %dma_start3A_163] : memref<25088x128xi32, #tpu.memory_space<hbm>> -> memref<14x128xi32, #tpu.memory_space<hbm>>
      %dma_start3A_165 = arith.constant 0 : i32
      %dma_start3A_166 = tpu.memref_slice %arg3[%add3A_158, %dma_start3A_165] : memref<25088x128xi32, #tpu.memory_space<hbm>> -> memref<14x128xi32, #tpu.memory_space<hbm>>
      tpu.enqueue_dma source(%dma_start3A_166 : memref<14x128xi32, #tpu.memory_space<hbm>>) target(%arg9 : memref<14x128xi32, #tpu.memory_space<vmem>>) target_semaphore(%arg14 : memref<!tpu.dma_semaphore, #tpu.memory_space<semaphore_mem>>)
      %dma_wait3A_167 = arith.constant 0 : i32
      %dma_wait3A_168 = arith.constant 0 : i32
      %dma_wait3A_169 = tpu.memref_slice %arg2[%dma_wait3A_167, %dma_wait3A_168] : memref<25088x128xi32, #tpu.memory_space<hbm>> -> memref<14x128xi32, #tpu.memory_space<hbm>>
      %dma_wait3A_170 = arith.constant 0 : i32
      %dma_wait3A_171 = arith.constant 0 : i32
      %dma_wait3A_172 = tpu.memref_slice %arg2[%dma_wait3A_170, %dma_wait3A_171] : memref<25088x128xi32, #tpu.memory_space<hbm>> -> memref<14x128xi32, #tpu.memory_space<hbm>>
      tpu.wait_dma2 semaphore(%arg14 : memref<!tpu.dma_semaphore, #tpu.memory_space<semaphore_mem>>) src(%dma_wait3A_172 : memref<14x128xi32, #tpu.memory_space<hbm>>) dst(%arg7 : memref<14x128xi32, #tpu.memory_space<vmem>>)
      %dma_wait3A_173 = arith.constant 0 : i32
      %dma_wait3A_174 = arith.constant 0 : i32
      %dma_wait3A_175 = tpu.memref_slice %arg3[%dma_wait3A_173, %dma_wait3A_174] : memref<25088x128xi32, #tpu.memory_space<hbm>> -> memref<14x128xi32, #tpu.memory_space<hbm>>
      %dma_wait3A_176 = arith.constant 0 : i32
      %dma_wait3A_177 = arith.constant 0 : i32
      %dma_wait3A_178 = tpu.memref_slice %arg3[%dma_wait3A_176, %dma_wait3A_177] : memref<25088x128xi32, #tpu.memory_space<hbm>> -> memref<14x128xi32, #tpu.memory_space<hbm>>
      tpu.wait_dma2 semaphore(%arg14 : memref<!tpu.dma_semaphore, #tpu.memory_space<semaphore_mem>>) src(%dma_wait3A_178 : memref<14x128xi32, #tpu.memory_space<hbm>>) dst(%arg9 : memref<14x128xi32, #tpu.memory_space<vmem>>)
      %scan3A_179 = arith.constant 0 : i32
      %scan3A_180 = arith.constant 0 : i32
      %scan3A_181 = arith.constant 14 : i32
      %scan3A_182 = arith.addi %scan3A_180, %scan3A_181 : i32
      %scan3A_183 = arith.constant 1 : i32
      scf.for %scan3A_216 = %scan3A_180 to %scan3A_182 step %scan3A_183  : i32 {
        %mul3A_217 = arith.constant 128 : i32
        %mul3A_218 = arith.muli %scan3A_216, %mul3A_217 : i32
        %dma_start3A_219 = arith.constant 0 : i32
        %dma_start3A_220 = tpu.memref_slice %arg11[%mul3A_218, %dma_start3A_219] : memref<1792x16xf32, #tpu.memory_space<vmem>> -> memref<128x16xf32, #tpu.memory_space<vmem>>
        %dma_start3A_221 = arith.constant 0 : i32
        %dma_start3A_222 = tpu.memref_slice %arg7[%scan3A_216, %dma_start3A_221] : memref<14x128xi32, #tpu.memory_space<vmem>> -> memref<1x128xi32, #tpu.memory_space<vmem>>
        %dma_start3A_223 = tpu.memref_squeeze %dma_start3A_222 : memref<1x128xi32, #tpu.memory_space<vmem>> -> memref<128xi32, #tpu.memory_space<vmem>>
        %dma_start3A_224 = arith.constant 0 : i32
        %dma_start3A_225 = arith.constant 0 : i32
        %dma_start3A_226 = tpu.memref_slice %arg4[%dma_start3A_224, %dma_start3A_225] : memref<50000x16xf32, #tpu.memory_space<hbm>> -> memref<50000x16xf32, #tpu.memory_space<hbm>>
        tpu.enqueue_indirect_dma source(%dma_start3A_226 : memref<50000x16xf32, #tpu.memory_space<hbm>>) target(%dma_start3A_220 : memref<128x16xf32, #tpu.memory_space<vmem>>) offsets(%dma_start3A_223 : memref<128xi32, #tpu.memory_space<vmem>>) semaphore(%arg16 : memref<!tpu.dma_semaphore, #tpu.memory_space<semaphore_mem>>)
      }
      %scan3A_184 = arith.constant 14 : i32
      %scan3A_185 = arith.constant 0 : i32
      %scan3A_186 = arith.constant 0 : i32
      %scan3A_187 = arith.constant 14 : i32
      %scan3A_188 = arith.addi %scan3A_186, %scan3A_187 : i32
      %scan3A_189 = arith.constant 1 : i32
      scf.for %scan3A_216 = %scan3A_186 to %scan3A_188 step %scan3A_189  : i32 {
        %mul3A_217 = arith.constant 128 : i32
        %mul3A_218 = arith.muli %scan3A_216, %mul3A_217 : i32
        %dma_wait3A_219 = arith.constant 0 : i32
        %dma_wait3A_220 = tpu.memref_slice %arg12[%mul3A_218, %dma_wait3A_219] : memref<1792x16xf32, #tpu.memory_space<vmem>> -> memref<128x16xf32, #tpu.memory_space<vmem>>
        %dma_wait3A_221 = arith.constant 0 : i32
        %dma_wait3A_222 = tpu.memref_slice %arg8[%scan3A_216, %dma_wait3A_221] : memref<14x128xi32, #tpu.memory_space<vmem>> -> memref<1x128xi32, #tpu.memory_space<vmem>>
        %dma_wait3A_223 = tpu.memref_squeeze %dma_wait3A_222 : memref<1x128xi32, #tpu.memory_space<vmem>> -> memref<128xi32, #tpu.memory_space<vmem>>
        %dma_wait3A_224 = arith.constant 0 : i32
        %dma_wait3A_225 = arith.constant 0 : i32
        %dma_wait3A_226 = tpu.memref_slice %arg4[%dma_wait3A_224, %dma_wait3A_225] : memref<50000x16xf32, #tpu.memory_space<hbm>> -> memref<50000x16xf32, #tpu.memory_space<hbm>>
        tpu.wait_indirect_dma semaphore(%arg17 : memref<!tpu.dma_semaphore, #tpu.memory_space<semaphore_mem>>) src(%dma_wait3A_226 : memref<50000x16xf32, #tpu.memory_space<hbm>>) dst(%dma_wait3A_220 : memref<128x16xf32, #tpu.memory_space<vmem>>)
      }
      %scan3A_190 = arith.constant 14 : i32
      %scan3A_191 = arith.constant 0 : i32
      %scan3A_192 = arith.constant 0 : i32
      %scan3A_193 = arith.constant 14 : i32
      %scan3A_194 = arith.addi %scan3A_192, %scan3A_193 : i32
      %scan3A_195 = arith.constant 1 : i32
      scf.for %scan3A_216 = %scan3A_192 to %scan3A_194 step %scan3A_195  : i32 {
        %mul3A_217 = arith.constant 128 : i32
        %mul3A_218 = arith.muli %scan3A_216, %mul3A_217 : i32
        %dma_start3A_219 = arith.constant 0 : i32
        %dma_start3A_220 = tpu.memref_slice %arg12[%mul3A_218, %dma_start3A_219] : memref<1792x16xf32, #tpu.memory_space<vmem>> -> memref<128x16xf32, #tpu.memory_space<vmem>>
        %dma_start3A_221 = arith.constant 0 : i32
        %dma_start3A_222 = tpu.memref_slice %arg10[%scan3A_216, %dma_start3A_221] : memref<14x128xi32, #tpu.memory_space<vmem>> -> memref<1x128xi32, #tpu.memory_space<vmem>>
        %dma_start3A_223 = tpu.memref_squeeze %dma_start3A_222 : memref<1x128xi32, #tpu.memory_space<vmem>> -> memref<128xi32, #tpu.memory_space<vmem>>
        %dma_start3A_224 = arith.constant 0 : i32
        %dma_start3A_225 = arith.constant 0 : i32
        %dma_start3A_226 = tpu.memref_slice %arg13[%dma_start3A_224, %dma_start3A_225] : memref<51200x16xf32, #tpu.memory_space<vmem_shared>> -> memref<51200x16xf32, #tpu.memory_space<vmem_shared>>
        tpu.enqueue_indirect_dma source(%dma_start3A_220 : memref<128x16xf32, #tpu.memory_space<vmem>>) target(%dma_start3A_226 : memref<51200x16xf32, #tpu.memory_space<vmem_shared>>) offsets(%dma_start3A_223 : memref<128xi32, #tpu.memory_space<vmem>>) semaphore(%arg19 : memref<!tpu.dma_semaphore, #tpu.memory_space<semaphore_mem>>) {add = true}
      }
      %scan3A_196 = arith.constant 14 : i32
      %scan3A_197 = arith.constant 0 : i32
      %scan3A_198 = arith.constant 0 : i32
      %scan3A_199 = arith.constant 14 : i32
      %scan3A_200 = arith.addi %scan3A_198, %scan3A_199 : i32
      %scan3A_201 = arith.constant 1 : i32
      scf.for %scan3A_216 = %scan3A_198 to %scan3A_200 step %scan3A_201  : i32 {
        %mul3A_217 = arith.constant 128 : i32
        %mul3A_218 = arith.muli %scan3A_216, %mul3A_217 : i32
        %dma_wait3A_219 = arith.constant 0 : i32
        %dma_wait3A_220 = tpu.memref_slice %arg12[%mul3A_218, %dma_wait3A_219] : memref<1792x16xf32, #tpu.memory_space<vmem>> -> memref<128x16xf32, #tpu.memory_space<vmem>>
        %dma_wait3A_221 = arith.constant 0 : i32
        %dma_wait3A_222 = tpu.memref_slice %arg10[%scan3A_216, %dma_wait3A_221] : memref<14x128xi32, #tpu.memory_space<vmem>> -> memref<1x128xi32, #tpu.memory_space<vmem>>
        %dma_wait3A_223 = tpu.memref_squeeze %dma_wait3A_222 : memref<1x128xi32, #tpu.memory_space<vmem>> -> memref<128xi32, #tpu.memory_space<vmem>>
        %dma_wait3A_224 = arith.constant 0 : i32
        %dma_wait3A_225 = arith.constant 0 : i32
        %dma_wait3A_226 = tpu.memref_slice %arg13[%dma_wait3A_224, %dma_wait3A_225] : memref<51200x16xf32, #tpu.memory_space<vmem_shared>> -> memref<51200x16xf32, #tpu.memory_space<vmem_shared>>
        tpu.wait_indirect_dma semaphore(%arg19 : memref<!tpu.dma_semaphore, #tpu.memory_space<semaphore_mem>>) src(%dma_wait3A_220 : memref<128x16xf32, #tpu.memory_space<vmem>>) dst(%dma_wait3A_226 : memref<51200x16xf32, #tpu.memory_space<vmem_shared>>)
      }
      %scan3A_202 = arith.constant 14 : i32
      %add3A_203 = arith.constant 2 : i32
      %add3A_204 = arith.addi %add3A_117, %add3A_203 : i32
      %mul3A_205 = arith.constant 14 : i32
      %mul3A_206 = arith.muli %add3A_204, %mul3A_205 : i32
      %add3A_207 = arith.addi %mul3A_4, %mul3A_206 : i32
      %dma_start3A_208 = arith.constant 0 : i32
      %dma_start3A_209 = tpu.memref_slice %arg2[%add3A_207, %dma_start3A_208] : memref<25088x128xi32, #tpu.memory_space<hbm>> -> memref<14x128xi32, #tpu.memory_space<hbm>>
      %dma_start3A_210 = arith.constant 0 : i32
      %dma_start3A_211 = tpu.memref_slice %arg2[%add3A_207, %dma_start3A_210] : memref<25088x128xi32, #tpu.memory_space<hbm>> -> memref<14x128xi32, #tpu.memory_space<hbm>>
      tpu.enqueue_dma source(%dma_start3A_211 : memref<14x128xi32, #tpu.memory_space<hbm>>) target(%arg8 : memref<14x128xi32, #tpu.memory_space<vmem>>) target_semaphore(%arg15 : memref<!tpu.dma_semaphore, #tpu.memory_space<semaphore_mem>>)
      %dma_start3A_212 = arith.constant 0 : i32
      %dma_start3A_213 = tpu.memref_slice %arg3[%add3A_207, %dma_start3A_212] : memref<25088x128xi32, #tpu.memory_space<hbm>> -> memref<14x128xi32, #tpu.memory_space<hbm>>
      %dma_start3A_214 = arith.constant 0 : i32
      %dma_start3A_215 = tpu.memref_slice %arg3[%add3A_207, %dma_start3A_214] : memref<25088x128xi32, #tpu.memory_space<hbm>> -> memref<14x128xi32, #tpu.memory_space<hbm>>
      tpu.enqueue_dma source(%dma_start3A_215 : memref<14x128xi32, #tpu.memory_space<hbm>>) target(%arg10 : memref<14x128xi32, #tpu.memory_space<vmem>>) target_semaphore(%arg15 : memref<!tpu.dma_semaphore, #tpu.memory_space<semaphore_mem>>)
    }
    %scan3A_49 = arith.constant 27 : i32
    %dma_wait3A_50 = arith.constant 0 : i32
    %dma_wait3A_51 = arith.constant 0 : i32
    %dma_wait3A_52 = tpu.memref_slice %arg2[%dma_wait3A_50, %dma_wait3A_51] : memref<25088x128xi32, #tpu.memory_space<hbm>> -> memref<14x128xi32, #tpu.memory_space<hbm>>
    %dma_wait3A_53 = arith.constant 0 : i32
    %dma_wait3A_54 = arith.constant 0 : i32
    %dma_wait3A_55 = tpu.memref_slice %arg2[%dma_wait3A_53, %dma_wait3A_54] : memref<25088x128xi32, #tpu.memory_space<hbm>> -> memref<14x128xi32, #tpu.memory_space<hbm>>
    tpu.wait_dma2 semaphore(%arg15 : memref<!tpu.dma_semaphore, #tpu.memory_space<semaphore_mem>>) src(%dma_wait3A_55 : memref<14x128xi32, #tpu.memory_space<hbm>>) dst(%arg8 : memref<14x128xi32, #tpu.memory_space<vmem>>)
    %dma_wait3A_56 = arith.constant 0 : i32
    %dma_wait3A_57 = arith.constant 0 : i32
    %dma_wait3A_58 = tpu.memref_slice %arg3[%dma_wait3A_56, %dma_wait3A_57] : memref<25088x128xi32, #tpu.memory_space<hbm>> -> memref<14x128xi32, #tpu.memory_space<hbm>>
    %dma_wait3A_59 = arith.constant 0 : i32
    %dma_wait3A_60 = arith.constant 0 : i32
    %dma_wait3A_61 = tpu.memref_slice %arg3[%dma_wait3A_59, %dma_wait3A_60] : memref<25088x128xi32, #tpu.memory_space<hbm>> -> memref<14x128xi32, #tpu.memory_space<hbm>>
    tpu.wait_dma2 semaphore(%arg15 : memref<!tpu.dma_semaphore, #tpu.memory_space<semaphore_mem>>) src(%dma_wait3A_61 : memref<14x128xi32, #tpu.memory_space<hbm>>) dst(%arg10 : memref<14x128xi32, #tpu.memory_space<vmem>>)
    %scan3A_62 = arith.constant 0 : i32
    %scan3A_63 = arith.constant 0 : i32
    %scan3A_64 = arith.constant 14 : i32
    %scan3A_65 = arith.addi %scan3A_63, %scan3A_64 : i32
    %scan3A_66 = arith.constant 1 : i32
    scf.for %scan3A_113 = %scan3A_63 to %scan3A_65 step %scan3A_66  : i32 {
      %mul3A_114 = arith.constant 128 : i32
      %mul3A_115 = arith.muli %scan3A_113, %mul3A_114 : i32
      %dma_start3A_116 = arith.constant 0 : i32
      %dma_start3A_117 = tpu.memref_slice %arg12[%mul3A_115, %dma_start3A_116] : memref<1792x16xf32, #tpu.memory_space<vmem>> -> memref<128x16xf32, #tpu.memory_space<vmem>>
      %dma_start3A_118 = arith.constant 0 : i32
      %dma_start3A_119 = tpu.memref_slice %arg8[%scan3A_113, %dma_start3A_118] : memref<14x128xi32, #tpu.memory_space<vmem>> -> memref<1x128xi32, #tpu.memory_space<vmem>>
      %dma_start3A_120 = tpu.memref_squeeze %dma_start3A_119 : memref<1x128xi32, #tpu.memory_space<vmem>> -> memref<128xi32, #tpu.memory_space<vmem>>
      %dma_start3A_121 = arith.constant 0 : i32
      %dma_start3A_122 = arith.constant 0 : i32
      %dma_start3A_123 = tpu.memref_slice %arg4[%dma_start3A_121, %dma_start3A_122] : memref<50000x16xf32, #tpu.memory_space<hbm>> -> memref<50000x16xf32, #tpu.memory_space<hbm>>
      tpu.enqueue_indirect_dma source(%dma_start3A_123 : memref<50000x16xf32, #tpu.memory_space<hbm>>) target(%dma_start3A_117 : memref<128x16xf32, #tpu.memory_space<vmem>>) offsets(%dma_start3A_120 : memref<128xi32, #tpu.memory_space<vmem>>) semaphore(%arg17 : memref<!tpu.dma_semaphore, #tpu.memory_space<semaphore_mem>>)
    }
    %scan3A_67 = arith.constant 14 : i32
    %scan3A_68 = arith.constant 0 : i32
    %scan3A_69 = arith.constant 0 : i32
    %scan3A_70 = arith.constant 14 : i32
    %scan3A_71 = arith.addi %scan3A_69, %scan3A_70 : i32
    %scan3A_72 = arith.constant 1 : i32
    scf.for %scan3A_113 = %scan3A_69 to %scan3A_71 step %scan3A_72  : i32 {
      %mul3A_114 = arith.constant 128 : i32
      %mul3A_115 = arith.muli %scan3A_113, %mul3A_114 : i32
      %dma_wait3A_116 = arith.constant 0 : i32
      %dma_wait3A_117 = tpu.memref_slice %arg11[%mul3A_115, %dma_wait3A_116] : memref<1792x16xf32, #tpu.memory_space<vmem>> -> memref<128x16xf32, #tpu.memory_space<vmem>>
      %dma_wait3A_118 = arith.constant 0 : i32
      %dma_wait3A_119 = tpu.memref_slice %arg7[%scan3A_113, %dma_wait3A_118] : memref<14x128xi32, #tpu.memory_space<vmem>> -> memref<1x128xi32, #tpu.memory_space<vmem>>
      %dma_wait3A_120 = tpu.memref_squeeze %dma_wait3A_119 : memref<1x128xi32, #tpu.memory_space<vmem>> -> memref<128xi32, #tpu.memory_space<vmem>>
      %dma_wait3A_121 = arith.constant 0 : i32
      %dma_wait3A_122 = arith.constant 0 : i32
      %dma_wait3A_123 = tpu.memref_slice %arg4[%dma_wait3A_121, %dma_wait3A_122] : memref<50000x16xf32, #tpu.memory_space<hbm>> -> memref<50000x16xf32, #tpu.memory_space<hbm>>
      tpu.wait_indirect_dma semaphore(%arg16 : memref<!tpu.dma_semaphore, #tpu.memory_space<semaphore_mem>>) src(%dma_wait3A_123 : memref<50000x16xf32, #tpu.memory_space<hbm>>) dst(%dma_wait3A_117 : memref<128x16xf32, #tpu.memory_space<vmem>>)
    }
    %scan3A_73 = arith.constant 14 : i32
    %scan3A_74 = arith.constant 0 : i32
    %scan3A_75 = arith.constant 0 : i32
    %scan3A_76 = arith.constant 14 : i32
    %scan3A_77 = arith.addi %scan3A_75, %scan3A_76 : i32
    %scan3A_78 = arith.constant 1 : i32
    scf.for %scan3A_113 = %scan3A_75 to %scan3A_77 step %scan3A_78  : i32 {
      %mul3A_114 = arith.constant 128 : i32
      %mul3A_115 = arith.muli %scan3A_113, %mul3A_114 : i32
      %dma_start3A_116 = arith.constant 0 : i32
      %dma_start3A_117 = tpu.memref_slice %arg11[%mul3A_115, %dma_start3A_116] : memref<1792x16xf32, #tpu.memory_space<vmem>> -> memref<128x16xf32, #tpu.memory_space<vmem>>
      %dma_start3A_118 = arith.constant 0 : i32
      %dma_start3A_119 = tpu.memref_slice %arg9[%scan3A_113, %dma_start3A_118] : memref<14x128xi32, #tpu.memory_space<vmem>> -> memref<1x128xi32, #tpu.memory_space<vmem>>
      %dma_start3A_120 = tpu.memref_squeeze %dma_start3A_119 : memref<1x128xi32, #tpu.memory_space<vmem>> -> memref<128xi32, #tpu.memory_space<vmem>>
      %dma_start3A_121 = arith.constant 0 : i32
      %dma_start3A_122 = arith.constant 0 : i32
      %dma_start3A_123 = tpu.memref_slice %arg13[%dma_start3A_121, %dma_start3A_122] : memref<51200x16xf32, #tpu.memory_space<vmem_shared>> -> memref<51200x16xf32, #tpu.memory_space<vmem_shared>>
      tpu.enqueue_indirect_dma source(%dma_start3A_117 : memref<128x16xf32, #tpu.memory_space<vmem>>) target(%dma_start3A_123 : memref<51200x16xf32, #tpu.memory_space<vmem_shared>>) offsets(%dma_start3A_120 : memref<128xi32, #tpu.memory_space<vmem>>) semaphore(%arg18 : memref<!tpu.dma_semaphore, #tpu.memory_space<semaphore_mem>>) {add = true}
    }
    %scan3A_79 = arith.constant 14 : i32
    %scan3A_80 = arith.constant 0 : i32
    %scan3A_81 = arith.constant 0 : i32
    %scan3A_82 = arith.constant 14 : i32
    %scan3A_83 = arith.addi %scan3A_81, %scan3A_82 : i32
    %scan3A_84 = arith.constant 1 : i32
    scf.for %scan3A_113 = %scan3A_81 to %scan3A_83 step %scan3A_84  : i32 {
      %mul3A_114 = arith.constant 128 : i32
      %mul3A_115 = arith.muli %scan3A_113, %mul3A_114 : i32
      %dma_wait3A_116 = arith.constant 0 : i32
      %dma_wait3A_117 = tpu.memref_slice %arg11[%mul3A_115, %dma_wait3A_116] : memref<1792x16xf32, #tpu.memory_space<vmem>> -> memref<128x16xf32, #tpu.memory_space<vmem>>
      %dma_wait3A_118 = arith.constant 0 : i32
      %dma_wait3A_119 = tpu.memref_slice %arg9[%scan3A_113, %dma_wait3A_118] : memref<14x128xi32, #tpu.memory_space<vmem>> -> memref<1x128xi32, #tpu.memory_space<vmem>>
      %dma_wait3A_120 = tpu.memref_squeeze %dma_wait3A_119 : memref<1x128xi32, #tpu.memory_space<vmem>> -> memref<128xi32, #tpu.memory_space<vmem>>
      %dma_wait3A_121 = arith.constant 0 : i32
      %dma_wait3A_122 = arith.constant 0 : i32
      %dma_wait3A_123 = tpu.memref_slice %arg13[%dma_wait3A_121, %dma_wait3A_122] : memref<51200x16xf32, #tpu.memory_space<vmem_shared>> -> memref<51200x16xf32, #tpu.memory_space<vmem_shared>>
      tpu.wait_indirect_dma semaphore(%arg18 : memref<!tpu.dma_semaphore, #tpu.memory_space<semaphore_mem>>) src(%dma_wait3A_117 : memref<128x16xf32, #tpu.memory_space<vmem>>) dst(%dma_wait3A_123 : memref<51200x16xf32, #tpu.memory_space<vmem_shared>>)
    }
    %scan3A_85 = arith.constant 14 : i32
    %scan3A_86 = arith.constant 0 : i32
    %scan3A_87 = arith.constant 0 : i32
    %scan3A_88 = arith.constant 14 : i32
    %scan3A_89 = arith.addi %scan3A_87, %scan3A_88 : i32
    %scan3A_90 = arith.constant 1 : i32
    scf.for %scan3A_113 = %scan3A_87 to %scan3A_89 step %scan3A_90  : i32 {
      %mul3A_114 = arith.constant 128 : i32
      %mul3A_115 = arith.muli %scan3A_113, %mul3A_114 : i32
      %dma_wait3A_116 = arith.constant 0 : i32
      %dma_wait3A_117 = tpu.memref_slice %arg12[%mul3A_115, %dma_wait3A_116] : memref<1792x16xf32, #tpu.memory_space<vmem>> -> memref<128x16xf32, #tpu.memory_space<vmem>>
      %dma_wait3A_118 = arith.constant 0 : i32
      %dma_wait3A_119 = tpu.memref_slice %arg8[%scan3A_113, %dma_wait3A_118] : memref<14x128xi32, #tpu.memory_space<vmem>> -> memref<1x128xi32, #tpu.memory_space<vmem>>
      %dma_wait3A_120 = tpu.memref_squeeze %dma_wait3A_119 : memref<1x128xi32, #tpu.memory_space<vmem>> -> memref<128xi32, #tpu.memory_space<vmem>>
      %dma_wait3A_121 = arith.constant 0 : i32
      %dma_wait3A_122 = arith.constant 0 : i32
      %dma_wait3A_123 = tpu.memref_slice %arg4[%dma_wait3A_121, %dma_wait3A_122] : memref<50000x16xf32, #tpu.memory_space<hbm>> -> memref<50000x16xf32, #tpu.memory_space<hbm>>
      tpu.wait_indirect_dma semaphore(%arg17 : memref<!tpu.dma_semaphore, #tpu.memory_space<semaphore_mem>>) src(%dma_wait3A_123 : memref<50000x16xf32, #tpu.memory_space<hbm>>) dst(%dma_wait3A_117 : memref<128x16xf32, #tpu.memory_space<vmem>>)
    }
    %scan3A_91 = arith.constant 14 : i32
    %scan3A_92 = arith.constant 0 : i32
    %scan3A_93 = arith.constant 0 : i32
    %scan3A_94 = arith.constant 14 : i32
    %scan3A_95 = arith.addi %scan3A_93, %scan3A_94 : i32
    %scan3A_96 = arith.constant 1 : i32
    scf.for %scan3A_113 = %scan3A_93 to %scan3A_95 step %scan3A_96  : i32 {
      %mul3A_114 = arith.constant 128 : i32
      %mul3A_115 = arith.muli %scan3A_113, %mul3A_114 : i32
      %dma_start3A_116 = arith.constant 0 : i32
      %dma_start3A_117 = tpu.memref_slice %arg12[%mul3A_115, %dma_start3A_116] : memref<1792x16xf32, #tpu.memory_space<vmem>> -> memref<128x16xf32, #tpu.memory_space<vmem>>
      %dma_start3A_118 = arith.constant 0 : i32
      %dma_start3A_119 = tpu.memref_slice %arg10[%scan3A_113, %dma_start3A_118] : memref<14x128xi32, #tpu.memory_space<vmem>> -> memref<1x128xi32, #tpu.memory_space<vmem>>
      %dma_start3A_120 = tpu.memref_squeeze %dma_start3A_119 : memref<1x128xi32, #tpu.memory_space<vmem>> -> memref<128xi32, #tpu.memory_space<vmem>>
      %dma_start3A_121 = arith.constant 0 : i32
      %dma_start3A_122 = arith.constant 0 : i32
      %dma_start3A_123 = tpu.memref_slice %arg13[%dma_start3A_121, %dma_start3A_122] : memref<51200x16xf32, #tpu.memory_space<vmem_shared>> -> memref<51200x16xf32, #tpu.memory_space<vmem_shared>>
      tpu.enqueue_indirect_dma source(%dma_start3A_117 : memref<128x16xf32, #tpu.memory_space<vmem>>) target(%dma_start3A_123 : memref<51200x16xf32, #tpu.memory_space<vmem_shared>>) offsets(%dma_start3A_120 : memref<128xi32, #tpu.memory_space<vmem>>) semaphore(%arg19 : memref<!tpu.dma_semaphore, #tpu.memory_space<semaphore_mem>>) {add = true}
    }
    %scan3A_97 = arith.constant 14 : i32
    %scan3A_98 = arith.constant 0 : i32
    %scan3A_99 = arith.constant 0 : i32
    %scan3A_100 = arith.constant 14 : i32
    %scan3A_101 = arith.addi %scan3A_99, %scan3A_100 : i32
    %scan3A_102 = arith.constant 1 : i32
    scf.for %scan3A_113 = %scan3A_99 to %scan3A_101 step %scan3A_102  : i32 {
      %mul3A_114 = arith.constant 128 : i32
      %mul3A_115 = arith.muli %scan3A_113, %mul3A_114 : i32
      %dma_wait3A_116 = arith.constant 0 : i32
      %dma_wait3A_117 = tpu.memref_slice %arg12[%mul3A_115, %dma_wait3A_116] : memref<1792x16xf32, #tpu.memory_space<vmem>> -> memref<128x16xf32, #tpu.memory_space<vmem>>
      %dma_wait3A_118 = arith.constant 0 : i32
      %dma_wait3A_119 = tpu.memref_slice %arg10[%scan3A_113, %dma_wait3A_118] : memref<14x128xi32, #tpu.memory_space<vmem>> -> memref<1x128xi32, #tpu.memory_space<vmem>>
      %dma_wait3A_120 = tpu.memref_squeeze %dma_wait3A_119 : memref<1x128xi32, #tpu.memory_space<vmem>> -> memref<128xi32, #tpu.memory_space<vmem>>
      %dma_wait3A_121 = arith.constant 0 : i32
      %dma_wait3A_122 = arith.constant 0 : i32
      %dma_wait3A_123 = tpu.memref_slice %arg13[%dma_wait3A_121, %dma_wait3A_122] : memref<51200x16xf32, #tpu.memory_space<vmem_shared>> -> memref<51200x16xf32, #tpu.memory_space<vmem_shared>>
      tpu.wait_indirect_dma semaphore(%arg19 : memref<!tpu.dma_semaphore, #tpu.memory_space<semaphore_mem>>) src(%dma_wait3A_117 : memref<128x16xf32, #tpu.memory_space<vmem>>) dst(%dma_wait3A_123 : memref<51200x16xf32, #tpu.memory_space<vmem_shared>>)
    }
    %scan3A_103 = arith.constant 14 : i32
    %barrier3A_104 = arith.constant 0 : index
    tpu.barrier barrier_id(%barrier3A_104)
    %add3A_105 = arith.constant 0 : i32
    %add3A_106 = arith.addi %mul3A_2, %add3A_105 : i32
    "tpu.region"() ({
      %run_scoped3A = tpu.sem_alloc : memref<!tpu.dma_semaphore, #tpu.memory_space<semaphore_mem>>
      %dma_start3A_113 = arith.constant 0 : i32
      %dma_start3A_114 = arith.constant 0 : i32
      %dma_start3A_115 = tpu.memref_slice %arg11[%dma_start3A_113, %dma_start3A_114] : memref<1792x16xf32, #tpu.memory_space<vmem>> -> memref<1600x16xf32, #tpu.memory_space<vmem>>
      %dma_start3A_116 = arith.constant 0 : i32
      %dma_start3A_117 = tpu.memref_slice %arg13[%add3A_106, %dma_start3A_116] : memref<51200x16xf32, #tpu.memory_space<vmem_shared>> -> memref<1600x16xf32, #tpu.memory_space<vmem_shared>>
      %dma_start3A_118 = arith.constant 0 : i32
      %dma_start3A_119 = arith.constant 0 : i32
      %dma_start3A_120 = tpu.memref_slice %arg11[%dma_start3A_118, %dma_start3A_119] : memref<1792x16xf32, #tpu.memory_space<vmem>> -> memref<1600x16xf32, #tpu.memory_space<vmem>>
      %dma_start3A_121 = arith.constant 0 : i32
      %dma_start3A_122 = tpu.memref_slice %arg13[%add3A_106, %dma_start3A_121] : memref<51200x16xf32, #tpu.memory_space<vmem_shared>> -> memref<1600x16xf32, #tpu.memory_space<vmem_shared>>
      tpu.enqueue_dma source(%dma_start3A_122 : memref<1600x16xf32, #tpu.memory_space<vmem_shared>>) target(%dma_start3A_120 : memref<1600x16xf32, #tpu.memory_space<vmem>>) target_semaphore(%run_scoped3A : memref<!tpu.dma_semaphore, #tpu.memory_space<semaphore_mem>>)
      %dma_wait3A_123 = arith.constant 0 : i32
      %dma_wait3A_124 = arith.constant 0 : i32
      %dma_wait3A_125 = tpu.memref_slice %arg11[%dma_wait3A_123, %dma_wait3A_124] : memref<1792x16xf32, #tpu.memory_space<vmem>> -> memref<1600x16xf32, #tpu.memory_space<vmem>>
      %dma_wait3A_126 = arith.constant 0 : i32
      %dma_wait3A_127 = tpu.memref_slice %arg13[%add3A_106, %dma_wait3A_126] : memref<51200x16xf32, #tpu.memory_space<vmem_shared>> -> memref<1600x16xf32, #tpu.memory_space<vmem_shared>>
      %dma_wait3A_128 = arith.constant 0 : i32
      %dma_wait3A_129 = arith.constant 0 : i32
      %dma_wait3A_130 = tpu.memref_slice %arg11[%dma_wait3A_128, %dma_wait3A_129] : memref<1792x16xf32, #tpu.memory_space<vmem>> -> memref<1600x16xf32, #tpu.memory_space<vmem>>
      %dma_wait3A_131 = arith.constant 0 : i32
      %dma_wait3A_132 = tpu.memref_slice %arg13[%add3A_106, %dma_wait3A_131] : memref<51200x16xf32, #tpu.memory_space<vmem_shared>> -> memref<1600x16xf32, #tpu.memory_space<vmem_shared>>
      tpu.wait_dma2 semaphore(%run_scoped3A : memref<!tpu.dma_semaphore, #tpu.memory_space<semaphore_mem>>) src(%dma_wait3A_132 : memref<1600x16xf32, #tpu.memory_space<vmem_shared>>) dst(%dma_wait3A_130 : memref<1600x16xf32, #tpu.memory_space<vmem>>)
      tpu.yield
    }) : () -> ()
    %add3A_107 = arith.constant 0 : i32
    %add3A_108 = arith.addi %mul3A_2, %add3A_107 : i32
    "tpu.region"() ({
      %run_scoped3A = tpu.sem_alloc : memref<!tpu.dma_semaphore, #tpu.memory_space<semaphore_mem>>
      %dma_start3A_113 = arith.constant 0 : i32
      %dma_start3A_114 = arith.constant 0 : i32
      %dma_start3A_115 = tpu.memref_slice %arg11[%dma_start3A_113, %dma_start3A_114] : memref<1792x16xf32, #tpu.memory_space<vmem>> -> memref<1600x16xf32, #tpu.memory_space<vmem>>
      %dma_start3A_116 = arith.constant 0 : i32
      %dma_start3A_117 = tpu.memref_slice %arg6[%arg0, %add3A_108, %dma_start3A_116] : memref<2x51200x16xf32, #tpu.memory_space<hbm>> -> memref<1x1600x16xf32, #tpu.memory_space<hbm>>
      %dma_start3A_118 = tpu.memref_squeeze %dma_start3A_117 : memref<1x1600x16xf32, #tpu.memory_space<hbm>> -> memref<1600x16xf32, #tpu.memory_space<hbm>>
      %dma_start3A_119 = arith.constant 0 : i32
      %dma_start3A_120 = tpu.memref_slice %arg6[%arg0, %add3A_108, %dma_start3A_119] : memref<2x51200x16xf32, #tpu.memory_space<hbm>> -> memref<1x1600x16xf32, #tpu.memory_space<hbm>>
      %dma_start3A_121 = tpu.memref_squeeze %dma_start3A_120 : memref<1x1600x16xf32, #tpu.memory_space<hbm>> -> memref<1600x16xf32, #tpu.memory_space<hbm>>
      %dma_start3A_122 = arith.constant 0 : i32
      %dma_start3A_123 = arith.constant 0 : i32
      %dma_start3A_124 = tpu.memref_slice %arg11[%dma_start3A_122, %dma_start3A_123] : memref<1792x16xf32, #tpu.memory_space<vmem>> -> memref<1600x16xf32, #tpu.memory_space<vmem>>
      tpu.enqueue_dma source(%dma_start3A_124 : memref<1600x16xf32, #tpu.memory_space<vmem>>) target(%dma_start3A_121 : memref<1600x16xf32, #tpu.memory_space<hbm>>) target_semaphore(%run_scoped3A : memref<!tpu.dma_semaphore, #tpu.memory_space<semaphore_mem>>)
      %dma_wait3A_125 = arith.constant 0 : i32
      %dma_wait3A_126 = arith.constant 0 : i32
      %dma_wait3A_127 = tpu.memref_slice %arg11[%dma_wait3A_125, %dma_wait3A_126] : memref<1792x16xf32, #tpu.memory_space<vmem>> -> memref<1600x16xf32, #tpu.memory_space<vmem>>
      %dma_wait3A_128 = arith.constant 0 : i32
      %dma_wait3A_129 = tpu.memref_slice %arg6[%arg0, %add3A_108, %dma_wait3A_128] : memref<2x51200x16xf32, #tpu.memory_space<hbm>> -> memref<1x1600x16xf32, #tpu.memory_space<hbm>>
      %dma_wait3A_130 = tpu.memref_squeeze %dma_wait3A_129 : memref<1x1600x16xf32, #tpu.memory_space<hbm>> -> memref<1600x16xf32, #tpu.memory_space<hbm>>
      %dma_wait3A_131 = arith.constant 0 : i32
      %dma_wait3A_132 = tpu.memref_slice %arg6[%arg0, %add3A_108, %dma_wait3A_131] : memref<2x51200x16xf32, #tpu.memory_space<hbm>> -> memref<1x1600x16xf32, #tpu.memory_space<hbm>>
      %dma_wait3A_133 = tpu.memref_squeeze %dma_wait3A_132 : memref<1x1600x16xf32, #tpu.memory_space<hbm>> -> memref<1600x16xf32, #tpu.memory_space<hbm>>
      %dma_wait3A_134 = arith.constant 0 : i32
      %dma_wait3A_135 = arith.constant 0 : i32
      %dma_wait3A_136 = tpu.memref_slice %arg11[%dma_wait3A_134, %dma_wait3A_135] : memref<1792x16xf32, #tpu.memory_space<vmem>> -> memref<1600x16xf32, #tpu.memory_space<vmem>>
      tpu.wait_dma2 semaphore(%run_scoped3A : memref<!tpu.dma_semaphore, #tpu.memory_space<semaphore_mem>>) src(%dma_wait3A_136 : memref<1600x16xf32, #tpu.memory_space<vmem>>) dst(%dma_wait3A_133 : memref<1600x16xf32, #tpu.memory_space<hbm>>)
      tpu.yield
    }) : () -> ()
    %add3A_109 = arith.constant 1600 : i32
    %add3A_110 = arith.addi %mul3A_2, %add3A_109 : i32
    "tpu.region"() ({
      %run_scoped3A = tpu.sem_alloc : memref<!tpu.dma_semaphore, #tpu.memory_space<semaphore_mem>>
      %dma_start3A_113 = arith.constant 0 : i32
      %dma_start3A_114 = arith.constant 0 : i32
      %dma_start3A_115 = tpu.memref_slice %arg11[%dma_start3A_113, %dma_start3A_114] : memref<1792x16xf32, #tpu.memory_space<vmem>> -> memref<1600x16xf32, #tpu.memory_space<vmem>>
      %dma_start3A_116 = arith.constant 0 : i32
      %dma_start3A_117 = tpu.memref_slice %arg13[%add3A_110, %dma_start3A_116] : memref<51200x16xf32, #tpu.memory_space<vmem_shared>> -> memref<1600x16xf32, #tpu.memory_space<vmem_shared>>
      %dma_start3A_118 = arith.constant 0 : i32
      %dma_start3A_119 = arith.constant 0 : i32
      %dma_start3A_120 = tpu.memref_slice %arg11[%dma_start3A_118, %dma_start3A_119] : memref<1792x16xf32, #tpu.memory_space<vmem>> -> memref<1600x16xf32, #tpu.memory_space<vmem>>
      %dma_start3A_121 = arith.constant 0 : i32
      %dma_start3A_122 = tpu.memref_slice %arg13[%add3A_110, %dma_start3A_121] : memref<51200x16xf32, #tpu.memory_space<vmem_shared>> -> memref<1600x16xf32, #tpu.memory_space<vmem_shared>>
      tpu.enqueue_dma source(%dma_start3A_122 : memref<1600x16xf32, #tpu.memory_space<vmem_shared>>) target(%dma_start3A_120 : memref<1600x16xf32, #tpu.memory_space<vmem>>) target_semaphore(%run_scoped3A : memref<!tpu.dma_semaphore, #tpu.memory_space<semaphore_mem>>)
      %dma_wait3A_123 = arith.constant 0 : i32
      %dma_wait3A_124 = arith.constant 0 : i32
      %dma_wait3A_125 = tpu.memref_slice %arg11[%dma_wait3A_123, %dma_wait3A_124] : memref<1792x16xf32, #tpu.memory_space<vmem>> -> memref<1600x16xf32, #tpu.memory_space<vmem>>
      %dma_wait3A_126 = arith.constant 0 : i32
      %dma_wait3A_127 = tpu.memref_slice %arg13[%add3A_110, %dma_wait3A_126] : memref<51200x16xf32, #tpu.memory_space<vmem_shared>> -> memref<1600x16xf32, #tpu.memory_space<vmem_shared>>
      %dma_wait3A_128 = arith.constant 0 : i32
      %dma_wait3A_129 = arith.constant 0 : i32
      %dma_wait3A_130 = tpu.memref_slice %arg11[%dma_wait3A_128, %dma_wait3A_129] : memref<1792x16xf32, #tpu.memory_space<vmem>> -> memref<1600x16xf32, #tpu.memory_space<vmem>>
      %dma_wait3A_131 = arith.constant 0 : i32
      %dma_wait3A_132 = tpu.memref_slice %arg13[%add3A_110, %dma_wait3A_131] : memref<51200x16xf32, #tpu.memory_space<vmem_shared>> -> memref<1600x16xf32, #tpu.memory_space<vmem_shared>>
      tpu.wait_dma2 semaphore(%run_scoped3A : memref<!tpu.dma_semaphore, #tpu.memory_space<semaphore_mem>>) src(%dma_wait3A_132 : memref<1600x16xf32, #tpu.memory_space<vmem_shared>>) dst(%dma_wait3A_130 : memref<1600x16xf32, #tpu.memory_space<vmem>>)
      tpu.yield
    }) : () -> ()
    %add3A_111 = arith.constant 1600 : i32
    %add3A_112 = arith.addi %mul3A_2, %add3A_111 : i32
    "tpu.region"() ({
      %run_scoped3A = tpu.sem_alloc : memref<!tpu.dma_semaphore, #tpu.memory_space<semaphore_mem>>
      %dma_start3A_113 = arith.constant 0 : i32
      %dma_start3A_114 = arith.constant 0 : i32
      %dma_start3A_115 = tpu.memref_slice %arg11[%dma_start3A_113, %dma_start3A_114] : memref<1792x16xf32, #tpu.memory_space<vmem>> -> memref<1600x16xf32, #tpu.memory_space<vmem>>
      %dma_start3A_116 = arith.constant 0 : i32
      %dma_start3A_117 = tpu.memref_slice %arg6[%arg0, %add3A_112, %dma_start3A_116] : memref<2x51200x16xf32, #tpu.memory_space<hbm>> -> memref<1x1600x16xf32, #tpu.memory_space<hbm>>
      %dma_start3A_118 = tpu.memref_squeeze %dma_start3A_117 : memref<1x1600x16xf32, #tpu.memory_space<hbm>> -> memref<1600x16xf32, #tpu.memory_space<hbm>>
      %dma_start3A_119 = arith.constant 0 : i32
      %dma_start3A_120 = tpu.memref_slice %arg6[%arg0, %add3A_112, %dma_start3A_119] : memref<2x51200x16xf32, #tpu.memory_space<hbm>> -> memref<1x1600x16xf32, #tpu.memory_space<hbm>>
      %dma_start3A_121 = tpu.memref_squeeze %dma_start3A_120 : memref<1x1600x16xf32, #tpu.memory_space<hbm>> -> memref<1600x16xf32, #tpu.memory_space<hbm>>
      %dma_start3A_122 = arith.constant 0 : i32
      %dma_start3A_123 = arith.constant 0 : i32
      %dma_start3A_124 = tpu.memref_slice %arg11[%dma_start3A_122, %dma_start3A_123] : memref<1792x16xf32, #tpu.memory_space<vmem>> -> memref<1600x16xf32, #tpu.memory_space<vmem>>
      tpu.enqueue_dma source(%dma_start3A_124 : memref<1600x16xf32, #tpu.memory_space<vmem>>) target(%dma_start3A_121 : memref<1600x16xf32, #tpu.memory_space<hbm>>) target_semaphore(%run_scoped3A : memref<!tpu.dma_semaphore, #tpu.memory_space<semaphore_mem>>)
      %dma_wait3A_125 = arith.constant 0 : i32
      %dma_wait3A_126 = arith.constant 0 : i32
      %dma_wait3A_127 = tpu.memref_slice %arg11[%dma_wait3A_125, %dma_wait3A_126] : memref<1792x16xf32, #tpu.memory_space<vmem>> -> memref<1600x16xf32, #tpu.memory_space<vmem>>
      %dma_wait3A_128 = arith.constant 0 : i32
      %dma_wait3A_129 = tpu.memref_slice %arg6[%arg0, %add3A_112, %dma_wait3A_128] : memref<2x51200x16xf32, #tpu.memory_space<hbm>> -> memref<1x1600x16xf32, #tpu.memory_space<hbm>>
      %dma_wait3A_130 = tpu.memref_squeeze %dma_wait3A_129 : memref<1x1600x16xf32, #tpu.memory_space<hbm>> -> memref<1600x16xf32, #tpu.memory_space<hbm>>
      %dma_wait3A_131 = arith.constant 0 : i32
      %dma_wait3A_132 = tpu.memref_slice %arg6[%arg0, %add3A_112, %dma_wait3A_131] : memref<2x51200x16xf32, #tpu.memory_space<hbm>> -> memref<1x1600x16xf32, #tpu.memory_space<hbm>>
      %dma_wait3A_133 = tpu.memref_squeeze %dma_wait3A_132 : memref<1x1600x16xf32, #tpu.memory_space<hbm>> -> memref<1600x16xf32, #tpu.memory_space<hbm>>
      %dma_wait3A_134 = arith.constant 0 : i32
      %dma_wait3A_135 = arith.constant 0 : i32
      %dma_wait3A_136 = tpu.memref_slice %arg11[%dma_wait3A_134, %dma_wait3A_135] : memref<1792x16xf32, #tpu.memory_space<vmem>> -> memref<1600x16xf32, #tpu.memory_space<vmem>>
      tpu.wait_dma2 semaphore(%run_scoped3A : memref<!tpu.dma_semaphore, #tpu.memory_space<semaphore_mem>>) src(%dma_wait3A_136 : memref<1600x16xf32, #tpu.memory_space<vmem>>) dst(%dma_wait3A_133 : memref<1600x16xf32, #tpu.memory_space<hbm>>)
      tpu.yield
    }) : () -> ()
    return
  }
}

module attributes {stable_mosaic.version = 14 : i64} {
  func.func @_mm_body(%arg0: i32, %arg1: memref<1433x16xf32, #tpu.memory_space<vmem>>, %arg2: memref<1433x1024xf32, #tpu.memory_space<vmem>>, %arg3: memref<16x1024xf32, #tpu.memory_space<vmem>>) attributes {dimension_semantics = [#tpu.dimension_semantics<arbitrary>], iteration_bounds = array<i64: 49>, scalar_prefetch = 0 : i64, scratch_operands = 0 : i64, tpu.core_type = #tpu.core_type<tc>, window_params = [{pipeline_mode = #tpu.pipeline_mode<synchronous>, transform_indices = @transform_0, window_bounds = array<i64: 1433, 16>}, {transform_indices = @transform_1, window_bounds = array<i64: 1433, 1024>}, {transform_indices = @transform_2, window_bounds = array<i64: 16, 1024>}]} {
    %get3A = arith.constant 0 : index
    %get3A_0 = arith.constant 0 : index
    %get3A_1 = vector.load %arg1[%get3A, %get3A_0] : memref<1433x16xf32, #tpu.memory_space<vmem>>, vector<1433x16xf32>
    %convert_element_type3A = arith.truncf %get3A_1 : vector<1433x16xf32> to vector<1433x16xbf16>
    %get3A_2 = arith.constant 0 : index
    %get3A_3 = arith.constant 0 : index
    %get3A_4 = vector.load %arg2[%get3A_2, %get3A_3] : memref<1433x1024xf32, #tpu.memory_space<vmem>>, vector<1433x1024xf32>
    %convert_element_type3A_5 = arith.truncf %get3A_4 : vector<1433x1024xf32> to vector<1433x1024xbf16>
    %dot_general3A = arith.constant dense<0.000000e+00> : vector<16x1024xf32>
    %dot_general3A_6 = tpu.matmul %convert_element_type3A, %convert_element_type3A_5, %dot_general3A {dimension_numbers = #tpu.dot_dimension_numbers<[0], [0], [1], [1], [0, 1, 1, 1], [], []>, transpose_lhs_hint = false} : vector<1433x16xbf16>, vector<1433x1024xbf16>, vector<16x1024xf32> -> vector<16x1024xf32>
    %swap3A = arith.constant 0 : index
    %swap3A_7 = arith.constant 0 : index
    %swap3A_8 = vector.load %arg3[%swap3A, %swap3A_7] : memref<16x1024xf32, #tpu.memory_space<vmem>>, vector<16x1024xf32>
    tpu.vector_store %arg3[%swap3A, %swap3A_7], %dot_general3A_6 {strides = array<i32>} : memref<16x1024xf32, #tpu.memory_space<vmem>>, vector<16x1024xf32>,
    return
  }
  func.func @transform_0(%arg0: i32) -> (i32, i32) {
    %c0_i32 = arith.constant 0 : i32
    %c0_i32_0 = arith.constant 0 : i32
    %c0_i32_1 = arith.constant 0 : i32
    return %c0_i32, %c0_i32_0 : i32, i32
  }
  func.func @transform_1(%arg0: i32) -> (i32, i32) {
    %c0_i32 = arith.constant 0 : i32
    %c0_i32_0 = arith.constant 0 : i32
    return %c0_i32, %arg0 : i32, i32
  }
  func.func @transform_2(%arg0: i32) -> (i32, i32) {
    %c0_i32 = arith.constant 0 : i32
    %c0_i32_0 = arith.constant 0 : i32
    return %c0_i32, %arg0 : i32, i32
  }
}

module attributes {stable_mosaic.version = 14 : i64} {
  func.func @_dinv_body(%arg0: i32, %arg1: memref<5120xf32, #tpu.memory_space<vmem>>, %arg2: memref<5120xf32, #tpu.memory_space<vmem>>, %arg3: memref<1x5120xf32, #tpu.memory_space<vmem>>) attributes {dimension_semantics = [#tpu.dimension_semantics<arbitrary>], iteration_bounds = array<i64: 10>, scalar_prefetch = 0 : i64, scratch_operands = 0 : i64, tpu.core_type = #tpu.core_type<tc>, window_params = [{transform_indices = @transform_0, window_bounds = array<i64: 5120>}, {transform_indices = @transform_1, window_bounds = array<i64: 5120>}, {transform_indices = @transform_2, window_bounds = array<i64: 1, 5120>}]} {
    %get3A = arith.constant 0 : index
    %get3A_0 = vector.load %arg1[%get3A] : memref<5120xf32, #tpu.memory_space<vmem>>, vector<5120xf32>
    %get3A_1 = arith.constant 0 : index
    %get3A_2 = vector.load %arg2[%get3A_1] : memref<5120xf32, #tpu.memory_space<vmem>>, vector<5120xf32>
    %add3A = arith.addf %get3A_0, %get3A_2 : vector<5120xf32>
    %add3A_3 = arith.constant 1.000000e+00 : f32
    %add3A_4 = vector.broadcast %add3A_3 : f32 to vector<5120xf32>
    %add3A_5 = arith.addf %add3A, %add3A_4 : vector<5120xf32>
    %rsqrt3A = math.rsqrt %add3A_5 : vector<5120xf32>
    %broadcast_in_dim3A = vector.shape_cast %rsqrt3A : vector<5120xf32> to vector<1x5120xf32>
    %swap3A = arith.constant 0 : index
    %swap3A_6 = arith.constant 0 : index
    %swap3A_7 = vector.load %arg3[%swap3A, %swap3A_6] : memref<1x5120xf32, #tpu.memory_space<vmem>>, vector<1x5120xf32>
    tpu.vector_store %arg3[%swap3A, %swap3A_6], %broadcast_in_dim3A {strides = array<i32>} : memref<1x5120xf32, #tpu.memory_space<vmem>>, vector<1x5120xf32>,
    return
  }
  func.func @transform_0(%arg0: i32) -> i32 {
    %c0_i32 = arith.constant 0 : i32
    return %arg0 : i32
  }
  func.func @transform_1(%arg0: i32) -> i32 {
    %add3A = arith.constant 10 : i32
    %add3A_0 = arith.addi %arg0, %add3A : i32
    %c0_i32 = arith.constant 0 : i32
    return %add3A_0 : i32
  }
  func.func @transform_2(%arg0: i32) -> (i32, i32) {
    %c0_i32 = arith.constant 0 : i32
    %c0_i32_0 = arith.constant 0 : i32
    return %c0_i32, %arg0 : i32, i32
  }
}

module attributes {stable_mosaic.version = 14 : i64} {
  func.func @_scale_body(%arg0: i32, %arg1: memref<16x1024xf32, #tpu.memory_space<vmem>>, %arg2: memref<1x1024xf32, #tpu.memory_space<vmem>>, %arg3: memref<16x1024xf32, #tpu.memory_space<vmem>>) attributes {dimension_semantics = [#tpu.dimension_semantics<arbitrary>], iteration_bounds = array<i64: 49>, scalar_prefetch = 0 : i64, scratch_operands = 0 : i64, tpu.core_type = #tpu.core_type<tc>, window_params = [{transform_indices = @transform_0, window_bounds = array<i64: 16, 1024>}, {transform_indices = @transform_1, window_bounds = array<i64: 1, 1024>}, {transform_indices = @transform_2, window_bounds = array<i64: 16, 1024>}]} {
    %get3A = arith.constant 0 : index
    %get3A_0 = arith.constant 0 : index
    %get3A_1 = vector.load %arg1[%get3A, %get3A_0] : memref<16x1024xf32, #tpu.memory_space<vmem>>, vector<16x1024xf32>
    %get3A_2 = arith.constant 0 : index
    %get3A_3 = arith.constant 0 : index
    %get3A_4 = vector.load %arg2[%get3A_2, %get3A_3] : memref<1x1024xf32, #tpu.memory_space<vmem>>, vector<1x1024xf32>
    %mul3A = vector.broadcast %get3A_4 : vector<1x1024xf32> to vector<16x1024xf32>
    %mul3A_5 = arith.mulf %get3A_1, %mul3A : vector<16x1024xf32>
    %swap3A = arith.constant 0 : index
    %swap3A_6 = arith.constant 0 : index
    %swap3A_7 = vector.load %arg3[%swap3A, %swap3A_6] : memref<16x1024xf32, #tpu.memory_space<vmem>>, vector<16x1024xf32>
    tpu.vector_store %arg3[%swap3A, %swap3A_6], %mul3A_5 {strides = array<i32>} : memref<16x1024xf32, #tpu.memory_space<vmem>>, vector<16x1024xf32>,
    return
  }
  func.func @transform_0(%arg0: i32) -> (i32, i32) {
    %c0_i32 = arith.constant 0 : i32
    %c0_i32_0 = arith.constant 0 : i32
    return %c0_i32, %arg0 : i32, i32
  }
  func.func @transform_1(%arg0: i32) -> (i32, i32) {
    %c0_i32 = arith.constant 0 : i32
    %c0_i32_0 = arith.constant 0 : i32
    return %c0_i32, %arg0 : i32, i32
  }
  func.func @transform_2(%arg0: i32) -> (i32, i32) {
    %c0_i32 = arith.constant 0 : i32
    %c0_i32_0 = arith.constant 0 : i32
    return %c0_i32, %arg0 : i32, i32
  }
}

module attributes {stable_mosaic.version = 14 : i64} {
  func.func @_mid_body(%arg0: i32, %arg1: memref<2x16x1024xf32, #tpu.memory_space<vmem>>, %arg2: memref<16x1024xf32, #tpu.memory_space<vmem>>, %arg3: memref<1x1024xf32, #tpu.memory_space<vmem>>, %arg4: memref<16x1xf32, #tpu.memory_space<vmem>>, %arg5: memref<16x1024xf32, #tpu.memory_space<vmem>>) attributes {dimension_semantics = [#tpu.dimension_semantics<arbitrary>], iteration_bounds = array<i64: 49>, scalar_prefetch = 0 : i64, scratch_operands = 0 : i64, tpu.core_type = #tpu.core_type<tc>, window_params = [{transform_indices = @transform_0, window_bounds = array<i64: 2, 16, 1024>}, {transform_indices = @transform_1, window_bounds = array<i64: 16, 1024>}, {transform_indices = @transform_2, window_bounds = array<i64: 1, 1024>}, {pipeline_mode = #tpu.pipeline_mode<synchronous>, transform_indices = @transform_3, window_bounds = array<i64: 16, 1>}, {transform_indices = @transform_4, window_bounds = array<i64: 16, 1024>}]} {
    %get3A = arith.constant 0 : index
    %get3A_0 = arith.constant 0 : index
    %get3A_1 = vector.load %arg3[%get3A, %get3A_0] : memref<1x1024xf32, #tpu.memory_space<vmem>>, vector<1x1024xf32>
    %get3A_2 = arith.constant 0 : index
    %get3A_3 = arith.constant 0 : index
    %get3A_4 = arith.constant 0 : index
    %get3A_5 = vector.load %arg1[%get3A_2, %get3A_3, %get3A_4] : memref<2x16x1024xf32, #tpu.memory_space<vmem>>, vector<1x16x1024xf32>
    %get3A_6 = vector.shape_cast %get3A_5 : vector<1x16x1024xf32> to vector<16x1024xf32>
    %get3A_7 = arith.constant 1 : index
    %get3A_8 = arith.constant 0 : index
    %get3A_9 = arith.constant 0 : index
    %get3A_10 = vector.load %arg1[%get3A_7, %get3A_8, %get3A_9] : memref<2x16x1024xf32, #tpu.memory_space<vmem>>, vector<1x16x1024xf32>
    %get3A_11 = vector.shape_cast %get3A_10 : vector<1x16x1024xf32> to vector<16x1024xf32>
    %add3A = arith.addf %get3A_6, %get3A_11 : vector<16x1024xf32>
    %get3A_12 = arith.constant 0 : index
    %get3A_13 = arith.constant 0 : index
    %get3A_14 = vector.load %arg2[%get3A_12, %get3A_13] : memref<16x1024xf32, #tpu.memory_space<vmem>>, vector<16x1024xf32>
    %add3A_15 = arith.addf %add3A, %get3A_14 : vector<16x1024xf32>
    %mul3A = vector.broadcast %get3A_1 : vector<1x1024xf32> to vector<16x1024xf32>
    %mul3A_16 = arith.mulf %mul3A, %add3A_15 : vector<16x1024xf32>
    %get3A_17 = arith.constant 0 : index
    %get3A_18 = arith.constant 0 : index
    %get3A_19 = vector.load %arg4[%get3A_17, %get3A_18] : memref<16x1xf32, #tpu.memory_space<vmem>>, vector<16x1xf32>
    %add3A_20 = vector.broadcast %get3A_19 : vector<16x1xf32> to vector<16x1024xf32>
    %add3A_21 = arith.addf %mul3A_16, %add3A_20 : vector<16x1024xf32>
    %max3A = arith.constant 0.000000e+00 : f32
    %max3A_22 = vector.broadcast %max3A : f32 to vector<16x1024xf32>
    %max3A_23 = arith.maximumf %add3A_21, %max3A_22 : vector<16x1024xf32>
    %mul3A_24 = vector.broadcast %get3A_1 : vector<1x1024xf32> to vector<16x1024xf32>
    %mul3A_25 = arith.mulf %mul3A_24, %max3A_23 : vector<16x1024xf32>
    %swap3A = arith.constant 0 : index
    %swap3A_26 = arith.constant 0 : index
    %swap3A_27 = vector.load %arg5[%swap3A, %swap3A_26] : memref<16x1024xf32, #tpu.memory_space<vmem>>, vector<16x1024xf32>
    tpu.vector_store %arg5[%swap3A, %swap3A_26], %mul3A_25 {strides = array<i32>} : memref<16x1024xf32, #tpu.memory_space<vmem>>, vector<16x1024xf32>,
    return
  }
  func.func @transform_0(%arg0: i32) -> (i32, i32, i32) {
    %c0_i32 = arith.constant 0 : i32
    %c0_i32_0 = arith.constant 0 : i32
    %c0_i32_1 = arith.constant 0 : i32
    return %c0_i32, %c0_i32_0, %arg0 : i32, i32, i32
  }
  func.func @transform_1(%arg0: i32) -> (i32, i32) {
    %c0_i32 = arith.constant 0 : i32
    %c0_i32_0 = arith.constant 0 : i32
    return %c0_i32, %arg0 : i32, i32
  }
  func.func @transform_2(%arg0: i32) -> (i32, i32) {
    %c0_i32 = arith.constant 0 : i32
    %c0_i32_0 = arith.constant 0 : i32
    return %c0_i32, %arg0 : i32, i32
  }
  func.func @transform_3(%arg0: i32) -> (i32, i32) {
    %c0_i32 = arith.constant 0 : i32
    %c0_i32_0 = arith.constant 0 : i32
    %c0_i32_1 = arith.constant 0 : i32
    return %c0_i32, %c0_i32_0 : i32, i32
  }
  func.func @transform_4(%arg0: i32) -> (i32, i32) {
    %c0_i32 = arith.constant 0 : i32
    %c0_i32_0 = arith.constant 0 : i32
    return %c0_i32, %arg0 : i32, i32
  }
}

module attributes {stable_mosaic.version = 14 : i64} {
  func.func @_out_body(%arg0: i32, %arg1: memref<2x16x1024xf32, #tpu.memory_space<vmem>>, %arg2: memref<16x1024xf32, #tpu.memory_space<vmem>>, %arg3: memref<1x1024xf32, #tpu.memory_space<vmem>>, %arg4: memref<16x7xf32, #tpu.memory_space<vmem>>, %arg5: memref<7x1xf32, #tpu.memory_space<vmem>>, %arg6: memref<7x1024xf32, #tpu.memory_space<vmem>>) attributes {dimension_semantics = [#tpu.dimension_semantics<arbitrary>], iteration_bounds = array<i64: 49>, scalar_prefetch = 0 : i64, scratch_operands = 0 : i64, tpu.core_type = #tpu.core_type<tc>, window_params = [{transform_indices = @transform_0, window_bounds = array<i64: 2, 16, 1024>}, {transform_indices = @transform_1, window_bounds = array<i64: 16, 1024>}, {transform_indices = @transform_2, window_bounds = array<i64: 1, 1024>}, {pipeline_mode = #tpu.pipeline_mode<synchronous>, transform_indices = @transform_3, window_bounds = array<i64: 16, 7>}, {pipeline_mode = #tpu.pipeline_mode<synchronous>, transform_indices = @transform_4, window_bounds = array<i64: 7, 1>}, {transform_indices = @transform_5, window_bounds = array<i64: 7, 1024>}]} {
    %get3A = arith.constant 0 : index
    %get3A_0 = arith.constant 0 : index
    %get3A_1 = vector.load %arg3[%get3A, %get3A_0] : memref<1x1024xf32, #tpu.memory_space<vmem>>, vector<1x1024xf32>
    %get3A_2 = arith.constant 0 : index
    %get3A_3 = arith.constant 0 : index
    %get3A_4 = arith.constant 0 : index
    %get3A_5 = vector.load %arg1[%get3A_2, %get3A_3, %get3A_4] : memref<2x16x1024xf32, #tpu.memory_space<vmem>>, vector<1x16x1024xf32>
    %get3A_6 = vector.shape_cast %get3A_5 : vector<1x16x1024xf32> to vector<16x1024xf32>
    %get3A_7 = arith.constant 1 : index
    %get3A_8 = arith.constant 0 : index
    %get3A_9 = arith.constant 0 : index
    %get3A_10 = vector.load %arg1[%get3A_7, %get3A_8, %get3A_9] : memref<2x16x1024xf32, #tpu.memory_space<vmem>>, vector<1x16x1024xf32>
    %get3A_11 = vector.shape_cast %get3A_10 : vector<1x16x1024xf32> to vector<16x1024xf32>
    %add3A = arith.addf %get3A_6, %get3A_11 : vector<16x1024xf32>
    %get3A_12 = arith.constant 0 : index
    %get3A_13 = arith.constant 0 : index
    %get3A_14 = vector.load %arg2[%get3A_12, %get3A_13] : memref<16x1024xf32, #tpu.memory_space<vmem>>, vector<16x1024xf32>
    %add3A_15 = arith.addf %add3A, %get3A_14 : vector<16x1024xf32>
    %mul3A = vector.broadcast %get3A_1 : vector<1x1024xf32> to vector<16x1024xf32>
    %mul3A_16 = arith.mulf %mul3A, %add3A_15 : vector<16x1024xf32>
    %get3A_17 = arith.constant 0 : index
    %get3A_18 = arith.constant 0 : index
    %get3A_19 = vector.load %arg4[%get3A_17, %get3A_18] : memref<16x7xf32, #tpu.memory_space<vmem>>, vector<16x7xf32>
    %dot_general3A = arith.constant dense<0.000000e+00> : vector<7x1024xf32>
    %dot_general3A_20 = tpu.matmul %get3A_19, %mul3A_16, %dot_general3A {dimension_numbers = #tpu.dot_dimension_numbers<[0], [0], [1], [1], [0, 1, 1, 1], [], []>, transpose_lhs_hint = false} : vector<16x7xf32>, vector<16x1024xf32>, vector<7x1024xf32> -> vector<7x1024xf32>
    %get3A_21 = arith.constant 0 : index
    %get3A_22 = arith.constant 0 : index
    %get3A_23 = vector.load %arg5[%get3A_21, %get3A_22] : memref<7x1xf32, #tpu.memory_space<vmem>>, vector<7x1xf32>
    %add3A_24 = vector.broadcast %get3A_23 : vector<7x1xf32> to vector<7x1024xf32>
    %add3A_25 = arith.addf %dot_general3A_20, %add3A_24 : vector<7x1024xf32>
    %reduce_max3A = arith.constant dense<0xFF800000> : vector<1024xf32>
    %reduce_max3A_26 = vector.multi_reduction <maximumf>, %add3A_25, %reduce_max3A [0] : vector<7x1024xf32> to vector<1024xf32>
    %broadcast_in_dim3A = vector.shape_cast %reduce_max3A_26 : vector<1024xf32> to vector<1x1024xf32>
    %sub3A = vector.broadcast %broadcast_in_dim3A : vector<1x1024xf32> to vector<7x1024xf32>
    %sub3A_27 = arith.subf %add3A_25, %sub3A : vector<7x1024xf32>
    %exp3A = math.exp %sub3A_27 : vector<7x1024xf32>
    %reduce_sum3A = arith.constant dense<0.000000e+00> : vector<1024xf32>
    %reduce_sum3A_28 = vector.multi_reduction <add>, %exp3A, %reduce_sum3A [0] : vector<7x1024xf32> to vector<1024xf32>
    %broadcast_in_dim3A_29 = vector.shape_cast %reduce_sum3A_28 : vector<1024xf32> to vector<1x1024xf32>
    %log3A = math.log %broadcast_in_dim3A_29 : vector<1x1024xf32>
    %sub3A_30 = vector.broadcast %broadcast_in_dim3A : vector<1x1024xf32> to vector<7x1024xf32>
    %sub3A_31 = arith.subf %add3A_25, %sub3A_30 : vector<7x1024xf32>
    %sub3A_32 = vector.broadcast %log3A : vector<1x1024xf32> to vector<7x1024xf32>
    %sub3A_33 = arith.subf %sub3A_31, %sub3A_32 : vector<7x1024xf32>
    %swap3A = arith.constant 0 : index
    %swap3A_34 = arith.constant 0 : index
    %swap3A_35 = vector.load %arg6[%swap3A, %swap3A_34] : memref<7x1024xf32, #tpu.memory_space<vmem>>, vector<7x1024xf32>
    tpu.vector_store %arg6[%swap3A, %swap3A_34], %sub3A_33 {strides = array<i32>} : memref<7x1024xf32, #tpu.memory_space<vmem>>, vector<7x1024xf32>,
    return
  }
  func.func @transform_0(%arg0: i32) -> (i32, i32, i32) {
    %c0_i32 = arith.constant 0 : i32
    %c0_i32_0 = arith.constant 0 : i32
    %c0_i32_1 = arith.constant 0 : i32
    return %c0_i32, %c0_i32_0, %arg0 : i32, i32, i32
  }
  func.func @transform_1(%arg0: i32) -> (i32, i32) {
    %c0_i32 = arith.constant 0 : i32
    %c0_i32_0 = arith.constant 0 : i32
    return %c0_i32, %arg0 : i32, i32
  }
  func.func @transform_2(%arg0: i32) -> (i32, i32) {
    %c0_i32 = arith.constant 0 : i32
    %c0_i32_0 = arith.constant 0 : i32
    return %c0_i32, %arg0 : i32, i32
  }
  func.func @transform_3(%arg0: i32) -> (i32, i32) {
    %c0_i32 = arith.constant 0 : i32
    %c0_i32_0 = arith.constant 0 : i32
    %c0_i32_1 = arith.constant 0 : i32
    return %c0_i32, %c0_i32_0 : i32, i32
  }
  func.func @transform_4(%arg0: i32) -> (i32, i32) {
    %c0_i32 = arith.constant 0 : i32
    %c0_i32_0 = arith.constant 0 : i32
    %c0_i32_1 = arith.constant 0 : i32
    return %c0_i32, %c0_i32_0 : i32, i32
  }
  func.func @transform_5(%arg0: i32) -> (i32, i32) {
    %c0_i32 = arith.constant 0 : i32
    %c0_i32_0 = arith.constant 0 : i32
    return %c0_i32, %arg0 : i32, i32
  }
}

</mosaic_0001>

<sc_bundles>
// kernel: kernel.10.cloned.1.call-start
scs
__scs_entry_jumppad:
0x0: {  	(pc) =	sbr.rel $0x88, $3  }
0x1: {  	(tag) =	ssettag $0x0;
	lr =	simm.s32 $0x1  }
0x2: {  	[smem:$0x3F9B] =	sst lr;
	_ =	strace $0xD0000000  }
0x3: {  	_ = 	snop  }
0x4: {  	_ = 	snop  }
0x5: {  	_ = 	snop  }
0x6: {  	_ = 	snop  }
0x7: {  	_ = 	snop  }
__scs_overlays_trampoline_lowered:
0x8: {  	[smem:$0x3FAA] =	sst s0  }
0x9: {  	[smem:$0x3FAB] =	sst s1  }
0xa: {  	[smem:$0x3FAC] =	sst s2  }
0xb: {  	[smem:$0x3FAD] =	sst s3  }
0xc: {  	[smem:$0x3FAE] =	sst s4  }
0xd: {  	[smem:$0x3FAF] =	sst s5  }
0xe: {  	[smem:$0x3FB0] =	sst s6  }
0xf: {  	[smem:$0x3FB1] =	sst s7  }
0x10: {  	[smem:$0x3FB2] =	sst s8  }
0x11: {  	[smem:$0x3FB3] =	sst s9;
	s0 =	simm.s32 @!p0 $0x0  }
0x12: {  	s1 =	sld [smem:$0x3F99];
	s0 =	simm.s32 @p0 $0x1  }
0x13: {  	[smem:$0x3FB4] =	sst s0;
	s0 =	simm.s32 @!p1 $0x0  }
0x14: {  	s2 =	sld [smem:$0x3F98];
	s0 =	simm.s32 @p1 $0x1  }
0x15: {  	[smem:$0x3FB5] =	sst s0;
	s0 =	simm.s32 @!p2 $0x0  }
0x16: {  	s3 =	sld [smem:$0x3FDB];
	s0 =	simm.s32 @p2 $0x1  }
0x17: {  	s4 =	simm.s32 $0x1BF5;
	[smem:$0x3FB7] =	sst s0  }
0x18: {  	s0 =	sld [smem:$0x3F9A];
	_ =	swait.ge [sflag:s4], $0x0  }
0x19: {  	s7 =	sld [smem:$0x3F9B]  }
0x1a: {  	s8 =	sadd.s32 $0xFFFFE003, lr  }
0x1b: {  	s9 =	sadd.s32 $0xFFFFFEF7, lr;
	s5 =	simm.s32 $0xFFFFFFFF;
	p2 =	slt.u32 s8, $0xFFFFF086  }
0x1c: {  	p1 =	slt.u32 s9, $0xF7A;
	s5 =	simm.s32 @!p2 $0x0  }
0x1d: {  	s5 =	simm.s32 @p1 $0x1;
	p0 =	seq.s32 s7, s2  }
0x1e: {  	s7 =	smul.u32 @!p0 $0xF7A, s2;
	p2 =	seq.s32 @!p0 s5, $0x0  }
0x1f: {  	s9 =	smul.u32 $0xF7A, s1;
	s8 =	simm.s32 @!p0 $0x1BF5;
	p2 =	por !p2, p0  }
0x20: {  	[sflag:s8] =	ssyncset.s32 @!p0 $0xFFFFF086;
	s6 =	sadd.s32 @!p0 s3, s7;
	s7 =	simm.s32 @!p0 $0x108  }
0x21: {  	s3 =	sadd.s32 s3, s9;
	s6 =	sadd.s32 @!p0 $0x88, s6;
	s7 =	simm.s32 @p2 $0x1082  }
0x22: {  	[simem:s7], [sflag:s8] =	dma.local @!p0 [hbm:s6], $0xF7A  }
0x23: {  	s9 =	sor.u32 $0xD0000000, s2;
	s6 =	simm.s32 $0x108;
	_ =	swait.ge @!p0 [sflag:s8], $0x0  }
0x24: {  	s3 =	sadd.s32 $0x88, s3;
	s6 =	simm.s32 @!p1 $0x1082;
	[sflag:s4] =	ssyncset.s32 $0xFFFFF086  }
0x25: {  	[simem:s6], [sflag:s4] =	dma.local [hbm:s3], $0xF7A  }
0x26: {  	[smem:$0x3F9B] =	sst s1;
	(tag) =	ssettag s2;
	_ =	strace s9  }
0x27: {  	s1 =	sld [smem:$0x3FAB]  }
0x28: {  	s2 =	sld [smem:$0x3FAC]  }
0x29: {  	s4 =	sld [smem:$0x3FAE]  }
0x2a: {  	p0 =	seq.s32 s5, $0x0;
	s5 =	sld [smem:$0x3FAF]  }
0x2b: {  	s6 =	sld [smem:$0x3FB0]  }
0x2c: {  	s7 =	sld [smem:$0x3FB1]  }
0x2d: {  	s3 =	simm.s32 $0x108;
	s8 =	sld [smem:$0x3FB2]  }
0x2e: {  	s3 =	simm.s32 @!p0 $0x1082;
	s9 =	sld [smem:$0x3FB3]  }
0x2f: {  	lr =	sadd.s32 s0, s3;
	s0 =	sld [smem:$0x3FAA]  }
0x30: {  	s3 =	sld [smem:$0x3FAD]  }
0x31: {  	[smem:$0x3FB6] =	sst s10  }
0x32: {  	s10 =	sld [smem:$0x3FB4];
	_ =	sdelay $0x3  }
0x33: {  	p0 =	seq.s32 s10, $0x1;
	s10 =	sld [smem:$0x3FB6];
	_ =	sdelay $0x3  }
0x34: {  	[smem:$0x3FB6] =	sst s10  }
0x35: {  	s10 =	sld [smem:$0x3FB5];
	_ =	sdelay $0x3  }
0x36: {  	p1 =	seq.s32 s10, $0x1;
	s10 =	sld [smem:$0x3FB6];
	_ =	sdelay $0x3  }
0x37: {  	[smem:$0x3FB6] =	sst s10  }
0x38: {  	s10 =	sld [smem:$0x3FB7]  }
0x39: {  	_ = 	snop;
	(pc) =	sbr.ind lr, $3  }
0x3a: {  	_ = 	snop  }
0x3b: {  	_ = 	snop  }
0x3c: {  	p2 =	seq.s32 s10, $0x1;
	s10 =	sld [smem:$0x3FB6]  }
0x3d: {  	_ =	shalt  }
0x3e: {  	_ =	shalt  }
0x3f: {  	_ =	shalt  }
0x40: {  	_ =	shalt  }
0x41: {  	_ =	shalt  }
0x42: {  	_ =	shalt  }
0x43: {  	_ =	shalt  }
0x44: {  	_ =	shalt  }
0x45: {  	_ =	shalt  }
0x46: {  	_ =	shalt  }
0x47: {  	_ =	shalt  }
0x48: {  	_ =	shalt  }
0x49: {  	_ =	shalt  }
0x4a: {  	_ =	shalt  }
0x4b: {  	_ =	shalt  }
0x4c: {  	_ =	shalt  }
0x4d: {  	_ =	shalt  }
0x4e: {  	_ =	shalt  }
0x4f: {  	_ =	shalt  }
0x50: {  	_ =	shalt  }
0x51: {  	_ =	shalt  }
0x52: {  	_ =	shalt  }
0x53: {  	_ =	shalt  }
0x54: {  	_ =	shalt  }
0x55: {  	_ =	shalt  }
0x56: {  	_ =	shalt  }
0x57: {  	_ =	shalt  }
0x58: {  	_ =	shalt  }
0x59: {  	_ =	shalt  }
0x5a: {  	_ =	shalt  }
0x5b: {  	_ =	shalt  }
0x5c: {  	_ =	shalt  }
0x5d: {  	_ =	shalt  }
0x5e: {  	_ =	shalt  }
0x5f: {  	_ =	shalt  }
0x60: {  	_ =	shalt  }
0x61: {  	_ =	shalt  }
0x62: {  	_ =	shalt  }
0x63: {  	_ =	shalt  }
0x64: {  	_ =	shalt  }
0x65: {  	_ =	shalt  }
0x66: {  	_ =	shalt  }
0x67: {  	_ =	shalt  }
0x68: {  	_ =	shalt  }
0x69: {  	_ =	shalt  }
0x6a: {  	_ =	shalt  }
0x6b: {  	_ =	shalt  }
0x6c: {  	_ =	shalt  }
0x6d: {  	_ =	shalt  }
0x6e: {  	_ =	shalt  }
0x6f: {  	_ =	shalt  }
0x70: {  	_ =	shalt  }
0x71: {  	_ =	shalt  }
0x72: {  	_ =	shalt  }
0x73: {  	_ =	shalt  }
0x74: {  	_ =	shalt  }
0x75: {  	_ =	shalt  }
0x76: {  	_ =	shalt  }
0x77: {  	_ =	shalt  }
0x78: {  	_ =	shalt  }
0x79: {  	_ =	shalt  }
0x7a: {  	_ =	shalt  }
0x7b: {  	_ =	shalt  }
0x7c: {  	_ =	shalt  }
0x7d: {  	_ =	shalt  }
0x7e: {  	_ =	shalt  }
0x7f: {  	_ =	shalt  }
0x80: {  	_ =	shalt  }
0x81: {  	_ =	shalt  }
0x82: {  	_ =	shalt  }
0x83: {  	_ =	shalt  }
0x84: {  	_ =	shalt  }
0x85: {  	_ =	shalt  }
0x86: {  	_ =	shalt  }
0x87: {  	_ =	shalt  }
.Lfunc_end0:
.L_simem_size_0:
called_computation_lowered:
.L_overlay_start_0:
0x88: {  	s2 =	sld [smem:$0x3FD9]  }
0x89: {  	s3 =	sld [smem:$0x3FFE];
	_ =	sdelay $0x1  }
0x8a: {  	s1 =	srdreg.scid  }
0x8b: {  	s0 =	sand.u32 $0x1, s1  }
0x8c: {  	s17 =	sshll.u32 s0, $0xA;
	s2 =	sadd.s32 s3, s2  }
0x8d: {  	s2 =	sadd.s32 s2, s17  }
0x8e: {  	[smem:$0x3FC2] =	sst s2  }
0x8f: {  	_ = 	snop  }
0x90: {  	s2 =	sld [smem:$0x3FD0];
	(tm) =	ssettm $0x1  }
0x91: {  	s18 =	sld [smem:$0x3FFB];
	_ =	sdelay $0x3  }
0x92: {  	_ =	strace s18  }
0x93: {  	s3 =	sld [smem:$0x3FFC];
	_ =	sdelay $0x3  }
0x94: {  	_ =	strace s3  }
0x95: {  	s3 =	sld [smem:$0x3FFD];
	_ =	sdelay $0x3  }
0x96: {  	_ =	strace s3  }
0x97: {  	_ =	strace $0x8FFFFFFF  }
0x98: {  	s19 =	sld [smem:$0x3FDB];
	_ =	sdelay $0x1  }
0x99: {  	s4 =	simm.s32 $_scs_section_size  }
0x9a: {  	s5 =	simm.s32 $_size__tile_overlayer_lowered;
	s6 =	simm.s32 $_tile_overlayer_lowered  }
0x9b: {  	s22 =	simm.s32 $0x1BFF;
	s21 =	sshll.u32 s6, $0x1;
	s3 =	sadd.s32 s4, s19  }
0x9c: {  	s7 =	simm.s32 $0x0;
	s20 =	sshll.u32 s5, $0x1;
	s5 =	sadd.s32 s21, s3  }
0x9d: {  	[timem:s7], [sflag:s22] =	dma.local [hbm:s5], s20  }
0x9e: {  	_ =	swait.ge [sflag:s22], s20  }
0x9f: {  	s4 =	ssub.s32 $0x0, s20;
	[sflag:s22] =	ssyncset.done $0x0  }
0xa0: {  	[sflag:s22] =	ssyncadd.s32 s4;
	_ =	sdelay $0x1  }
0xa1: {  	s23 =	simm.s32 $0x1B8B  }
0xa2: {  	_ =	swait.ge [sflag:s23], $0x1  }
0xa3: {  	[sflag:s23] =	ssyncset.done $0x0  }
0xa4: {  	s25 =	simm.s32 $0x1B8E;
	s24 =	sld [smem:$0x3FFE];
	[sflag:s23] =	ssyncadd.s32 $0xFFFFFFFF  }
0xa5: {  	s26 =	simm.s32 $execute0_lowered;
	[smem:$0x3FD2] =	sst s25  }
0xa6: {  	s5 =	sshll.u32 s26, $0x1;
	_ =	strace $0x80000046;
	[dreg:$0x1] =	wrdreg $0xFFFFFFFF  }
0xa7: {  	s28 =	simm.s32 $_size_execute0_lowered;
	s3 =	sadd.s32 s3, s5;
	[dreg:$0x0] =	wrdreg $0x0  }
0xa8: {  	s5 =	sshll.u32 s28, $0x1;
	[dreg:$0x2] =	wrdreg s3  }
0xa9: {  	[dreg:$0x3] =	wrdreg s5  }
0xaa: {  	[dreg:$0x4] =	wrdreg $0xC0  }
0xab: {  	_ =	task [dreg:s7], $0x5FFFF  }
0xac: {  	[dreg:$0x1] =	wrdreg $0xFFFFFFFF  }
0xad: {  	[dreg:$0x0] =	wrdreg $0x60  }
0xae: {  	[dreg:$0x2] =	wrdreg s24  }
0xaf: {  	[dreg:$0x3] =	wrdreg s2  }
0xb0: {  	[dreg:$0x4] =	wrdreg $0x3E000  }
0xb1: {  	[dreg:$0x5] =	wrdreg $0x9  }
0xb2: {  	_ =	task.clear_ibuf [dreg:s7], $0x6FFFF;
	_ =	strace $0x90000046  }
0xb3: {  	s29 =	simm.s32 $0x9;
	_ =	strace $0x80000048  }
0xb4: {  	_ =	swait.ge [sflag:s29], $0x1  }
0xb5: {  	[sflag:s29] =	ssyncadd.s32 $0xFFFFFFFF  }
0xb6: {  	_ =	strace $0x90000048  }
0xb7: {  	_ =	sfence  }
0xb8: {  	s30 =	sld [smem:$0x0];
	_ =	sdelay $0x2  }
0xb9: {  	s31 =	sshll.u32 s1, $0xD;
	s1 =	sshrl.u32 s1, $0x2  }
0xba: {  	s3 =	sand.u32 $0x4000, s31;
	s1 =	sadd.s32 s1, s30  }
0xbb: {  	s0 =	sor.u32 s3, s0;
	s1 =	sshll.u32 s1, $0x11  }
0xbc: {  	s0 =	sor.u32 s1, s0  }
0xbd: {  	s0 =	sadd.s32 $0x8F2B, s0  }
0xbe: {  	[sflag:s0] =	ssyncadd.remote.s32 $0x1  }
0xbf: {  	_ =	sfence.sel $0xFFFF  }
0xc0: {  	[dreg:$0x0] =	wrdreg $0xFFFFFFFF;
	(pc) =	sbr.abs _section_cstart, $3  }
0xc1: {  	[dreg:$0x1] =	wrdreg $0xFFFFFFFF  }
0xc2: {  	_ =	task.clear_ibuf [dreg:s7], $0x2FFFF;
	_ =	strace $0x9FFFFFFF  }
0xc3: {  	(tm) =	ssettm $0x7FFFFFFF  }
tec
execute0_lowered:
.L_overlay_start_1:
0x0: {  	(tag) =	ssettag $0x1  }
0x1: {  	s0 =	rddreg [dreg:$0x0]  }
0x2: {  	s2 =	rddreg [dreg:$0x1]  }
0x3: {  	s1 =	rddreg [dreg:$0x2]  }
0x4: {  	s3 =	srdreg.scid;
	s7 =	stileid.u32  }
0x5: {  	s15 =	simm.s32 $0x1;
	s16 =	simm.s32 $0x80;
	s17 =	simm.s32 $0x3100  }
0x6: {  	s19 =	simm.s32 $0x1880;
	s20 =	simm.s32 $0x2;
	s12 =	simm.s32 $0x2B80  }
0x7: {  	s13 =	simm.s32 $0x2C80;
	s14 =	simm.s32 $0x2D00;
	s18 =	simm.s32 $0x2D80  }
0x8: {  	s21 =	simm.s32 $0x2E00;
	s22 =	simm.s32 $0x2E80;
	s23 =	simm.s32 $0x2F00  }
0x9: {  	s28 =	simm.s32 $0x3;
	s29 =	simm.s32 $0x4;
	s5 =	sand.u32 $0x1, s3  }
0xa: {  	s31 =	simm.s32 $0x0;
	s3 =	simm.s32 $0x0;
	s4 =	sshll.u32 s5, $0x4  }
0xb: {  	[smem:$0x7FF] =	sst s3;
	s8 =	ssub.s32 $0x2, s5;
	s5 =	smul.u32 $0xC800, s5  }
0xc: {  	s6 =	sor.u32 s7, s4;
	s7 =	smul.u32 $0xC80, s7;
	_ =	strace $0x80000047  }
0xd: {  	s4 =	sadd.s32 $0x1800, s0;
	s10 =	sshrl.u32 s8, $0x1;
	s9 =	smul.u32 $0x3100, s6  }
0xe: {  	s0 =	sadd.s32 $0x63800, s0;
	[dreg:$0xa] =	wrdreg s31;
	s11 =	smul.u32 $0x18800, s6  }
0xf: {  	[dreg:$0x4] =	wrdreg s0;
	s24 =	ssub.s32 s8, s10;
	s6 =	smul.u32 $0x310, s6  }
0x10: {  	s30 =	sadd.s32 s7, s1;
	s5 =	sadd.s32 s7, s5;
	s0 =	smax.u32 s24, $0x1  }
0x11: {  	s7 =	simm.s32 $0x2A00;
	s24 =	simm.s32 $0x2F80;
	s25 =	sshrl.u32 s11, $0x3  }
0x12: {  	s9 =	sadd.s32 s4, s9;
	s5 =	sshrl.u32 s5, $0x3;
	[dreg:$0x9] =	wrdreg s0  }
0x13: {  	s10 =	sadd.s32 $0x93, s6;
	s11 =	simm.s32 $0x2B00;
	[dreg:$0x5] =	wrdreg s30  }
0x14: {  	[dreg:$0x6] =	wrdreg s9;
	s8 =	sadd.s32 s4, s25;
	s9 =	sadd.s32 $0x62, s6  }
0x15: {  	s2 =	sadd.s32 s2, s5;
	s6 =	simm.s32 $0x2C00;
	s25 =	simm.s32 $0x3000  }
0x16: {  	s26 =	sadd.s32 $0x310, s8;
	[dreg:$0x8] =	wrdreg s2;
	s2 =	simm.s32 $0x2900  }
0x17: {  	v0 =	vimm.f32 $1.000000000e+00;
	s8 =	simm.s32 $0x2A80;
	[dreg:$0x7] =	wrdreg s26;
	s26 =	simm.s32 $0x3080  }
.LBB2_1:
0x18: {  	[tilespmem:$0x3100] =	vst v0  }
0x19: {  	[tilespmem:$0x3110] =	vst v0  }
0x1a: {  	[tilespmem:$0x3120] =	vst v0  }
0x1b: {  	[tilespmem:$0x3130] =	vst v0  }
0x1c: {  	[tilespmem:$0x3140] =	vst v0  }
0x1d: {  	[tilespmem:$0x3150] =	vst v0  }
0x1e: {  	[tilespmem:$0x3160] =	vst v0;
	s5 =	smov.u32 s30  }
0x1f: {  	[tilespmem:$0x3170] =	vst v0;
	s30 =	simm.s32 $0x5;
	s0 =	rddreg [dreg:$0x4];
	s31 =	simm.s32 $0x3180  }
0x20: {  	[tilespmem:s31], [sflag:$0x5] =	stream.linear.gather [hbm4b:s0+s3], $0xC80, $0x38;
	[tilespmem:$0x4A80] =	vst v63  }
0x21: {  	_ =	swait.ge [sflag:s30], $0xC80  }
0x22: {  	[sflag:s30] =	ssyncset.done $0x0  }
0x23: {  	[sflag:s30] =	ssyncadd.s32 $0xFFFFF380  }
0x24: {  	[spmem:s5] =	stream.linear.scatter [tilespmem:s31], [sflag:$0x5], $0xC80, $0x38;
	[tilespmem:$0x4A80] =	vst v63  }
0x25: {  	_ =	swait.ge [sflag:s30], $0xC80  }
0x26: {  	[sflag:s30] =	ssyncset.done $0x0  }
0x27: {  	[sflag:s30] =	ssyncadd.s32 $0xFFFFF380  }
0x28: {  	[bflag:$0x0] =	sbarrier.arrive $0xFFFF  }
0x29: {  	s31 =	rddreg [dreg:$0x6]  }
0x2a: {  	[tilespmem:s3], [sflag:$0x1] =	stream.linear.gather [hbm4b:s31+s3], $0x1880, $0x38;
	[tilespmem:$0x4A80] =	vst v63  }
0x2b: {  	_ =	swait.ge [sflag:s15], $0x1880  }
0x2c: {  	[sflag:s15] =	ssyncset.done $0x0  }
0x2d: {  	[sflag:s15] =	ssyncadd.s32 $0xFFFFE780  }
0x2e: {  	[spmem:s1] =	stream.indirect.scatter.add.f32 [tilespmem:s17], [sflag:$0x3], $0x1, s3, s16, $0xb8;
	[tilespmem:$0x4A80] =	vst v63  }
0x2f: {  	_ = 	snop  }
0x30: {  	[spmem:s1] =	stream.indirect.scatter.add.f32 [tilespmem:s17], [sflag:$0x3], $0x1, s16, s16, $0xb8;
	[tilespmem:$0x4A80] =	vst v63  }
0x31: {  	s31 =	simm.s32 $0x100  }
0x32: {  	[spmem:s1] =	stream.indirect.scatter.add.f32 [tilespmem:s17], [sflag:$0x3], $0x1, s31, s16, $0xb8;
	[tilespmem:$0x4A80] =	vst v63  }
0x33: {  	s31 =	simm.s32 $0x180  }
0x34: {  	[spmem:s1] =	stream.indirect.scatter.add.f32 [tilespmem:s17], [sflag:$0x3], $0x1, s31, s16, $0xb8;
	[tilespmem:$0x4A80] =	vst v63  }
0x35: {  	s31 =	simm.s32 $0x200  }
0x36: {  	[spmem:s1] =	stream.indirect.scatter.add.f32 [tilespmem:s17], [sflag:$0x3], $0x1, s31, s16, $0xb8;
	[tilespmem:$0x4A80] =	vst v63  }
0x37: {  	s31 =	simm.s32 $0x280  }
0x38: {  	[spmem:s1] =	stream.indirect.scatter.add.f32 [tilespmem:s17], [sflag:$0x3], $0x1, s31, s16, $0xb8;
	[tilespmem:$0x4A80] =	vst v63  }
0x39: {  	s31 =	simm.s32 $0x300  }
0x3a: {  	[spmem:s1] =	stream.indirect.scatter.add.f32 [tilespmem:s17], [sflag:$0x3], $0x1, s31, s16, $0xb8;
	[tilespmem:$0x4A80] =	vst v63  }
0x3b: {  	s31 =	simm.s32 $0x380  }
0x3c: {  	[spmem:s1] =	stream.indirect.scatter.add.f32 [tilespmem:s17], [sflag:$0x3], $0x1, s31, s16, $0xb8;
	[tilespmem:$0x4A80] =	vst v63  }
0x3d: {  	s31 =	simm.s32 $0x400  }
0x3e: {  	[spmem:s1] =	stream.indirect.scatter.add.f32 [tilespmem:s17], [sflag:$0x3], $0x1, s31, s16, $0xb8;
	[tilespmem:$0x4A80] =	vst v63  }
0x3f: {  	s31 =	simm.s32 $0x480  }
0x40: {  	[spmem:s1] =	stream.indirect.scatter.add.f32 [tilespmem:s17], [sflag:$0x3], $0x1, s31, s16, $0xb8;
	[tilespmem:$0x4A80] =	vst v63  }
0x41: {  	s31 =	simm.s32 $0x500  }
0x42: {  	[spmem:s1] =	stream.indirect.scatter.add.f32 [tilespmem:s17], [sflag:$0x3], $0x1, s31, s16, $0xb8;
	[tilespmem:$0x4A80] =	vst v63  }
0x43: {  	s31 =	simm.s32 $0x580  }
0x44: {  	[spmem:s1] =	stream.indirect.scatter.add.f32 [tilespmem:s17], [sflag:$0x3], $0x1, s31, s16, $0xb8;
	[tilespmem:$0x4A80] =	vst v63  }
0x45: {  	s31 =	simm.s32 $0x600  }
0x46: {  	[spmem:s1] =	stream.indirect.scatter.add.f32 [tilespmem:s17], [sflag:$0x3], $0x1, s31, s16, $0xb8;
	[tilespmem:$0x4A80] =	vst v63  }
0x47: {  	s31 =	simm.s32 $0x680  }
0x48: {  	[spmem:s1] =	stream.indirect.scatter.add.f32 [tilespmem:s17], [sflag:$0x3], $0x1, s31, s16, $0xb8;
	[tilespmem:$0x4A80] =	vst v63  }
0x49: {  	s31 =	simm.s32 $0x700  }
0x4a: {  	[spmem:s1] =	stream.indirect.scatter.add.f32 [tilespmem:s17], [sflag:$0x3], $0x1, s31, s16, $0xb8;
	[tilespmem:$0x4A80] =	vst v63  }
0x4b: {  	s31 =	simm.s32 $0x780  }
0x4c: {  	[spmem:s1] =	stream.indirect.scatter.add.f32 [tilespmem:s17], [sflag:$0x3], $0x1, s31, s16, $0xb8;
	[tilespmem:$0x4A80] =	vst v63  }
0x4d: {  	s31 =	simm.s32 $0x800  }
0x4e: {  	[spmem:s1] =	stream.indirect.scatter.add.f32 [tilespmem:s17], [sflag:$0x3], $0x1, s31, s16, $0xb8;
	[tilespmem:$0x4A80] =	vst v63  }
0x4f: {  	s31 =	simm.s32 $0x880  }
0x50: {  	[spmem:s1] =	stream.indirect.scatter.add.f32 [tilespmem:s17], [sflag:$0x3], $0x1, s31, s16, $0xb8;
	[tilespmem:$0x4A80] =	vst v63  }
0x51: {  	s31 =	simm.s32 $0x900  }
0x52: {  	[spmem:s1] =	stream.indirect.scatter.add.f32 [tilespmem:s17], [sflag:$0x3], $0x1, s31, s16, $0xb8;
	[tilespmem:$0x4A80] =	vst v63  }
0x53: {  	s31 =	simm.s32 $0x980  }
0x54: {  	[spmem:s1] =	stream.indirect.scatter.add.f32 [tilespmem:s17], [sflag:$0x3], $0x1, s31, s16, $0xb8;
	[tilespmem:$0x4A80] =	vst v63  }
0x55: {  	s31 =	simm.s32 $0xA00  }
0x56: {  	[spmem:s1] =	stream.indirect.scatter.add.f32 [tilespmem:s17], [sflag:$0x3], $0x1, s31, s16, $0xb8;
	[tilespmem:$0x4A80] =	vst v63  }
0x57: {  	s31 =	simm.s32 $0xA80  }
0x58: {  	[spmem:s1] =	stream.indirect.scatter.add.f32 [tilespmem:s17], [sflag:$0x3], $0x1, s31, s16, $0xb8;
	[tilespmem:$0x4A80] =	vst v63  }
0x59: {  	s31 =	simm.s32 $0xB00  }
0x5a: {  	[spmem:s1] =	stream.indirect.scatter.add.f32 [tilespmem:s17], [sflag:$0x3], $0x1, s31, s16, $0xb8;
	[tilespmem:$0x4A80] =	vst v63  }
0x5b: {  	s31 =	simm.s32 $0xB80  }
0x5c: {  	[spmem:s1] =	stream.indirect.scatter.add.f32 [tilespmem:s17], [sflag:$0x3], $0x1, s31, s16, $0xb8;
	[tilespmem:$0x4A80] =	vst v63  }
0x5d: {  	s31 =	simm.s32 $0xC00  }
0x5e: {  	[spmem:s1] =	stream.indirect.scatter.add.f32 [tilespmem:s17], [sflag:$0x3], $0x1, s31, s16, $0xb8;
	[tilespmem:$0x4A80] =	vst v63  }
0x5f: {  	s31 =	simm.s32 $0xC80  }
0x60: {  	[spmem:s1] =	stream.indirect.scatter.add.f32 [tilespmem:s17], [sflag:$0x3], $0x1, s31, s16, $0xb8;
	[tilespmem:$0x4A80] =	vst v63  }
0x61: {  	s31 =	simm.s32 $0xD00  }
0x62: {  	[spmem:s1] =	stream.indirect.scatter.add.f32 [tilespmem:s17], [sflag:$0x3], $0x1, s31, s16, $0xb8;
	[tilespmem:$0x4A80] =	vst v63  }
0x63: {  	s31 =	simm.s32 $0xD80  }
0x64: {  	[spmem:s1] =	stream.indirect.scatter.add.f32 [tilespmem:s17], [sflag:$0x3], $0x1, s31, s16, $0xb8;
	[tilespmem:$0x4A80] =	vst v63  }
0x65: {  	s31 =	simm.s32 $0xE00  }
0x66: {  	[spmem:s1] =	stream.indirect.scatter.add.f32 [tilespmem:s17], [sflag:$0x3], $0x1, s31, s16, $0xb8;
	[tilespmem:$0x4A80] =	vst v63  }
0x67: {  	s31 =	simm.s32 $0xE80  }
0x68: {  	[spmem:s1] =	stream.indirect.scatter.add.f32 [tilespmem:s17], [sflag:$0x3], $0x1, s31, s16, $0xb8;
	[tilespmem:$0x4A80] =	vst v63  }
0x69: {  	s31 =	simm.s32 $0xF00  }
0x6a: {  	[spmem:s1] =	stream.indirect.scatter.add.f32 [tilespmem:s17], [sflag:$0x3], $0x1, s31, s16, $0xb8;
	[tilespmem:$0x4A80] =	vst v63  }
0x6b: {  	s31 =	simm.s32 $0xF80  }
0x6c: {  	[spmem:s1] =	stream.indirect.scatter.add.f32 [tilespmem:s17], [sflag:$0x3], $0x1, s31, s16, $0xb8;
	[tilespmem:$0x4A80] =	vst v63  }
0x6d: {  	s31 =	simm.s32 $0x1000  }
0x6e: {  	[spmem:s1] =	stream.indirect.scatter.add.f32 [tilespmem:s17], [sflag:$0x3], $0x1, s31, s16, $0xb8;
	[tilespmem:$0x4A80] =	vst v63  }
0x6f: {  	s31 =	simm.s32 $0x1080  }
0x70: {  	[spmem:s1] =	stream.indirect.scatter.add.f32 [tilespmem:s17], [sflag:$0x3], $0x1, s31, s16, $0xb8;
	[tilespmem:$0x4A80] =	vst v63  }
0x71: {  	s31 =	simm.s32 $0x1100  }
0x72: {  	[spmem:s1] =	stream.indirect.scatter.add.f32 [tilespmem:s17], [sflag:$0x3], $0x1, s31, s16, $0xb8;
	[tilespmem:$0x4A80] =	vst v63  }
0x73: {  	s31 =	simm.s32 $0x1180  }
0x74: {  	[spmem:s1] =	stream.indirect.scatter.add.f32 [tilespmem:s17], [sflag:$0x3], $0x1, s31, s16, $0xb8;
	[tilespmem:$0x4A80] =	vst v63  }
0x75: {  	s31 =	simm.s32 $0x1200  }
0x76: {  	[spmem:s1] =	stream.indirect.scatter.add.f32 [tilespmem:s17], [sflag:$0x3], $0x1, s31, s16, $0xb8;
	[tilespmem:$0x4A80] =	vst v63  }
0x77: {  	s31 =	simm.s32 $0x1280  }
0x78: {  	[spmem:s1] =	stream.indirect.scatter.add.f32 [tilespmem:s17], [sflag:$0x3], $0x1, s31, s16, $0xb8;
	[tilespmem:$0x4A80] =	vst v63  }
0x79: {  	s31 =	simm.s32 $0x1300  }
0x7a: {  	[spmem:s1] =	stream.indirect.scatter.add.f32 [tilespmem:s17], [sflag:$0x3], $0x1, s31, s16, $0xb8;
	[tilespmem:$0x4A80] =	vst v63  }
0x7b: {  	s31 =	simm.s32 $0x1380  }
0x7c: {  	[spmem:s1] =	stream.indirect.scatter.add.f32 [tilespmem:s17], [sflag:$0x3], $0x1, s31, s16, $0xb8;
	[tilespmem:$0x4A80] =	vst v63  }
0x7d: {  	s31 =	simm.s32 $0x1400  }
0x7e: {  	[spmem:s1] =	stream.indirect.scatter.add.f32 [tilespmem:s17], [sflag:$0x3], $0x1, s31, s16, $0xb8;
	[tilespmem:$0x4A80] =	vst v63  }
0x7f: {  	s31 =	simm.s32 $0x1480  }
0x80: {  	[spmem:s1] =	stream.indirect.scatter.add.f32 [tilespmem:s17], [sflag:$0x3], $0x1, s31, s16, $0xb8;
	[tilespmem:$0x4A80] =	vst v63  }
0x81: {  	s31 =	simm.s32 $0x1500  }
0x82: {  	[spmem:s1] =	stream.indirect.scatter.add.f32 [tilespmem:s17], [sflag:$0x3], $0x1, s31, s16, $0xb8;
	[tilespmem:$0x4A80] =	vst v63  }
0x83: {  	s31 =	simm.s32 $0x1580  }
0x84: {  	[spmem:s1] =	stream.indirect.scatter.add.f32 [tilespmem:s17], [sflag:$0x3], $0x1, s31, s16, $0xb8;
	[tilespmem:$0x4A80] =	vst v63  }
0x85: {  	s31 =	simm.s32 $0x1600  }
0x86: {  	[spmem:s1] =	stream.indirect.scatter.add.f32 [tilespmem:s17], [sflag:$0x3], $0x1, s31, s16, $0xb8;
	[tilespmem:$0x4A80] =	vst v63  }
0x87: {  	s31 =	simm.s32 $0x1680  }
0x88: {  	[spmem:s1] =	stream.indirect.scatter.add.f32 [tilespmem:s17], [sflag:$0x3], $0x1, s31, s16, $0xb8;
	[tilespmem:$0x4A80] =	vst v63  }
0x89: {  	s31 =	simm.s32 $0x1700  }
0x8a: {  	[spmem:s1] =	stream.indirect.scatter.add.f32 [tilespmem:s17], [sflag:$0x3], $0x1, s31, s16, $0xb8;
	[tilespmem:$0x4A80] =	vst v63  }
0x8b: {  	s31 =	simm.s32 $0x1780  }
0x8c: {  	[spmem:s1] =	stream.indirect.scatter.add.f32 [tilespmem:s17], [sflag:$0x3], $0x1, s31, s16, $0xb8;
	[tilespmem:$0x4A80] =	vst v63  }
0x8d: {  	s31 =	simm.s32 $0x1800  }
0x8e: {  	[spmem:s1] =	stream.indirect.scatter.add.f32 [tilespmem:s17], [sflag:$0x3], $0x1, s31, s16, $0xb8;
	[tilespmem:$0x4A80] =	vst v63  }
0x8f: {  	s5 =	simm.s32 $0x2980;
	s30 =	simm.s32 $0x0;
	s31 =	rddreg [dreg:$0x7]  }
0x90: {  	[tilespmem:s19], [sflag:$0x2] =	stream.linear.gather [hbm4b:s31+s3], $0x1880, $0x38;
	[tilespmem:$0x4A80] =	vst v63  }
.LBB2_2:
0x91: {  	_ =	swait.ge [sflag:s20], $0x1880  }
0x92: {  	[sflag:s20] =	ssyncset.done $0x0  }
0x93: {  	[sflag:s20] =	ssyncadd.s32 $0xFFFFE780  }
0x94: {  	[spmem:s1] =	stream.indirect.scatter.add.f32 [tilespmem:s17], [sflag:$0x4], $0x1, s19, s16, $0xb8;
	[tilespmem:$0x4A80] =	vst v63  }
0x95: {  	s0 =	simm.s32 $0x1900  }
0x96: {  	[spmem:s1] =	stream.indirect.scatter.add.f32 [tilespmem:s17], [sflag:$0x4], $0x1, s0, s16, $0xb8;
	[tilespmem:$0x4A80] =	vst v63  }
0x97: {  	s0 =	simm.s32 $0x1980  }
0x98: {  	[spmem:s1] =	stream.indirect.scatter.add.f32 [tilespmem:s17], [sflag:$0x4], $0x1, s0, s16, $0xb8;
	[tilespmem:$0x4A80] =	vst v63  }
0x99: {  	s0 =	simm.s32 $0x1A00  }
0x9a: {  	[spmem:s1] =	stream.indirect.scatter.add.f32 [tilespmem:s17], [sflag:$0x4], $0x1, s0, s16, $0xb8;
	[tilespmem:$0x4A80] =	vst v63  }
0x9b: {  	s0 =	simm.s32 $0x1A80  }
0x9c: {  	[spmem:s1] =	stream.indirect.scatter.add.f32 [tilespmem:s17], [sflag:$0x4], $0x1, s0, s16, $0xb8;
	[tilespmem:$0x4A80] =	vst v63  }
0x9d: {  	s0 =	simm.s32 $0x1B00  }
0x9e: {  	[spmem:s1] =	stream.indirect.scatter.add.f32 [tilespmem:s17], [sflag:$0x4], $0x1, s0, s16, $0xb8;
	[tilespmem:$0x4A80] =	vst v63  }
0x9f: {  	s0 =	simm.s32 $0x1B80  }
0xa0: {  	[spmem:s1] =	stream.indirect.scatter.add.f32 [tilespmem:s17], [sflag:$0x4], $0x1, s0, s16, $0xb8;
	[tilespmem:$0x4A80] =	vst v63  }
0xa1: {  	s0 =	simm.s32 $0x1C00  }
0xa2: {  	[spmem:s1] =	stream.indirect.scatter.add.f32 [tilespmem:s17], [sflag:$0x4], $0x1, s0, s16, $0xb8;
	[tilespmem:$0x4A80] =	vst v63  }
0xa3: {  	s0 =	simm.s32 $0x1C80  }
0xa4: {  	[spmem:s1] =	stream.indirect.scatter.add.f32 [tilespmem:s17], [sflag:$0x4], $0x1, s0, s16, $0xb8;
	[tilespmem:$0x4A80] =	vst v63  }
0xa5: {  	s0 =	simm.s32 $0x1D00  }
0xa6: {  	[spmem:s1] =	stream.indirect.scatter.add.f32 [tilespmem:s17], [sflag:$0x4], $0x1, s0, s16, $0xb8;
	[tilespmem:$0x4A80] =	vst v63  }
0xa7: {  	s0 =	simm.s32 $0x1D80  }
0xa8: {  	[spmem:s1] =	stream.indirect.scatter.add.f32 [tilespmem:s17], [sflag:$0x4], $0x1, s0, s16, $0xb8;
	[tilespmem:$0x4A80] =	vst v63  }
0xa9: {  	s0 =	simm.s32 $0x1E00  }
0xaa: {  	[spmem:s1] =	stream.indirect.scatter.add.f32 [tilespmem:s17], [sflag:$0x4], $0x1, s0, s16, $0xb8;
	[tilespmem:$0x4A80] =	vst v63  }
0xab: {  	s0 =	simm.s32 $0x1E80  }
0xac: {  	[spmem:s1] =	stream.indirect.scatter.add.f32 [tilespmem:s17], [sflag:$0x4], $0x1, s0, s16, $0xb8;
	[tilespmem:$0x4A80] =	vst v63  }
0xad: {  	s0 =	simm.s32 $0x1F00  }
0xae: {  	[spmem:s1] =	stream.indirect.scatter.add.f32 [tilespmem:s17], [sflag:$0x4], $0x1, s0, s16, $0xb8;
	[tilespmem:$0x4A80] =	vst v63  }
0xaf: {  	s0 =	simm.s32 $0x1F80  }
0xb0: {  	[spmem:s1] =	stream.indirect.scatter.add.f32 [tilespmem:s17], [sflag:$0x4], $0x1, s0, s16, $0xb8;
	[tilespmem:$0x4A80] =	vst v63  }
0xb1: {  	s0 =	simm.s32 $0x2000  }
0xb2: {  	[spmem:s1] =	stream.indirect.scatter.add.f32 [tilespmem:s17], [sflag:$0x4], $0x1, s0, s16, $0xb8;
	[tilespmem:$0x4A80] =	vst v63  }
0xb3: {  	s0 =	simm.s32 $0x2080  }
0xb4: {  	[spmem:s1] =	stream.indirect.scatter.add.f32 [tilespmem:s17], [sflag:$0x4], $0x1, s0, s16, $0xb8;
	[tilespmem:$0x4A80] =	vst v63  }
0xb5: {  	s0 =	simm.s32 $0x2100  }
0xb6: {  	[spmem:s1] =	stream.indirect.scatter.add.f32 [tilespmem:s17], [sflag:$0x4], $0x1, s0, s16, $0xb8;
	[tilespmem:$0x4A80] =	vst v63  }
0xb7: {  	s0 =	simm.s32 $0x2180  }
0xb8: {  	[spmem:s1] =	stream.indirect.scatter.add.f32 [tilespmem:s17], [sflag:$0x4], $0x1, s0, s16, $0xb8;
	[tilespmem:$0x4A80] =	vst v63  }
0xb9: {  	s0 =	simm.s32 $0x2200  }
0xba: {  	[spmem:s1] =	stream.indirect.scatter.add.f32 [tilespmem:s17], [sflag:$0x4], $0x1, s0, s16, $0xb8;
	[tilespmem:$0x4A80] =	vst v63  }
0xbb: {  	s0 =	simm.s32 $0x2280  }
0xbc: {  	[spmem:s1] =	stream.indirect.scatter.add.f32 [tilespmem:s17], [sflag:$0x4], $0x1, s0, s16, $0xb8;
	[tilespmem:$0x4A80] =	vst v63  }
0xbd: {  	s0 =	simm.s32 $0x2300  }
0xbe: {  	[spmem:s1] =	stream.indirect.scatter.add.f32 [tilespmem:s17], [sflag:$0x4], $0x1, s0, s16, $0xb8;
	[tilespmem:$0x4A80] =	vst v63  }
0xbf: {  	s0 =	simm.s32 $0x2380  }
0xc0: {  	[spmem:s1] =	stream.indirect.scatter.add.f32 [tilespmem:s17], [sflag:$0x4], $0x1, s0, s16, $0xb8;
	[tilespmem:$0x4A80] =	vst v63  }
0xc1: {  	s0 =	simm.s32 $0x2400  }
0xc2: {  	[spmem:s1] =	stream.indirect.scatter.add.f32 [tilespmem:s17], [sflag:$0x4], $0x1, s0, s16, $0xb8;
	[tilespmem:$0x4A80] =	vst v63  }
0xc3: {  	s0 =	simm.s32 $0x2480  }
0xc4: {  	[spmem:s1] =	stream.indirect.scatter.add.f32 [tilespmem:s17], [sflag:$0x4], $0x1, s0, s16, $0xb8;
	[tilespmem:$0x4A80] =	vst v63  }
0xc5: {  	s0 =	simm.s32 $0x2500  }
0xc6: {  	[spmem:s1] =	stream.indirect.scatter.add.f32 [tilespmem:s17], [sflag:$0x4], $0x1, s0, s16, $0xb8;
	[tilespmem:$0x4A80] =	vst v63  }
0xc7: {  	s0 =	simm.s32 $0x2580  }
0xc8: {  	[spmem:s1] =	stream.indirect.scatter.add.f32 [tilespmem:s17], [sflag:$0x4], $0x1, s0, s16, $0xb8;
	[tilespmem:$0x4A80] =	vst v63  }
0xc9: {  	s0 =	simm.s32 $0x2600  }
0xca: {  	[spmem:s1] =	stream.indirect.scatter.add.f32 [tilespmem:s17], [sflag:$0x4], $0x1, s0, s16, $0xb8;
	[tilespmem:$0x4A80] =	vst v63  }
0xcb: {  	s0 =	simm.s32 $0x2680  }
0xcc: {  	[spmem:s1] =	stream.indirect.scatter.add.f32 [tilespmem:s17], [sflag:$0x4], $0x1, s0, s16, $0xb8;
	[tilespmem:$0x4A80] =	vst v63  }
0xcd: {  	s0 =	simm.s32 $0x2700  }
0xce: {  	[spmem:s1] =	stream.indirect.scatter.add.f32 [tilespmem:s17], [sflag:$0x4], $0x1, s0, s16, $0xb8;
	[tilespmem:$0x4A80] =	vst v63  }
0xcf: {  	s0 =	simm.s32 $0x2780  }
0xd0: {  	[spmem:s1] =	stream.indirect.scatter.add.f32 [tilespmem:s17], [sflag:$0x4], $0x1, s0, s16, $0xb8;
	[tilespmem:$0x4A80] =	vst v63  }
0xd1: {  	s0 =	simm.s32 $0x2800  }
0xd2: {  	[spmem:s1] =	stream.indirect.scatter.add.f32 [tilespmem:s17], [sflag:$0x4], $0x1, s0, s16, $0xb8;
	[tilespmem:$0x4A80] =	vst v63  }
0xd3: {  	s0 =	simm.s32 $0x2880  }
0xd4: {  	[spmem:s1] =	stream.indirect.scatter.add.f32 [tilespmem:s17], [sflag:$0x4], $0x1, s0, s16, $0xb8;
	[tilespmem:$0x4A80] =	vst v63  }
0xd5: {  	_ = 	snop  }
0xd6: {  	[spmem:s1] =	stream.indirect.scatter.add.f32 [tilespmem:s17], [sflag:$0x4], $0x1, s2, s16, $0xb8;
	[tilespmem:$0x4A80] =	vst v63  }
0xd7: {  	_ = 	snop  }
0xd8: {  	[spmem:s1] =	stream.indirect.scatter.add.f32 [tilespmem:s17], [sflag:$0x4], $0x1, s5, s16, $0xb8;
	[tilespmem:$0x4A80] =	vst v63  }
0xd9: {  	_ = 	snop  }
0xda: {  	[spmem:s1] =	stream.indirect.scatter.add.f32 [tilespmem:s17], [sflag:$0x4], $0x1, s7, s16, $0xb8;
	[tilespmem:$0x4A80] =	vst v63  }
0xdb: {  	_ = 	snop  }
0xdc: {  	[spmem:s1] =	stream.indirect.scatter.add.f32 [tilespmem:s17], [sflag:$0x4], $0x1, s8, s16, $0xb8;
	[tilespmem:$0x4A80] =	vst v63  }
0xdd: {  	_ = 	snop  }
0xde: {  	[spmem:s1] =	stream.indirect.scatter.add.f32 [tilespmem:s17], [sflag:$0x4], $0x1, s11, s16, $0xb8;
	[tilespmem:$0x4A80] =	vst v63  }
0xdf: {  	_ = 	snop  }
0xe0: {  	[spmem:s1] =	stream.indirect.scatter.add.f32 [tilespmem:s17], [sflag:$0x4], $0x1, s12, s16, $0xb8;
	[tilespmem:$0x4A80] =	vst v63  }
0xe1: {  	_ = 	snop  }
0xe2: {  	[spmem:s1] =	stream.indirect.scatter.add.f32 [tilespmem:s17], [sflag:$0x4], $0x1, s6, s16, $0xb8;
	[tilespmem:$0x4A80] =	vst v63  }
0xe3: {  	_ = 	snop  }
0xe4: {  	[spmem:s1] =	stream.indirect.scatter.add.f32 [tilespmem:s17], [sflag:$0x4], $0x1, s13, s16, $0xb8;
	[tilespmem:$0x4A80] =	vst v63  }
0xe5: {  	_ = 	snop  }
0xe6: {  	[spmem:s1] =	stream.indirect.scatter.add.f32 [tilespmem:s17], [sflag:$0x4], $0x1, s14, s16, $0xb8;
	[tilespmem:$0x4A80] =	vst v63  }
0xe7: {  	_ = 	snop  }
0xe8: {  	[spmem:s1] =	stream.indirect.scatter.add.f32 [tilespmem:s17], [sflag:$0x4], $0x1, s18, s16, $0xb8;
	[tilespmem:$0x4A80] =	vst v63  }
0xe9: {  	_ = 	snop  }
0xea: {  	[spmem:s1] =	stream.indirect.scatter.add.f32 [tilespmem:s17], [sflag:$0x4], $0x1, s21, s16, $0xb8;
	[tilespmem:$0x4A80] =	vst v63  }
0xeb: {  	_ = 	snop  }
0xec: {  	[spmem:s1] =	stream.indirect.scatter.add.f32 [tilespmem:s17], [sflag:$0x4], $0x1, s22, s16, $0xb8;
	[tilespmem:$0x4A80] =	vst v63  }
0xed: {  	_ = 	snop  }
0xee: {  	[spmem:s1] =	stream.indirect.scatter.add.f32 [tilespmem:s17], [sflag:$0x4], $0x1, s23, s16, $0xb8;
	[tilespmem:$0x4A80] =	vst v63  }
0xef: {  	_ = 	snop  }
0xf0: {  	[spmem:s1] =	stream.indirect.scatter.add.f32 [tilespmem:s17], [sflag:$0x4], $0x1, s24, s16, $0xb8;
	[tilespmem:$0x4A80] =	vst v63  }
0xf1: {  	_ = 	snop  }
0xf2: {  	[spmem:s1] =	stream.indirect.scatter.add.f32 [tilespmem:s17], [sflag:$0x4], $0x1, s25, s16, $0xb8;
	[tilespmem:$0x4A80] =	vst v63  }
0xf3: {  	_ = 	snop  }
0xf4: {  	[spmem:s1] =	stream.indirect.scatter.add.f32 [tilespmem:s17], [sflag:$0x4], $0x1, s26, s16, $0xb8;
	[tilespmem:$0x4A80] =	vst v63  }
0xf5: {  	_ =	swait.ge [sflag:s28], $0x80  }
0xf6: {  	s31 =	simm.s32 $0x30;
	[sflag:s28] =	ssyncset.done $0x0  }
.LBB2_3:
0xf7: {  	p0 =	sne.s32 s31, $0x1;
	s31 =	sadd.s32 $0xFFFFFFFF, s31;
	[sflag:s28] =	ssyncadd.s32 $0xFFFFFF80  }
.Ltmp0:
0xf8: {  	(pc) =	sbr.rel @p0 .LBB2_3-.Ltmp0, $3  }
0xf9: {  	_ =	sdelay $0x1  }
0xfa: {  	_ =	swait.ge [sflag:s28], $0x80  }
0xfb: {  	[sflag:s28] =	ssyncset.done $0x0  }
0xfc: {  	s31 =	smul.u32 $0x62, s30;
	_ =	sdelay $0x1  }
0xfd: {  	s0 =	sadd.s32 s31, s9  }
0xfe: {  	s0 =	sshll.u32 s0, $0x4  }
0xff: {  	s0 =	sand.u32 $0x1FFFFFE0, s0  }
0x100: {  	[sflag:s28] =	ssyncadd.s32 $0xFFFFFF80;
	s0 =	sadd.s32 s4, s0  }
0x101: {  	[tilespmem:s3], [sflag:$0x1] =	stream.linear.gather [hbm4b:s0+s3], $0x1880, $0x38;
	[tilespmem:$0x4A80] =	vst v63  }
0x102: {  	_ =	swait.ge [sflag:s15], $0x1880  }
0x103: {  	[sflag:s15] =	ssyncset.done $0x0  }
0x104: {  	[sflag:s15] =	ssyncadd.s32 $0xFFFFE780  }
0x105: {  	[spmem:s1] =	stream.indirect.scatter.add.f32 [tilespmem:s17], [sflag:$0x3], $0x1, s3, s16, $0xb8;
	[tilespmem:$0x4A80] =	vst v63  }
0x106: {  	_ = 	snop  }
0x107: {  	[spmem:s1] =	stream.indirect.scatter.add.f32 [tilespmem:s17], [sflag:$0x3], $0x1, s16, s16, $0xb8;
	[tilespmem:$0x4A80] =	vst v63  }
0x108: {  	s0 =	simm.s32 $0x100  }
0x109: {  	[spmem:s1] =	stream.indirect.scatter.add.f32 [tilespmem:s17], [sflag:$0x3], $0x1, s0, s16, $0xb8;
	[tilespmem:$0x4A80] =	vst v63  }
0x10a: {  	s0 =	simm.s32 $0x180  }
0x10b: {  	[spmem:s1] =	stream.indirect.scatter.add.f32 [tilespmem:s17], [sflag:$0x3], $0x1, s0, s16, $0xb8;
	[tilespmem:$0x4A80] =	vst v63  }
0x10c: {  	s0 =	simm.s32 $0x200  }
0x10d: {  	[spmem:s1] =	stream.indirect.scatter.add.f32 [tilespmem:s17], [sflag:$0x3], $0x1, s0, s16, $0xb8;
	[tilespmem:$0x4A80] =	vst v63  }
0x10e: {  	s0 =	simm.s32 $0x280  }
0x10f: {  	[spmem:s1] =	stream.indirect.scatter.add.f32 [tilespmem:s17], [sflag:$0x3], $0x1, s0, s16, $0xb8;
	[tilespmem:$0x4A80] =	vst v63  }
0x110: {  	s0 =	simm.s32 $0x300  }
0x111: {  	[spmem:s1] =	stream.indirect.scatter.add.f32 [tilespmem:s17], [sflag:$0x3], $0x1, s0, s16, $0xb8;
	[tilespmem:$0x4A80] =	vst v63  }
0x112: {  	s0 =	simm.s32 $0x380  }
0x113: {  	[spmem:s1] =	stream.indirect.scatter.add.f32 [tilespmem:s17], [sflag:$0x3], $0x1, s0, s16, $0xb8;
	[tilespmem:$0x4A80] =	vst v63  }
0x114: {  	s0 =	simm.s32 $0x400  }
0x115: {  	[spmem:s1] =	stream.indirect.scatter.add.f32 [tilespmem:s17], [sflag:$0x3], $0x1, s0, s16, $0xb8;
	[tilespmem:$0x4A80] =	vst v63  }
0x116: {  	s0 =	simm.s32 $0x480  }
0x117: {  	[spmem:s1] =	stream.indirect.scatter.add.f32 [tilespmem:s17], [sflag:$0x3], $0x1, s0, s16, $0xb8;
	[tilespmem:$0x4A80] =	vst v63  }
0x118: {  	s0 =	simm.s32 $0x500  }
0x119: {  	[spmem:s1] =	stream.indirect.scatter.add.f32 [tilespmem:s17], [sflag:$0x3], $0x1, s0, s16, $0xb8;
	[tilespmem:$0x4A80] =	vst v63  }
0x11a: {  	s0 =	simm.s32 $0x580  }
0x11b: {  	[spmem:s1] =	stream.indirect.scatter.add.f32 [tilespmem:s17], [sflag:$0x3], $0x1, s0, s16, $0xb8;
	[tilespmem:$0x4A80] =	vst v63  }
0x11c: {  	s0 =	simm.s32 $0x600  }
0x11d: {  	[spmem:s1] =	stream.indirect.scatter.add.f32 [tilespmem:s17], [sflag:$0x3], $0x1, s0, s16, $0xb8;
	[tilespmem:$0x4A80] =	vst v63  }
0x11e: {  	s0 =	simm.s32 $0x680  }
0x11f: {  	[spmem:s1] =	stream.indirect.scatter.add.f32 [tilespmem:s17], [sflag:$0x3], $0x1, s0, s16, $0xb8;
	[tilespmem:$0x4A80] =	vst v63  }
0x120: {  	s0 =	simm.s32 $0x700  }
0x121: {  	[spmem:s1] =	stream.indirect.scatter.add.f32 [tilespmem:s17], [sflag:$0x3], $0x1, s0, s16, $0xb8;
	[tilespmem:$0x4A80] =	vst v63  }
0x122: {  	s0 =	simm.s32 $0x780  }
0x123: {  	[spmem:s1] =	stream.indirect.scatter.add.f32 [tilespmem:s17], [sflag:$0x3], $0x1, s0, s16, $0xb8;
	[tilespmem:$0x4A80] =	vst v63  }
0x124: {  	s0 =	simm.s32 $0x800  }
0x125: {  	[spmem:s1] =	stream.indirect.scatter.add.f32 [tilespmem:s17], [sflag:$0x3], $0x1, s0, s16, $0xb8;
	[tilespmem:$0x4A80] =	vst v63  }
0x126: {  	s0 =	simm.s32 $0x880  }
0x127: {  	[spmem:s1] =	stream.indirect.scatter.add.f32 [tilespmem:s17], [sflag:$0x3], $0x1, s0, s16, $0xb8;
	[tilespmem:$0x4A80] =	vst v63  }
0x128: {  	s0 =	simm.s32 $0x900  }
0x129: {  	[spmem:s1] =	stream.indirect.scatter.add.f32 [tilespmem:s17], [sflag:$0x3], $0x1, s0, s16, $0xb8;
	[tilespmem:$0x4A80] =	vst v63  }
0x12a: {  	s0 =	simm.s32 $0x980  }
0x12b: {  	[spmem:s1] =	stream.indirect.scatter.add.f32 [tilespmem:s17], [sflag:$0x3], $0x1, s0, s16, $0xb8;
	[tilespmem:$0x4A80] =	vst v63  }
0x12c: {  	s0 =	simm.s32 $0xA00  }
0x12d: {  	[spmem:s1] =	stream.indirect.scatter.add.f32 [tilespmem:s17], [sflag:$0x3], $0x1, s0, s16, $0xb8;
	[tilespmem:$0x4A80] =	vst v63  }
0x12e: {  	s0 =	simm.s32 $0xA80  }
0x12f: {  	[spmem:s1] =	stream.indirect.scatter.add.f32 [tilespmem:s17], [sflag:$0x3], $0x1, s0, s16, $0xb8;
	[tilespmem:$0x4A80] =	vst v63  }
0x130: {  	s0 =	simm.s32 $0xB00  }
0x131: {  	[spmem:s1] =	stream.indirect.scatter.add.f32 [tilespmem:s17], [sflag:$0x3], $0x1, s0, s16, $0xb8;
	[tilespmem:$0x4A80] =	vst v63  }
0x132: {  	s0 =	simm.s32 $0xB80  }
0x133: {  	[spmem:s1] =	stream.indirect.scatter.add.f32 [tilespmem:s17], [sflag:$0x3], $0x1, s0, s16, $0xb8;
	[tilespmem:$0x4A80] =	vst v63  }
0x134: {  	s0 =	simm.s32 $0xC00  }
0x135: {  	[spmem:s1] =	stream.indirect.scatter.add.f32 [tilespmem:s17], [sflag:$0x3], $0x1, s0, s16, $0xb8;
	[tilespmem:$0x4A80] =	vst v63  }
0x136: {  	s0 =	simm.s32 $0xC80  }
0x137: {  	[spmem:s1] =	stream.indirect.scatter.add.f32 [tilespmem:s17], [sflag:$0x3], $0x1, s0, s16, $0xb8;
	[tilespmem:$0x4A80] =	vst v63  }
0x138: {  	s0 =	simm.s32 $0xD00  }
0x139: {  	[spmem:s1] =	stream.indirect.scatter.add.f32 [tilespmem:s17], [sflag:$0x3], $0x1, s0, s16, $0xb8;
	[tilespmem:$0x4A80] =	vst v63  }
0x13a: {  	s0 =	simm.s32 $0xD80  }
0x13b: {  	[spmem:s1] =	stream.indirect.scatter.add.f32 [tilespmem:s17], [sflag:$0x3], $0x1, s0, s16, $0xb8;
	[tilespmem:$0x4A80] =	vst v63  }
0x13c: {  	s0 =	simm.s32 $0xE00  }
0x13d: {  	[spmem:s1] =	stream.indirect.scatter.add.f32 [tilespmem:s17], [sflag:$0x3], $0x1, s0, s16, $0xb8;
	[tilespmem:$0x4A80] =	vst v63  }
0x13e: {  	s0 =	simm.s32 $0xE80  }
0x13f: {  	[spmem:s1] =	stream.indirect.scatter.add.f32 [tilespmem:s17], [sflag:$0x3], $0x1, s0, s16, $0xb8;
	[tilespmem:$0x4A80] =	vst v63  }
0x140: {  	s0 =	simm.s32 $0xF00  }
0x141: {  	[spmem:s1] =	stream.indirect.scatter.add.f32 [tilespmem:s17], [sflag:$0x3], $0x1, s0, s16, $0xb8;
	[tilespmem:$0x4A80] =	vst v63  }
0x142: {  	s0 =	simm.s32 $0xF80  }
0x143: {  	[spmem:s1] =	stream.indirect.scatter.add.f32 [tilespmem:s17], [sflag:$0x3], $0x1, s0, s16, $0xb8;
	[tilespmem:$0x4A80] =	vst v63  }
0x144: {  	s0 =	simm.s32 $0x1000  }
0x145: {  	[spmem:s1] =	stream.indirect.scatter.add.f32 [tilespmem:s17], [sflag:$0x3], $0x1, s0, s16, $0xb8;
	[tilespmem:$0x4A80] =	vst v63  }
0x146: {  	s0 =	simm.s32 $0x1080  }
0x147: {  	[spmem:s1] =	stream.indirect.scatter.add.f32 [tilespmem:s17], [sflag:$0x3], $0x1, s0, s16, $0xb8;
	[tilespmem:$0x4A80] =	vst v63  }
0x148: {  	s0 =	simm.s32 $0x1100  }
0x149: {  	[spmem:s1] =	stream.indirect.scatter.add.f32 [tilespmem:s17], [sflag:$0x3], $0x1, s0, s16, $0xb8;
	[tilespmem:$0x4A80] =	vst v63  }
0x14a: {  	s0 =	simm.s32 $0x1180  }
0x14b: {  	[spmem:s1] =	stream.indirect.scatter.add.f32 [tilespmem:s17], [sflag:$0x3], $0x1, s0, s16, $0xb8;
	[tilespmem:$0x4A80] =	vst v63  }
0x14c: {  	s0 =	simm.s32 $0x1200  }
0x14d: {  	[spmem:s1] =	stream.indirect.scatter.add.f32 [tilespmem:s17], [sflag:$0x3], $0x1, s0, s16, $0xb8;
	[tilespmem:$0x4A80] =	vst v63  }
0x14e: {  	s0 =	simm.s32 $0x1280  }
0x14f: {  	[spmem:s1] =	stream.indirect.scatter.add.f32 [tilespmem:s17], [sflag:$0x3], $0x1, s0, s16, $0xb8;
	[tilespmem:$0x4A80] =	vst v63  }
0x150: {  	s0 =	simm.s32 $0x1300  }
0x151: {  	[spmem:s1] =	stream.indirect.scatter.add.f32 [tilespmem:s17], [sflag:$0x3], $0x1, s0, s16, $0xb8;
	[tilespmem:$0x4A80] =	vst v63  }
0x152: {  	s0 =	simm.s32 $0x1380  }
0x153: {  	[spmem:s1] =	stream.indirect.scatter.add.f32 [tilespmem:s17], [sflag:$0x3], $0x1, s0, s16, $0xb8;
	[tilespmem:$0x4A80] =	vst v63  }
0x154: {  	s0 =	simm.s32 $0x1400  }
0x155: {  	[spmem:s1] =	stream.indirect.scatter.add.f32 [tilespmem:s17], [sflag:$0x3], $0x1, s0, s16, $0xb8;
	[tilespmem:$0x4A80] =	vst v63  }
0x156: {  	s0 =	simm.s32 $0x1480  }
0x157: {  	[spmem:s1] =	stream.indirect.scatter.add.f32 [tilespmem:s17], [sflag:$0x3], $0x1, s0, s16, $0xb8;
	[tilespmem:$0x4A80] =	vst v63  }
0x158: {  	s0 =	simm.s32 $0x1500  }
0x159: {  	[spmem:s1] =	stream.indirect.scatter.add.f32 [tilespmem:s17], [sflag:$0x3], $0x1, s0, s16, $0xb8;
	[tilespmem:$0x4A80] =	vst v63  }
0x15a: {  	s0 =	simm.s32 $0x1580  }
0x15b: {  	[spmem:s1] =	stream.indirect.scatter.add.f32 [tilespmem:s17], [sflag:$0x3], $0x1, s0, s16, $0xb8;
	[tilespmem:$0x4A80] =	vst v63  }
0x15c: {  	s0 =	simm.s32 $0x1600  }
0x15d: {  	[spmem:s1] =	stream.indirect.scatter.add.f32 [tilespmem:s17], [sflag:$0x3], $0x1, s0, s16, $0xb8;
	[tilespmem:$0x4A80] =	vst v63  }
0x15e: {  	s0 =	simm.s32 $0x1680  }
0x15f: {  	[spmem:s1] =	stream.indirect.scatter.add.f32 [tilespmem:s17], [sflag:$0x3], $0x1, s0, s16, $0xb8;
	[tilespmem:$0x4A80] =	vst v63  }
0x160: {  	s0 =	simm.s32 $0x1700  }
0x161: {  	[spmem:s1] =	stream.indirect.scatter.add.f32 [tilespmem:s17], [sflag:$0x3], $0x1, s0, s16, $0xb8;
	[tilespmem:$0x4A80] =	vst v63  }
0x162: {  	s0 =	simm.s32 $0x1780  }
0x163: {  	[spmem:s1] =	stream.indirect.scatter.add.f32 [tilespmem:s17], [sflag:$0x3], $0x1, s0, s16, $0xb8;
	[tilespmem:$0x4A80] =	vst v63  }
0x164: {  	s0 =	simm.s32 $0x1800  }
0x165: {  	[spmem:s1] =	stream.indirect.scatter.add.f32 [tilespmem:s17], [sflag:$0x3], $0x1, s0, s16, $0xb8;
	[tilespmem:$0x4A80] =	vst v63  }
0x166: {  	_ =	swait.ge [sflag:s29], $0x80  }
0x167: {  	s0 =	simm.s32 $0x30;
	[sflag:s29] =	ssyncset.done $0x0  }
.LBB2_5:
0x168: {  	p0 =	sne.s32 s0, $0x1;
	s0 =	sadd.s32 $0xFFFFFFFF, s0;
	[sflag:s29] =	ssyncadd.s32 $0xFFFFFF80  }
.Ltmp1:
0x169: {  	(pc) =	sbr.rel @p0 .LBB2_5-.Ltmp1, $3  }
0x16a: {  	_ =	sdelay $0x1  }
0x16b: {  	_ =	swait.ge [sflag:s29], $0x80  }
0x16c: {  	[sflag:s29] =	ssyncset.done $0x0  }
0x16d: {  	s30 =	sadd.s32 $0x1, s30  }
0x16e: {  	p0 =	sne.s32 s30, $0x7  }
.Ltmp2:
0x16f: {  	s0 =	sadd.s32 s31, s10;
	(pc) =	sbr.rel @p0 .LBB2_2-.Ltmp2, $4  }
0x170: {  	s0 =	sshll.u32 s0, $0x4  }
0x171: {  	s0 =	sand.u32 $0x1FFFFFF0, s0  }
0x172: {  	[sflag:s29] =	ssyncadd.s32 $0xFFFFFF80;
	s0 =	sadd.s32 s4, s0  }
0x173: {  	[tilespmem:s19], [sflag:$0x2] =	stream.linear.gather [hbm4b:s0+s3], $0x1880, $0x38;
	[tilespmem:$0x4A80] =	vst v63  }
0x174: {  	_ =	swait.ge [sflag:s20], $0x1880  }
0x175: {  	[sflag:s20] =	ssyncset.done $0x0  }
0x176: {  	[sflag:s20] =	ssyncadd.s32 $0xFFFFE780  }
0x177: {  	[spmem:s1] =	stream.indirect.scatter.add.f32 [tilespmem:s17], [sflag:$0x4], $0x1, s19, s16, $0xb8;
	[tilespmem:$0x4A80] =	vst v63  }
0x178: {  	s0 =	simm.s32 $0x1900  }
0x179: {  	[spmem:s1] =	stream.indirect.scatter.add.f32 [tilespmem:s17], [sflag:$0x4], $0x1, s0, s16, $0xb8;
	[tilespmem:$0x4A80] =	vst v63  }
0x17a: {  	s31 =	simm.s32 $0x1980  }
0x17b: {  	[spmem:s1] =	stream.indirect.scatter.add.f32 [tilespmem:s17], [sflag:$0x4], $0x1, s31, s16, $0xb8;
	[tilespmem:$0x4A80] =	vst v63  }
0x17c: {  	s30 =	simm.s32 $0x1A00  }
0x17d: {  	[spmem:s1] =	stream.indirect.scatter.add.f32 [tilespmem:s17], [sflag:$0x4], $0x1, s30, s16, $0xb8;
	[tilespmem:$0x4A80] =	vst v63  }
0x17e: {  	s31 =	simm.s32 $0x1A80  }
0x17f: {  	[spmem:s1] =	stream.indirect.scatter.add.f32 [tilespmem:s17], [sflag:$0x4], $0x1, s31, s16, $0xb8;
	[tilespmem:$0x4A80] =	vst v63  }
0x180: {  	s30 =	simm.s32 $0x1B00  }
0x181: {  	[spmem:s1] =	stream.indirect.scatter.add.f32 [tilespmem:s17], [sflag:$0x4], $0x1, s30, s16, $0xb8;
	[tilespmem:$0x4A80] =	vst v63  }
0x182: {  	s31 =	simm.s32 $0x1B80  }
0x183: {  	[spmem:s1] =	stream.indirect.scatter.add.f32 [tilespmem:s17], [sflag:$0x4], $0x1, s31, s16, $0xb8;
	[tilespmem:$0x4A80] =	vst v63  }
0x184: {  	s30 =	simm.s32 $0x1C00  }
0x185: {  	[spmem:s1] =	stream.indirect.scatter.add.f32 [tilespmem:s17], [sflag:$0x4], $0x1, s30, s16, $0xb8;
	[tilespmem:$0x4A80] =	vst v63  }
0x186: {  	s31 =	simm.s32 $0x1C80  }
0x187: {  	[spmem:s1] =	stream.indirect.scatter.add.f32 [tilespmem:s17], [sflag:$0x4], $0x1, s31, s16, $0xb8;
	[tilespmem:$0x4A80] =	vst v63  }
0x188: {  	s30 =	simm.s32 $0x1D00  }
0x189: {  	[spmem:s1] =	stream.indirect.scatter.add.f32 [tilespmem:s17], [sflag:$0x4], $0x1, s30, s16, $0xb8;
	[tilespmem:$0x4A80] =	vst v63  }
0x18a: {  	s31 =	simm.s32 $0x1D80  }
0x18b: {  	[spmem:s1] =	stream.indirect.scatter.add.f32 [tilespmem:s17], [sflag:$0x4], $0x1, s31, s16, $0xb8;
	[tilespmem:$0x4A80] =	vst v63  }
0x18c: {  	s30 =	simm.s32 $0x1E00  }
0x18d: {  	[spmem:s1] =	stream.indirect.scatter.add.f32 [tilespmem:s17], [sflag:$0x4], $0x1, s30, s16, $0xb8;
	[tilespmem:$0x4A80] =	vst v63  }
0x18e: {  	s31 =	simm.s32 $0x1E80  }
0x18f: {  	[spmem:s1] =	stream.indirect.scatter.add.f32 [tilespmem:s17], [sflag:$0x4], $0x1, s31, s16, $0xb8;
	[tilespmem:$0x4A80] =	vst v63  }
0x190: {  	s30 =	simm.s32 $0x1F00  }
0x191: {  	[spmem:s1] =	stream.indirect.scatter.add.f32 [tilespmem:s17], [sflag:$0x4], $0x1, s30, s16, $0xb8;
	[tilespmem:$0x4A80] =	vst v63  }
0x192: {  	s31 =	simm.s32 $0x1F80  }
0x193: {  	[spmem:s1] =	stream.indirect.scatter.add.f32 [tilespmem:s17], [sflag:$0x4], $0x1, s31, s16, $0xb8;
	[tilespmem:$0x4A80] =	vst v63  }
0x194: {  	s30 =	simm.s32 $0x2000  }
0x195: {  	[spmem:s1] =	stream.indirect.scatter.add.f32 [tilespmem:s17], [sflag:$0x4], $0x1, s30, s16, $0xb8;
	[tilespmem:$0x4A80] =	vst v63  }
0x196: {  	s31 =	simm.s32 $0x2080  }
0x197: {  	[spmem:s1] =	stream.indirect.scatter.add.f32 [tilespmem:s17], [sflag:$0x4], $0x1, s31, s16, $0xb8;
	[tilespmem:$0x4A80] =	vst v63  }
0x198: {  	s30 =	simm.s32 $0x2100  }
0x199: {  	[spmem:s1] =	stream.indirect.scatter.add.f32 [tilespmem:s17], [sflag:$0x4], $0x1, s30, s16, $0xb8;
	[tilespmem:$0x4A80] =	vst v63  }
0x19a: {  	s31 =	simm.s32 $0x2180  }
0x19b: {  	[spmem:s1] =	stream.indirect.scatter.add.f32 [tilespmem:s17], [sflag:$0x4], $0x1, s31, s16, $0xb8;
	[tilespmem:$0x4A80] =	vst v63  }
0x19c: {  	s30 =	simm.s32 $0x2200  }
0x19d: {  	[spmem:s1] =	stream.indirect.scatter.add.f32 [tilespmem:s17], [sflag:$0x4], $0x1, s30, s16, $0xb8;
	[tilespmem:$0x4A80] =	vst v63  }
0x19e: {  	s31 =	simm.s32 $0x2280  }
0x19f: {  	[spmem:s1] =	stream.indirect.scatter.add.f32 [tilespmem:s17], [sflag:$0x4], $0x1, s31, s16, $0xb8;
	[tilespmem:$0x4A80] =	vst v63  }
0x1a0: {  	s30 =	simm.s32 $0x2300  }
0x1a1: {  	[spmem:s1] =	stream.indirect.scatter.add.f32 [tilespmem:s17], [sflag:$0x4], $0x1, s30, s16, $0xb8;
	[tilespmem:$0x4A80] =	vst v63  }
0x1a2: {  	s31 =	simm.s32 $0x2380  }
0x1a3: {  	[spmem:s1] =	stream.indirect.scatter.add.f32 [tilespmem:s17], [sflag:$0x4], $0x1, s31, s16, $0xb8;
	[tilespmem:$0x4A80] =	vst v63  }
0x1a4: {  	s30 =	simm.s32 $0x2400  }
0x1a5: {  	[spmem:s1] =	stream.indirect.scatter.add.f32 [tilespmem:s17], [sflag:$0x4], $0x1, s30, s16, $0xb8;
	[tilespmem:$0x4A80] =	vst v63  }
0x1a6: {  	s31 =	simm.s32 $0x2480  }
0x1a7: {  	[spmem:s1] =	stream.indirect.scatter.add.f32 [tilespmem:s17], [sflag:$0x4], $0x1, s31, s16, $0xb8;
	[tilespmem:$0x4A80] =	vst v63  }
0x1a8: {  	s30 =	simm.s32 $0x2500  }
0x1a9: {  	[spmem:s1] =	stream.indirect.scatter.add.f32 [tilespmem:s17], [sflag:$0x4], $0x1, s30, s16, $0xb8;
	[tilespmem:$0x4A80] =	vst v63  }
0x1aa: {  	s31 =	simm.s32 $0x2580  }
0x1ab: {  	[spmem:s1] =	stream.indirect.scatter.add.f32 [tilespmem:s17], [sflag:$0x4], $0x1, s31, s16, $0xb8;
	[tilespmem:$0x4A80] =	vst v63  }
0x1ac: {  	s30 =	simm.s32 $0x2600  }
0x1ad: {  	[spmem:s1] =	stream.indirect.scatter.add.f32 [tilespmem:s17], [sflag:$0x4], $0x1, s30, s16, $0xb8;
	[tilespmem:$0x4A80] =	vst v63  }
0x1ae: {  	s31 =	simm.s32 $0x2680  }
0x1af: {  	[spmem:s1] =	stream.indirect.scatter.add.f32 [tilespmem:s17], [sflag:$0x4], $0x1, s31, s16, $0xb8;
	[tilespmem:$0x4A80] =	vst v63  }
0x1b0: {  	s30 =	simm.s32 $0x2700  }
0x1b1: {  	[spmem:s1] =	stream.indirect.scatter.add.f32 [tilespmem:s17], [sflag:$0x4], $0x1, s30, s16, $0xb8;
	[tilespmem:$0x4A80] =	vst v63  }
0x1b2: {  	s31 =	simm.s32 $0x2780  }
0x1b3: {  	[spmem:s1] =	stream.indirect.scatter.add.f32 [tilespmem:s17], [sflag:$0x4], $0x1, s31, s16, $0xb8;
	[tilespmem:$0x4A80] =	vst v63  }
0x1b4: {  	s30 =	simm.s32 $0x2800  }
0x1b5: {  	[spmem:s1] =	stream.indirect.scatter.add.f32 [tilespmem:s17], [sflag:$0x4], $0x1, s30, s16, $0xb8;
	[tilespmem:$0x4A80] =	vst v63  }
0x1b6: {  	s31 =	simm.s32 $0x2880  }
0x1b7: {  	[spmem:s1] =	stream.indirect.scatter.add.f32 [tilespmem:s17], [sflag:$0x4], $0x1, s31, s16, $0xb8;
	[tilespmem:$0x4A80] =	vst v63  }
0x1b8: {  	_ = 	snop  }
0x1b9: {  	[spmem:s1] =	stream.indirect.scatter.add.f32 [tilespmem:s17], [sflag:$0x4], $0x1, s2, s16, $0xb8;
	[tilespmem:$0x4A80] =	vst v63  }
0x1ba: {  	_ = 	snop  }
0x1bb: {  	[spmem:s1] =	stream.indirect.scatter.add.f32 [tilespmem:s17], [sflag:$0x4], $0x1, s5, s16, $0xb8;
	[tilespmem:$0x4A80] =	vst v63  }
0x1bc: {  	_ = 	snop  }
0x1bd: {  	[spmem:s1] =	stream.indirect.scatter.add.f32 [tilespmem:s17], [sflag:$0x4], $0x1, s7, s16, $0xb8;
	[tilespmem:$0x4A80] =	vst v63  }
0x1be: {  	_ = 	snop  }
0x1bf: {  	[spmem:s1] =	stream.indirect.scatter.add.f32 [tilespmem:s17], [sflag:$0x4], $0x1, s8, s16, $0xb8;
	[tilespmem:$0x4A80] =	vst v63  }
0x1c0: {  	_ = 	snop  }
0x1c1: {  	[spmem:s1] =	stream.indirect.scatter.add.f32 [tilespmem:s17], [sflag:$0x4], $0x1, s11, s16, $0xb8;
	[tilespmem:$0x4A80] =	vst v63  }
0x1c2: {  	_ = 	snop  }
0x1c3: {  	[spmem:s1] =	stream.indirect.scatter.add.f32 [tilespmem:s17], [sflag:$0x4], $0x1, s12, s16, $0xb8;
	[tilespmem:$0x4A80] =	vst v63  }
0x1c4: {  	_ = 	snop  }
0x1c5: {  	[spmem:s1] =	stream.indirect.scatter.add.f32 [tilespmem:s17], [sflag:$0x4], $0x1, s6, s16, $0xb8;
	[tilespmem:$0x4A80] =	vst v63  }
0x1c6: {  	_ = 	snop  }
0x1c7: {  	[spmem:s1] =	stream.indirect.scatter.add.f32 [tilespmem:s17], [sflag:$0x4], $0x1, s13, s16, $0xb8;
	[tilespmem:$0x4A80] =	vst v63  }
0x1c8: {  	_ = 	snop  }
0x1c9: {  	[spmem:s1] =	stream.indirect.scatter.add.f32 [tilespmem:s17], [sflag:$0x4], $0x1, s14, s16, $0xb8;
	[tilespmem:$0x4A80] =	vst v63  }
0x1ca: {  	_ = 	snop  }
0x1cb: {  	[spmem:s1] =	stream.indirect.scatter.add.f32 [tilespmem:s17], [sflag:$0x4], $0x1, s18, s16, $0xb8;
	[tilespmem:$0x4A80] =	vst v63  }
0x1cc: {  	_ = 	snop  }
0x1cd: {  	[spmem:s1] =	stream.indirect.scatter.add.f32 [tilespmem:s17], [sflag:$0x4], $0x1, s21, s16, $0xb8;
	[tilespmem:$0x4A80] =	vst v63  }
0x1ce: {  	_ = 	snop  }
0x1cf: {  	[spmem:s1] =	stream.indirect.scatter.add.f32 [tilespmem:s17], [sflag:$0x4], $0x1, s22, s16, $0xb8;
	[tilespmem:$0x4A80] =	vst v63  }
0x1d0: {  	_ = 	snop  }
0x1d1: {  	[spmem:s1] =	stream.indirect.scatter.add.f32 [tilespmem:s17], [sflag:$0x4], $0x1, s23, s16, $0xb8;
	[tilespmem:$0x4A80] =	vst v63  }
0x1d2: {  	_ = 	snop  }
0x1d3: {  	[spmem:s1] =	stream.indirect.scatter.add.f32 [tilespmem:s17], [sflag:$0x4], $0x1, s24, s16, $0xb8;
	[tilespmem:$0x4A80] =	vst v63  }
0x1d4: {  	_ = 	snop  }
0x1d5: {  	[spmem:s1] =	stream.indirect.scatter.add.f32 [tilespmem:s17], [sflag:$0x4], $0x1, s25, s16, $0xb8;
	[tilespmem:$0x4A80] =	vst v63  }
0x1d6: {  	_ = 	snop  }
0x1d7: {  	[spmem:s1] =	stream.indirect.scatter.add.f32 [tilespmem:s17], [sflag:$0x4], $0x1, s26, s16, $0xb8;
	[tilespmem:$0x4A80] =	vst v63  }
0x1d8: {  	_ =	swait.ge [sflag:s28], $0x80  }
0x1d9: {  	s0 =	simm.s32 $0x30;
	[sflag:s28] =	ssyncset.done $0x0  }
.LBB2_8:
0x1da: {  	p0 =	sne.s32 s0, $0x1;
	s0 =	sadd.s32 $0xFFFFFFFF, s0;
	[sflag:s28] =	ssyncadd.s32 $0xFFFFFF80  }
.Ltmp3:
0x1db: {  	(pc) =	sbr.rel @p0 .LBB2_8-.Ltmp3, $3  }
0x1dc: {  	_ =	sdelay $0x1  }
0x1dd: {  	_ =	swait.ge [sflag:s28], $0x80  }
0x1de: {  	[sflag:s28] =	ssyncset.done $0x0  }
0x1df: {  	[sflag:s28] =	ssyncadd.s32 $0xFFFFFF80  }
0x1e0: {  	s0 =	simm.s32 $0x30;
	_ =	swait.ge [sflag:s29], $0x80  }
0x1e1: {  	s2 =	simm.s32 $0x3180;
	[sflag:s29] =	ssyncset.done $0x0;
	s31 =	rddreg [dreg:$0x5]  }
.LBB2_10:
0x1e2: {  	p0 =	sne.s32 s0, $0x1;
	s0 =	sadd.s32 $0xFFFFFFFF, s0;
	[sflag:s29] =	ssyncadd.s32 $0xFFFFFF80  }
.Ltmp4:
0x1e3: {  	(pc) =	sbr.rel @p0 .LBB2_10-.Ltmp4, $3  }
0x1e4: {  	_ =	sdelay $0x1  }
0x1e5: {  	_ =	swait.ge [sflag:s29], $0x80  }
0x1e6: {  	[sflag:s29] =	ssyncset.done $0x0  }
0x1e7: {  	[sflag:s29] =	ssyncadd.s32 $0xFFFFFF80  }
0x1e8: {  	s30 =	simm.s32 $0x5;
	[bflag:$0x0] =	sbarrier.arrive $0xFFFF  }
0x1e9: {  	[tilespmem:s2], [sflag:$0x5] =	stream.linear.gather [spmem:s31], $0xC80, $0x38;
	[tilespmem:$0x4A80] =	vst v63  }
0x1ea: {  	_ =	swait.ge [sflag:s30], $0xC80  }
0x1eb: {  	[sflag:s30] =	ssyncset.done $0x0  }
0x1ec: {  	s0 =	rddreg [dreg:$0x8];
	[sflag:s30] =	ssyncadd.s32 $0xFFFFF380  }
0x1ed: {  	[hbm4b:s0+s3] =	stream.linear.scatter [tilespmem:s2], [sflag:$0x5], $0xC80, $0x38;
	[tilespmem:$0x4A80] =	vst v63  }
0x1ee: {  	_ =	swait.ge [sflag:s30], $0xC80  }
0x1ef: {  	s0 =	rddreg [dreg:$0xa]  }
0x1f0: {  	s2 =	smov.u32 s31;
	s5 =	rddreg [dreg:$0x9];
	s31 =	sadd.s32 $0x1, s0  }
0x1f1: {  	p0 =	sne.s32 s31, s5  }
.Ltmp5:
0x1f2: {  	_ = 	snop;
	(pc) =	sbr.rel @p0 .LBB2_1-.Ltmp5, $3  }
0x1f3: {  	_ =	sdelay $0x1  }
0x1f4: {  	[sflag:s30] =	ssyncset.done $0x0;
	[dreg:$0xa] =	wrdreg s31;
	s31 =	simm.s32 $0x5  }
0x1f5: {  	s30 =	smov.u32 s2;
	s2 =	simm.s32 $0x2900;
	[sflag:s31] =	ssyncadd.s32 $0xFFFFF380  }
0x1f6: {  	_ =	sfence.sel $0x180000  }
0x1f7: {  	[bflag:$0x0] =	sbarrier.arrive $0xFFFF  }
0x1f8: {  	_ =	strace $0x90000047  }
0x1f9: {  	s0 =	stileid.u32;
	[bflag:$0x2] =	sbarrier.arrive $0xFFFF  }
0x1fa: {  	p0 =	sne.s32 s0, $0x0;
	s0 =	rddreg [dreg:$0x3]  }
0x1fb: {  	s0 =	sadd.s32 @!p0 $0x100000, s0  }
0x1fc: {  	[sflag:s0] =	ssyncadd.tile.s32 @!p0 $0x1;
	_ =	shalt  }
.Lfunc_end2:
_tile_overlayer_lowered:
.L_overlay_start_2:
0x1fd: {  	(tag) =	ssettag $0x2  }
0x1fe: {  	s0 =	rddreg [dreg:$0x0];
	s2 =	stileid.u32  }
0x1ff: {  	s1 =	rddreg [dreg:$0x1];
	p0 =	sne.s32 s2, $0x0  }
0x200: {  	s3 =	rddreg [dreg:$0x2];
	[bflag:$0x3] =	sbarrier.arrive $0xFFFF;
	s2 =	simm.s32 @!p0 $0x1C05  }
0x201: {  	[timem:s3], [sflag:s2] =	dma.local @!p0 [hbm:s0], s1  }
0x202: {  	s0 =	simm.s32 @!p0 $0x5  }
0x203: {  	_ =	swait.ge @!p0 [sflag:s0], s1  }
0x204: {  	s1 =	ssub.s32 @!p0 $0x0, s1;
	[sflag:s0] =	ssyncset.done @!p0 $0x0  }
0x205: {  	[sflag:s0] =	ssyncadd.s32 @!p0 s1  }
0x206: {  	[bflag:$0x3] =	sbarrier.arrive $0xFFFF  }
0x207: {  	_ =	shalt  }

// kernel: kernel.13.cloned.1.call-start
scs
__scs_entry_jumppad:
0x0: {  	(pc) =	sbr.rel $0x88, $3  }
0x1: {  	(tag) =	ssettag $0x0;
	lr =	simm.s32 $0x1  }
0x2: {  	[smem:$0x3F9B] =	sst lr;
	_ =	strace $0xD0000000  }
0x3: {  	_ = 	snop  }
0x4: {  	_ = 	snop  }
0x5: {  	_ = 	snop  }
0x6: {  	_ = 	snop  }
0x7: {  	_ = 	snop  }
__scs_overlays_trampoline_lowered:
0x8: {  	[smem:$0x3FAA] =	sst s0  }
0x9: {  	[smem:$0x3FAB] =	sst s1  }
0xa: {  	[smem:$0x3FAC] =	sst s2  }
0xb: {  	[smem:$0x3FAD] =	sst s3  }
0xc: {  	[smem:$0x3FAE] =	sst s4  }
0xd: {  	[smem:$0x3FAF] =	sst s5  }
0xe: {  	[smem:$0x3FB0] =	sst s6  }
0xf: {  	[smem:$0x3FB1] =	sst s7  }
0x10: {  	[smem:$0x3FB2] =	sst s8  }
0x11: {  	[smem:$0x3FB3] =	sst s9;
	s0 =	simm.s32 @!p0 $0x0  }
0x12: {  	s1 =	sld [smem:$0x3F99];
	s0 =	simm.s32 @p0 $0x1  }
0x13: {  	[smem:$0x3FB4] =	sst s0;
	s0 =	simm.s32 @!p1 $0x0  }
0x14: {  	s2 =	sld [smem:$0x3F98];
	s0 =	simm.s32 @p1 $0x1  }
0x15: {  	[smem:$0x3FB5] =	sst s0;
	s0 =	simm.s32 @!p2 $0x0  }
0x16: {  	s3 =	sld [smem:$0x3FDB];
	s0 =	simm.s32 @p2 $0x1  }
0x17: {  	s4 =	simm.s32 $0x1BF5;
	[smem:$0x3FB7] =	sst s0  }
0x18: {  	s0 =	sld [smem:$0x3F9A];
	_ =	swait.ge [sflag:s4], $0x0  }
0x19: {  	s7 =	sld [smem:$0x3F9B]  }
0x1a: {  	s8 =	sadd.s32 $0xFFFFE003, lr  }
0x1b: {  	s9 =	sadd.s32 $0xFFFFFEF7, lr;
	s5 =	simm.s32 $0xFFFFFFFF;
	p2 =	slt.u32 s8, $0xFFFFF086  }
0x1c: {  	p1 =	slt.u32 s9, $0xF7A;
	s5 =	simm.s32 @!p2 $0x0  }
0x1d: {  	s5 =	simm.s32 @p1 $0x1;
	p0 =	seq.s32 s7, s2  }
0x1e: {  	s7 =	smul.u32 @!p0 $0xF7A, s2;
	p2 =	seq.s32 @!p0 s5, $0x0  }
0x1f: {  	s9 =	smul.u32 $0xF7A, s1;
	s8 =	simm.s32 @!p0 $0x1BF5;
	p2 =	por !p2, p0  }
0x20: {  	[sflag:s8] =	ssyncset.s32 @!p0 $0xFFFFF086;
	s6 =	sadd.s32 @!p0 s3, s7;
	s7 =	simm.s32 @!p0 $0x108  }
0x21: {  	s3 =	sadd.s32 s3, s9;
	s6 =	sadd.s32 @!p0 $0x88, s6;
	s7 =	simm.s32 @p2 $0x1082  }
0x22: {  	[simem:s7], [sflag:s8] =	dma.local @!p0 [hbm:s6], $0xF7A  }
0x23: {  	s9 =	sor.u32 $0xD0000000, s2;
	s6 =	simm.s32 $0x108;
	_ =	swait.ge @!p0 [sflag:s8], $0x0  }
0x24: {  	s3 =	sadd.s32 $0x88, s3;
	s6 =	simm.s32 @!p1 $0x1082;
	[sflag:s4] =	ssyncset.s32 $0xFFFFF086  }
0x25: {  	[simem:s6], [sflag:s4] =	dma.local [hbm:s3], $0xF7A  }
0x26: {  	[smem:$0x3F9B] =	sst s1;
	(tag) =	ssettag s2;
	_ =	strace s9  }
0x27: {  	s1 =	sld [smem:$0x3FAB]  }
0x28: {  	s2 =	sld [smem:$0x3FAC]  }
0x29: {  	s4 =	sld [smem:$0x3FAE]  }
0x2a: {  	p0 =	seq.s32 s5, $0x0;
	s5 =	sld [smem:$0x3FAF]  }
0x2b: {  	s6 =	sld [smem:$0x3FB0]  }
0x2c: {  	s7 =	sld [smem:$0x3FB1]  }
0x2d: {  	s3 =	simm.s32 $0x108;
	s8 =	sld [smem:$0x3FB2]  }
0x2e: {  	s3 =	simm.s32 @!p0 $0x1082;
	s9 =	sld [smem:$0x3FB3]  }
0x2f: {  	lr =	sadd.s32 s0, s3;
	s0 =	sld [smem:$0x3FAA]  }
0x30: {  	s3 =	sld [smem:$0x3FAD]  }
0x31: {  	[smem:$0x3FB6] =	sst s10  }
0x32: {  	s10 =	sld [smem:$0x3FB4];
	_ =	sdelay $0x3  }
0x33: {  	p0 =	seq.s32 s10, $0x1;
	s10 =	sld [smem:$0x3FB6];
	_ =	sdelay $0x3  }
0x34: {  	[smem:$0x3FB6] =	sst s10  }
0x35: {  	s10 =	sld [smem:$0x3FB5];
	_ =	sdelay $0x3  }
0x36: {  	p1 =	seq.s32 s10, $0x1;
	s10 =	sld [smem:$0x3FB6];
	_ =	sdelay $0x3  }
0x37: {  	[smem:$0x3FB6] =	sst s10  }
0x38: {  	s10 =	sld [smem:$0x3FB7]  }
0x39: {  	_ = 	snop;
	(pc) =	sbr.ind lr, $3  }
0x3a: {  	_ = 	snop  }
0x3b: {  	_ = 	snop  }
0x3c: {  	p2 =	seq.s32 s10, $0x1;
	s10 =	sld [smem:$0x3FB6]  }
0x3d: {  	_ =	shalt  }
0x3e: {  	_ =	shalt  }
0x3f: {  	_ =	shalt  }
0x40: {  	_ =	shalt  }
0x41: {  	_ =	shalt  }
0x42: {  	_ =	shalt  }
0x43: {  	_ =	shalt  }
0x44: {  	_ =	shalt  }
0x45: {  	_ =	shalt  }
0x46: {  	_ =	shalt  }
0x47: {  	_ =	shalt  }
0x48: {  	_ =	shalt  }
0x49: {  	_ =	shalt  }
0x4a: {  	_ =	shalt  }
0x4b: {  	_ =	shalt  }
0x4c: {  	_ =	shalt  }
0x4d: {  	_ =	shalt  }
0x4e: {  	_ =	shalt  }
0x4f: {  	_ =	shalt  }
0x50: {  	_ =	shalt  }
0x51: {  	_ =	shalt  }
0x52: {  	_ =	shalt  }
0x53: {  	_ =	shalt  }
0x54: {  	_ =	shalt  }
0x55: {  	_ =	shalt  }
0x56: {  	_ =	shalt  }
0x57: {  	_ =	shalt  }
0x58: {  	_ =	shalt  }
0x59: {  	_ =	shalt  }
0x5a: {  	_ =	shalt  }
0x5b: {  	_ =	shalt  }
0x5c: {  	_ =	shalt  }
0x5d: {  	_ =	shalt  }
0x5e: {  	_ =	shalt  }
0x5f: {  	_ =	shalt  }
0x60: {  	_ =	shalt  }
0x61: {  	_ =	shalt  }
0x62: {  	_ =	shalt  }
0x63: {  	_ =	shalt  }
0x64: {  	_ =	shalt  }
0x65: {  	_ =	shalt  }
0x66: {  	_ =	shalt  }
0x67: {  	_ =	shalt  }
0x68: {  	_ =	shalt  }
0x69: {  	_ =	shalt  }
0x6a: {  	_ =	shalt  }
0x6b: {  	_ =	shalt  }
0x6c: {  	_ =	shalt  }
0x6d: {  	_ =	shalt  }
0x6e: {  	_ =	shalt  }
0x6f: {  	_ =	shalt  }
0x70: {  	_ =	shalt  }
0x71: {  	_ =	shalt  }
0x72: {  	_ =	shalt  }
0x73: {  	_ =	shalt  }
0x74: {  	_ =	shalt  }
0x75: {  	_ =	shalt  }
0x76: {  	_ =	shalt  }
0x77: {  	_ =	shalt  }
0x78: {  	_ =	shalt  }
0x79: {  	_ =	shalt  }
0x7a: {  	_ =	shalt  }
0x7b: {  	_ =	shalt  }
0x7c: {  	_ =	shalt  }
0x7d: {  	_ =	shalt  }
0x7e: {  	_ =	shalt  }
0x7f: {  	_ =	shalt  }
0x80: {  	_ =	shalt  }
0x81: {  	_ =	shalt  }
0x82: {  	_ =	shalt  }
0x83: {  	_ =	shalt  }
0x84: {  	_ =	shalt  }
0x85: {  	_ =	shalt  }
0x86: {  	_ =	shalt  }
0x87: {  	_ =	shalt  }
.Lfunc_end0:
.L_simem_size_0:
called_computation.1_lowered:
.L_overlay_start_0:
0x88: {  	s2 =	sld [smem:$0x3FD9]  }
0x89: {  	s3 =	sld [smem:$0x3FFE];
	_ =	sdelay $0x1  }
0x8a: {  	s1 =	srdreg.scid  }
0x8b: {  	s0 =	sand.u32 $0x1, s1  }
0x8c: {  	s17 =	sshll.u32 s0, $0xA;
	s2 =	sadd.s32 s3, s2  }
0x8d: {  	s2 =	sadd.s32 s2, s17  }
0x8e: {  	[smem:$0x3FC2] =	sst s2  }
0x8f: {  	_ = 	snop  }
0x90: {  	s2 =	sld [smem:$0x3FD0];
	(tm) =	ssettm $0x1  }
0x91: {  	s18 =	sld [smem:$0x3FFB];
	_ =	sdelay $0x3  }
0x92: {  	_ =	strace s18  }
0x93: {  	s3 =	sld [smem:$0x3FFC];
	_ =	sdelay $0x3  }
0x94: {  	_ =	strace s3  }
0x95: {  	s3 =	sld [smem:$0x3FFD];
	_ =	sdelay $0x3  }
0x96: {  	_ =	strace s3  }
0x97: {  	_ =	strace $0x8FFFFFFF  }
0x98: {  	s19 =	sld [smem:$0x3FDB];
	_ =	sdelay $0x1  }
0x99: {  	s4 =	simm.s32 $_scs_section_size  }
0x9a: {  	s5 =	simm.s32 $_size__tile_overlayer_lowered;
	s6 =	simm.s32 $_tile_overlayer_lowered  }
0x9b: {  	s22 =	simm.s32 $0x1BFF;
	s21 =	sshll.u32 s6, $0x1;
	s3 =	sadd.s32 s4, s19  }
0x9c: {  	s7 =	simm.s32 $0x0;
	s20 =	sshll.u32 s5, $0x1;
	s5 =	sadd.s32 s21, s3  }
0x9d: {  	[timem:s7], [sflag:s22] =	dma.local [hbm:s5], s20  }
0x9e: {  	_ =	swait.ge [sflag:s22], s20  }
0x9f: {  	s4 =	ssub.s32 $0x0, s20;
	[sflag:s22] =	ssyncset.done $0x0  }
0xa0: {  	[sflag:s22] =	ssyncadd.s32 s4;
	_ =	sdelay $0x1  }
0xa1: {  	s23 =	simm.s32 $0x1B8B  }
0xa2: {  	_ =	swait.ge [sflag:s23], $0x1  }
0xa3: {  	[sflag:s23] =	ssyncset.done $0x0  }
0xa4: {  	s25 =	simm.s32 $0x1B8E;
	s24 =	sld [smem:$0x3FFE];
	[sflag:s23] =	ssyncadd.s32 $0xFFFFFFFF  }
0xa5: {  	s26 =	simm.s32 $execute0_lowered;
	[smem:$0x3FD2] =	sst s25  }
0xa6: {  	s5 =	sshll.u32 s26, $0x1;
	_ =	strace $0x80000049;
	[dreg:$0x1] =	wrdreg $0xFFFFFFFF  }
0xa7: {  	s28 =	simm.s32 $_size_execute0_lowered;
	s3 =	sadd.s32 s3, s5;
	[dreg:$0x0] =	wrdreg $0x0  }
0xa8: {  	s5 =	sshll.u32 s28, $0x1;
	[dreg:$0x2] =	wrdreg s3  }
0xa9: {  	[dreg:$0x3] =	wrdreg s5  }
0xaa: {  	[dreg:$0x4] =	wrdreg $0xC0  }
0xab: {  	_ =	task [dreg:s7], $0x5FFFF  }
0xac: {  	[dreg:$0x1] =	wrdreg $0xFFFFFFFF  }
0xad: {  	[dreg:$0x0] =	wrdreg $0x60  }
0xae: {  	[dreg:$0x2] =	wrdreg s24  }
0xaf: {  	[dreg:$0x3] =	wrdreg s2  }
0xb0: {  	[dreg:$0x4] =	wrdreg $0xFC000  }
0xb1: {  	[dreg:$0x5] =	wrdreg $0x9  }
0xb2: {  	_ =	task.clear_ibuf [dreg:s7], $0x6FFFF;
	_ =	strace $0x90000049  }
0xb3: {  	s29 =	simm.s32 $0x9;
	_ =	strace $0x8000004B  }
0xb4: {  	_ =	swait.ge [sflag:s29], $0x1  }
0xb5: {  	[sflag:s29] =	ssyncadd.s32 $0xFFFFFFFF  }
0xb6: {  	_ =	strace $0x9000004B  }
0xb7: {  	_ =	sfence  }
0xb8: {  	s30 =	sld [smem:$0x0];
	_ =	sdelay $0x2  }
0xb9: {  	s31 =	sshll.u32 s1, $0xD;
	s1 =	sshrl.u32 s1, $0x2  }
0xba: {  	s3 =	sand.u32 $0x4000, s31;
	s1 =	sadd.s32 s1, s30  }
0xbb: {  	s0 =	sor.u32 s3, s0;
	s1 =	sshll.u32 s1, $0x11  }
0xbc: {  	s0 =	sor.u32 s1, s0  }
0xbd: {  	s0 =	sadd.s32 $0x8F2B, s0  }
0xbe: {  	[sflag:s0] =	ssyncadd.remote.s32 $0x1  }
0xbf: {  	_ =	sfence.sel $0xFFFF  }
0xc0: {  	[dreg:$0x0] =	wrdreg $0xFFFFFFFF;
	(pc) =	sbr.abs _section_cstart, $3  }
0xc1: {  	[dreg:$0x1] =	wrdreg $0xFFFFFFFF  }
0xc2: {  	_ =	task.clear_ibuf [dreg:s7], $0x2FFFF;
	_ =	strace $0x9FFFFFFF  }
0xc3: {  	(tm) =	ssettm $0x7FFFFFFF  }
tec
execute0_lowered:
.L_overlay_start_1:
0x0: {  	(tag) =	ssettag $0x1  }
0x1: {  	s0 =	rddreg [dreg:$0x0]  }
0x2: {  	s2 =	rddreg [dreg:$0x2];
	s1 =	simm.s32 $0x0  }
0x3: {  	s17 =	srdreg.scid;
	s12 =	stileid.u32;
	s30 =	simm.s32 $0x280  }
0x4: {  	s29 =	simm.s32 $0x3;
	s31 =	simm.s32 $0x5;
	[smem:$0x7FF] =	sst s1  }
0x5: {  	s4 =	sadd.s32 $0x63A00, s0;
	s1 =	sand.u32 $0x1, s17;
	s9 =	smul.u32 $0xC800, s12  }
0x6: {  	s6 =	sadd.s32 $0x1800, s0;
	_ =	strace $0x8000004A;
	s18 =	smul.u32 $0x3100, s1  }
0x7: {  	s5 =	sshll.u32 s1, $0x4;
	s7 =	ssub.s32 $0x2, s1;
	s1 =	smul.u32 $0xC8000, s1  }
0x8: {  	s8 =	sor.u32 s12, s5;
	s5 =	sadd.s32 $0xC5A00, s0;
	s10 =	sshrl.u32 s7, $0x1  }
0x9: {  	s0 =	sadd.s32 $0xDE200, s0;
	s14 =	sadd.s32 s9, s2;
	s12 =	smul.u32 $0x310, s12  }
0xa: {  	s11 =	sadd.s32 $0x6400, s9;
	s8 =	smul.u32 $0x3100, s8;
	s7 =	ssub.s32 s7, s10  }
0xb: {  	s13 =	sadd.s32 s11, s2;
	s9 =	sadd.s32 s9, s1;
	s1 =	sadd.s32 s1, s11  }
0xc: {  	[dreg:$0x8] =	wrdreg s14;
	s10 =	sadd.s32 s12, s18;
	s28 =	smax.u32 s7, $0x1  }
0xd: {  	s21 =	sshrl.u32 s9, $0x3;
	s15 =	sadd.s32 s4, s8;
	[dreg:$0x10] =	wrdreg s28  }
0xe: {  	s19 =	sadd.s32 s6, s8;
	s8 =	sor.u32 $0xE0, s8;
	[dreg:$0xa] =	wrdreg s15  }
0xf: {  	s10 =	sshll.u32 s10, $0x4;
	[dreg:$0xb] =	wrdreg s19;
	s20 =	sadd.s32 s4, s8  }
0x10: {  	s8 =	sadd.s32 s6, s8;
	s22 =	sadd.s32 $0x2A0, s10;
	[dreg:$0xc] =	wrdreg s20  }
0x11: {  	s25 =	sadd.s32 $0x1C0, s10;
	s10 =	smov.u32 s13;
	[dreg:$0xd] =	wrdreg s8  }
0x12: {  	s11 =	simm.s32 $0x180;
	s8 =	sadd.s32 s0, s21;
	[dreg:$0x9] =	wrdreg s10  }
0x13: {  	s1 =	sshrl.u32 s1, $0x3;
	s23 =	sadd.s32 s22, s4;
	[dreg:$0xe] =	wrdreg s8  }
0x14: {  	s12 =	simm.s32 $0x300;
	s24 =	sadd.s32 s22, s6;
	[dreg:$0x4] =	wrdreg s23  }
0x15: {  	s19 =	simm.s32 $0x80;
	s0 =	sadd.s32 s0, s1;
	[dreg:$0x5] =	wrdreg s24  }
0x16: {  	s4 =	sadd.s32 s25, s4;
	s26 =	sadd.s32 s25, s6;
	[dreg:$0xf] =	wrdreg s0  }
0x17: {  	s21 =	simm.s32 $0x7;
	s25 =	simm.s32 $0x100;
	[dreg:$0x6] =	wrdreg s4  }
0x18: {  	s1 =	simm.s32 $0x0;
	[dreg:$0x7] =	wrdreg s26;
	s0 =	simm.s32 $0x1  }
0x19: {  	s23 =	simm.s32 $0x200;
	s4 =	simm.s32 $0x4;
	s8 =	simm.s32 $0x6  }
.LBB2_1:
0x1a: {  	[dreg:$0x11] =	wrdreg s1  }
0x1b: {  	s7 =	rddreg [dreg:$0x1];
	s6 =	simm.s32 $0x1C00;
	s18 =	simm.s32 $0x0  }
0x1c: {  	[tilespmem:s6], [sflag:$0x7] =	stream.linear.gather [hbm4b:s7+s18], $0x6400, $0x38;
	[tilespmem:$0x1C400] =	vst v63  }
0x1d: {  	_ =	swait.ge [sflag:s21], $0x6400  }
0x1e: {  	[sflag:s21] =	ssyncset.done $0x0  }
0x1f: {  	[sflag:s21] =	ssyncadd.s32 $0xFFFF9C00  }
0x20: {  	[spmem:s14] =	stream.linear.scatter [tilespmem:s6], [sflag:$0x7], $0x6400, $0x38;
	[tilespmem:$0x1C400] =	vst v63  }
0x21: {  	_ =	swait.ge [sflag:s21], $0x6400  }
0x22: {  	[sflag:s21] =	ssyncset.done $0x0  }
0x23: {  	[sflag:s21] =	ssyncadd.s32 $0xFFFF9C00  }
0x24: {  	[tilespmem:s6], [sflag:$0x7] =	stream.linear.gather [hbm4b:s7+s18], $0x6400, $0x38;
	[tilespmem:$0x1C400] =	vst v63  }
0x25: {  	_ =	swait.ge [sflag:s21], $0x6400  }
0x26: {  	[sflag:s21] =	ssyncset.done $0x0  }
0x27: {  	[sflag:s21] =	ssyncadd.s32 $0xFFFF9C00  }
0x28: {  	[spmem:s10] =	stream.linear.scatter [tilespmem:s6], [sflag:$0x7], $0x6400, $0x38;
	[tilespmem:$0x1C400] =	vst v63  }
0x29: {  	_ =	swait.ge [sflag:s21], $0x6400  }
0x2a: {  	[sflag:s21] =	ssyncset.done $0x0  }
0x2b: {  	[sflag:s21] =	ssyncadd.s32 $0xFFFF9C00  }
0x2c: {  	[bflag:$0x0] =	sbarrier.arrive $0xFFFF  }
0x2d: {  	s10 =	rddreg [dreg:$0xa]  }
0x2e: {  	[tilespmem:s18], [sflag:$0x1] =	stream.linear.gather [hbm4b:s10+s18], $0x700, $0x38;
	[tilespmem:$0x1C400] =	vst v63  }
0x2f: {  	s14 =	simm.s32 $0xE00;
	s13 =	rddreg [dreg:$0xb]  }
0x30: {  	[tilespmem:s14], [sflag:$0x1] =	stream.linear.gather [hbm4b:s13+s18], $0x700, $0x38;
	[tilespmem:$0x1C400] =	vst v63  }
0x31: {  	_ =	swait.ge [sflag:s0], $0x700  }
0x32: {  	[sflag:s0] =	ssyncset.done $0x0  }
0x33: {  	[sflag:s0] =	ssyncadd.s32 $0xFFFFF900  }
0x34: {  	_ =	swait.ge [sflag:s0], $0x700  }
0x35: {  	[sflag:s0] =	ssyncset.done $0x0  }
0x36: {  	s9 =	simm.s32 $0x1C00;
	[sflag:s0] =	ssyncadd.s32 $0xFFFFF900  }
0x37: {  	[tilespmem:s9], [sflag:$0x3] =	stream.indirect.gather [hbm4b:s5+s19], $0x10, s18, s19, $0xb8;
	[tilespmem:$0x1C400] =	vst v63  }
0x38: {  	s21 =	simm.s32 $0x2400  }
0x39: {  	[tilespmem:s21], [sflag:$0x3] =	stream.indirect.gather [hbm4b:s5+s19], $0x10, s19, s19, $0xb8;
	[tilespmem:$0x1C400] =	vst v63  }
0x3a: {  	s26 =	simm.s32 $0x2C00  }
0x3b: {  	[tilespmem:s26], [sflag:$0x3] =	stream.indirect.gather [hbm4b:s5+s19], $0x10, s25, s19, $0xb8;
	[tilespmem:$0x1C400] =	vst v63  }
0x3c: {  	s6 =	simm.s32 $0x3400  }
0x3d: {  	[tilespmem:s6], [sflag:$0x3] =	stream.indirect.gather [hbm4b:s5+s19], $0x10, s11, s19, $0xb8;
	[tilespmem:$0x1C400] =	vst v63  }
0x3e: {  	s3 =	simm.s32 $0x3C00  }
0x3f: {  	[tilespmem:s3], [sflag:$0x3] =	stream.indirect.gather [hbm4b:s5+s19], $0x10, s23, s19, $0xb8;
	[tilespmem:$0x1C400] =	vst v63  }
0x40: {  	s15 =	simm.s32 $0x4400  }
0x41: {  	[tilespmem:s15], [sflag:$0x3] =	stream.indirect.gather [hbm4b:s5+s19], $0x10, s30, s19, $0xb8;
	[tilespmem:$0x1C400] =	vst v63  }
0x42: {  	s13 =	simm.s32 $0x4C00  }
0x43: {  	[tilespmem:s13], [sflag:$0x3] =	stream.indirect.gather [hbm4b:s5+s19], $0x10, s12, s19, $0xb8;
	[tilespmem:$0x1C400] =	vst v63  }
0x44: {  	s16 =	simm.s32 $0x380;
	s9 =	simm.s32 $0x5400  }
0x45: {  	[tilespmem:s9], [sflag:$0x3] =	stream.indirect.gather [hbm4b:s5+s19], $0x10, s16, s19, $0xb8;
	[tilespmem:$0x1C400] =	vst v63  }
0x46: {  	s17 =	simm.s32 $0x400;
	s16 =	simm.s32 $0x5C00  }
0x47: {  	[tilespmem:s16], [sflag:$0x3] =	stream.indirect.gather [hbm4b:s5+s19], $0x10, s17, s19, $0xb8;
	[tilespmem:$0x1C400] =	vst v63  }
0x48: {  	s20 =	simm.s32 $0x480;
	s17 =	simm.s32 $0x6400  }
0x49: {  	[tilespmem:s17], [sflag:$0x3] =	stream.indirect.gather [hbm4b:s5+s19], $0x10, s20, s19, $0xb8;
	[tilespmem:$0x1C400] =	vst v63  }
0x4a: {  	s22 =	simm.s32 $0x500;
	s15 =	simm.s32 $0x6C00  }
0x4b: {  	[tilespmem:s15], [sflag:$0x3] =	stream.indirect.gather [hbm4b:s5+s19], $0x10, s22, s19, $0xb8;
	[tilespmem:$0x1C400] =	vst v63  }
0x4c: {  	s24 =	simm.s32 $0x580;
	s20 =	simm.s32 $0x7400  }
0x4d: {  	[tilespmem:s20], [sflag:$0x3] =	stream.indirect.gather [hbm4b:s5+s19], $0x10, s24, s19, $0xb8;
	[tilespmem:$0x1C400] =	vst v63  }
0x4e: {  	s7 =	simm.s32 $0x600;
	s22 =	simm.s32 $0x7C00  }
0x4f: {  	[tilespmem:s22], [sflag:$0x3] =	stream.indirect.gather [hbm4b:s5+s19], $0x10, s7, s19, $0xb8;
	[tilespmem:$0x1C400] =	vst v63  }
0x50: {  	s10 =	simm.s32 $0x680;
	s24 =	simm.s32 $0x8400  }
0x51: {  	[tilespmem:s24], [sflag:$0x3] =	stream.indirect.gather [hbm4b:s5+s19], $0x10, s10, s19, $0xb8;
	[tilespmem:$0x1C400] =	vst v63  }
0x52: {  	s0 =	simm.s32 $0x700;
	s12 =	rddreg [dreg:$0xc]  }
0x53: {  	[tilespmem:s0], [sflag:$0x2] =	stream.linear.gather [hbm4b:s12+s18], $0x700, $0x38;
	[tilespmem:$0x1C400] =	vst v63  }
0x54: {  	s10 =	rddreg [dreg:$0xd];
	s12 =	simm.s32 $0x1500  }
0x55: {  	[tilespmem:s12], [sflag:$0x2] =	stream.linear.gather [hbm4b:s10+s18], $0x700, $0x38;
	[tilespmem:$0x1C400] =	vst v63  }
0x56: {  	s10 =	simm.s32 $0x2  }
0x57: {  	_ =	swait.ge [sflag:s10], $0x700  }
0x58: {  	[sflag:s10] =	ssyncset.done $0x0  }
0x59: {  	[sflag:s10] =	ssyncadd.s32 $0xFFFFF900  }
0x5a: {  	_ =	swait.ge [sflag:s10], $0x700  }
0x5b: {  	[sflag:s10] =	ssyncset.done $0x0  }
0x5c: {  	s12 =	simm.s32 $0x8C00;
	[sflag:s10] =	ssyncadd.s32 $0xFFFFF900  }
0x5d: {  	[tilespmem:s12], [sflag:$0x4] =	stream.indirect.gather [hbm4b:s5+s19], $0x10, s0, s19, $0xb8;
	[tilespmem:$0x1C400] =	vst v63  }
0x5e: {  	s7 =	simm.s32 $0x780;
	s12 =	simm.s32 $0x9400  }
0x5f: {  	[tilespmem:s12], [sflag:$0x4] =	stream.indirect.gather [hbm4b:s5+s19], $0x10, s7, s19, $0xb8;
	[tilespmem:$0x1C400] =	vst v63  }
0x60: {  	s7 =	simm.s32 $0x800;
	s12 =	simm.s32 $0x9C00  }
0x61: {  	[tilespmem:s12], [sflag:$0x4] =	stream.indirect.gather [hbm4b:s5+s19], $0x10, s7, s19, $0xb8;
	[tilespmem:$0x1C400] =	vst v63  }
0x62: {  	s7 =	simm.s32 $0x880;
	s12 =	simm.s32 $0xA400  }
0x63: {  	[tilespmem:s12], [sflag:$0x4] =	stream.indirect.gather [hbm4b:s5+s19], $0x10, s7, s19, $0xb8;
	[tilespmem:$0x1C400] =	vst v63  }
0x64: {  	s7 =	simm.s32 $0x900;
	s12 =	simm.s32 $0xAC00  }
0x65: {  	[tilespmem:s12], [sflag:$0x4] =	stream.indirect.gather [hbm4b:s5+s19], $0x10, s7, s19, $0xb8;
	[tilespmem:$0x1C400] =	vst v63  }
0x66: {  	s7 =	simm.s32 $0x980;
	s12 =	simm.s32 $0xB400  }
0x67: {  	[tilespmem:s12], [sflag:$0x4] =	stream.indirect.gather [hbm4b:s5+s19], $0x10, s7, s19, $0xb8;
	[tilespmem:$0x1C400] =	vst v63  }
0x68: {  	s7 =	simm.s32 $0xA00;
	s12 =	simm.s32 $0xBC00  }
0x69: {  	[tilespmem:s12], [sflag:$0x4] =	stream.indirect.gather [hbm4b:s5+s19], $0x10, s7, s19, $0xb8;
	[tilespmem:$0x1C400] =	vst v63  }
0x6a: {  	s7 =	simm.s32 $0xA80;
	s12 =	simm.s32 $0xC400  }
0x6b: {  	[tilespmem:s12], [sflag:$0x4] =	stream.indirect.gather [hbm4b:s5+s19], $0x10, s7, s19, $0xb8;
	[tilespmem:$0x1C400] =	vst v63  }
0x6c: {  	s7 =	simm.s32 $0xB00;
	s12 =	simm.s32 $0xCC00  }
0x6d: {  	[tilespmem:s12], [sflag:$0x4] =	stream.indirect.gather [hbm4b:s5+s19], $0x10, s7, s19, $0xb8;
	[tilespmem:$0x1C400] =	vst v63  }
0x6e: {  	s7 =	simm.s32 $0xB80;
	s12 =	simm.s32 $0xD400  }
0x6f: {  	[tilespmem:s12], [sflag:$0x4] =	stream.indirect.gather [hbm4b:s5+s19], $0x10, s7, s19, $0xb8;
	[tilespmem:$0x1C400] =	vst v63  }
0x70: {  	s7 =	simm.s32 $0xC00;
	s12 =	simm.s32 $0xDC00  }
0x71: {  	[tilespmem:s12], [sflag:$0x4] =	stream.indirect.gather [hbm4b:s5+s19], $0x10, s7, s19, $0xb8;
	[tilespmem:$0x1C400] =	vst v63  }
0x72: {  	s7 =	simm.s32 $0xC80;
	s12 =	simm.s32 $0xE400  }
0x73: {  	[tilespmem:s12], [sflag:$0x4] =	stream.indirect.gather [hbm4b:s5+s19], $0x10, s7, s19, $0xb8;
	[tilespmem:$0x1C400] =	vst v63  }
0x74: {  	s7 =	simm.s32 $0xD00;
	s12 =	simm.s32 $0xEC00  }
0x75: {  	[tilespmem:s12], [sflag:$0x4] =	stream.indirect.gather [hbm4b:s5+s19], $0x10, s7, s19, $0xb8;
	[tilespmem:$0x1C400] =	vst v63  }
0x76: {  	s0 =	simm.s32 $0xD80;
	s7 =	simm.s32 $0xF400  }
0x77: {  	[tilespmem:s7], [sflag:$0x4] =	stream.indirect.gather [hbm4b:s5+s19], $0x10, s0, s19, $0xb8;
	[tilespmem:$0x1C400] =	vst v63  }
0x78: {  	_ =	swait.ge [sflag:s29], $0x800  }
0x79: {  	[sflag:s29] =	ssyncset.done $0x0  }
0x7a: {  	[sflag:s29] =	ssyncadd.s32 $0xFFFFF800  }
0x7b: {  	_ =	swait.ge [sflag:s29], $0x800  }
0x7c: {  	[sflag:s29] =	ssyncset.done $0x0  }
0x7d: {  	[sflag:s29] =	ssyncadd.s32 $0xFFFFF800  }
0x7e: {  	_ =	swait.ge [sflag:s29], $0x800  }
0x7f: {  	[sflag:s29] =	ssyncset.done $0x0  }
0x80: {  	[sflag:s29] =	ssyncadd.s32 $0xFFFFF800  }
0x81: {  	_ =	swait.ge [sflag:s29], $0x800  }
0x82: {  	[sflag:s29] =	ssyncset.done $0x0  }
0x83: {  	[sflag:s29] =	ssyncadd.s32 $0xFFFFF800  }
0x84: {  	_ =	swait.ge [sflag:s29], $0x800  }
0x85: {  	[sflag:s29] =	ssyncset.done $0x0  }
0x86: {  	[sflag:s29] =	ssyncadd.s32 $0xFFFFF800  }
0x87: {  	_ =	swait.ge [sflag:s29], $0x800  }
0x88: {  	[sflag:s29] =	ssyncset.done $0x0  }
0x89: {  	[sflag:s29] =	ssyncadd.s32 $0xFFFFF800  }
0x8a: {  	_ =	swait.ge [sflag:s29], $0x800  }
0x8b: {  	[sflag:s29] =	ssyncset.done $0x0  }
0x8c: {  	[sflag:s29] =	ssyncadd.s32 $0xFFFFF800  }
0x8d: {  	_ =	swait.ge [sflag:s29], $0x800  }
0x8e: {  	[sflag:s29] =	ssyncset.done $0x0  }
0x8f: {  	[sflag:s29] =	ssyncadd.s32 $0xFFFFF800  }
0x90: {  	_ =	swait.ge [sflag:s29], $0x800  }
0x91: {  	[sflag:s29] =	ssyncset.done $0x0  }
0x92: {  	[sflag:s29] =	ssyncadd.s32 $0xFFFFF800  }
0x93: {  	_ =	swait.ge [sflag:s29], $0x800  }
0x94: {  	[sflag:s29] =	ssyncset.done $0x0  }
0x95: {  	[sflag:s29] =	ssyncadd.s32 $0xFFFFF800  }
0x96: {  	_ =	swait.ge [sflag:s29], $0x800  }
0x97: {  	[sflag:s29] =	ssyncset.done $0x0  }
0x98: {  	[sflag:s29] =	ssyncadd.s32 $0xFFFFF800  }
0x99: {  	_ =	swait.ge [sflag:s29], $0x800  }
0x9a: {  	[sflag:s29] =	ssyncset.done $0x0  }
0x9b: {  	[sflag:s29] =	ssyncadd.s32 $0xFFFFF800  }
0x9c: {  	_ =	swait.ge [sflag:s29], $0x800  }
0x9d: {  	[sflag:s29] =	ssyncset.done $0x0  }
0x9e: {  	[sflag:s29] =	ssyncadd.s32 $0xFFFFF800  }
0x9f: {  	_ =	swait.ge [sflag:s29], $0x800  }
0xa0: {  	[sflag:s29] =	ssyncset.done $0x0  }
0xa1: {  	s1 =	simm.s32 $0x1C00;
	[sflag:s29] =	ssyncadd.s32 $0xFFFFF800  }
0xa2: {  	[spmem:s2] =	stream.indirect.scatter.add.f32 [tilespmem:s1], [sflag:$0x5], $0x10, s14, s19, $0xb8;
	[tilespmem:$0x1C400] =	vst v63  }
0xa3: {  	s12 =	simm.s32 $0xE80  }
0xa4: {  	[spmem:s2] =	stream.indirect.scatter.add.f32 [tilespmem:s21], [sflag:$0x5], $0x10, s12, s19, $0xb8;
	[tilespmem:$0x1C400] =	vst v63  }
0xa5: {  	s0 =	simm.s32 $0xF00  }
0xa6: {  	[spmem:s2] =	stream.indirect.scatter.add.f32 [tilespmem:s26], [sflag:$0x5], $0x10, s0, s19, $0xb8;
	[tilespmem:$0x1C400] =	vst v63  }
0xa7: {  	s1 =	simm.s32 $0xF80  }
0xa8: {  	[spmem:s2] =	stream.indirect.scatter.add.f32 [tilespmem:s6], [sflag:$0x5], $0x10, s1, s19, $0xb8;
	[tilespmem:$0x1C400] =	vst v63  }
0xa9: {  	s12 =	simm.s32 $0x1000  }
0xaa: {  	[spmem:s2] =	stream.indirect.scatter.add.f32 [tilespmem:s3], [sflag:$0x5], $0x10, s12, s19, $0xb8;
	[tilespmem:$0x1C400] =	vst v63  }
0xab: {  	s0 =	simm.s32 $0x1080;
	s1 =	simm.s32 $0x4400  }
0xac: {  	[spmem:s2] =	stream.indirect.scatter.add.f32 [tilespmem:s1], [sflag:$0x5], $0x10, s0, s19, $0xb8;
	[tilespmem:$0x1C400] =	vst v63  }
0xad: {  	s12 =	simm.s32 $0x1100  }
0xae: {  	[spmem:s2] =	stream.indirect.scatter.add.f32 [tilespmem:s13], [sflag:$0x5], $0x10, s12, s19, $0xb8;
	[tilespmem:$0x1C400] =	vst v63  }
0xaf: {  	s0 =	simm.s32 $0x1180  }
0xb0: {  	[spmem:s2] =	stream.indirect.scatter.add.f32 [tilespmem:s9], [sflag:$0x5], $0x10, s0, s19, $0xb8;
	[tilespmem:$0x1C400] =	vst v63  }
0xb1: {  	s12 =	simm.s32 $0x1200  }
0xb2: {  	[spmem:s2] =	stream.indirect.scatter.add.f32 [tilespmem:s16], [sflag:$0x5], $0x10, s12, s19, $0xb8;
	[tilespmem:$0x1C400] =	vst v63  }
0xb3: {  	s0 =	simm.s32 $0x1280  }
0xb4: {  	[spmem:s2] =	stream.indirect.scatter.add.f32 [tilespmem:s17], [sflag:$0x5], $0x10, s0, s19, $0xb8;
	[tilespmem:$0x1C400] =	vst v63  }
0xb5: {  	s12 =	simm.s32 $0x1300  }
0xb6: {  	[spmem:s2] =	stream.indirect.scatter.add.f32 [tilespmem:s15], [sflag:$0x5], $0x10, s12, s19, $0xb8;
	[tilespmem:$0x1C400] =	vst v63  }
0xb7: {  	s0 =	simm.s32 $0x1380  }
0xb8: {  	[spmem:s2] =	stream.indirect.scatter.add.f32 [tilespmem:s20], [sflag:$0x5], $0x10, s0, s19, $0xb8;
	[tilespmem:$0x1C400] =	vst v63  }
0xb9: {  	s12 =	simm.s32 $0x1400  }
0xba: {  	[spmem:s2] =	stream.indirect.scatter.add.f32 [tilespmem:s22], [sflag:$0x5], $0x10, s12, s19, $0xb8;
	[tilespmem:$0x1C400] =	vst v63  }
0xbb: {  	s0 =	simm.s32 $0x1480  }
0xbc: {  	[spmem:s2] =	stream.indirect.scatter.add.f32 [tilespmem:s24], [sflag:$0x5], $0x10, s0, s19, $0xb8;
	[tilespmem:$0x1C400] =	vst v63  }
0xbd: {  	_ =	swait.ge [sflag:s31], $0x800  }
0xbe: {  	[sflag:s31] =	ssyncset.done $0x0  }
0xbf: {  	[sflag:s31] =	ssyncadd.s32 $0xFFFFF800  }
0xc0: {  	_ =	swait.ge [sflag:s31], $0x800  }
0xc1: {  	[sflag:s31] =	ssyncset.done $0x0  }
0xc2: {  	[sflag:s31] =	ssyncadd.s32 $0xFFFFF800  }
0xc3: {  	_ =	swait.ge [sflag:s31], $0x800  }
0xc4: {  	[sflag:s31] =	ssyncset.done $0x0  }
0xc5: {  	[sflag:s31] =	ssyncadd.s32 $0xFFFFF800  }
0xc6: {  	_ =	swait.ge [sflag:s31], $0x800  }
0xc7: {  	[sflag:s31] =	ssyncset.done $0x0  }
0xc8: {  	[sflag:s31] =	ssyncadd.s32 $0xFFFFF800  }
0xc9: {  	_ =	swait.ge [sflag:s31], $0x800  }
0xca: {  	[sflag:s31] =	ssyncset.done $0x0  }
0xcb: {  	[sflag:s31] =	ssyncadd.s32 $0xFFFFF800  }
0xcc: {  	_ =	swait.ge [sflag:s31], $0x800  }
0xcd: {  	[sflag:s31] =	ssyncset.done $0x0  }
0xce: {  	[sflag:s31] =	ssyncadd.s32 $0xFFFFF800  }
0xcf: {  	_ =	swait.ge [sflag:s31], $0x800  }
0xd0: {  	[sflag:s31] =	ssyncset.done $0x0  }
0xd1: {  	[sflag:s31] =	ssyncadd.s32 $0xFFFFF800  }
0xd2: {  	_ =	swait.ge [sflag:s31], $0x800  }
0xd3: {  	[sflag:s31] =	ssyncset.done $0x0  }
0xd4: {  	[sflag:s31] =	ssyncadd.s32 $0xFFFFF800  }
0xd5: {  	_ =	swait.ge [sflag:s31], $0x800  }
0xd6: {  	[sflag:s31] =	ssyncset.done $0x0  }
0xd7: {  	[sflag:s31] =	ssyncadd.s32 $0xFFFFF800  }
0xd8: {  	_ =	swait.ge [sflag:s31], $0x800  }
0xd9: {  	[sflag:s31] =	ssyncset.done $0x0  }
0xda: {  	[sflag:s31] =	ssyncadd.s32 $0xFFFFF800  }
0xdb: {  	_ =	swait.ge [sflag:s31], $0x800  }
0xdc: {  	[sflag:s31] =	ssyncset.done $0x0  }
0xdd: {  	[sflag:s31] =	ssyncadd.s32 $0xFFFFF800  }
0xde: {  	_ =	swait.ge [sflag:s31], $0x800  }
0xdf: {  	[sflag:s31] =	ssyncset.done $0x0  }
0xe0: {  	[sflag:s31] =	ssyncadd.s32 $0xFFFFF800  }
0xe1: {  	_ =	swait.ge [sflag:s31], $0x800  }
0xe2: {  	[sflag:s31] =	ssyncset.done $0x0  }
0xe3: {  	[sflag:s31] =	ssyncadd.s32 $0xFFFFF800  }
0xe4: {  	_ =	swait.ge [sflag:s31], $0x800  }
0xe5: {  	s10 =	rddreg [dreg:$0x6];
	[sflag:s31] =	ssyncset.done $0x0  }
0xe6: {  	s12 =	rddreg [dreg:$0x7];
	[sflag:s31] =	ssyncadd.s32 $0xFFFFF800;
	s10 =	sadd.s32 $0x0, s10  }
0xe7: {  	[tilespmem:s18], [sflag:$0x1] =	stream.linear.gather [hbm4b:s10+s18], $0x700, $0x38;
	[tilespmem:$0x1C400] =	vst v63  }
0xe8: {  	s28 =	simm.s32 $0x1;
	s12 =	sadd.s32 $0x0, s12  }
0xe9: {  	[tilespmem:s14], [sflag:$0x1] =	stream.linear.gather [hbm4b:s12+s18], $0x700, $0x38;
	[tilespmem:$0x1C400] =	vst v63  }
0xea: {  	_ =	swait.ge [sflag:s28], $0x700  }
0xeb: {  	[sflag:s28] =	ssyncset.done $0x0  }
0xec: {  	[sflag:s28] =	ssyncadd.s32 $0xFFFFF900  }
0xed: {  	_ =	swait.ge [sflag:s28], $0x700  }
0xee: {  	[sflag:s28] =	ssyncset.done $0x0  }
0xef: {  	s7 =	simm.s32 $0x1C00;
	[sflag:s28] =	ssyncadd.s32 $0xFFFFF900  }
0xf0: {  	[tilespmem:s7], [sflag:$0x3] =	stream.indirect.gather [hbm4b:s5+s19], $0x10, s18, s19, $0xb8;
	[tilespmem:$0x1C400] =	vst v63  }
0xf1: {  	_ = 	snop  }
0xf2: {  	[tilespmem:s21], [sflag:$0x3] =	stream.indirect.gather [hbm4b:s5+s19], $0x10, s19, s19, $0xb8;
	[tilespmem:$0x1C400] =	vst v63  }
0xf3: {  	_ = 	snop  }
0xf4: {  	[tilespmem:s26], [sflag:$0x3] =	stream.indirect.gather [hbm4b:s5+s19], $0x10, s25, s19, $0xb8;
	[tilespmem:$0x1C400] =	vst v63  }
0xf5: {  	_ = 	snop  }
0xf6: {  	[tilespmem:s6], [sflag:$0x3] =	stream.indirect.gather [hbm4b:s5+s19], $0x10, s11, s19, $0xb8;
	[tilespmem:$0x1C400] =	vst v63  }
0xf7: {  	_ = 	snop  }
0xf8: {  	[tilespmem:s3], [sflag:$0x3] =	stream.indirect.gather [hbm4b:s5+s19], $0x10, s23, s19, $0xb8;
	[tilespmem:$0x1C400] =	vst v63  }
0xf9: {  	_ = 	snop  }
0xfa: {  	[tilespmem:s1], [sflag:$0x3] =	stream.indirect.gather [hbm4b:s5+s19], $0x10, s30, s19, $0xb8;
	[tilespmem:$0x1C400] =	vst v63  }
0xfb: {  	s0 =	simm.s32 $0x300  }
0xfc: {  	[tilespmem:s13], [sflag:$0x3] =	stream.indirect.gather [hbm4b:s5+s19], $0x10, s0, s19, $0xb8;
	[tilespmem:$0x1C400] =	vst v63  }
0xfd: {  	s7 =	simm.s32 $0x380  }
0xfe: {  	[tilespmem:s9], [sflag:$0x3] =	stream.indirect.gather [hbm4b:s5+s19], $0x10, s7, s19, $0xb8;
	[tilespmem:$0x1C400] =	vst v63  }
0xff: {  	s10 =	simm.s32 $0x400  }
0x100: {  	[tilespmem:s16], [sflag:$0x3] =	stream.indirect.gather [hbm4b:s5+s19], $0x10, s10, s19, $0xb8;
	[tilespmem:$0x1C400] =	vst v63  }
0x101: {  	s11 =	simm.s32 $0x480  }
0x102: {  	[tilespmem:s17], [sflag:$0x3] =	stream.indirect.gather [hbm4b:s5+s19], $0x10, s11, s19, $0xb8;
	[tilespmem:$0x1C400] =	vst v63  }
0x103: {  	s12 =	simm.s32 $0x500  }
0x104: {  	[tilespmem:s15], [sflag:$0x3] =	stream.indirect.gather [hbm4b:s5+s19], $0x10, s12, s19, $0xb8;
	[tilespmem:$0x1C400] =	vst v63  }
0x105: {  	s13 =	simm.s32 $0x580  }
0x106: {  	[tilespmem:s20], [sflag:$0x3] =	stream.indirect.gather [hbm4b:s5+s19], $0x10, s13, s19, $0xb8;
	[tilespmem:$0x1C400] =	vst v63  }
0x107: {  	s14 =	simm.s32 $0x600  }
0x108: {  	[tilespmem:s22], [sflag:$0x3] =	stream.indirect.gather [hbm4b:s5+s19], $0x10, s14, s19, $0xb8;
	[tilespmem:$0x1C400] =	vst v63  }
0x109: {  	s15 =	simm.s32 $0x680  }
0x10a: {  	[tilespmem:s24], [sflag:$0x3] =	stream.indirect.gather [hbm4b:s5+s19], $0x10, s15, s19, $0xb8;
	[tilespmem:$0x1C400] =	vst v63  }
0x10b: {  	_ =	swait.ge [sflag:s4], $0x800  }
0x10c: {  	[sflag:s4] =	ssyncset.done $0x0  }
0x10d: {  	[sflag:s4] =	ssyncadd.s32 $0xFFFFF800  }
0x10e: {  	_ =	swait.ge [sflag:s4], $0x800  }
0x10f: {  	[sflag:s4] =	ssyncset.done $0x0  }
0x110: {  	[sflag:s4] =	ssyncadd.s32 $0xFFFFF800  }
0x111: {  	_ =	swait.ge [sflag:s4], $0x800  }
0x112: {  	[sflag:s4] =	ssyncset.done $0x0  }
0x113: {  	[sflag:s4] =	ssyncadd.s32 $0xFFFFF800  }
0x114: {  	_ =	swait.ge [sflag:s4], $0x800  }
0x115: {  	[sflag:s4] =	ssyncset.done $0x0  }
0x116: {  	[sflag:s4] =	ssyncadd.s32 $0xFFFFF800  }
0x117: {  	_ =	swait.ge [sflag:s4], $0x800  }
0x118: {  	[sflag:s4] =	ssyncset.done $0x0  }
0x119: {  	[sflag:s4] =	ssyncadd.s32 $0xFFFFF800  }
0x11a: {  	_ =	swait.ge [sflag:s4], $0x800  }
0x11b: {  	[sflag:s4] =	ssyncset.done $0x0  }
0x11c: {  	[sflag:s4] =	ssyncadd.s32 $0xFFFFF800  }
0x11d: {  	_ =	swait.ge [sflag:s4], $0x800  }
0x11e: {  	[sflag:s4] =	ssyncset.done $0x0  }
0x11f: {  	[sflag:s4] =	ssyncadd.s32 $0xFFFFF800  }
0x120: {  	_ =	swait.ge [sflag:s4], $0x800  }
0x121: {  	[sflag:s4] =	ssyncset.done $0x0  }
0x122: {  	[sflag:s4] =	ssyncadd.s32 $0xFFFFF800  }
0x123: {  	_ =	swait.ge [sflag:s4], $0x800  }
0x124: {  	[sflag:s4] =	ssyncset.done $0x0  }
0x125: {  	[sflag:s4] =	ssyncadd.s32 $0xFFFFF800  }
0x126: {  	_ =	swait.ge [sflag:s4], $0x800  }
0x127: {  	[sflag:s4] =	ssyncset.done $0x0  }
0x128: {  	[sflag:s4] =	ssyncadd.s32 $0xFFFFF800  }
0x129: {  	_ =	swait.ge [sflag:s4], $0x800  }
0x12a: {  	[sflag:s4] =	ssyncset.done $0x0  }
0x12b: {  	[sflag:s4] =	ssyncadd.s32 $0xFFFFF800  }
0x12c: {  	_ =	swait.ge [sflag:s4], $0x800  }
0x12d: {  	[sflag:s4] =	ssyncset.done $0x0  }
0x12e: {  	[sflag:s4] =	ssyncadd.s32 $0xFFFFF800  }
0x12f: {  	_ =	swait.ge [sflag:s4], $0x800  }
0x130: {  	[sflag:s4] =	ssyncset.done $0x0  }
0x131: {  	[sflag:s4] =	ssyncadd.s32 $0xFFFFF800  }
0x132: {  	_ =	swait.ge [sflag:s4], $0x800  }
0x133: {  	[sflag:s4] =	ssyncset.done $0x0  }
0x134: {  	s16 =	simm.s32 $0x1500;
	s17 =	simm.s32 $0x8C00;
	[sflag:s4] =	ssyncadd.s32 $0xFFFFF800  }
0x135: {  	[spmem:s2] =	stream.indirect.scatter.add.f32 [tilespmem:s17], [sflag:$0x6], $0x10, s16, s19, $0xb8;
	[tilespmem:$0x1C400] =	vst v63  }
0x136: {  	s21 =	simm.s32 $0x9400;
	s20 =	simm.s32 $0x1580  }
0x137: {  	[spmem:s2] =	stream.indirect.scatter.add.f32 [tilespmem:s21], [sflag:$0x6], $0x10, s20, s19, $0xb8;
	[tilespmem:$0x1C400] =	vst v63  }
0x138: {  	s23 =	simm.s32 $0x9C00;
	s22 =	simm.s32 $0x1600  }
0x139: {  	[spmem:s2] =	stream.indirect.scatter.add.f32 [tilespmem:s23], [sflag:$0x6], $0x10, s22, s19, $0xb8;
	[tilespmem:$0x1C400] =	vst v63  }
0x13a: {  	s25 =	simm.s32 $0xA400;
	s24 =	simm.s32 $0x1680  }
0x13b: {  	[spmem:s2] =	stream.indirect.scatter.add.f32 [tilespmem:s25], [sflag:$0x6], $0x10, s24, s19, $0xb8;
	[tilespmem:$0x1C400] =	vst v63  }
0x13c: {  	s26 =	simm.s32 $0x1700;
	s30 =	simm.s32 $0xAC00  }
0x13d: {  	[spmem:s2] =	stream.indirect.scatter.add.f32 [tilespmem:s30], [sflag:$0x6], $0x10, s26, s19, $0xb8;
	[tilespmem:$0x1C400] =	vst v63  }
0x13e: {  	s3 =	simm.s32 $0xB400;
	s1 =	simm.s32 $0x1780  }
0x13f: {  	[spmem:s2] =	stream.indirect.scatter.add.f32 [tilespmem:s3], [sflag:$0x6], $0x10, s1, s19, $0xb8;
	[tilespmem:$0x1C400] =	vst v63  }
0x140: {  	s6 =	simm.s32 $0x1800;
	s7 =	simm.s32 $0xBC00  }
0x141: {  	[spmem:s2] =	stream.indirect.scatter.add.f32 [tilespmem:s7], [sflag:$0x6], $0x10, s6, s19, $0xb8;
	[tilespmem:$0x1C400] =	vst v63  }
0x142: {  	s9 =	simm.s32 $0x1880;
	s10 =	simm.s32 $0xC400  }
0x143: {  	[spmem:s2] =	stream.indirect.scatter.add.f32 [tilespmem:s10], [sflag:$0x6], $0x10, s9, s19, $0xb8;
	[tilespmem:$0x1C400] =	vst v63  }
0x144: {  	s11 =	simm.s32 $0x1900;
	s12 =	simm.s32 $0xCC00  }
0x145: {  	[spmem:s2] =	stream.indirect.scatter.add.f32 [tilespmem:s12], [sflag:$0x6], $0x10, s11, s19, $0xb8;
	[tilespmem:$0x1C400] =	vst v63  }
0x146: {  	s13 =	simm.s32 $0x1980;
	s14 =	simm.s32 $0xD400  }
0x147: {  	[spmem:s2] =	stream.indirect.scatter.add.f32 [tilespmem:s14], [sflag:$0x6], $0x10, s13, s19, $0xb8;
	[tilespmem:$0x1C400] =	vst v63  }
0x148: {  	s15 =	simm.s32 $0x1A00;
	s16 =	simm.s32 $0xDC00  }
0x149: {  	[spmem:s2] =	stream.indirect.scatter.add.f32 [tilespmem:s16], [sflag:$0x6], $0x10, s15, s19, $0xb8;
	[tilespmem:$0x1C400] =	vst v63  }
0x14a: {  	s17 =	simm.s32 $0x1A80;
	s20 =	simm.s32 $0xE400  }
0x14b: {  	[spmem:s2] =	stream.indirect.scatter.add.f32 [tilespmem:s20], [sflag:$0x6], $0x10, s17, s19, $0xb8;
	[tilespmem:$0x1C400] =	vst v63  }
0x14c: {  	s21 =	simm.s32 $0x1B00;
	s22 =	simm.s32 $0xEC00  }
0x14d: {  	[spmem:s2] =	stream.indirect.scatter.add.f32 [tilespmem:s22], [sflag:$0x6], $0x10, s21, s19, $0xb8;
	[tilespmem:$0x1C400] =	vst v63  }
0x14e: {  	s23 =	simm.s32 $0x1B80;
	s24 =	simm.s32 $0xF400  }
0x14f: {  	[spmem:s2] =	stream.indirect.scatter.add.f32 [tilespmem:s24], [sflag:$0x6], $0x10, s23, s19, $0xb8;
	[tilespmem:$0x1C400] =	vst v63  }
0x150: {  	_ =	swait.ge [sflag:s8], $0x800  }
0x151: {  	[sflag:s8] =	ssyncset.done $0x0  }
0x152: {  	[sflag:s8] =	ssyncadd.s32 $0xFFFFF800  }
0x153: {  	_ =	swait.ge [sflag:s8], $0x800  }
0x154: {  	[sflag:s8] =	ssyncset.done $0x0  }
0x155: {  	[sflag:s8] =	ssyncadd.s32 $0xFFFFF800  }
0x156: {  	_ =	swait.ge [sflag:s8], $0x800  }
0x157: {  	[sflag:s8] =	ssyncset.done $0x0  }
0x158: {  	[sflag:s8] =	ssyncadd.s32 $0xFFFFF800  }
0x159: {  	_ =	swait.ge [sflag:s8], $0x800  }
0x15a: {  	[sflag:s8] =	ssyncset.done $0x0  }
0x15b: {  	[sflag:s8] =	ssyncadd.s32 $0xFFFFF800  }
0x15c: {  	_ =	swait.ge [sflag:s8], $0x800  }
0x15d: {  	[sflag:s8] =	ssyncset.done $0x0  }
0x15e: {  	[sflag:s8] =	ssyncadd.s32 $0xFFFFF800  }
0x15f: {  	_ =	swait.ge [sflag:s8], $0x800  }
0x160: {  	[sflag:s8] =	ssyncset.done $0x0  }
0x161: {  	[sflag:s8] =	ssyncadd.s32 $0xFFFFF800  }
0x162: {  	_ =	swait.ge [sflag:s8], $0x800  }
0x163: {  	[sflag:s8] =	ssyncset.done $0x0  }
0x164: {  	[sflag:s8] =	ssyncadd.s32 $0xFFFFF800  }
0x165: {  	_ =	swait.ge [sflag:s8], $0x800  }
0x166: {  	[sflag:s8] =	ssyncset.done $0x0  }
0x167: {  	[sflag:s8] =	ssyncadd.s32 $0xFFFFF800  }
0x168: {  	_ =	swait.ge [sflag:s8], $0x800  }
0x169: {  	[sflag:s8] =	ssyncset.done $0x0  }
0x16a: {  	[sflag:s8] =	ssyncadd.s32 $0xFFFFF800  }
0x16b: {  	_ =	swait.ge [sflag:s8], $0x800  }
0x16c: {  	[sflag:s8] =	ssyncset.done $0x0  }
0x16d: {  	[sflag:s8] =	ssyncadd.s32 $0xFFFFF800  }
0x16e: {  	_ =	swait.ge [sflag:s8], $0x800  }
0x16f: {  	[sflag:s8] =	ssyncset.done $0x0  }
0x170: {  	[sflag:s8] =	ssyncadd.s32 $0xFFFFF800  }
0x171: {  	_ =	swait.ge [sflag:s8], $0x800  }
0x172: {  	[sflag:s8] =	ssyncset.done $0x0  }
0x173: {  	[sflag:s8] =	ssyncadd.s32 $0xFFFFF800  }
0x174: {  	_ =	swait.ge [sflag:s8], $0x800  }
0x175: {  	[sflag:s8] =	ssyncset.done $0x0  }
0x176: {  	[sflag:s8] =	ssyncadd.s32 $0xFFFFF800  }
0x177: {  	_ =	swait.ge [sflag:s8], $0x800  }
0x178: {  	s30 =	simm.s32 $0x700;
	s25 =	rddreg [dreg:$0x4];
	[sflag:s8] =	ssyncset.done $0x0  }
0x179: {  	s26 =	rddreg [dreg:$0x5];
	[sflag:s8] =	ssyncadd.s32 $0xFFFFF800;
	s10 =	sadd.s32 $0x0, s25  }
0x17a: {  	[tilespmem:s30], [sflag:$0x2] =	stream.linear.gather [hbm4b:s10+s18], $0x700, $0x38;
	[tilespmem:$0x1C400] =	vst v63  }
0x17b: {  	s12 =	sadd.s32 $0x0, s26;
	s10 =	simm.s32 $0x1C0  }
.LBB2_2:
0x17c: {  	s0 =	simm.s32 $0x1500;
	s18 =	simm.s32 $0x0;
	s16 =	simm.s32 $0x2  }
0x17d: {  	[tilespmem:s0], [sflag:$0x2] =	stream.linear.gather [hbm4b:s12+s18], $0x700, $0x38;
	[tilespmem:$0x1C400] =	vst v63  }
0x17e: {  	_ =	swait.ge [sflag:s16], $0x700  }
0x17f: {  	[sflag:s16] =	ssyncset.done $0x0  }
0x180: {  	[sflag:s16] =	ssyncadd.s32 $0xFFFFF900  }
0x181: {  	_ =	swait.ge [sflag:s16], $0x700  }
0x182: {  	[sflag:s16] =	ssyncset.done $0x0  }
0x183: {  	s17 =	simm.s32 $0x700;
	s3 =	simm.s32 $0x8C00;
	[sflag:s16] =	ssyncadd.s32 $0xFFFFF900  }
0x184: {  	[tilespmem:s3], [sflag:$0x4] =	stream.indirect.gather [hbm4b:s5+s19], $0x10, s17, s19, $0xb8;
	[tilespmem:$0x1C400] =	vst v63  }
0x185: {  	s20 =	simm.s32 $0x780;
	s26 =	simm.s32 $0x9400  }
0x186: {  	[tilespmem:s26], [sflag:$0x4] =	stream.indirect.gather [hbm4b:s5+s19], $0x10, s20, s19, $0xb8;
	[tilespmem:$0x1C400] =	vst v63  }
0x187: {  	s21 =	simm.s32 $0x800;
	s1 =	simm.s32 $0x9C00  }
0x188: {  	[tilespmem:s1], [sflag:$0x4] =	stream.indirect.gather [hbm4b:s5+s19], $0x10, s21, s19, $0xb8;
	[tilespmem:$0x1C400] =	vst v63  }
0x189: {  	s22 =	simm.s32 $0x880;
	s23 =	simm.s32 $0xA400  }
0x18a: {  	[tilespmem:s23], [sflag:$0x4] =	stream.indirect.gather [hbm4b:s5+s19], $0x10, s22, s19, $0xb8;
	[tilespmem:$0x1C400] =	vst v63  }
0x18b: {  	s24 =	simm.s32 $0x900;
	s25 =	simm.s32 $0xAC00  }
0x18c: {  	[tilespmem:s25], [sflag:$0x4] =	stream.indirect.gather [hbm4b:s5+s19], $0x10, s24, s19, $0xb8;
	[tilespmem:$0x1C400] =	vst v63  }
0x18d: {  	s6 =	simm.s32 $0xB400;
	s1 =	simm.s32 $0x980  }
0x18e: {  	[tilespmem:s6], [sflag:$0x4] =	stream.indirect.gather [hbm4b:s5+s19], $0x10, s1, s19, $0xb8;
	[tilespmem:$0x1C400] =	vst v63  }
0x18f: {  	s7 =	simm.s32 $0xA00;
	s9 =	simm.s32 $0xBC00  }
0x190: {  	[tilespmem:s9], [sflag:$0x4] =	stream.indirect.gather [hbm4b:s5+s19], $0x10, s7, s19, $0xb8;
	[tilespmem:$0x1C400] =	vst v63  }
0x191: {  	s11 =	simm.s32 $0xA80;
	s13 =	simm.s32 $0xC400  }
0x192: {  	[tilespmem:s13], [sflag:$0x4] =	stream.indirect.gather [hbm4b:s5+s19], $0x10, s11, s19, $0xb8;
	[tilespmem:$0x1C400] =	vst v63  }
0x193: {  	s14 =	simm.s32 $0xB00;
	s15 =	simm.s32 $0xCC00  }
0x194: {  	[tilespmem:s15], [sflag:$0x4] =	stream.indirect.gather [hbm4b:s5+s19], $0x10, s14, s19, $0xb8;
	[tilespmem:$0x1C400] =	vst v63  }
0x195: {  	s16 =	simm.s32 $0xB80;
	s17 =	simm.s32 $0xD400  }
0x196: {  	[tilespmem:s17], [sflag:$0x4] =	stream.indirect.gather [hbm4b:s5+s19], $0x10, s16, s19, $0xb8;
	[tilespmem:$0x1C400] =	vst v63  }
0x197: {  	s20 =	simm.s32 $0xC00;
	s21 =	simm.s32 $0xDC00  }
0x198: {  	[tilespmem:s21], [sflag:$0x4] =	stream.indirect.gather [hbm4b:s5+s19], $0x10, s20, s19, $0xb8;
	[tilespmem:$0x1C400] =	vst v63  }
0x199: {  	s22 =	simm.s32 $0xC80;
	s23 =	simm.s32 $0xE400  }
0x19a: {  	[tilespmem:s23], [sflag:$0x4] =	stream.indirect.gather [hbm4b:s5+s19], $0x10, s22, s19, $0xb8;
	[tilespmem:$0x1C400] =	vst v63  }
0x19b: {  	s24 =	simm.s32 $0xD00;
	s25 =	simm.s32 $0xEC00  }
0x19c: {  	[tilespmem:s25], [sflag:$0x4] =	stream.indirect.gather [hbm4b:s5+s19], $0x10, s24, s19, $0xb8;
	[tilespmem:$0x1C400] =	vst v63  }
0x19d: {  	s6 =	simm.s32 $0xD80;
	s7 =	simm.s32 $0xF400  }
0x19e: {  	[tilespmem:s7], [sflag:$0x4] =	stream.indirect.gather [hbm4b:s5+s19], $0x10, s6, s19, $0xb8;
	[tilespmem:$0x1C400] =	vst v63  }
0x19f: {  	_ =	swait.ge [sflag:s29], $0x800  }
0x1a0: {  	[sflag:s29] =	ssyncset.done $0x0  }
0x1a1: {  	[sflag:s29] =	ssyncadd.s32 $0xFFFFF800  }
0x1a2: {  	_ =	swait.ge [sflag:s29], $0x800  }
0x1a3: {  	[sflag:s29] =	ssyncset.done $0x0  }
0x1a4: {  	[sflag:s29] =	ssyncadd.s32 $0xFFFFF800  }
0x1a5: {  	_ =	swait.ge [sflag:s29], $0x800  }
0x1a6: {  	[sflag:s29] =	ssyncset.done $0x0  }
0x1a7: {  	[sflag:s29] =	ssyncadd.s32 $0xFFFFF800  }
0x1a8: {  	_ =	swait.ge [sflag:s29], $0x800  }
0x1a9: {  	[sflag:s29] =	ssyncset.done $0x0  }
0x1aa: {  	[sflag:s29] =	ssyncadd.s32 $0xFFFFF800  }
0x1ab: {  	_ =	swait.ge [sflag:s29], $0x800  }
0x1ac: {  	[sflag:s29] =	ssyncset.done $0x0  }
0x1ad: {  	[sflag:s29] =	ssyncadd.s32 $0xFFFFF800  }
0x1ae: {  	_ =	swait.ge [sflag:s29], $0x800  }
0x1af: {  	[sflag:s29] =	ssyncset.done $0x0  }
0x1b0: {  	[sflag:s29] =	ssyncadd.s32 $0xFFFFF800  }
0x1b1: {  	_ =	swait.ge [sflag:s29], $0x800  }
0x1b2: {  	[sflag:s29] =	ssyncset.done $0x0  }
0x1b3: {  	[sflag:s29] =	ssyncadd.s32 $0xFFFFF800  }
0x1b4: {  	_ =	swait.ge [sflag:s29], $0x800  }
0x1b5: {  	[sflag:s29] =	ssyncset.done $0x0  }
0x1b6: {  	[sflag:s29] =	ssyncadd.s32 $0xFFFFF800  }
0x1b7: {  	_ =	swait.ge [sflag:s29], $0x800  }
0x1b8: {  	[sflag:s29] =	ssyncset.done $0x0  }
0x1b9: {  	[sflag:s29] =	ssyncadd.s32 $0xFFFFF800  }
0x1ba: {  	_ =	swait.ge [sflag:s29], $0x800  }
0x1bb: {  	[sflag:s29] =	ssyncset.done $0x0  }
0x1bc: {  	[sflag:s29] =	ssyncadd.s32 $0xFFFFF800  }
0x1bd: {  	_ =	swait.ge [sflag:s29], $0x800  }
0x1be: {  	[sflag:s29] =	ssyncset.done $0x0  }
0x1bf: {  	[sflag:s29] =	ssyncadd.s32 $0xFFFFF800  }
0x1c0: {  	_ =	swait.ge [sflag:s29], $0x800  }
0x1c1: {  	[sflag:s29] =	ssyncset.done $0x0  }
0x1c2: {  	[sflag:s29] =	ssyncadd.s32 $0xFFFFF800  }
0x1c3: {  	_ =	swait.ge [sflag:s29], $0x800  }
0x1c4: {  	[sflag:s29] =	ssyncset.done $0x0  }
0x1c5: {  	[sflag:s29] =	ssyncadd.s32 $0xFFFFF800  }
0x1c6: {  	_ =	swait.ge [sflag:s29], $0x800  }
0x1c7: {  	[sflag:s29] =	ssyncset.done $0x0  }
0x1c8: {  	s21 =	simm.s32 $0x1C00;
	s25 =	simm.s32 $0xE00;
	[sflag:s29] =	ssyncadd.s32 $0xFFFFF800  }
0x1c9: {  	[spmem:s2] =	stream.indirect.scatter.add.f32 [tilespmem:s21], [sflag:$0x5], $0x10, s25, s19, $0xb8;
	[tilespmem:$0x1C400] =	vst v63  }
0x1ca: {  	s30 =	simm.s32 $0x2400;
	s9 =	simm.s32 $0xE80  }
0x1cb: {  	[spmem:s2] =	stream.indirect.scatter.add.f32 [tilespmem:s30], [sflag:$0x5], $0x10, s9, s19, $0xb8;
	[tilespmem:$0x1C400] =	vst v63  }
0x1cc: {  	s1 =	simm.s32 $0x2C00;
	s11 =	simm.s32 $0xF00  }
0x1cd: {  	[spmem:s2] =	stream.indirect.scatter.add.f32 [tilespmem:s1], [sflag:$0x5], $0x10, s11, s19, $0xb8;
	[tilespmem:$0x1C400] =	vst v63  }
0x1ce: {  	s13 =	simm.s32 $0xF80;
	s6 =	simm.s32 $0x3400  }
0x1cf: {  	[spmem:s2] =	stream.indirect.scatter.add.f32 [tilespmem:s6], [sflag:$0x5], $0x10, s13, s19, $0xb8;
	[tilespmem:$0x1C400] =	vst v63  }
0x1d0: {  	s0 =	simm.s32 $0x3C00;
	s7 =	simm.s32 $0x1000  }
0x1d1: {  	[spmem:s2] =	stream.indirect.scatter.add.f32 [tilespmem:s0], [sflag:$0x5], $0x10, s7, s19, $0xb8;
	[tilespmem:$0x1C400] =	vst v63  }
0x1d2: {  	s14 =	simm.s32 $0x1080;
	s11 =	simm.s32 $0x4400  }
0x1d3: {  	[spmem:s2] =	stream.indirect.scatter.add.f32 [tilespmem:s11], [sflag:$0x5], $0x10, s14, s19, $0xb8;
	[tilespmem:$0x1C400] =	vst v63  }
0x1d4: {  	s15 =	simm.s32 $0x1100;
	s13 =	simm.s32 $0x4C00  }
0x1d5: {  	[spmem:s2] =	stream.indirect.scatter.add.f32 [tilespmem:s13], [sflag:$0x5], $0x10, s15, s19, $0xb8;
	[tilespmem:$0x1C400] =	vst v63  }
0x1d6: {  	s16 =	simm.s32 $0x1180;
	s9 =	simm.s32 $0x5400  }
0x1d7: {  	[spmem:s2] =	stream.indirect.scatter.add.f32 [tilespmem:s9], [sflag:$0x5], $0x10, s16, s19, $0xb8;
	[tilespmem:$0x1C400] =	vst v63  }
0x1d8: {  	s17 =	simm.s32 $0x1200;
	s16 =	simm.s32 $0x5C00  }
0x1d9: {  	[spmem:s2] =	stream.indirect.scatter.add.f32 [tilespmem:s16], [sflag:$0x5], $0x10, s17, s19, $0xb8;
	[tilespmem:$0x1C400] =	vst v63  }
0x1da: {  	s20 =	simm.s32 $0x1280;
	s17 =	simm.s32 $0x6400  }
0x1db: {  	[spmem:s2] =	stream.indirect.scatter.add.f32 [tilespmem:s17], [sflag:$0x5], $0x10, s20, s19, $0xb8;
	[tilespmem:$0x1C400] =	vst v63  }
0x1dc: {  	s22 =	simm.s32 $0x1300;
	s15 =	simm.s32 $0x6C00  }
0x1dd: {  	[spmem:s2] =	stream.indirect.scatter.add.f32 [tilespmem:s15], [sflag:$0x5], $0x10, s22, s19, $0xb8;
	[tilespmem:$0x1C400] =	vst v63  }
0x1de: {  	s23 =	simm.s32 $0x1380;
	s20 =	simm.s32 $0x7400  }
0x1df: {  	[spmem:s2] =	stream.indirect.scatter.add.f32 [tilespmem:s20], [sflag:$0x5], $0x10, s23, s19, $0xb8;
	[tilespmem:$0x1C400] =	vst v63  }
0x1e0: {  	s24 =	simm.s32 $0x1400;
	s22 =	simm.s32 $0x7C00  }
0x1e1: {  	[spmem:s2] =	stream.indirect.scatter.add.f32 [tilespmem:s22], [sflag:$0x5], $0x10, s24, s19, $0xb8;
	[tilespmem:$0x1C400] =	vst v63  }
0x1e2: {  	s14 =	simm.s32 $0x1480;
	s24 =	simm.s32 $0x8400  }
0x1e3: {  	[spmem:s2] =	stream.indirect.scatter.add.f32 [tilespmem:s24], [sflag:$0x5], $0x10, s14, s19, $0xb8;
	[tilespmem:$0x1C400] =	vst v63  }
0x1e4: {  	_ =	swait.ge [sflag:s31], $0x800  }
0x1e5: {  	[sflag:s31] =	ssyncset.done $0x0  }
0x1e6: {  	[sflag:s31] =	ssyncadd.s32 $0xFFFFF800  }
0x1e7: {  	_ =	swait.ge [sflag:s31], $0x800  }
0x1e8: {  	[sflag:s31] =	ssyncset.done $0x0  }
0x1e9: {  	[sflag:s31] =	ssyncadd.s32 $0xFFFFF800  }
0x1ea: {  	_ =	swait.ge [sflag:s31], $0x800  }
0x1eb: {  	[sflag:s31] =	ssyncset.done $0x0  }
0x1ec: {  	[sflag:s31] =	ssyncadd.s32 $0xFFFFF800  }
0x1ed: {  	_ =	swait.ge [sflag:s31], $0x800  }
0x1ee: {  	[sflag:s31] =	ssyncset.done $0x0  }
0x1ef: {  	[sflag:s31] =	ssyncadd.s32 $0xFFFFF800  }
0x1f0: {  	_ =	swait.ge [sflag:s31], $0x800  }
0x1f1: {  	[sflag:s31] =	ssyncset.done $0x0  }
0x1f2: {  	[sflag:s31] =	ssyncadd.s32 $0xFFFFF800  }
0x1f3: {  	_ =	swait.ge [sflag:s31], $0x800  }
0x1f4: {  	[sflag:s31] =	ssyncset.done $0x0  }
0x1f5: {  	[sflag:s31] =	ssyncadd.s32 $0xFFFFF800  }
0x1f6: {  	_ =	swait.ge [sflag:s31], $0x800  }
0x1f7: {  	[sflag:s31] =	ssyncset.done $0x0  }
0x1f8: {  	[sflag:s31] =	ssyncadd.s32 $0xFFFFF800  }
0x1f9: {  	_ =	swait.ge [sflag:s31], $0x800  }
0x1fa: {  	[sflag:s31] =	ssyncset.done $0x0  }
0x1fb: {  	[sflag:s31] =	ssyncadd.s32 $0xFFFFF800  }
0x1fc: {  	_ =	swait.ge [sflag:s31], $0x800  }
0x1fd: {  	[sflag:s31] =	ssyncset.done $0x0  }
0x1fe: {  	[sflag:s31] =	ssyncadd.s32 $0xFFFFF800  }
0x1ff: {  	_ =	swait.ge [sflag:s31], $0x800  }
0x200: {  	[sflag:s31] =	ssyncset.done $0x0  }
0x201: {  	[sflag:s31] =	ssyncadd.s32 $0xFFFFF800  }
0x202: {  	_ =	swait.ge [sflag:s31], $0x800  }
0x203: {  	[sflag:s31] =	ssyncset.done $0x0  }
0x204: {  	[sflag:s31] =	ssyncadd.s32 $0xFFFFF800  }
0x205: {  	_ =	swait.ge [sflag:s31], $0x800  }
0x206: {  	[sflag:s31] =	ssyncset.done $0x0  }
0x207: {  	[sflag:s31] =	ssyncadd.s32 $0xFFFFF800  }
0x208: {  	_ =	swait.ge [sflag:s31], $0x800  }
0x209: {  	[sflag:s31] =	ssyncset.done $0x0  }
0x20a: {  	[sflag:s31] =	ssyncadd.s32 $0xFFFFF800  }
0x20b: {  	_ =	swait.ge [sflag:s31], $0x800  }
0x20c: {  	s12 =	smov.u32 s10;
	s14 =	rddreg [dreg:$0x6];
	[sflag:s31] =	ssyncset.done $0x0  }
0x20d: {  	s23 =	rddreg [dreg:$0x7];
	[sflag:s31] =	ssyncadd.s32 $0xFFFFF800;
	s14 =	sadd.s32 s12, s14  }
0x20e: {  	[tilespmem:s18], [sflag:$0x1] =	stream.linear.gather [hbm4b:s14+s18], $0x700, $0x38;
	[tilespmem:$0x1C400] =	vst v63  }
0x20f: {  	s7 =	sadd.s32 s12, s23  }
0x210: {  	[tilespmem:s25], [sflag:$0x1] =	stream.linear.gather [hbm4b:s7+s18], $0x700, $0x38;
	[tilespmem:$0x1C400] =	vst v63  }
0x211: {  	_ =	swait.ge [sflag:s28], $0x700  }
0x212: {  	[sflag:s28] =	ssyncset.done $0x0  }
0x213: {  	[sflag:s28] =	ssyncadd.s32 $0xFFFFF900  }
0x214: {  	_ =	swait.ge [sflag:s28], $0x700  }
0x215: {  	[sflag:s28] =	ssyncset.done $0x0  }
0x216: {  	[sflag:s28] =	ssyncadd.s32 $0xFFFFF900  }
0x217: {  	[tilespmem:s21], [sflag:$0x3] =	stream.indirect.gather [hbm4b:s5+s19], $0x10, s18, s19, $0xb8;
	[tilespmem:$0x1C400] =	vst v63  }
0x218: {  	_ = 	snop  }
0x219: {  	[tilespmem:s30], [sflag:$0x3] =	stream.indirect.gather [hbm4b:s5+s19], $0x10, s19, s19, $0xb8;
	[tilespmem:$0x1C400] =	vst v63  }
0x21a: {  	s25 =	simm.s32 $0x100  }
0x21b: {  	[tilespmem:s1], [sflag:$0x3] =	stream.indirect.gather [hbm4b:s5+s19], $0x10, s25, s19, $0xb8;
	[tilespmem:$0x1C400] =	vst v63  }
0x21c: {  	s14 =	simm.s32 $0x180  }
0x21d: {  	[tilespmem:s6], [sflag:$0x3] =	stream.indirect.gather [hbm4b:s5+s19], $0x10, s14, s19, $0xb8;
	[tilespmem:$0x1C400] =	vst v63  }
0x21e: {  	s14 =	simm.s32 $0x200  }
0x21f: {  	[tilespmem:s0], [sflag:$0x3] =	stream.indirect.gather [hbm4b:s5+s19], $0x10, s14, s19, $0xb8;
	[tilespmem:$0x1C400] =	vst v63  }
0x220: {  	s14 =	simm.s32 $0x280  }
0x221: {  	[tilespmem:s11], [sflag:$0x3] =	stream.indirect.gather [hbm4b:s5+s19], $0x10, s14, s19, $0xb8;
	[tilespmem:$0x1C400] =	vst v63  }
0x222: {  	s14 =	simm.s32 $0x300  }
0x223: {  	[tilespmem:s13], [sflag:$0x3] =	stream.indirect.gather [hbm4b:s5+s19], $0x10, s14, s19, $0xb8;
	[tilespmem:$0x1C400] =	vst v63  }
0x224: {  	s14 =	simm.s32 $0x380  }
0x225: {  	[tilespmem:s9], [sflag:$0x3] =	stream.indirect.gather [hbm4b:s5+s19], $0x10, s14, s19, $0xb8;
	[tilespmem:$0x1C400] =	vst v63  }
0x226: {  	s14 =	simm.s32 $0x400  }
0x227: {  	[tilespmem:s16], [sflag:$0x3] =	stream.indirect.gather [hbm4b:s5+s19], $0x10, s14, s19, $0xb8;
	[tilespmem:$0x1C400] =	vst v63  }
0x228: {  	s14 =	simm.s32 $0x480  }
0x229: {  	[tilespmem:s17], [sflag:$0x3] =	stream.indirect.gather [hbm4b:s5+s19], $0x10, s14, s19, $0xb8;
	[tilespmem:$0x1C400] =	vst v63  }
0x22a: {  	s14 =	simm.s32 $0x500  }
0x22b: {  	[tilespmem:s15], [sflag:$0x3] =	stream.indirect.gather [hbm4b:s5+s19], $0x10, s14, s19, $0xb8;
	[tilespmem:$0x1C400] =	vst v63  }
0x22c: {  	s14 =	simm.s32 $0x580  }
0x22d: {  	[tilespmem:s20], [sflag:$0x3] =	stream.indirect.gather [hbm4b:s5+s19], $0x10, s14, s19, $0xb8;
	[tilespmem:$0x1C400] =	vst v63  }
0x22e: {  	s14 =	simm.s32 $0x600  }
0x22f: {  	[tilespmem:s22], [sflag:$0x3] =	stream.indirect.gather [hbm4b:s5+s19], $0x10, s14, s19, $0xb8;
	[tilespmem:$0x1C400] =	vst v63  }
0x230: {  	s14 =	simm.s32 $0x680  }
0x231: {  	[tilespmem:s24], [sflag:$0x3] =	stream.indirect.gather [hbm4b:s5+s19], $0x10, s14, s19, $0xb8;
	[tilespmem:$0x1C400] =	vst v63  }
0x232: {  	_ =	swait.ge [sflag:s4], $0x800  }
0x233: {  	[sflag:s4] =	ssyncset.done $0x0  }
0x234: {  	[sflag:s4] =	ssyncadd.s32 $0xFFFFF800  }
0x235: {  	_ =	swait.ge [sflag:s4], $0x800  }
0x236: {  	[sflag:s4] =	ssyncset.done $0x0  }
0x237: {  	[sflag:s4] =	ssyncadd.s32 $0xFFFFF800  }
0x238: {  	_ =	swait.ge [sflag:s4], $0x800  }
0x239: {  	[sflag:s4] =	ssyncset.done $0x0  }
0x23a: {  	[sflag:s4] =	ssyncadd.s32 $0xFFFFF800  }
0x23b: {  	_ =	swait.ge [sflag:s4], $0x800  }
0x23c: {  	[sflag:s4] =	ssyncset.done $0x0  }
0x23d: {  	[sflag:s4] =	ssyncadd.s32 $0xFFFFF800  }
0x23e: {  	_ =	swait.ge [sflag:s4], $0x800  }
0x23f: {  	[sflag:s4] =	ssyncset.done $0x0  }
0x240: {  	[sflag:s4] =	ssyncadd.s32 $0xFFFFF800  }
0x241: {  	_ =	swait.ge [sflag:s4], $0x800  }
0x242: {  	[sflag:s4] =	ssyncset.done $0x0  }
0x243: {  	[sflag:s4] =	ssyncadd.s32 $0xFFFFF800  }
0x244: {  	_ =	swait.ge [sflag:s4], $0x800  }
0x245: {  	[sflag:s4] =	ssyncset.done $0x0  }
0x246: {  	[sflag:s4] =	ssyncadd.s32 $0xFFFFF800  }
0x247: {  	_ =	swait.ge [sflag:s4], $0x800  }
0x248: {  	[sflag:s4] =	ssyncset.done $0x0  }
0x249: {  	[sflag:s4] =	ssyncadd.s32 $0xFFFFF800  }
0x24a: {  	_ =	swait.ge [sflag:s4], $0x800  }
0x24b: {  	[sflag:s4] =	ssyncset.done $0x0  }
0x24c: {  	[sflag:s4] =	ssyncadd.s32 $0xFFFFF800  }
0x24d: {  	_ =	swait.ge [sflag:s4], $0x800  }
0x24e: {  	[sflag:s4] =	ssyncset.done $0x0  }
0x24f: {  	[sflag:s4] =	ssyncadd.s32 $0xFFFFF800  }
0x250: {  	_ =	swait.ge [sflag:s4], $0x800  }
0x251: {  	[sflag:s4] =	ssyncset.done $0x0  }
0x252: {  	[sflag:s4] =	ssyncadd.s32 $0xFFFFF800  }
0x253: {  	_ =	swait.ge [sflag:s4], $0x800  }
0x254: {  	[sflag:s4] =	ssyncset.done $0x0  }
0x255: {  	[sflag:s4] =	ssyncadd.s32 $0xFFFFF800  }
0x256: {  	_ =	swait.ge [sflag:s4], $0x800  }
0x257: {  	[sflag:s4] =	ssyncset.done $0x0  }
0x258: {  	[sflag:s4] =	ssyncadd.s32 $0xFFFFF800  }
0x259: {  	_ =	swait.ge [sflag:s4], $0x800  }
0x25a: {  	[sflag:s4] =	ssyncset.done $0x0  }
0x25b: {  	s24 =	simm.s32 $0x1500;
	[sflag:s4] =	ssyncadd.s32 $0xFFFFF800  }
0x25c: {  	[spmem:s2] =	stream.indirect.scatter.add.f32 [tilespmem:s3], [sflag:$0x6], $0x10, s24, s19, $0xb8;
	[tilespmem:$0x1C400] =	vst v63  }
0x25d: {  	s14 =	simm.s32 $0x1580  }
0x25e: {  	[spmem:s2] =	stream.indirect.scatter.add.f32 [tilespmem:s26], [sflag:$0x6], $0x10, s14, s19, $0xb8;
	[tilespmem:$0x1C400] =	vst v63  }
0x25f: {  	s24 =	simm.s32 $0x1600;
	s26 =	simm.s32 $0x9C00  }
0x260: {  	[spmem:s2] =	stream.indirect.scatter.add.f32 [tilespmem:s26], [sflag:$0x6], $0x10, s24, s19, $0xb8;
	[tilespmem:$0x1C400] =	vst v63  }
0x261: {  	s7 =	simm.s32 $0x1680;
	s14 =	simm.s32 $0xA400  }
0x262: {  	[spmem:s2] =	stream.indirect.scatter.add.f32 [tilespmem:s14], [sflag:$0x6], $0x10, s7, s19, $0xb8;
	[tilespmem:$0x1C400] =	vst v63  }
0x263: {  	s24 =	simm.s32 $0x1700;
	s26 =	simm.s32 $0xAC00  }
0x264: {  	[spmem:s2] =	stream.indirect.scatter.add.f32 [tilespmem:s26], [sflag:$0x6], $0x10, s24, s19, $0xb8;
	[tilespmem:$0x1C400] =	vst v63  }
0x265: {  	s7 =	simm.s32 $0x1780;
	s14 =	simm.s32 $0xB400  }
0x266: {  	[spmem:s2] =	stream.indirect.scatter.add.f32 [tilespmem:s14], [sflag:$0x6], $0x10, s7, s19, $0xb8;
	[tilespmem:$0x1C400] =	vst v63  }
0x267: {  	s24 =	simm.s32 $0x1800;
	s26 =	simm.s32 $0xBC00  }
0x268: {  	[spmem:s2] =	stream.indirect.scatter.add.f32 [tilespmem:s26], [sflag:$0x6], $0x10, s24, s19, $0xb8;
	[tilespmem:$0x1C400] =	vst v63  }
0x269: {  	s7 =	simm.s32 $0x1880;
	s14 =	simm.s32 $0xC400  }
0x26a: {  	[spmem:s2] =	stream.indirect.scatter.add.f32 [tilespmem:s14], [sflag:$0x6], $0x10, s7, s19, $0xb8;
	[tilespmem:$0x1C400] =	vst v63  }
0x26b: {  	s24 =	simm.s32 $0x1900;
	s26 =	simm.s32 $0xCC00  }
0x26c: {  	[spmem:s2] =	stream.indirect.scatter.add.f32 [tilespmem:s26], [sflag:$0x6], $0x10, s24, s19, $0xb8;
	[tilespmem:$0x1C400] =	vst v63  }
0x26d: {  	s7 =	simm.s32 $0x1980;
	s14 =	simm.s32 $0xD400  }
0x26e: {  	[spmem:s2] =	stream.indirect.scatter.add.f32 [tilespmem:s14], [sflag:$0x6], $0x10, s7, s19, $0xb8;
	[tilespmem:$0x1C400] =	vst v63  }
0x26f: {  	s24 =	simm.s32 $0x1A00;
	s26 =	simm.s32 $0xDC00  }
0x270: {  	[spmem:s2] =	stream.indirect.scatter.add.f32 [tilespmem:s26], [sflag:$0x6], $0x10, s24, s19, $0xb8;
	[tilespmem:$0x1C400] =	vst v63  }
0x271: {  	s7 =	simm.s32 $0x1A80;
	s14 =	simm.s32 $0xE400  }
0x272: {  	[spmem:s2] =	stream.indirect.scatter.add.f32 [tilespmem:s14], [sflag:$0x6], $0x10, s7, s19, $0xb8;
	[tilespmem:$0x1C400] =	vst v63  }
0x273: {  	s24 =	simm.s32 $0x1B00;
	s26 =	simm.s32 $0xEC00  }
0x274: {  	[spmem:s2] =	stream.indirect.scatter.add.f32 [tilespmem:s26], [sflag:$0x6], $0x10, s24, s19, $0xb8;
	[tilespmem:$0x1C400] =	vst v63  }
0x275: {  	s7 =	simm.s32 $0x1B80;
	s14 =	simm.s32 $0xF400  }
0x276: {  	[spmem:s2] =	stream.indirect.scatter.add.f32 [tilespmem:s14], [sflag:$0x6], $0x10, s7, s19, $0xb8;
	[tilespmem:$0x1C400] =	vst v63  }
0x277: {  	_ =	swait.ge [sflag:s8], $0x800  }
0x278: {  	[sflag:s8] =	ssyncset.done $0x0  }
0x279: {  	[sflag:s8] =	ssyncadd.s32 $0xFFFFF800  }
0x27a: {  	_ =	swait.ge [sflag:s8], $0x800  }
0x27b: {  	[sflag:s8] =	ssyncset.done $0x0  }
0x27c: {  	[sflag:s8] =	ssyncadd.s32 $0xFFFFF800  }
0x27d: {  	_ =	swait.ge [sflag:s8], $0x800  }
0x27e: {  	[sflag:s8] =	ssyncset.done $0x0  }
0x27f: {  	[sflag:s8] =	ssyncadd.s32 $0xFFFFF800  }
0x280: {  	_ =	swait.ge [sflag:s8], $0x800  }
0x281: {  	[sflag:s8] =	ssyncset.done $0x0  }
0x282: {  	[sflag:s8] =	ssyncadd.s32 $0xFFFFF800  }
0x283: {  	_ =	swait.ge [sflag:s8], $0x800  }
0x284: {  	[sflag:s8] =	ssyncset.done $0x0  }
0x285: {  	[sflag:s8] =	ssyncadd.s32 $0xFFFFF800  }
0x286: {  	_ =	swait.ge [sflag:s8], $0x800  }
0x287: {  	[sflag:s8] =	ssyncset.done $0x0  }
0x288: {  	[sflag:s8] =	ssyncadd.s32 $0xFFFFF800  }
0x289: {  	_ =	swait.ge [sflag:s8], $0x800  }
0x28a: {  	[sflag:s8] =	ssyncset.done $0x0  }
0x28b: {  	[sflag:s8] =	ssyncadd.s32 $0xFFFFF800  }
0x28c: {  	_ =	swait.ge [sflag:s8], $0x800  }
0x28d: {  	[sflag:s8] =	ssyncset.done $0x0  }
0x28e: {  	[sflag:s8] =	ssyncadd.s32 $0xFFFFF800  }
0x28f: {  	_ =	swait.ge [sflag:s8], $0x800  }
0x290: {  	[sflag:s8] =	ssyncset.done $0x0  }
0x291: {  	[sflag:s8] =	ssyncadd.s32 $0xFFFFF800  }
0x292: {  	_ =	swait.ge [sflag:s8], $0x800  }
0x293: {  	[sflag:s8] =	ssyncset.done $0x0  }
0x294: {  	[sflag:s8] =	ssyncadd.s32 $0xFFFFF800  }
0x295: {  	_ =	swait.ge [sflag:s8], $0x800  }
0x296: {  	[sflag:s8] =	ssyncset.done $0x0  }
0x297: {  	p0 =	sne.s32 s10, $0x2D80;
	s10 =	sadd.s32 $0x1C0, s10;
	[sflag:s8] =	ssyncadd.s32 $0xFFFFF800  }
0x298: {  	s23 =	simm.s32 $0xE00;
	s21 =	simm.s32 $0x2400;
	_ =	swait.ge [sflag:s8], $0x800  }
0x299: {  	s30 =	simm.s32 $0x2C00;
	s1 =	simm.s32 $0x3400;
	[sflag:s8] =	ssyncset.done $0x0  }
0x29a: {  	s6 =	simm.s32 $0x3C00;
	s0 =	simm.s32 $0x4400;
	[sflag:s8] =	ssyncadd.s32 $0xFFFFF800  }
0x29b: {  	s11 =	simm.s32 $0x4C00;
	s13 =	simm.s32 $0x5400;
	_ =	swait.ge [sflag:s8], $0x800  }
0x29c: {  	s9 =	simm.s32 $0x5C00;
	s16 =	simm.s32 $0x6400;
	[sflag:s8] =	ssyncset.done $0x0  }
0x29d: {  	s17 =	simm.s32 $0x6C00;
	s15 =	simm.s32 $0x7400;
	[sflag:s8] =	ssyncadd.s32 $0xFFFFF800  }
.Ltmp0:
0x29e: {  	s20 =	simm.s32 $0x7C00;
	_ =	swait.ge [sflag:s8], $0x800;
	(pc) =	sbr.rel @p0 .LBB2_2-.Ltmp0, $4  }
0x29f: {  	s22 =	simm.s32 $0x8400;
	s24 =	rddreg [dreg:$0x4];
	[sflag:s8] =	ssyncset.done $0x0  }
0x2a0: {  	s26 =	simm.s32 $0x700;
	s14 =	rddreg [dreg:$0x5];
	[sflag:s8] =	ssyncadd.s32 $0xFFFFF800  }
0x2a1: {  	s7 =	sadd.s32 s12, s24;
	s24 =	simm.s32 $0x700;
	s12 =	sadd.s32 s12, s14  }
0x2a2: {  	[tilespmem:s26], [sflag:$0x2] =	stream.linear.gather [hbm4b:s7+s18], $0x700, $0x38;
	[tilespmem:$0x1C400] =	vst v63  }
0x2a3: {  	s7 =	simm.s32 $0x1500;
	s3 =	simm.s32 $0x0;
	s18 =	simm.s32 $0x2  }
0x2a4: {  	[tilespmem:s7], [sflag:$0x2] =	stream.linear.gather [hbm4b:s12+s3], $0x700, $0x38;
	[tilespmem:$0x1C400] =	vst v63  }
0x2a5: {  	_ =	swait.ge [sflag:s18], $0x700  }
0x2a6: {  	[sflag:s18] =	ssyncset.done $0x0  }
0x2a7: {  	[sflag:s18] =	ssyncadd.s32 $0xFFFFF900  }
0x2a8: {  	_ =	swait.ge [sflag:s18], $0x700  }
0x2a9: {  	[sflag:s18] =	ssyncset.done $0x0  }
0x2aa: {  	s26 =	simm.s32 $0x8C00;
	[sflag:s18] =	ssyncadd.s32 $0xFFFFF900  }
0x2ab: {  	[tilespmem:s26], [sflag:$0x4] =	stream.indirect.gather [hbm4b:s5+s19], $0x10, s24, s19, $0xb8;
	[tilespmem:$0x1C400] =	vst v63  }
0x2ac: {  	s10 =	simm.s32 $0x780;
	s14 =	simm.s32 $0x9400  }
0x2ad: {  	[tilespmem:s14], [sflag:$0x4] =	stream.indirect.gather [hbm4b:s5+s19], $0x10, s10, s19, $0xb8;
	[tilespmem:$0x1C400] =	vst v63  }
0x2ae: {  	s28 =	simm.s32 $0x800;
	s24 =	simm.s32 $0x9C00  }
0x2af: {  	[tilespmem:s24], [sflag:$0x4] =	stream.indirect.gather [hbm4b:s5+s19], $0x10, s28, s19, $0xb8;
	[tilespmem:$0x1C400] =	vst v63  }
0x2b0: {  	s3 =	simm.s32 $0x880;
	s26 =	simm.s32 $0xA400  }
0x2b1: {  	[tilespmem:s26], [sflag:$0x4] =	stream.indirect.gather [hbm4b:s5+s19], $0x10, s3, s19, $0xb8;
	[tilespmem:$0x1C400] =	vst v63  }
0x2b2: {  	s7 =	simm.s32 $0x900;
	s28 =	simm.s32 $0xAC00  }
0x2b3: {  	[tilespmem:s28], [sflag:$0x4] =	stream.indirect.gather [hbm4b:s5+s19], $0x10, s7, s19, $0xb8;
	[tilespmem:$0x1C400] =	vst v63  }
0x2b4: {  	s12 =	simm.s32 $0x980;
	s3 =	simm.s32 $0xB400  }
0x2b5: {  	[tilespmem:s3], [sflag:$0x4] =	stream.indirect.gather [hbm4b:s5+s19], $0x10, s12, s19, $0xb8;
	[tilespmem:$0x1C400] =	vst v63  }
0x2b6: {  	s18 =	simm.s32 $0xA00;
	s7 =	simm.s32 $0xBC00  }
0x2b7: {  	[tilespmem:s7], [sflag:$0x4] =	stream.indirect.gather [hbm4b:s5+s19], $0x10, s18, s19, $0xb8;
	[tilespmem:$0x1C400] =	vst v63  }
0x2b8: {  	s12 =	simm.s32 $0xA80;
	s18 =	simm.s32 $0xC400  }
0x2b9: {  	[tilespmem:s18], [sflag:$0x4] =	stream.indirect.gather [hbm4b:s5+s19], $0x10, s12, s19, $0xb8;
	[tilespmem:$0x1C400] =	vst v63  }
0x2ba: {  	s10 =	simm.s32 $0xB00;
	s12 =	simm.s32 $0xCC00  }
0x2bb: {  	[tilespmem:s12], [sflag:$0x4] =	stream.indirect.gather [hbm4b:s5+s19], $0x10, s10, s19, $0xb8;
	[tilespmem:$0x1C400] =	vst v63  }
0x2bc: {  	s10 =	simm.s32 $0xB80;
	s12 =	simm.s32 $0xD400  }
0x2bd: {  	[tilespmem:s12], [sflag:$0x4] =	stream.indirect.gather [hbm4b:s5+s19], $0x10, s10, s19, $0xb8;
	[tilespmem:$0x1C400] =	vst v63  }
0x2be: {  	s10 =	simm.s32 $0xC00;
	s12 =	simm.s32 $0xDC00  }
0x2bf: {  	[tilespmem:s12], [sflag:$0x4] =	stream.indirect.gather [hbm4b:s5+s19], $0x10, s10, s19, $0xb8;
	[tilespmem:$0x1C400] =	vst v63  }
0x2c0: {  	s10 =	simm.s32 $0xC80;
	s12 =	simm.s32 $0xE400  }
0x2c1: {  	[tilespmem:s12], [sflag:$0x4] =	stream.indirect.gather [hbm4b:s5+s19], $0x10, s10, s19, $0xb8;
	[tilespmem:$0x1C400] =	vst v63  }
0x2c2: {  	s10 =	simm.s32 $0xD00;
	s12 =	simm.s32 $0xEC00  }
0x2c3: {  	[tilespmem:s12], [sflag:$0x4] =	stream.indirect.gather [hbm4b:s5+s19], $0x10, s10, s19, $0xb8;
	[tilespmem:$0x1C400] =	vst v63  }
0x2c4: {  	s10 =	simm.s32 $0xD80;
	s12 =	simm.s32 $0xF400  }
0x2c5: {  	[tilespmem:s12], [sflag:$0x4] =	stream.indirect.gather [hbm4b:s5+s19], $0x10, s10, s19, $0xb8;
	[tilespmem:$0x1C400] =	vst v63  }
0x2c6: {  	_ =	swait.ge [sflag:s29], $0x800  }
0x2c7: {  	[sflag:s29] =	ssyncset.done $0x0  }
0x2c8: {  	[sflag:s29] =	ssyncadd.s32 $0xFFFFF800  }
0x2c9: {  	_ =	swait.ge [sflag:s29], $0x800  }
0x2ca: {  	[sflag:s29] =	ssyncset.done $0x0  }
0x2cb: {  	[sflag:s29] =	ssyncadd.s32 $0xFFFFF800  }
0x2cc: {  	_ =	swait.ge [sflag:s29], $0x800  }
0x2cd: {  	[sflag:s29] =	ssyncset.done $0x0  }
0x2ce: {  	[sflag:s29] =	ssyncadd.s32 $0xFFFFF800  }
0x2cf: {  	_ =	swait.ge [sflag:s29], $0x800  }
0x2d0: {  	[sflag:s29] =	ssyncset.done $0x0  }
0x2d1: {  	[sflag:s29] =	ssyncadd.s32 $0xFFFFF800  }
0x2d2: {  	_ =	swait.ge [sflag:s29], $0x800  }
0x2d3: {  	[sflag:s29] =	ssyncset.done $0x0  }
0x2d4: {  	[sflag:s29] =	ssyncadd.s32 $0xFFFFF800  }
0x2d5: {  	_ =	swait.ge [sflag:s29], $0x800  }
0x2d6: {  	[sflag:s29] =	ssyncset.done $0x0  }
0x2d7: {  	[sflag:s29] =	ssyncadd.s32 $0xFFFFF800  }
0x2d8: {  	_ =	swait.ge [sflag:s29], $0x800  }
0x2d9: {  	[sflag:s29] =	ssyncset.done $0x0  }
0x2da: {  	[sflag:s29] =	ssyncadd.s32 $0xFFFFF800  }
0x2db: {  	_ =	swait.ge [sflag:s29], $0x800  }
0x2dc: {  	[sflag:s29] =	ssyncset.done $0x0  }
0x2dd: {  	[sflag:s29] =	ssyncadd.s32 $0xFFFFF800  }
0x2de: {  	_ =	swait.ge [sflag:s29], $0x800  }
0x2df: {  	[sflag:s29] =	ssyncset.done $0x0  }
0x2e0: {  	[sflag:s29] =	ssyncadd.s32 $0xFFFFF800  }
0x2e1: {  	_ =	swait.ge [sflag:s29], $0x800  }
0x2e2: {  	[sflag:s29] =	ssyncset.done $0x0  }
0x2e3: {  	[sflag:s29] =	ssyncadd.s32 $0xFFFFF800  }
0x2e4: {  	_ =	swait.ge [sflag:s29], $0x800  }
0x2e5: {  	[sflag:s29] =	ssyncset.done $0x0  }
0x2e6: {  	[sflag:s29] =	ssyncadd.s32 $0xFFFFF800  }
0x2e7: {  	_ =	swait.ge [sflag:s29], $0x800  }
0x2e8: {  	[sflag:s29] =	ssyncset.done $0x0  }
0x2e9: {  	[sflag:s29] =	ssyncadd.s32 $0xFFFFF800  }
0x2ea: {  	_ =	swait.ge [sflag:s29], $0x800  }
0x2eb: {  	[sflag:s29] =	ssyncset.done $0x0  }
0x2ec: {  	[sflag:s29] =	ssyncadd.s32 $0xFFFFF800  }
0x2ed: {  	_ =	swait.ge [sflag:s29], $0x800  }
0x2ee: {  	[sflag:s29] =	ssyncset.done $0x0  }
0x2ef: {  	s12 =	simm.s32 $0x1C00;
	[sflag:s29] =	ssyncadd.s32 $0xFFFFF800  }
0x2f0: {  	[spmem:s2] =	stream.indirect.scatter.add.f32 [tilespmem:s12], [sflag:$0x5], $0x10, s23, s19, $0xb8;
	[tilespmem:$0x1C400] =	vst v63  }
0x2f1: {  	s23 =	simm.s32 $0xE80  }
0x2f2: {  	[spmem:s2] =	stream.indirect.scatter.add.f32 [tilespmem:s21], [sflag:$0x5], $0x10, s23, s19, $0xb8;
	[tilespmem:$0x1C400] =	vst v63  }
0x2f3: {  	s21 =	simm.s32 $0xF00  }
0x2f4: {  	[spmem:s2] =	stream.indirect.scatter.add.f32 [tilespmem:s30], [sflag:$0x5], $0x10, s21, s19, $0xb8;
	[tilespmem:$0x1C400] =	vst v63  }
0x2f5: {  	s23 =	simm.s32 $0xF80  }
0x2f6: {  	[spmem:s2] =	stream.indirect.scatter.add.f32 [tilespmem:s1], [sflag:$0x5], $0x10, s23, s19, $0xb8;
	[tilespmem:$0x1C400] =	vst v63  }
0x2f7: {  	s10 =	simm.s32 $0x1000  }
0x2f8: {  	[spmem:s2] =	stream.indirect.scatter.add.f32 [tilespmem:s6], [sflag:$0x5], $0x10, s10, s19, $0xb8;
	[tilespmem:$0x1C400] =	vst v63  }
0x2f9: {  	s21 =	simm.s32 $0x1080  }
0x2fa: {  	[spmem:s2] =	stream.indirect.scatter.add.f32 [tilespmem:s0], [sflag:$0x5], $0x10, s21, s19, $0xb8;
	[tilespmem:$0x1C400] =	vst v63  }
0x2fb: {  	s23 =	simm.s32 $0x1100  }
0x2fc: {  	[spmem:s2] =	stream.indirect.scatter.add.f32 [tilespmem:s11], [sflag:$0x5], $0x10, s23, s19, $0xb8;
	[tilespmem:$0x1C400] =	vst v63  }
0x2fd: {  	s1 =	simm.s32 $0x1180  }
0x2fe: {  	[spmem:s2] =	stream.indirect.scatter.add.f32 [tilespmem:s13], [sflag:$0x5], $0x10, s1, s19, $0xb8;
	[tilespmem:$0x1C400] =	vst v63  }
0x2ff: {  	s6 =	simm.s32 $0x1200  }
0x300: {  	[spmem:s2] =	stream.indirect.scatter.add.f32 [tilespmem:s9], [sflag:$0x5], $0x10, s6, s19, $0xb8;
	[tilespmem:$0x1C400] =	vst v63  }
0x301: {  	s10 =	simm.s32 $0x1280  }
0x302: {  	[spmem:s2] =	stream.indirect.scatter.add.f32 [tilespmem:s16], [sflag:$0x5], $0x10, s10, s19, $0xb8;
	[tilespmem:$0x1C400] =	vst v63  }
0x303: {  	s11 =	simm.s32 $0x1300  }
0x304: {  	[spmem:s2] =	stream.indirect.scatter.add.f32 [tilespmem:s17], [sflag:$0x5], $0x10, s11, s19, $0xb8;
	[tilespmem:$0x1C400] =	vst v63  }
0x305: {  	s13 =	simm.s32 $0x1380  }
0x306: {  	[spmem:s2] =	stream.indirect.scatter.add.f32 [tilespmem:s15], [sflag:$0x5], $0x10, s13, s19, $0xb8;
	[tilespmem:$0x1C400] =	vst v63  }
0x307: {  	s16 =	simm.s32 $0x1400  }
0x308: {  	[spmem:s2] =	stream.indirect.scatter.add.f32 [tilespmem:s20], [sflag:$0x5], $0x10, s16, s19, $0xb8;
	[tilespmem:$0x1C400] =	vst v63  }
0x309: {  	s17 =	simm.s32 $0x1480  }
0x30a: {  	[spmem:s2] =	stream.indirect.scatter.add.f32 [tilespmem:s22], [sflag:$0x5], $0x10, s17, s19, $0xb8;
	[tilespmem:$0x1C400] =	vst v63  }
0x30b: {  	_ =	swait.ge [sflag:s31], $0x800  }
0x30c: {  	[sflag:s31] =	ssyncset.done $0x0  }
0x30d: {  	[sflag:s31] =	ssyncadd.s32 $0xFFFFF800  }
0x30e: {  	_ =	swait.ge [sflag:s31], $0x800  }
0x30f: {  	[sflag:s31] =	ssyncset.done $0x0  }
0x310: {  	[sflag:s31] =	ssyncadd.s32 $0xFFFFF800  }
0x311: {  	_ =	swait.ge [sflag:s31], $0x800  }
0x312: {  	[sflag:s31] =	ssyncset.done $0x0  }
0x313: {  	[sflag:s31] =	ssyncadd.s32 $0xFFFFF800  }
0x314: {  	_ =	swait.ge [sflag:s31], $0x800  }
0x315: {  	[sflag:s31] =	ssyncset.done $0x0  }
0x316: {  	[sflag:s31] =	ssyncadd.s32 $0xFFFFF800  }
0x317: {  	_ =	swait.ge [sflag:s31], $0x800  }
0x318: {  	[sflag:s31] =	ssyncset.done $0x0  }
0x319: {  	[sflag:s31] =	ssyncadd.s32 $0xFFFFF800  }
0x31a: {  	_ =	swait.ge [sflag:s31], $0x800  }
0x31b: {  	[sflag:s31] =	ssyncset.done $0x0  }
0x31c: {  	[sflag:s31] =	ssyncadd.s32 $0xFFFFF800  }
0x31d: {  	_ =	swait.ge [sflag:s31], $0x800  }
0x31e: {  	[sflag:s31] =	ssyncset.done $0x0  }
0x31f: {  	[sflag:s31] =	ssyncadd.s32 $0xFFFFF800  }
0x320: {  	_ =	swait.ge [sflag:s31], $0x800  }
0x321: {  	[sflag:s31] =	ssyncset.done $0x0  }
0x322: {  	[sflag:s31] =	ssyncadd.s32 $0xFFFFF800  }
0x323: {  	_ =	swait.ge [sflag:s31], $0x800  }
0x324: {  	[sflag:s31] =	ssyncset.done $0x0  }
0x325: {  	[sflag:s31] =	ssyncadd.s32 $0xFFFFF800  }
0x326: {  	_ =	swait.ge [sflag:s31], $0x800  }
0x327: {  	[sflag:s31] =	ssyncset.done $0x0  }
0x328: {  	[sflag:s31] =	ssyncadd.s32 $0xFFFFF800  }
0x329: {  	_ =	swait.ge [sflag:s31], $0x800  }
0x32a: {  	[sflag:s31] =	ssyncset.done $0x0  }
0x32b: {  	[sflag:s31] =	ssyncadd.s32 $0xFFFFF800  }
0x32c: {  	_ =	swait.ge [sflag:s31], $0x800  }
0x32d: {  	[sflag:s31] =	ssyncset.done $0x0  }
0x32e: {  	[sflag:s31] =	ssyncadd.s32 $0xFFFFF800  }
0x32f: {  	_ =	swait.ge [sflag:s31], $0x800  }
0x330: {  	[sflag:s31] =	ssyncset.done $0x0  }
0x331: {  	[sflag:s31] =	ssyncadd.s32 $0xFFFFF800  }
0x332: {  	_ =	swait.ge [sflag:s31], $0x800  }
0x333: {  	[sflag:s31] =	ssyncset.done $0x0  }
0x334: {  	[sflag:s31] =	ssyncadd.s32 $0xFFFFF800  }
0x335: {  	_ =	swait.ge [sflag:s4], $0x800  }
0x336: {  	[sflag:s4] =	ssyncset.done $0x0  }
0x337: {  	[sflag:s4] =	ssyncadd.s32 $0xFFFFF800  }
0x338: {  	_ =	swait.ge [sflag:s4], $0x800  }
0x339: {  	[sflag:s4] =	ssyncset.done $0x0  }
0x33a: {  	[sflag:s4] =	ssyncadd.s32 $0xFFFFF800  }
0x33b: {  	_ =	swait.ge [sflag:s4], $0x800  }
0x33c: {  	[sflag:s4] =	ssyncset.done $0x0  }
0x33d: {  	[sflag:s4] =	ssyncadd.s32 $0xFFFFF800  }
0x33e: {  	_ =	swait.ge [sflag:s4], $0x800  }
0x33f: {  	[sflag:s4] =	ssyncset.done $0x0  }
0x340: {  	[sflag:s4] =	ssyncadd.s32 $0xFFFFF800  }
0x341: {  	_ =	swait.ge [sflag:s4], $0x800  }
0x342: {  	[sflag:s4] =	ssyncset.done $0x0  }
0x343: {  	[sflag:s4] =	ssyncadd.s32 $0xFFFFF800  }
0x344: {  	_ =	swait.ge [sflag:s4], $0x800  }
0x345: {  	[sflag:s4] =	ssyncset.done $0x0  }
0x346: {  	[sflag:s4] =	ssyncadd.s32 $0xFFFFF800  }
0x347: {  	_ =	swait.ge [sflag:s4], $0x800  }
0x348: {  	[sflag:s4] =	ssyncset.done $0x0  }
0x349: {  	[sflag:s4] =	ssyncadd.s32 $0xFFFFF800  }
0x34a: {  	_ =	swait.ge [sflag:s4], $0x800  }
0x34b: {  	[sflag:s4] =	ssyncset.done $0x0  }
0x34c: {  	[sflag:s4] =	ssyncadd.s32 $0xFFFFF800  }
0x34d: {  	_ =	swait.ge [sflag:s4], $0x800  }
0x34e: {  	[sflag:s4] =	ssyncset.done $0x0  }
0x34f: {  	[sflag:s4] =	ssyncadd.s32 $0xFFFFF800  }
0x350: {  	_ =	swait.ge [sflag:s4], $0x800  }
0x351: {  	[sflag:s4] =	ssyncset.done $0x0  }
0x352: {  	[sflag:s4] =	ssyncadd.s32 $0xFFFFF800  }
0x353: {  	_ =	swait.ge [sflag:s4], $0x800  }
0x354: {  	[sflag:s4] =	ssyncset.done $0x0  }
0x355: {  	[sflag:s4] =	ssyncadd.s32 $0xFFFFF800  }
0x356: {  	_ =	swait.ge [sflag:s4], $0x800  }
0x357: {  	[sflag:s4] =	ssyncset.done $0x0  }
0x358: {  	[sflag:s4] =	ssyncadd.s32 $0xFFFFF800  }
0x359: {  	_ =	swait.ge [sflag:s4], $0x800  }
0x35a: {  	[sflag:s4] =	ssyncset.done $0x0  }
0x35b: {  	[sflag:s4] =	ssyncadd.s32 $0xFFFFF800  }
0x35c: {  	_ =	swait.ge [sflag:s4], $0x800  }
0x35d: {  	[sflag:s4] =	ssyncset.done $0x0  }
0x35e: {  	s21 =	simm.s32 $0x8C00;
	s20 =	simm.s32 $0x1500;
	[sflag:s4] =	ssyncadd.s32 $0xFFFFF800  }
0x35f: {  	[spmem:s2] =	stream.indirect.scatter.add.f32 [tilespmem:s21], [sflag:$0x6], $0x10, s20, s19, $0xb8;
	[tilespmem:$0x1C400] =	vst v63  }
0x360: {  	s22 =	simm.s32 $0x1580  }
0x361: {  	[spmem:s2] =	stream.indirect.scatter.add.f32 [tilespmem:s14], [sflag:$0x6], $0x10, s22, s19, $0xb8;
	[tilespmem:$0x1C400] =	vst v63  }
0x362: {  	s23 =	simm.s32 $0x1600  }
0x363: {  	[spmem:s2] =	stream.indirect.scatter.add.f32 [tilespmem:s24], [sflag:$0x6], $0x10, s23, s19, $0xb8;
	[tilespmem:$0x1C400] =	vst v63  }
0x364: {  	s24 =	simm.s32 $0x1680  }
0x365: {  	[spmem:s2] =	stream.indirect.scatter.add.f32 [tilespmem:s26], [sflag:$0x6], $0x10, s24, s19, $0xb8;
	[tilespmem:$0x1C400] =	vst v63  }
0x366: {  	s26 =	simm.s32 $0x1700  }
0x367: {  	[spmem:s2] =	stream.indirect.scatter.add.f32 [tilespmem:s28], [sflag:$0x6], $0x10, s26, s19, $0xb8;
	[tilespmem:$0x1C400] =	vst v63  }
0x368: {  	s1 =	simm.s32 $0x1780  }
0x369: {  	[spmem:s2] =	stream.indirect.scatter.add.f32 [tilespmem:s3], [sflag:$0x6], $0x10, s1, s19, $0xb8;
	[tilespmem:$0x1C400] =	vst v63  }
0x36a: {  	s3 =	simm.s32 $0x1800  }
0x36b: {  	[spmem:s2] =	stream.indirect.scatter.add.f32 [tilespmem:s7], [sflag:$0x6], $0x10, s3, s19, $0xb8;
	[tilespmem:$0x1C400] =	vst v63  }
0x36c: {  	s6 =	simm.s32 $0x1880  }
0x36d: {  	[spmem:s2] =	stream.indirect.scatter.add.f32 [tilespmem:s18], [sflag:$0x6], $0x10, s6, s19, $0xb8;
	[tilespmem:$0x1C400] =	vst v63  }
0x36e: {  	s9 =	simm.s32 $0xCC00;
	s7 =	simm.s32 $0x1900  }
0x36f: {  	[spmem:s2] =	stream.indirect.scatter.add.f32 [tilespmem:s9], [sflag:$0x6], $0x10, s7, s19, $0xb8;
	[tilespmem:$0x1C400] =	vst v63  }
0x370: {  	s10 =	simm.s32 $0x1980;
	s11 =	simm.s32 $0xD400  }
0x371: {  	[spmem:s2] =	stream.indirect.scatter.add.f32 [tilespmem:s11], [sflag:$0x6], $0x10, s10, s19, $0xb8;
	[tilespmem:$0x1C400] =	vst v63  }
0x372: {  	s13 =	simm.s32 $0x1A00;
	s14 =	simm.s32 $0xDC00  }
0x373: {  	[spmem:s2] =	stream.indirect.scatter.add.f32 [tilespmem:s14], [sflag:$0x6], $0x10, s13, s19, $0xb8;
	[tilespmem:$0x1C400] =	vst v63  }
0x374: {  	s15 =	simm.s32 $0x1A80;
	s16 =	simm.s32 $0xE400  }
0x375: {  	[spmem:s2] =	stream.indirect.scatter.add.f32 [tilespmem:s16], [sflag:$0x6], $0x10, s15, s19, $0xb8;
	[tilespmem:$0x1C400] =	vst v63  }
0x376: {  	s17 =	simm.s32 $0x1B00;
	s18 =	simm.s32 $0xEC00  }
0x377: {  	[spmem:s2] =	stream.indirect.scatter.add.f32 [tilespmem:s18], [sflag:$0x6], $0x10, s17, s19, $0xb8;
	[tilespmem:$0x1C400] =	vst v63  }
0x378: {  	s20 =	simm.s32 $0x1B80;
	s21 =	simm.s32 $0xF400  }
0x379: {  	[spmem:s2] =	stream.indirect.scatter.add.f32 [tilespmem:s21], [sflag:$0x6], $0x10, s20, s19, $0xb8;
	[tilespmem:$0x1C400] =	vst v63  }
0x37a: {  	_ =	swait.ge [sflag:s8], $0x800  }
0x37b: {  	[sflag:s8] =	ssyncset.done $0x0  }
0x37c: {  	[sflag:s8] =	ssyncadd.s32 $0xFFFFF800  }
0x37d: {  	_ =	swait.ge [sflag:s8], $0x800  }
0x37e: {  	[sflag:s8] =	ssyncset.done $0x0  }
0x37f: {  	[sflag:s8] =	ssyncadd.s32 $0xFFFFF800  }
0x380: {  	_ =	swait.ge [sflag:s8], $0x800  }
0x381: {  	[sflag:s8] =	ssyncset.done $0x0  }
0x382: {  	[sflag:s8] =	ssyncadd.s32 $0xFFFFF800  }
0x383: {  	_ =	swait.ge [sflag:s8], $0x800  }
0x384: {  	[sflag:s8] =	ssyncset.done $0x0  }
0x385: {  	[sflag:s8] =	ssyncadd.s32 $0xFFFFF800  }
0x386: {  	_ =	swait.ge [sflag:s8], $0x800  }
0x387: {  	[sflag:s8] =	ssyncset.done $0x0  }
0x388: {  	[sflag:s8] =	ssyncadd.s32 $0xFFFFF800  }
0x389: {  	_ =	swait.ge [sflag:s8], $0x800  }
0x38a: {  	[sflag:s8] =	ssyncset.done $0x0  }
0x38b: {  	[sflag:s8] =	ssyncadd.s32 $0xFFFFF800  }
0x38c: {  	_ =	swait.ge [sflag:s8], $0x800  }
0x38d: {  	[sflag:s8] =	ssyncset.done $0x0  }
0x38e: {  	[sflag:s8] =	ssyncadd.s32 $0xFFFFF800  }
0x38f: {  	_ =	swait.ge [sflag:s8], $0x800  }
0x390: {  	[sflag:s8] =	ssyncset.done $0x0  }
0x391: {  	[sflag:s8] =	ssyncadd.s32 $0xFFFFF800  }
0x392: {  	_ =	swait.ge [sflag:s8], $0x800  }
0x393: {  	[sflag:s8] =	ssyncset.done $0x0  }
0x394: {  	[sflag:s8] =	ssyncadd.s32 $0xFFFFF800  }
0x395: {  	_ =	swait.ge [sflag:s8], $0x800  }
0x396: {  	[sflag:s8] =	ssyncset.done $0x0  }
0x397: {  	[sflag:s8] =	ssyncadd.s32 $0xFFFFF800  }
0x398: {  	_ =	swait.ge [sflag:s8], $0x800  }
0x399: {  	[sflag:s8] =	ssyncset.done $0x0  }
0x39a: {  	[sflag:s8] =	ssyncadd.s32 $0xFFFFF800  }
0x39b: {  	_ =	swait.ge [sflag:s8], $0x800  }
0x39c: {  	[sflag:s8] =	ssyncset.done $0x0  }
0x39d: {  	[sflag:s8] =	ssyncadd.s32 $0xFFFFF800  }
0x39e: {  	_ =	swait.ge [sflag:s8], $0x800  }
0x39f: {  	[sflag:s8] =	ssyncset.done $0x0  }
0x3a0: {  	[sflag:s8] =	ssyncadd.s32 $0xFFFFF800  }
0x3a1: {  	_ =	swait.ge [sflag:s8], $0x800  }
0x3a2: {  	[sflag:s8] =	ssyncset.done $0x0  }
0x3a3: {  	[sflag:s8] =	ssyncadd.s32 $0xFFFFF800  }
0x3a4: {  	[bflag:$0x0] =	sbarrier.arrive $0xFFFF  }
0x3a5: {  	s21 =	simm.s32 $0x7;
	s14 =	rddreg [dreg:$0x8]  }
0x3a6: {  	[tilespmem:s12], [sflag:$0x7] =	stream.linear.gather [spmem:s14], $0x6400, $0x38;
	[tilespmem:$0x1C400] =	vst v63  }
0x3a7: {  	_ =	swait.ge [sflag:s21], $0x6400  }
0x3a8: {  	[sflag:s21] =	ssyncset.done $0x0  }
0x3a9: {  	s23 =	simm.s32 $0x0;
	s22 =	rddreg [dreg:$0xe];
	[sflag:s21] =	ssyncadd.s32 $0xFFFF9C00  }
0x3aa: {  	[hbm4b:s22+s23] =	stream.linear.scatter [tilespmem:s12], [sflag:$0x7], $0x6400, $0x38;
	[tilespmem:$0x1C400] =	vst v63  }
0x3ab: {  	_ =	swait.ge [sflag:s21], $0x6400  }
0x3ac: {  	[sflag:s21] =	ssyncset.done $0x0  }
0x3ad: {  	s10 =	rddreg [dreg:$0x9];
	[sflag:s21] =	ssyncadd.s32 $0xFFFF9C00  }
0x3ae: {  	[tilespmem:s12], [sflag:$0x7] =	stream.linear.gather [spmem:s10], $0x6400, $0x38;
	[tilespmem:$0x1C400] =	vst v63  }
0x3af: {  	_ =	swait.ge [sflag:s21], $0x6400  }
0x3b0: {  	[sflag:s21] =	ssyncset.done $0x0  }
0x3b1: {  	s24 =	rddreg [dreg:$0xf];
	[sflag:s21] =	ssyncadd.s32 $0xFFFF9C00  }
0x3b2: {  	[hbm4b:s24+s23] =	stream.linear.scatter [tilespmem:s12], [sflag:$0x7], $0x6400, $0x38;
	[tilespmem:$0x1C400] =	vst v63  }
0x3b3: {  	_ =	swait.ge [sflag:s21], $0x6400  }
0x3b4: {  	s26 =	rddreg [dreg:$0x11]  }
0x3b5: {  	s28 =	rddreg [dreg:$0x10];
	s1 =	sadd.s32 $0x1, s26  }
0x3b6: {  	p0 =	sne.s32 s1, s28  }
.Ltmp1:
0x3b7: {  	_ = 	snop;
	(pc) =	sbr.rel @p0 .LBB2_1-.Ltmp1, $4  }
0x3b8: {  	_ = 	snop  }
0x3b9: {  	s30 =	simm.s32 $0x280  }
0x3ba: {  	s0 =	simm.s32 $0x1;
	s11 =	simm.s32 $0x180;
	[sflag:s21] =	ssyncset.done $0x0  }
0x3bb: {  	s23 =	simm.s32 $0x200;
	s12 =	simm.s32 $0x300;
	[sflag:s21] =	ssyncadd.s32 $0xFFFF9C00  }
0x3bc: {  	_ =	sfence.sel $0x180000  }
0x3bd: {  	[bflag:$0x0] =	sbarrier.arrive $0xFFFF  }
0x3be: {  	_ =	strace $0x9000004A  }
0x3bf: {  	s0 =	stileid.u32;
	[bflag:$0x2] =	sbarrier.arrive $0xFFFF  }
0x3c0: {  	p0 =	sne.s32 s0, $0x0;
	s0 =	rddreg [dreg:$0x3]  }
0x3c1: {  	s0 =	sadd.s32 @!p0 $0x100000, s0  }
0x3c2: {  	[sflag:s0] =	ssyncadd.tile.s32 @!p0 $0x1;
	_ =	shalt  }
.Lfunc_end2:
_tile_overlayer_lowered:
.L_overlay_start_2:
0x3c3: {  	(tag) =	ssettag $0x2  }
0x3c4: {  	s0 =	rddreg [dreg:$0x0];
	s2 =	stileid.u32  }
0x3c5: {  	s1 =	rddreg [dreg:$0x1];
	p0 =	sne.s32 s2, $0x0  }
0x3c6: {  	s3 =	rddreg [dreg:$0x2];
	[bflag:$0x3] =	sbarrier.arrive $0xFFFF;
	s2 =	simm.s32 @!p0 $0x1C07  }
0x3c7: {  	[timem:s3], [sflag:s2] =	dma.local @!p0 [hbm:s0], s1  }
0x3c8: {  	s0 =	simm.s32 @!p0 $0x7  }
0x3c9: {  	_ =	swait.ge @!p0 [sflag:s0], s1  }
0x3ca: {  	s1 =	ssub.s32 @!p0 $0x0, s1;
	[sflag:s0] =	ssyncset.done @!p0 $0x0  }
0x3cb: {  	[sflag:s0] =	ssyncadd.s32 @!p0 s1  }
0x3cc: {  	[bflag:$0x3] =	sbarrier.arrive $0xFFFF  }
0x3cd: {  	_ =	shalt  }

// kernel: kernel.16.cloned.1.call-start
scs
__scs_entry_jumppad:
0x0: {  	(pc) =	sbr.rel $0x88, $3  }
0x1: {  	(tag) =	ssettag $0x0;
	lr =	simm.s32 $0x1  }
0x2: {  	[smem:$0x3F9B] =	sst lr;
	_ =	strace $0xD0000000  }
0x3: {  	_ = 	snop  }
0x4: {  	_ = 	snop  }
0x5: {  	_ = 	snop  }
0x6: {  	_ = 	snop  }
0x7: {  	_ = 	snop  }
__scs_overlays_trampoline_lowered:
0x8: {  	[smem:$0x3FAA] =	sst s0  }
0x9: {  	[smem:$0x3FAB] =	sst s1  }
0xa: {  	[smem:$0x3FAC] =	sst s2  }
0xb: {  	[smem:$0x3FAD] =	sst s3  }
0xc: {  	[smem:$0x3FAE] =	sst s4  }
0xd: {  	[smem:$0x3FAF] =	sst s5  }
0xe: {  	[smem:$0x3FB0] =	sst s6  }
0xf: {  	[smem:$0x3FB1] =	sst s7  }
0x10: {  	[smem:$0x3FB2] =	sst s8  }
0x11: {  	[smem:$0x3FB3] =	sst s9;
	s0 =	simm.s32 @!p0 $0x0  }
0x12: {  	s1 =	sld [smem:$0x3F99];
	s0 =	simm.s32 @p0 $0x1  }
0x13: {  	[smem:$0x3FB4] =	sst s0;
	s0 =	simm.s32 @!p1 $0x0  }
0x14: {  	s2 =	sld [smem:$0x3F98];
	s0 =	simm.s32 @p1 $0x1  }
0x15: {  	[smem:$0x3FB5] =	sst s0;
	s0 =	simm.s32 @!p2 $0x0  }
0x16: {  	s3 =	sld [smem:$0x3FDB];
	s0 =	simm.s32 @p2 $0x1  }
0x17: {  	s4 =	simm.s32 $0x1BF5;
	[smem:$0x3FB7] =	sst s0  }
0x18: {  	s0 =	sld [smem:$0x3F9A];
	_ =	swait.ge [sflag:s4], $0x0  }
0x19: {  	s7 =	sld [smem:$0x3F9B]  }
0x1a: {  	s8 =	sadd.s32 $0xFFFFE003, lr  }
0x1b: {  	s9 =	sadd.s32 $0xFFFFFEF7, lr;
	s5 =	simm.s32 $0xFFFFFFFF;
	p2 =	slt.u32 s8, $0xFFFFF086  }
0x1c: {  	p1 =	slt.u32 s9, $0xF7A;
	s5 =	simm.s32 @!p2 $0x0  }
0x1d: {  	s5 =	simm.s32 @p1 $0x1;
	p0 =	seq.s32 s7, s2  }
0x1e: {  	s7 =	smul.u32 @!p0 $0xF7A, s2;
	p2 =	seq.s32 @!p0 s5, $0x0  }
0x1f: {  	s9 =	smul.u32 $0xF7A, s1;
	s8 =	simm.s32 @!p0 $0x1BF5;
	p2 =	por !p2, p0  }
0x20: {  	[sflag:s8] =	ssyncset.s32 @!p0 $0xFFFFF086;
	s6 =	sadd.s32 @!p0 s3, s7;
	s7 =	simm.s32 @!p0 $0x108  }
0x21: {  	s3 =	sadd.s32 s3, s9;
	s6 =	sadd.s32 @!p0 $0x88, s6;
	s7 =	simm.s32 @p2 $0x1082  }
0x22: {  	[simem:s7], [sflag:s8] =	dma.local @!p0 [hbm:s6], $0xF7A  }
0x23: {  	s9 =	sor.u32 $0xD0000000, s2;
	s6 =	simm.s32 $0x108;
	_ =	swait.ge @!p0 [sflag:s8], $0x0  }
0x24: {  	s3 =	sadd.s32 $0x88, s3;
	s6 =	simm.s32 @!p1 $0x1082;
	[sflag:s4] =	ssyncset.s32 $0xFFFFF086  }
0x25: {  	[simem:s6], [sflag:s4] =	dma.local [hbm:s3], $0xF7A  }
0x26: {  	[smem:$0x3F9B] =	sst s1;
	(tag) =	ssettag s2;
	_ =	strace s9  }
0x27: {  	s1 =	sld [smem:$0x3FAB]  }
0x28: {  	s2 =	sld [smem:$0x3FAC]  }
0x29: {  	s4 =	sld [smem:$0x3FAE]  }
0x2a: {  	p0 =	seq.s32 s5, $0x0;
	s5 =	sld [smem:$0x3FAF]  }
0x2b: {  	s6 =	sld [smem:$0x3FB0]  }
0x2c: {  	s7 =	sld [smem:$0x3FB1]  }
0x2d: {  	s3 =	simm.s32 $0x108;
	s8 =	sld [smem:$0x3FB2]  }
0x2e: {  	s3 =	simm.s32 @!p0 $0x1082;
	s9 =	sld [smem:$0x3FB3]  }
0x2f: {  	lr =	sadd.s32 s0, s3;
	s0 =	sld [smem:$0x3FAA]  }
0x30: {  	s3 =	sld [smem:$0x3FAD]  }
0x31: {  	[smem:$0x3FB6] =	sst s10  }
0x32: {  	s10 =	sld [smem:$0x3FB4];
	_ =	sdelay $0x3  }
0x33: {  	p0 =	seq.s32 s10, $0x1;
	s10 =	sld [smem:$0x3FB6];
	_ =	sdelay $0x3  }
0x34: {  	[smem:$0x3FB6] =	sst s10  }
0x35: {  	s10 =	sld [smem:$0x3FB5];
	_ =	sdelay $0x3  }
0x36: {  	p1 =	seq.s32 s10, $0x1;
	s10 =	sld [smem:$0x3FB6];
	_ =	sdelay $0x3  }
0x37: {  	[smem:$0x3FB6] =	sst s10  }
0x38: {  	s10 =	sld [smem:$0x3FB7]  }
0x39: {  	_ = 	snop;
	(pc) =	sbr.ind lr, $3  }
0x3a: {  	_ = 	snop  }
0x3b: {  	_ = 	snop  }
0x3c: {  	p2 =	seq.s32 s10, $0x1;
	s10 =	sld [smem:$0x3FB6]  }
0x3d: {  	_ =	shalt  }
0x3e: {  	_ =	shalt  }
0x3f: {  	_ =	shalt  }
0x40: {  	_ =	shalt  }
0x41: {  	_ =	shalt  }
0x42: {  	_ =	shalt  }
0x43: {  	_ =	shalt  }
0x44: {  	_ =	shalt  }
0x45: {  	_ =	shalt  }
0x46: {  	_ =	shalt  }
0x47: {  	_ =	shalt  }
0x48: {  	_ =	shalt  }
0x49: {  	_ =	shalt  }
0x4a: {  	_ =	shalt  }
0x4b: {  	_ =	shalt  }
0x4c: {  	_ =	shalt  }
0x4d: {  	_ =	shalt  }
0x4e: {  	_ =	shalt  }
0x4f: {  	_ =	shalt  }
0x50: {  	_ =	shalt  }
0x51: {  	_ =	shalt  }
0x52: {  	_ =	shalt  }
0x53: {  	_ =	shalt  }
0x54: {  	_ =	shalt  }
0x55: {  	_ =	shalt  }
0x56: {  	_ =	shalt  }
0x57: {  	_ =	shalt  }
0x58: {  	_ =	shalt  }
0x59: {  	_ =	shalt  }
0x5a: {  	_ =	shalt  }
0x5b: {  	_ =	shalt  }
0x5c: {  	_ =	shalt  }
0x5d: {  	_ =	shalt  }
0x5e: {  	_ =	shalt  }
0x5f: {  	_ =	shalt  }
0x60: {  	_ =	shalt  }
0x61: {  	_ =	shalt  }
0x62: {  	_ =	shalt  }
0x63: {  	_ =	shalt  }
0x64: {  	_ =	shalt  }
0x65: {  	_ =	shalt  }
0x66: {  	_ =	shalt  }
0x67: {  	_ =	shalt  }
0x68: {  	_ =	shalt  }
0x69: {  	_ =	shalt  }
0x6a: {  	_ =	shalt  }
0x6b: {  	_ =	shalt  }
0x6c: {  	_ =	shalt  }
0x6d: {  	_ =	shalt  }
0x6e: {  	_ =	shalt  }
0x6f: {  	_ =	shalt  }
0x70: {  	_ =	shalt  }
0x71: {  	_ =	shalt  }
0x72: {  	_ =	shalt  }
0x73: {  	_ =	shalt  }
0x74: {  	_ =	shalt  }
0x75: {  	_ =	shalt  }
0x76: {  	_ =	shalt  }
0x77: {  	_ =	shalt  }
0x78: {  	_ =	shalt  }
0x79: {  	_ =	shalt  }
0x7a: {  	_ =	shalt  }
0x7b: {  	_ =	shalt  }
0x7c: {  	_ =	shalt  }
0x7d: {  	_ =	shalt  }
0x7e: {  	_ =	shalt  }
0x7f: {  	_ =	shalt  }
0x80: {  	_ =	shalt  }
0x81: {  	_ =	shalt  }
0x82: {  	_ =	shalt  }
0x83: {  	_ =	shalt  }
0x84: {  	_ =	shalt  }
0x85: {  	_ =	shalt  }
0x86: {  	_ =	shalt  }
0x87: {  	_ =	shalt  }
.Lfunc_end0:
.L_simem_size_0:
called_computation.2_lowered:
.L_overlay_start_0:
0x88: {  	s2 =	sld [smem:$0x3FD9]  }
0x89: {  	s3 =	sld [smem:$0x3FFE];
	_ =	sdelay $0x1  }
0x8a: {  	s1 =	srdreg.scid  }
0x8b: {  	s0 =	sand.u32 $0x1, s1  }
0x8c: {  	s17 =	sshll.u32 s0, $0xA;
	s2 =	sadd.s32 s3, s2  }
0x8d: {  	s2 =	sadd.s32 s2, s17  }
0x8e: {  	[smem:$0x3FC2] =	sst s2  }
0x8f: {  	_ = 	snop  }
0x90: {  	s2 =	sld [smem:$0x3FD0];
	(tm) =	ssettm $0x1  }
0x91: {  	s18 =	sld [smem:$0x3FFB];
	_ =	sdelay $0x3  }
0x92: {  	_ =	strace s18  }
0x93: {  	s3 =	sld [smem:$0x3FFC];
	_ =	sdelay $0x3  }
0x94: {  	_ =	strace s3  }
0x95: {  	s3 =	sld [smem:$0x3FFD];
	_ =	sdelay $0x3  }
0x96: {  	_ =	strace s3  }
0x97: {  	_ =	strace $0x8FFFFFFF  }
0x98: {  	s19 =	sld [smem:$0x3FDB];
	_ =	sdelay $0x1  }
0x99: {  	s4 =	simm.s32 $_scs_section_size  }
0x9a: {  	s5 =	simm.s32 $_size__tile_overlayer_lowered;
	s6 =	simm.s32 $_tile_overlayer_lowered  }
0x9b: {  	s22 =	simm.s32 $0x1BFF;
	s21 =	sshll.u32 s6, $0x1;
	s3 =	sadd.s32 s4, s19  }
0x9c: {  	s7 =	simm.s32 $0x0;
	s20 =	sshll.u32 s5, $0x1;
	s5 =	sadd.s32 s21, s3  }
0x9d: {  	[timem:s7], [sflag:s22] =	dma.local [hbm:s5], s20  }
0x9e: {  	_ =	swait.ge [sflag:s22], s20  }
0x9f: {  	s4 =	ssub.s32 $0x0, s20;
	[sflag:s22] =	ssyncset.done $0x0  }
0xa0: {  	[sflag:s22] =	ssyncadd.s32 s4;
	_ =	sdelay $0x1  }
0xa1: {  	s23 =	simm.s32 $0x1B8B  }
0xa2: {  	_ =	swait.ge [sflag:s23], $0x1  }
0xa3: {  	[sflag:s23] =	ssyncset.done $0x0  }
0xa4: {  	s25 =	simm.s32 $0x1B8E;
	s24 =	sld [smem:$0x3FFE];
	[sflag:s23] =	ssyncadd.s32 $0xFFFFFFFF  }
0xa5: {  	s26 =	simm.s32 $execute0_lowered;
	[smem:$0x3FD2] =	sst s25  }
0xa6: {  	s5 =	sshll.u32 s26, $0x1;
	_ =	strace $0x8000004C;
	[dreg:$0x1] =	wrdreg $0xFFFFFFFF  }
0xa7: {  	s28 =	simm.s32 $_size_execute0_lowered;
	s3 =	sadd.s32 s3, s5;
	[dreg:$0x0] =	wrdreg $0x0  }
0xa8: {  	s5 =	sshll.u32 s28, $0x1;
	[dreg:$0x2] =	wrdreg s3  }
0xa9: {  	[dreg:$0x3] =	wrdreg s5  }
0xaa: {  	[dreg:$0x4] =	wrdreg $0xC0  }
0xab: {  	_ =	task [dreg:s7], $0x5FFFF  }
0xac: {  	[dreg:$0x1] =	wrdreg $0xFFFFFFFF  }
0xad: {  	[dreg:$0x0] =	wrdreg $0x60  }
0xae: {  	[dreg:$0x2] =	wrdreg s24  }
0xaf: {  	[dreg:$0x3] =	wrdreg s2  }
0xb0: {  	[dreg:$0x4] =	wrdreg $0xFC000  }
0xb1: {  	[dreg:$0x5] =	wrdreg $0x9  }
0xb2: {  	_ =	task.clear_ibuf [dreg:s7], $0x6FFFF;
	_ =	strace $0x9000004C  }
0xb3: {  	s29 =	simm.s32 $0x9;
	_ =	strace $0x8000004E  }
0xb4: {  	_ =	swait.ge [sflag:s29], $0x1  }
0xb5: {  	[sflag:s29] =	ssyncadd.s32 $0xFFFFFFFF  }
0xb6: {  	_ =	strace $0x9000004E  }
0xb7: {  	_ =	sfence  }
0xb8: {  	s30 =	sld [smem:$0x0];
	_ =	sdelay $0x2  }
0xb9: {  	s31 =	sshll.u32 s1, $0xD;
	s1 =	sshrl.u32 s1, $0x2  }
0xba: {  	s3 =	sand.u32 $0x4000, s31;
	s1 =	sadd.s32 s1, s30  }
0xbb: {  	s0 =	sor.u32 s3, s0;
	s1 =	sshll.u32 s1, $0x11  }
0xbc: {  	s0 =	sor.u32 s1, s0  }
0xbd: {  	s0 =	sadd.s32 $0x8F2B, s0  }
0xbe: {  	[sflag:s0] =	ssyncadd.remote.s32 $0x1  }
0xbf: {  	_ =	sfence.sel $0xFFFF  }
0xc0: {  	[dreg:$0x0] =	wrdreg $0xFFFFFFFF;
	(pc) =	sbr.abs _section_cstart, $3  }
0xc1: {  	[dreg:$0x1] =	wrdreg $0xFFFFFFFF  }
0xc2: {  	_ =	task.clear_ibuf [dreg:s7], $0x2FFFF;
	_ =	strace $0x9FFFFFFF  }
0xc3: {  	(tm) =	ssettm $0x7FFFFFFF  }
tec
execute0_lowered:
.L_overlay_start_1:
0x0: {  	(tag) =	ssettag $0x1  }
0x1: {  	s0 =	rddreg [dreg:$0x0]  }
0x2: {  	s2 =	rddreg [dreg:$0x2];
	s1 =	simm.s32 $0x0  }
0x3: {  	s17 =	srdreg.scid;
	s12 =	stileid.u32;
	s30 =	simm.s32 $0x280  }
0x4: {  	s29 =	simm.s32 $0x3;
	s31 =	simm.s32 $0x5;
	[smem:$0x7FF] =	sst s1  }
0x5: {  	s4 =	sadd.s32 $0x63A00, s0;
	s1 =	sand.u32 $0x1, s17;
	s9 =	smul.u32 $0xC800, s12  }
0x6: {  	s6 =	sadd.s32 $0x1800, s0;
	_ =	strace $0x8000004D;
	s18 =	smul.u32 $0x3100, s1  }
0x7: {  	s5 =	sshll.u32 s1, $0x4;
	s7 =	ssub.s32 $0x2, s1;
	s1 =	smul.u32 $0xC8000, s1  }
0x8: {  	s8 =	sor.u32 s12, s5;
	s5 =	sadd.s32 $0xC5A00, s0;
	s10 =	sshrl.u32 s7, $0x1  }
0x9: {  	s0 =	sadd.s32 $0xDE200, s0;
	s14 =	sadd.s32 s9, s2;
	s12 =	smul.u32 $0x310, s12  }
0xa: {  	s11 =	sadd.s32 $0x6400, s9;
	s8 =	smul.u32 $0x3100, s8;
	s7 =	ssub.s32 s7, s10  }
0xb: {  	s13 =	sadd.s32 s11, s2;
	s9 =	sadd.s32 s9, s1;
	s1 =	sadd.s32 s1, s11  }
0xc: {  	[dreg:$0x8] =	wrdreg s14;
	s10 =	sadd.s32 s12, s18;
	s28 =	smax.u32 s7, $0x1  }
0xd: {  	s21 =	sshrl.u32 s9, $0x3;
	s15 =	sadd.s32 s4, s8;
	[dreg:$0x10] =	wrdreg s28  }
0xe: {  	s19 =	sadd.s32 s6, s8;
	s8 =	sor.u32 $0xE0, s8;
	[dreg:$0xa] =	wrdreg s15  }
0xf: {  	s10 =	sshll.u32 s10, $0x4;
	[dreg:$0xb] =	wrdreg s19;
	s20 =	sadd.s32 s4, s8  }
0x10: {  	s8 =	sadd.s32 s6, s8;
	s22 =	sadd.s32 $0x2A0, s10;
	[dreg:$0xc] =	wrdreg s20  }
0x11: {  	s25 =	sadd.s32 $0x1C0, s10;
	s10 =	smov.u32 s13;
	[dreg:$0xd] =	wrdreg s8  }
0x12: {  	s11 =	simm.s32 $0x180;
	s8 =	sadd.s32 s0, s21;
	[dreg:$0x9] =	wrdreg s10  }
0x13: {  	s1 =	sshrl.u32 s1, $0x3;
	s23 =	sadd.s32 s22, s4;
	[dreg:$0xe] =	wrdreg s8  }
0x14: {  	s12 =	simm.s32 $0x300;
	s24 =	sadd.s32 s22, s6;
	[dreg:$0x4] =	wrdreg s23  }
0x15: {  	s19 =	simm.s32 $0x80;
	s0 =	sadd.s32 s0, s1;
	[dreg:$0x5] =	wrdreg s24  }
0x16: {  	s4 =	sadd.s32 s25, s4;
	s26 =	sadd.s32 s25, s6;
	[dreg:$0xf] =	wrdreg s0  }
0x17: {  	s21 =	simm.s32 $0x7;
	s25 =	simm.s32 $0x100;
	[dreg:$0x6] =	wrdreg s4  }
0x18: {  	s1 =	simm.s32 $0x0;
	[dreg:$0x7] =	wrdreg s26;
	s0 =	simm.s32 $0x1  }
0x19: {  	s23 =	simm.s32 $0x200;
	s4 =	simm.s32 $0x4;
	s8 =	simm.s32 $0x6  }
.LBB2_1:
0x1a: {  	[dreg:$0x11] =	wrdreg s1  }
0x1b: {  	s7 =	rddreg [dreg:$0x1];
	s6 =	simm.s32 $0x1C00;
	s18 =	simm.s32 $0x0  }
0x1c: {  	[tilespmem:s6], [sflag:$0x7] =	stream.linear.gather [hbm4b:s7+s18], $0x6400, $0x38;
	[tilespmem:$0x1C400] =	vst v63  }
0x1d: {  	_ =	swait.ge [sflag:s21], $0x6400  }
0x1e: {  	[sflag:s21] =	ssyncset.done $0x0  }
0x1f: {  	[sflag:s21] =	ssyncadd.s32 $0xFFFF9C00  }
0x20: {  	[spmem:s14] =	stream.linear.scatter [tilespmem:s6], [sflag:$0x7], $0x6400, $0x38;
	[tilespmem:$0x1C400] =	vst v63  }
0x21: {  	_ =	swait.ge [sflag:s21], $0x6400  }
0x22: {  	[sflag:s21] =	ssyncset.done $0x0  }
0x23: {  	[sflag:s21] =	ssyncadd.s32 $0xFFFF9C00  }
0x24: {  	[tilespmem:s6], [sflag:$0x7] =	stream.linear.gather [hbm4b:s7+s18], $0x6400, $0x38;
	[tilespmem:$0x1C400] =	vst v63  }
0x25: {  	_ =	swait.ge [sflag:s21], $0x6400  }
0x26: {  	[sflag:s21] =	ssyncset.done $0x0  }
0x27: {  	[sflag:s21] =	ssyncadd.s32 $0xFFFF9C00  }
0x28: {  	[spmem:s10] =	stream.linear.scatter [tilespmem:s6], [sflag:$0x7], $0x6400, $0x38;
	[tilespmem:$0x1C400] =	vst v63  }
0x29: {  	_ =	swait.ge [sflag:s21], $0x6400  }
0x2a: {  	[sflag:s21] =	ssyncset.done $0x0  }
0x2b: {  	[sflag:s21] =	ssyncadd.s32 $0xFFFF9C00  }
0x2c: {  	[bflag:$0x0] =	sbarrier.arrive $0xFFFF  }
0x2d: {  	s10 =	rddreg [dreg:$0xa]  }
0x2e: {  	[tilespmem:s18], [sflag:$0x1] =	stream.linear.gather [hbm4b:s10+s18], $0x700, $0x38;
	[tilespmem:$0x1C400] =	vst v63  }
0x2f: {  	s14 =	simm.s32 $0xE00;
	s13 =	rddreg [dreg:$0xb]  }
0x30: {  	[tilespmem:s14], [sflag:$0x1] =	stream.linear.gather [hbm4b:s13+s18], $0x700, $0x38;
	[tilespmem:$0x1C400] =	vst v63  }
0x31: {  	_ =	swait.ge [sflag:s0], $0x700  }
0x32: {  	[sflag:s0] =	ssyncset.done $0x0  }
0x33: {  	[sflag:s0] =	ssyncadd.s32 $0xFFFFF900  }
0x34: {  	_ =	swait.ge [sflag:s0], $0x700  }
0x35: {  	[sflag:s0] =	ssyncset.done $0x0  }
0x36: {  	s9 =	simm.s32 $0x1C00;
	[sflag:s0] =	ssyncadd.s32 $0xFFFFF900  }
0x37: {  	[tilespmem:s9], [sflag:$0x3] =	stream.indirect.gather [hbm4b:s5+s19], $0x10, s18, s19, $0xb8;
	[tilespmem:$0x1C400] =	vst v63  }
0x38: {  	s21 =	simm.s32 $0x2400  }
0x39: {  	[tilespmem:s21], [sflag:$0x3] =	stream.indirect.gather [hbm4b:s5+s19], $0x10, s19, s19, $0xb8;
	[tilespmem:$0x1C400] =	vst v63  }
0x3a: {  	s26 =	simm.s32 $0x2C00  }
0x3b: {  	[tilespmem:s26], [sflag:$0x3] =	stream.indirect.gather [hbm4b:s5+s19], $0x10, s25, s19, $0xb8;
	[tilespmem:$0x1C400] =	vst v63  }
0x3c: {  	s6 =	simm.s32 $0x3400  }
0x3d: {  	[tilespmem:s6], [sflag:$0x3] =	stream.indirect.gather [hbm4b:s5+s19], $0x10, s11, s19, $0xb8;
	[tilespmem:$0x1C400] =	vst v63  }
0x3e: {  	s3 =	simm.s32 $0x3C00  }
0x3f: {  	[tilespmem:s3], [sflag:$0x3] =	stream.indirect.gather [hbm4b:s5+s19], $0x10, s23, s19, $0xb8;
	[tilespmem:$0x1C400] =	vst v63  }
0x40: {  	s15 =	simm.s32 $0x4400  }
0x41: {  	[tilespmem:s15], [sflag:$0x3] =	stream.indirect.gather [hbm4b:s5+s19], $0x10, s30, s19, $0xb8;
	[tilespmem:$0x1C400] =	vst v63  }
0x42: {  	s13 =	simm.s32 $0x4C00  }
0x43: {  	[tilespmem:s13], [sflag:$0x3] =	stream.indirect.gather [hbm4b:s5+s19], $0x10, s12, s19, $0xb8;
	[tilespmem:$0x1C400] =	vst v63  }
0x44: {  	s16 =	simm.s32 $0x380;
	s9 =	simm.s32 $0x5400  }
0x45: {  	[tilespmem:s9], [sflag:$0x3] =	stream.indirect.gather [hbm4b:s5+s19], $0x10, s16, s19, $0xb8;
	[tilespmem:$0x1C400] =	vst v63  }
0x46: {  	s17 =	simm.s32 $0x400;
	s16 =	simm.s32 $0x5C00  }
0x47: {  	[tilespmem:s16], [sflag:$0x3] =	stream.indirect.gather [hbm4b:s5+s19], $0x10, s17, s19, $0xb8;
	[tilespmem:$0x1C400] =	vst v63  }
0x48: {  	s20 =	simm.s32 $0x480;
	s17 =	simm.s32 $0x6400  }
0x49: {  	[tilespmem:s17], [sflag:$0x3] =	stream.indirect.gather [hbm4b:s5+s19], $0x10, s20, s19, $0xb8;
	[tilespmem:$0x1C400] =	vst v63  }
0x4a: {  	s22 =	simm.s32 $0x500;
	s15 =	simm.s32 $0x6C00  }
0x4b: {  	[tilespmem:s15], [sflag:$0x3] =	stream.indirect.gather [hbm4b:s5+s19], $0x10, s22, s19, $0xb8;
	[tilespmem:$0x1C400] =	vst v63  }
0x4c: {  	s24 =	simm.s32 $0x580;
	s20 =	simm.s32 $0x7400  }
0x4d: {  	[tilespmem:s20], [sflag:$0x3] =	stream.indirect.gather [hbm4b:s5+s19], $0x10, s24, s19, $0xb8;
	[tilespmem:$0x1C400] =	vst v63  }
0x4e: {  	s7 =	simm.s32 $0x600;
	s22 =	simm.s32 $0x7C00  }
0x4f: {  	[tilespmem:s22], [sflag:$0x3] =	stream.indirect.gather [hbm4b:s5+s19], $0x10, s7, s19, $0xb8;
	[tilespmem:$0x1C400] =	vst v63  }
0x50: {  	s10 =	simm.s32 $0x680;
	s24 =	simm.s32 $0x8400  }
0x51: {  	[tilespmem:s24], [sflag:$0x3] =	stream.indirect.gather [hbm4b:s5+s19], $0x10, s10, s19, $0xb8;
	[tilespmem:$0x1C400] =	vst v63  }
0x52: {  	s0 =	simm.s32 $0x700;
	s12 =	rddreg [dreg:$0xc]  }
0x53: {  	[tilespmem:s0], [sflag:$0x2] =	stream.linear.gather [hbm4b:s12+s18], $0x700, $0x38;
	[tilespmem:$0x1C400] =	vst v63  }
0x54: {  	s10 =	rddreg [dreg:$0xd];
	s12 =	simm.s32 $0x1500  }
0x55: {  	[tilespmem:s12], [sflag:$0x2] =	stream.linear.gather [hbm4b:s10+s18], $0x700, $0x38;
	[tilespmem:$0x1C400] =	vst v63  }
0x56: {  	s10 =	simm.s32 $0x2  }
0x57: {  	_ =	swait.ge [sflag:s10], $0x700  }
0x58: {  	[sflag:s10] =	ssyncset.done $0x0  }
0x59: {  	[sflag:s10] =	ssyncadd.s32 $0xFFFFF900  }
0x5a: {  	_ =	swait.ge [sflag:s10], $0x700  }
0x5b: {  	[sflag:s10] =	ssyncset.done $0x0  }
0x5c: {  	s12 =	simm.s32 $0x8C00;
	[sflag:s10] =	ssyncadd.s32 $0xFFFFF900  }
0x5d: {  	[tilespmem:s12], [sflag:$0x4] =	stream.indirect.gather [hbm4b:s5+s19], $0x10, s0, s19, $0xb8;
	[tilespmem:$0x1C400] =	vst v63  }
0x5e: {  	s7 =	simm.s32 $0x780;
	s12 =	simm.s32 $0x9400  }
0x5f: {  	[tilespmem:s12], [sflag:$0x4] =	stream.indirect.gather [hbm4b:s5+s19], $0x10, s7, s19, $0xb8;
	[tilespmem:$0x1C400] =	vst v63  }
0x60: {  	s7 =	simm.s32 $0x800;
	s12 =	simm.s32 $0x9C00  }
0x61: {  	[tilespmem:s12], [sflag:$0x4] =	stream.indirect.gather [hbm4b:s5+s19], $0x10, s7, s19, $0xb8;
	[tilespmem:$0x1C400] =	vst v63  }
0x62: {  	s7 =	simm.s32 $0x880;
	s12 =	simm.s32 $0xA400  }
0x63: {  	[tilespmem:s12], [sflag:$0x4] =	stream.indirect.gather [hbm4b:s5+s19], $0x10, s7, s19, $0xb8;
	[tilespmem:$0x1C400] =	vst v63  }
0x64: {  	s7 =	simm.s32 $0x900;
	s12 =	simm.s32 $0xAC00  }
0x65: {  	[tilespmem:s12], [sflag:$0x4] =	stream.indirect.gather [hbm4b:s5+s19], $0x10, s7, s19, $0xb8;
	[tilespmem:$0x1C400] =	vst v63  }
0x66: {  	s7 =	simm.s32 $0x980;
	s12 =	simm.s32 $0xB400  }
0x67: {  	[tilespmem:s12], [sflag:$0x4] =	stream.indirect.gather [hbm4b:s5+s19], $0x10, s7, s19, $0xb8;
	[tilespmem:$0x1C400] =	vst v63  }
0x68: {  	s7 =	simm.s32 $0xA00;
	s12 =	simm.s32 $0xBC00  }
0x69: {  	[tilespmem:s12], [sflag:$0x4] =	stream.indirect.gather [hbm4b:s5+s19], $0x10, s7, s19, $0xb8;
	[tilespmem:$0x1C400] =	vst v63  }
0x6a: {  	s7 =	simm.s32 $0xA80;
	s12 =	simm.s32 $0xC400  }
0x6b: {  	[tilespmem:s12], [sflag:$0x4] =	stream.indirect.gather [hbm4b:s5+s19], $0x10, s7, s19, $0xb8;
	[tilespmem:$0x1C400] =	vst v63  }
0x6c: {  	s7 =	simm.s32 $0xB00;
	s12 =	simm.s32 $0xCC00  }
0x6d: {  	[tilespmem:s12], [sflag:$0x4] =	stream.indirect.gather [hbm4b:s5+s19], $0x10, s7, s19, $0xb8;
	[tilespmem:$0x1C400] =	vst v63  }
0x6e: {  	s7 =	simm.s32 $0xB80;
	s12 =	simm.s32 $0xD400  }
0x6f: {  	[tilespmem:s12], [sflag:$0x4] =	stream.indirect.gather [hbm4b:s5+s19], $0x10, s7, s19, $0xb8;
	[tilespmem:$0x1C400] =	vst v63  }
0x70: {  	s7 =	simm.s32 $0xC00;
	s12 =	simm.s32 $0xDC00  }
0x71: {  	[tilespmem:s12], [sflag:$0x4] =	stream.indirect.gather [hbm4b:s5+s19], $0x10, s7, s19, $0xb8;
	[tilespmem:$0x1C400] =	vst v63  }
0x72: {  	s7 =	simm.s32 $0xC80;
	s12 =	simm.s32 $0xE400  }
0x73: {  	[tilespmem:s12], [sflag:$0x4] =	stream.indirect.gather [hbm4b:s5+s19], $0x10, s7, s19, $0xb8;
	[tilespmem:$0x1C400] =	vst v63  }
0x74: {  	s7 =	simm.s32 $0xD00;
	s12 =	simm.s32 $0xEC00  }
0x75: {  	[tilespmem:s12], [sflag:$0x4] =	stream.indirect.gather [hbm4b:s5+s19], $0x10, s7, s19, $0xb8;
	[tilespmem:$0x1C400] =	vst v63  }
0x76: {  	s0 =	simm.s32 $0xD80;
	s7 =	simm.s32 $0xF400  }
0x77: {  	[tilespmem:s7], [sflag:$0x4] =	stream.indirect.gather [hbm4b:s5+s19], $0x10, s0, s19, $0xb8;
	[tilespmem:$0x1C400] =	vst v63  }
0x78: {  	_ =	swait.ge [sflag:s29], $0x800  }
0x79: {  	[sflag:s29] =	ssyncset.done $0x0  }
0x7a: {  	[sflag:s29] =	ssyncadd.s32 $0xFFFFF800  }
0x7b: {  	_ =	swait.ge [sflag:s29], $0x800  }
0x7c: {  	[sflag:s29] =	ssyncset.done $0x0  }
0x7d: {  	[sflag:s29] =	ssyncadd.s32 $0xFFFFF800  }
0x7e: {  	_ =	swait.ge [sflag:s29], $0x800  }
0x7f: {  	[sflag:s29] =	ssyncset.done $0x0  }
0x80: {  	[sflag:s29] =	ssyncadd.s32 $0xFFFFF800  }
0x81: {  	_ =	swait.ge [sflag:s29], $0x800  }
0x82: {  	[sflag:s29] =	ssyncset.done $0x0  }
0x83: {  	[sflag:s29] =	ssyncadd.s32 $0xFFFFF800  }
0x84: {  	_ =	swait.ge [sflag:s29], $0x800  }
0x85: {  	[sflag:s29] =	ssyncset.done $0x0  }
0x86: {  	[sflag:s29] =	ssyncadd.s32 $0xFFFFF800  }
0x87: {  	_ =	swait.ge [sflag:s29], $0x800  }
0x88: {  	[sflag:s29] =	ssyncset.done $0x0  }
0x89: {  	[sflag:s29] =	ssyncadd.s32 $0xFFFFF800  }
0x8a: {  	_ =	swait.ge [sflag:s29], $0x800  }
0x8b: {  	[sflag:s29] =	ssyncset.done $0x0  }
0x8c: {  	[sflag:s29] =	ssyncadd.s32 $0xFFFFF800  }
0x8d: {  	_ =	swait.ge [sflag:s29], $0x800  }
0x8e: {  	[sflag:s29] =	ssyncset.done $0x0  }
0x8f: {  	[sflag:s29] =	ssyncadd.s32 $0xFFFFF800  }
0x90: {  	_ =	swait.ge [sflag:s29], $0x800  }
0x91: {  	[sflag:s29] =	ssyncset.done $0x0  }
0x92: {  	[sflag:s29] =	ssyncadd.s32 $0xFFFFF800  }
0x93: {  	_ =	swait.ge [sflag:s29], $0x800  }
0x94: {  	[sflag:s29] =	ssyncset.done $0x0  }
0x95: {  	[sflag:s29] =	ssyncadd.s32 $0xFFFFF800  }
0x96: {  	_ =	swait.ge [sflag:s29], $0x800  }
0x97: {  	[sflag:s29] =	ssyncset.done $0x0  }
0x98: {  	[sflag:s29] =	ssyncadd.s32 $0xFFFFF800  }
0x99: {  	_ =	swait.ge [sflag:s29], $0x800  }
0x9a: {  	[sflag:s29] =	ssyncset.done $0x0  }
0x9b: {  	[sflag:s29] =	ssyncadd.s32 $0xFFFFF800  }
0x9c: {  	_ =	swait.ge [sflag:s29], $0x800  }
0x9d: {  	[sflag:s29] =	ssyncset.done $0x0  }
0x9e: {  	[sflag:s29] =	ssyncadd.s32 $0xFFFFF800  }
0x9f: {  	_ =	swait.ge [sflag:s29], $0x800  }
0xa0: {  	[sflag:s29] =	ssyncset.done $0x0  }
0xa1: {  	s1 =	simm.s32 $0x1C00;
	[sflag:s29] =	ssyncadd.s32 $0xFFFFF800  }
0xa2: {  	[spmem:s2] =	stream.indirect.scatter.add.f32 [tilespmem:s1], [sflag:$0x5], $0x10, s14, s19, $0xb8;
	[tilespmem:$0x1C400] =	vst v63  }
0xa3: {  	s12 =	simm.s32 $0xE80  }
0xa4: {  	[spmem:s2] =	stream.indirect.scatter.add.f32 [tilespmem:s21], [sflag:$0x5], $0x10, s12, s19, $0xb8;
	[tilespmem:$0x1C400] =	vst v63  }
0xa5: {  	s0 =	simm.s32 $0xF00  }
0xa6: {  	[spmem:s2] =	stream.indirect.scatter.add.f32 [tilespmem:s26], [sflag:$0x5], $0x10, s0, s19, $0xb8;
	[tilespmem:$0x1C400] =	vst v63  }
0xa7: {  	s1 =	simm.s32 $0xF80  }
0xa8: {  	[spmem:s2] =	stream.indirect.scatter.add.f32 [tilespmem:s6], [sflag:$0x5], $0x10, s1, s19, $0xb8;
	[tilespmem:$0x1C400] =	vst v63  }
0xa9: {  	s12 =	simm.s32 $0x1000  }
0xaa: {  	[spmem:s2] =	stream.indirect.scatter.add.f32 [tilespmem:s3], [sflag:$0x5], $0x10, s12, s19, $0xb8;
	[tilespmem:$0x1C400] =	vst v63  }
0xab: {  	s0 =	simm.s32 $0x1080;
	s1 =	simm.s32 $0x4400  }
0xac: {  	[spmem:s2] =	stream.indirect.scatter.add.f32 [tilespmem:s1], [sflag:$0x5], $0x10, s0, s19, $0xb8;
	[tilespmem:$0x1C400] =	vst v63  }
0xad: {  	s12 =	simm.s32 $0x1100  }
0xae: {  	[spmem:s2] =	stream.indirect.scatter.add.f32 [tilespmem:s13], [sflag:$0x5], $0x10, s12, s19, $0xb8;
	[tilespmem:$0x1C400] =	vst v63  }
0xaf: {  	s0 =	simm.s32 $0x1180  }
0xb0: {  	[spmem:s2] =	stream.indirect.scatter.add.f32 [tilespmem:s9], [sflag:$0x5], $0x10, s0, s19, $0xb8;
	[tilespmem:$0x1C400] =	vst v63  }
0xb1: {  	s12 =	simm.s32 $0x1200  }
0xb2: {  	[spmem:s2] =	stream.indirect.scatter.add.f32 [tilespmem:s16], [sflag:$0x5], $0x10, s12, s19, $0xb8;
	[tilespmem:$0x1C400] =	vst v63  }
0xb3: {  	s0 =	simm.s32 $0x1280  }
0xb4: {  	[spmem:s2] =	stream.indirect.scatter.add.f32 [tilespmem:s17], [sflag:$0x5], $0x10, s0, s19, $0xb8;
	[tilespmem:$0x1C400] =	vst v63  }
0xb5: {  	s12 =	simm.s32 $0x1300  }
0xb6: {  	[spmem:s2] =	stream.indirect.scatter.add.f32 [tilespmem:s15], [sflag:$0x5], $0x10, s12, s19, $0xb8;
	[tilespmem:$0x1C400] =	vst v63  }
0xb7: {  	s0 =	simm.s32 $0x1380  }
0xb8: {  	[spmem:s2] =	stream.indirect.scatter.add.f32 [tilespmem:s20], [sflag:$0x5], $0x10, s0, s19, $0xb8;
	[tilespmem:$0x1C400] =	vst v63  }
0xb9: {  	s12 =	simm.s32 $0x1400  }
0xba: {  	[spmem:s2] =	stream.indirect.scatter.add.f32 [tilespmem:s22], [sflag:$0x5], $0x10, s12, s19, $0xb8;
	[tilespmem:$0x1C400] =	vst v63  }
0xbb: {  	s0 =	simm.s32 $0x1480  }
0xbc: {  	[spmem:s2] =	stream.indirect.scatter.add.f32 [tilespmem:s24], [sflag:$0x5], $0x10, s0, s19, $0xb8;
	[tilespmem:$0x1C400] =	vst v63  }
0xbd: {  	_ =	swait.ge [sflag:s31], $0x800  }
0xbe: {  	[sflag:s31] =	ssyncset.done $0x0  }
0xbf: {  	[sflag:s31] =	ssyncadd.s32 $0xFFFFF800  }
0xc0: {  	_ =	swait.ge [sflag:s31], $0x800  }
0xc1: {  	[sflag:s31] =	ssyncset.done $0x0  }
0xc2: {  	[sflag:s31] =	ssyncadd.s32 $0xFFFFF800  }
0xc3: {  	_ =	swait.ge [sflag:s31], $0x800  }
0xc4: {  	[sflag:s31] =	ssyncset.done $0x0  }
0xc5: {  	[sflag:s31] =	ssyncadd.s32 $0xFFFFF800  }
0xc6: {  	_ =	swait.ge [sflag:s31], $0x800  }
0xc7: {  	[sflag:s31] =	ssyncset.done $0x0  }
0xc8: {  	[sflag:s31] =	ssyncadd.s32 $0xFFFFF800  }
0xc9: {  	_ =	swait.ge [sflag:s31], $0x800  }
0xca: {  	[sflag:s31] =	ssyncset.done $0x0  }
0xcb: {  	[sflag:s31] =	ssyncadd.s32 $0xFFFFF800  }
0xcc: {  	_ =	swait.ge [sflag:s31], $0x800  }
0xcd: {  	[sflag:s31] =	ssyncset.done $0x0  }
0xce: {  	[sflag:s31] =	ssyncadd.s32 $0xFFFFF800  }
0xcf: {  	_ =	swait.ge [sflag:s31], $0x800  }
0xd0: {  	[sflag:s31] =	ssyncset.done $0x0  }
0xd1: {  	[sflag:s31] =	ssyncadd.s32 $0xFFFFF800  }
0xd2: {  	_ =	swait.ge [sflag:s31], $0x800  }
0xd3: {  	[sflag:s31] =	ssyncset.done $0x0  }
0xd4: {  	[sflag:s31] =	ssyncadd.s32 $0xFFFFF800  }
0xd5: {  	_ =	swait.ge [sflag:s31], $0x800  }
0xd6: {  	[sflag:s31] =	ssyncset.done $0x0  }
0xd7: {  	[sflag:s31] =	ssyncadd.s32 $0xFFFFF800  }
0xd8: {  	_ =	swait.ge [sflag:s31], $0x800  }
0xd9: {  	[sflag:s31] =	ssyncset.done $0x0  }
0xda: {  	[sflag:s31] =	ssyncadd.s32 $0xFFFFF800  }
0xdb: {  	_ =	swait.ge [sflag:s31], $0x800  }
0xdc: {  	[sflag:s31] =	ssyncset.done $0x0  }
0xdd: {  	[sflag:s31] =	ssyncadd.s32 $0xFFFFF800  }
0xde: {  	_ =	swait.ge [sflag:s31], $0x800  }
0xdf: {  	[sflag:s31] =	ssyncset.done $0x0  }
0xe0: {  	[sflag:s31] =	ssyncadd.s32 $0xFFFFF800  }
0xe1: {  	_ =	swait.ge [sflag:s31], $0x800  }
0xe2: {  	[sflag:s31] =	ssyncset.done $0x0  }
0xe3: {  	[sflag:s31] =	ssyncadd.s32 $0xFFFFF800  }
0xe4: {  	_ =	swait.ge [sflag:s31], $0x800  }
0xe5: {  	s10 =	rddreg [dreg:$0x6];
	[sflag:s31] =	ssyncset.done $0x0  }
0xe6: {  	s12 =	rddreg [dreg:$0x7];
	[sflag:s31] =	ssyncadd.s32 $0xFFFFF800;
	s10 =	sadd.s32 $0x0, s10  }
0xe7: {  	[tilespmem:s18], [sflag:$0x1] =	stream.linear.gather [hbm4b:s10+s18], $0x700, $0x38;
	[tilespmem:$0x1C400] =	vst v63  }
0xe8: {  	s28 =	simm.s32 $0x1;
	s12 =	sadd.s32 $0x0, s12  }
0xe9: {  	[tilespmem:s14], [sflag:$0x1] =	stream.linear.gather [hbm4b:s12+s18], $0x700, $0x38;
	[tilespmem:$0x1C400] =	vst v63  }
0xea: {  	_ =	swait.ge [sflag:s28], $0x700  }
0xeb: {  	[sflag:s28] =	ssyncset.done $0x0  }
0xec: {  	[sflag:s28] =	ssyncadd.s32 $0xFFFFF900  }
0xed: {  	_ =	swait.ge [sflag:s28], $0x700  }
0xee: {  	[sflag:s28] =	ssyncset.done $0x0  }
0xef: {  	s7 =	simm.s32 $0x1C00;
	[sflag:s28] =	ssyncadd.s32 $0xFFFFF900  }
0xf0: {  	[tilespmem:s7], [sflag:$0x3] =	stream.indirect.gather [hbm4b:s5+s19], $0x10, s18, s19, $0xb8;
	[tilespmem:$0x1C400] =	vst v63  }
0xf1: {  	_ = 	snop  }
0xf2: {  	[tilespmem:s21], [sflag:$0x3] =	stream.indirect.gather [hbm4b:s5+s19], $0x10, s19, s19, $0xb8;
	[tilespmem:$0x1C400] =	vst v63  }
0xf3: {  	_ = 	snop  }
0xf4: {  	[tilespmem:s26], [sflag:$0x3] =	stream.indirect.gather [hbm4b:s5+s19], $0x10, s25, s19, $0xb8;
	[tilespmem:$0x1C400] =	vst v63  }
0xf5: {  	_ = 	snop  }
0xf6: {  	[tilespmem:s6], [sflag:$0x3] =	stream.indirect.gather [hbm4b:s5+s19], $0x10, s11, s19, $0xb8;
	[tilespmem:$0x1C400] =	vst v63  }
0xf7: {  	_ = 	snop  }
0xf8: {  	[tilespmem:s3], [sflag:$0x3] =	stream.indirect.gather [hbm4b:s5+s19], $0x10, s23, s19, $0xb8;
	[tilespmem:$0x1C400] =	vst v63  }
0xf9: {  	_ = 	snop  }
0xfa: {  	[tilespmem:s1], [sflag:$0x3] =	stream.indirect.gather [hbm4b:s5+s19], $0x10, s30, s19, $0xb8;
	[tilespmem:$0x1C400] =	vst v63  }
0xfb: {  	s0 =	simm.s32 $0x300  }
0xfc: {  	[tilespmem:s13], [sflag:$0x3] =	stream.indirect.gather [hbm4b:s5+s19], $0x10, s0, s19, $0xb8;
	[tilespmem:$0x1C400] =	vst v63  }
0xfd: {  	s7 =	simm.s32 $0x380  }
0xfe: {  	[tilespmem:s9], [sflag:$0x3] =	stream.indirect.gather [hbm4b:s5+s19], $0x10, s7, s19, $0xb8;
	[tilespmem:$0x1C400] =	vst v63  }
0xff: {  	s10 =	simm.s32 $0x400  }
0x100: {  	[tilespmem:s16], [sflag:$0x3] =	stream.indirect.gather [hbm4b:s5+s19], $0x10, s10, s19, $0xb8;
	[tilespmem:$0x1C400] =	vst v63  }
0x101: {  	s11 =	simm.s32 $0x480  }
0x102: {  	[tilespmem:s17], [sflag:$0x3] =	stream.indirect.gather [hbm4b:s5+s19], $0x10, s11, s19, $0xb8;
	[tilespmem:$0x1C400] =	vst v63  }
0x103: {  	s12 =	simm.s32 $0x500  }
0x104: {  	[tilespmem:s15], [sflag:$0x3] =	stream.indirect.gather [hbm4b:s5+s19], $0x10, s12, s19, $0xb8;
	[tilespmem:$0x1C400] =	vst v63  }
0x105: {  	s13 =	simm.s32 $0x580  }
0x106: {  	[tilespmem:s20], [sflag:$0x3] =	stream.indirect.gather [hbm4b:s5+s19], $0x10, s13, s19, $0xb8;
	[tilespmem:$0x1C400] =	vst v63  }
0x107: {  	s14 =	simm.s32 $0x600  }
0x108: {  	[tilespmem:s22], [sflag:$0x3] =	stream.indirect.gather [hbm4b:s5+s19], $0x10, s14, s19, $0xb8;
	[tilespmem:$0x1C400] =	vst v63  }
0x109: {  	s15 =	simm.s32 $0x680  }
0x10a: {  	[tilespmem:s24], [sflag:$0x3] =	stream.indirect.gather [hbm4b:s5+s19], $0x10, s15, s19, $0xb8;
	[tilespmem:$0x1C400] =	vst v63  }
0x10b: {  	_ =	swait.ge [sflag:s4], $0x800  }
0x10c: {  	[sflag:s4] =	ssyncset.done $0x0  }
0x10d: {  	[sflag:s4] =	ssyncadd.s32 $0xFFFFF800  }
0x10e: {  	_ =	swait.ge [sflag:s4], $0x800  }
0x10f: {  	[sflag:s4] =	ssyncset.done $0x0  }
0x110: {  	[sflag:s4] =	ssyncadd.s32 $0xFFFFF800  }
0x111: {  	_ =	swait.ge [sflag:s4], $0x800  }
0x112: {  	[sflag:s4] =	ssyncset.done $0x0  }
0x113: {  	[sflag:s4] =	ssyncadd.s32 $0xFFFFF800  }
0x114: {  	_ =	swait.ge [sflag:s4], $0x800  }
0x115: {  	[sflag:s4] =	ssyncset.done $0x0  }
0x116: {  	[sflag:s4] =	ssyncadd.s32 $0xFFFFF800  }
0x117: {  	_ =	swait.ge [sflag:s4], $0x800  }
0x118: {  	[sflag:s4] =	ssyncset.done $0x0  }
0x119: {  	[sflag:s4] =	ssyncadd.s32 $0xFFFFF800  }
0x11a: {  	_ =	swait.ge [sflag:s4], $0x800  }
0x11b: {  	[sflag:s4] =	ssyncset.done $0x0  }
0x11c: {  	[sflag:s4] =	ssyncadd.s32 $0xFFFFF800  }
0x11d: {  	_ =	swait.ge [sflag:s4], $0x800  }
0x11e: {  	[sflag:s4] =	ssyncset.done $0x0  }
0x11f: {  	[sflag:s4] =	ssyncadd.s32 $0xFFFFF800  }
0x120: {  	_ =	swait.ge [sflag:s4], $0x800  }
0x121: {  	[sflag:s4] =	ssyncset.done $0x0  }
0x122: {  	[sflag:s4] =	ssyncadd.s32 $0xFFFFF800  }
0x123: {  	_ =	swait.ge [sflag:s4], $0x800  }
0x124: {  	[sflag:s4] =	ssyncset.done $0x0  }
0x125: {  	[sflag:s4] =	ssyncadd.s32 $0xFFFFF800  }
0x126: {  	_ =	swait.ge [sflag:s4], $0x800  }
0x127: {  	[sflag:s4] =	ssyncset.done $0x0  }
0x128: {  	[sflag:s4] =	ssyncadd.s32 $0xFFFFF800  }
0x129: {  	_ =	swait.ge [sflag:s4], $0x800  }
0x12a: {  	[sflag:s4] =	ssyncset.done $0x0  }
0x12b: {  	[sflag:s4] =	ssyncadd.s32 $0xFFFFF800  }
0x12c: {  	_ =	swait.ge [sflag:s4], $0x800  }
0x12d: {  	[sflag:s4] =	ssyncset.done $0x0  }
0x12e: {  	[sflag:s4] =	ssyncadd.s32 $0xFFFFF800  }
0x12f: {  	_ =	swait.ge [sflag:s4], $0x800  }
0x130: {  	[sflag:s4] =	ssyncset.done $0x0  }
0x131: {  	[sflag:s4] =	ssyncadd.s32 $0xFFFFF800  }
0x132: {  	_ =	swait.ge [sflag:s4], $0x800  }
0x133: {  	[sflag:s4] =	ssyncset.done $0x0  }
0x134: {  	s16 =	simm.s32 $0x1500;
	s17 =	simm.s32 $0x8C00;
	[sflag:s4] =	ssyncadd.s32 $0xFFFFF800  }
0x135: {  	[spmem:s2] =	stream.indirect.scatter.add.f32 [tilespmem:s17], [sflag:$0x6], $0x10, s16, s19, $0xb8;
	[tilespmem:$0x1C400] =	vst v63  }
0x136: {  	s21 =	simm.s32 $0x9400;
	s20 =	simm.s32 $0x1580  }
0x137: {  	[spmem:s2] =	stream.indirect.scatter.add.f32 [tilespmem:s21], [sflag:$0x6], $0x10, s20, s19, $0xb8;
	[tilespmem:$0x1C400] =	vst v63  }
0x138: {  	s23 =	simm.s32 $0x9C00;
	s22 =	simm.s32 $0x1600  }
0x139: {  	[spmem:s2] =	stream.indirect.scatter.add.f32 [tilespmem:s23], [sflag:$0x6], $0x10, s22, s19, $0xb8;
	[tilespmem:$0x1C400] =	vst v63  }
0x13a: {  	s25 =	simm.s32 $0xA400;
	s24 =	simm.s32 $0x1680  }
0x13b: {  	[spmem:s2] =	stream.indirect.scatter.add.f32 [tilespmem:s25], [sflag:$0x6], $0x10, s24, s19, $0xb8;
	[tilespmem:$0x1C400] =	vst v63  }
0x13c: {  	s26 =	simm.s32 $0x1700;
	s30 =	simm.s32 $0xAC00  }
0x13d: {  	[spmem:s2] =	stream.indirect.scatter.add.f32 [tilespmem:s30], [sflag:$0x6], $0x10, s26, s19, $0xb8;
	[tilespmem:$0x1C400] =	vst v63  }
0x13e: {  	s3 =	simm.s32 $0xB400;
	s1 =	simm.s32 $0x1780  }
0x13f: {  	[spmem:s2] =	stream.indirect.scatter.add.f32 [tilespmem:s3], [sflag:$0x6], $0x10, s1, s19, $0xb8;
	[tilespmem:$0x1C400] =	vst v63  }
0x140: {  	s6 =	simm.s32 $0x1800;
	s7 =	simm.s32 $0xBC00  }
0x141: {  	[spmem:s2] =	stream.indirect.scatter.add.f32 [tilespmem:s7], [sflag:$0x6], $0x10, s6, s19, $0xb8;
	[tilespmem:$0x1C400] =	vst v63  }
0x142: {  	s9 =	simm.s32 $0x1880;
	s10 =	simm.s32 $0xC400  }
0x143: {  	[spmem:s2] =	stream.indirect.scatter.add.f32 [tilespmem:s10], [sflag:$0x6], $0x10, s9, s19, $0xb8;
	[tilespmem:$0x1C400] =	vst v63  }
0x144: {  	s11 =	simm.s32 $0x1900;
	s12 =	simm.s32 $0xCC00  }
0x145: {  	[spmem:s2] =	stream.indirect.scatter.add.f32 [tilespmem:s12], [sflag:$0x6], $0x10, s11, s19, $0xb8;
	[tilespmem:$0x1C400] =	vst v63  }
0x146: {  	s13 =	simm.s32 $0x1980;
	s14 =	simm.s32 $0xD400  }
0x147: {  	[spmem:s2] =	stream.indirect.scatter.add.f32 [tilespmem:s14], [sflag:$0x6], $0x10, s13, s19, $0xb8;
	[tilespmem:$0x1C400] =	vst v63  }
0x148: {  	s15 =	simm.s32 $0x1A00;
	s16 =	simm.s32 $0xDC00  }
0x149: {  	[spmem:s2] =	stream.indirect.scatter.add.f32 [tilespmem:s16], [sflag:$0x6], $0x10, s15, s19, $0xb8;
	[tilespmem:$0x1C400] =	vst v63  }
0x14a: {  	s17 =	simm.s32 $0x1A80;
	s20 =	simm.s32 $0xE400  }
0x14b: {  	[spmem:s2] =	stream.indirect.scatter.add.f32 [tilespmem:s20], [sflag:$0x6], $0x10, s17, s19, $0xb8;
	[tilespmem:$0x1C400] =	vst v63  }
0x14c: {  	s21 =	simm.s32 $0x1B00;
	s22 =	simm.s32 $0xEC00  }
0x14d: {  	[spmem:s2] =	stream.indirect.scatter.add.f32 [tilespmem:s22], [sflag:$0x6], $0x10, s21, s19, $0xb8;
	[tilespmem:$0x1C400] =	vst v63  }
0x14e: {  	s23 =	simm.s32 $0x1B80;
	s24 =	simm.s32 $0xF400  }
0x14f: {  	[spmem:s2] =	stream.indirect.scatter.add.f32 [tilespmem:s24], [sflag:$0x6], $0x10, s23, s19, $0xb8;
	[tilespmem:$0x1C400] =	vst v63  }
0x150: {  	_ =	swait.ge [sflag:s8], $0x800  }
0x151: {  	[sflag:s8] =	ssyncset.done $0x0  }
0x152: {  	[sflag:s8] =	ssyncadd.s32 $0xFFFFF800  }
0x153: {  	_ =	swait.ge [sflag:s8], $0x800  }
0x154: {  	[sflag:s8] =	ssyncset.done $0x0  }
0x155: {  	[sflag:s8] =	ssyncadd.s32 $0xFFFFF800  }
0x156: {  	_ =	swait.ge [sflag:s8], $0x800  }
0x157: {  	[sflag:s8] =	ssyncset.done $0x0  }
0x158: {  	[sflag:s8] =	ssyncadd.s32 $0xFFFFF800  }
0x159: {  	_ =	swait.ge [sflag:s8], $0x800  }
0x15a: {  	[sflag:s8] =	ssyncset.done $0x0  }
0x15b: {  	[sflag:s8] =	ssyncadd.s32 $0xFFFFF800  }
0x15c: {  	_ =	swait.ge [sflag:s8], $0x800  }
0x15d: {  	[sflag:s8] =	ssyncset.done $0x0  }
0x15e: {  	[sflag:s8] =	ssyncadd.s32 $0xFFFFF800  }
0x15f: {  	_ =	swait.ge [sflag:s8], $0x800  }
0x160: {  	[sflag:s8] =	ssyncset.done $0x0  }
0x161: {  	[sflag:s8] =	ssyncadd.s32 $0xFFFFF800  }
0x162: {  	_ =	swait.ge [sflag:s8], $0x800  }
0x163: {  	[sflag:s8] =	ssyncset.done $0x0  }
0x164: {  	[sflag:s8] =	ssyncadd.s32 $0xFFFFF800  }
0x165: {  	_ =	swait.ge [sflag:s8], $0x800  }
0x166: {  	[sflag:s8] =	ssyncset.done $0x0  }
0x167: {  	[sflag:s8] =	ssyncadd.s32 $0xFFFFF800  }
0x168: {  	_ =	swait.ge [sflag:s8], $0x800  }
0x169: {  	[sflag:s8] =	ssyncset.done $0x0  }
0x16a: {  	[sflag:s8] =	ssyncadd.s32 $0xFFFFF800  }
0x16b: {  	_ =	swait.ge [sflag:s8], $0x800  }
0x16c: {  	[sflag:s8] =	ssyncset.done $0x0  }
0x16d: {  	[sflag:s8] =	ssyncadd.s32 $0xFFFFF800  }
0x16e: {  	_ =	swait.ge [sflag:s8], $0x800  }
0x16f: {  	[sflag:s8] =	ssyncset.done $0x0  }
0x170: {  	[sflag:s8] =	ssyncadd.s32 $0xFFFFF800  }
0x171: {  	_ =	swait.ge [sflag:s8], $0x800  }
0x172: {  	[sflag:s8] =	ssyncset.done $0x0  }
0x173: {  	[sflag:s8] =	ssyncadd.s32 $0xFFFFF800  }
0x174: {  	_ =	swait.ge [sflag:s8], $0x800  }
0x175: {  	[sflag:s8] =	ssyncset.done $0x0  }
0x176: {  	[sflag:s8] =	ssyncadd.s32 $0xFFFFF800  }
0x177: {  	_ =	swait.ge [sflag:s8], $0x800  }
0x178: {  	s30 =	simm.s32 $0x700;
	s25 =	rddreg [dreg:$0x4];
	[sflag:s8] =	ssyncset.done $0x0  }
0x179: {  	s26 =	rddreg [dreg:$0x5];
	[sflag:s8] =	ssyncadd.s32 $0xFFFFF800;
	s10 =	sadd.s32 $0x0, s25  }
0x17a: {  	[tilespmem:s30], [sflag:$0x2] =	stream.linear.gather [hbm4b:s10+s18], $0x700, $0x38;
	[tilespmem:$0x1C400] =	vst v63  }
0x17b: {  	s12 =	sadd.s32 $0x0, s26;
	s10 =	simm.s32 $0x1C0  }
.LBB2_2:
0x17c: {  	s0 =	simm.s32 $0x1500;
	s18 =	simm.s32 $0x0;
	s16 =	simm.s32 $0x2  }
0x17d: {  	[tilespmem:s0], [sflag:$0x2] =	stream.linear.gather [hbm4b:s12+s18], $0x700, $0x38;
	[tilespmem:$0x1C400] =	vst v63  }
0x17e: {  	_ =	swait.ge [sflag:s16], $0x700  }
0x17f: {  	[sflag:s16] =	ssyncset.done $0x0  }
0x180: {  	[sflag:s16] =	ssyncadd.s32 $0xFFFFF900  }
0x181: {  	_ =	swait.ge [sflag:s16], $0x700  }
0x182: {  	[sflag:s16] =	ssyncset.done $0x0  }
0x183: {  	s17 =	simm.s32 $0x700;
	s3 =	simm.s32 $0x8C00;
	[sflag:s16] =	ssyncadd.s32 $0xFFFFF900  }
0x184: {  	[tilespmem:s3], [sflag:$0x4] =	stream.indirect.gather [hbm4b:s5+s19], $0x10, s17, s19, $0xb8;
	[tilespmem:$0x1C400] =	vst v63  }
0x185: {  	s20 =	simm.s32 $0x780;
	s26 =	simm.s32 $0x9400  }
0x186: {  	[tilespmem:s26], [sflag:$0x4] =	stream.indirect.gather [hbm4b:s5+s19], $0x10, s20, s19, $0xb8;
	[tilespmem:$0x1C400] =	vst v63  }
0x187: {  	s21 =	simm.s32 $0x800;
	s1 =	simm.s32 $0x9C00  }
0x188: {  	[tilespmem:s1], [sflag:$0x4] =	stream.indirect.gather [hbm4b:s5+s19], $0x10, s21, s19, $0xb8;
	[tilespmem:$0x1C400] =	vst v63  }
0x189: {  	s22 =	simm.s32 $0x880;
	s23 =	simm.s32 $0xA400  }
0x18a: {  	[tilespmem:s23], [sflag:$0x4] =	stream.indirect.gather [hbm4b:s5+s19], $0x10, s22, s19, $0xb8;
	[tilespmem:$0x1C400] =	vst v63  }
0x18b: {  	s24 =	simm.s32 $0x900;
	s25 =	simm.s32 $0xAC00  }
0x18c: {  	[tilespmem:s25], [sflag:$0x4] =	stream.indirect.gather [hbm4b:s5+s19], $0x10, s24, s19, $0xb8;
	[tilespmem:$0x1C400] =	vst v63  }
0x18d: {  	s6 =	simm.s32 $0xB400;
	s1 =	simm.s32 $0x980  }
0x18e: {  	[tilespmem:s6], [sflag:$0x4] =	stream.indirect.gather [hbm4b:s5+s19], $0x10, s1, s19, $0xb8;
	[tilespmem:$0x1C400] =	vst v63  }
0x18f: {  	s7 =	simm.s32 $0xA00;
	s9 =	simm.s32 $0xBC00  }
0x190: {  	[tilespmem:s9], [sflag:$0x4] =	stream.indirect.gather [hbm4b:s5+s19], $0x10, s7, s19, $0xb8;
	[tilespmem:$0x1C400] =	vst v63  }
0x191: {  	s11 =	simm.s32 $0xA80;
	s13 =	simm.s32 $0xC400  }
0x192: {  	[tilespmem:s13], [sflag:$0x4] =	stream.indirect.gather [hbm4b:s5+s19], $0x10, s11, s19, $0xb8;
	[tilespmem:$0x1C400] =	vst v63  }
0x193: {  	s14 =	simm.s32 $0xB00;
	s15 =	simm.s32 $0xCC00  }
0x194: {  	[tilespmem:s15], [sflag:$0x4] =	stream.indirect.gather [hbm4b:s5+s19], $0x10, s14, s19, $0xb8;
	[tilespmem:$0x1C400] =	vst v63  }
0x195: {  	s16 =	simm.s32 $0xB80;
	s17 =	simm.s32 $0xD400  }
0x196: {  	[tilespmem:s17], [sflag:$0x4] =	stream.indirect.gather [hbm4b:s5+s19], $0x10, s16, s19, $0xb8;
	[tilespmem:$0x1C400] =	vst v63  }
0x197: {  	s20 =	simm.s32 $0xC00;
	s21 =	simm.s32 $0xDC00  }
0x198: {  	[tilespmem:s21], [sflag:$0x4] =	stream.indirect.gather [hbm4b:s5+s19], $0x10, s20, s19, $0xb8;
	[tilespmem:$0x1C400] =	vst v63  }
0x199: {  	s22 =	simm.s32 $0xC80;
	s23 =	simm.s32 $0xE400  }
0x19a: {  	[tilespmem:s23], [sflag:$0x4] =	stream.indirect.gather [hbm4b:s5+s19], $0x10, s22, s19, $0xb8;
	[tilespmem:$0x1C400] =	vst v63  }
0x19b: {  	s24 =	simm.s32 $0xD00;
	s25 =	simm.s32 $0xEC00  }
0x19c: {  	[tilespmem:s25], [sflag:$0x4] =	stream.indirect.gather [hbm4b:s5+s19], $0x10, s24, s19, $0xb8;
	[tilespmem:$0x1C400] =	vst v63  }
0x19d: {  	s6 =	simm.s32 $0xD80;
	s7 =	simm.s32 $0xF400  }
0x19e: {  	[tilespmem:s7], [sflag:$0x4] =	stream.indirect.gather [hbm4b:s5+s19], $0x10, s6, s19, $0xb8;
	[tilespmem:$0x1C400] =	vst v63  }
0x19f: {  	_ =	swait.ge [sflag:s29], $0x800  }
0x1a0: {  	[sflag:s29] =	ssyncset.done $0x0  }
0x1a1: {  	[sflag:s29] =	ssyncadd.s32 $0xFFFFF800  }
0x1a2: {  	_ =	swait.ge [sflag:s29], $0x800  }
0x1a3: {  	[sflag:s29] =	ssyncset.done $0x0  }
0x1a4: {  	[sflag:s29] =	ssyncadd.s32 $0xFFFFF800  }
0x1a5: {  	_ =	swait.ge [sflag:s29], $0x800  }
0x1a6: {  	[sflag:s29] =	ssyncset.done $0x0  }
0x1a7: {  	[sflag:s29] =	ssyncadd.s32 $0xFFFFF800  }
0x1a8: {  	_ =	swait.ge [sflag:s29], $0x800  }
0x1a9: {  	[sflag:s29] =	ssyncset.done $0x0  }
0x1aa: {  	[sflag:s29] =	ssyncadd.s32 $0xFFFFF800  }
0x1ab: {  	_ =	swait.ge [sflag:s29], $0x800  }
0x1ac: {  	[sflag:s29] =	ssyncset.done $0x0  }
0x1ad: {  	[sflag:s29] =	ssyncadd.s32 $0xFFFFF800  }
0x1ae: {  	_ =	swait.ge [sflag:s29], $0x800  }
0x1af: {  	[sflag:s29] =	ssyncset.done $0x0  }
0x1b0: {  	[sflag:s29] =	ssyncadd.s32 $0xFFFFF800  }
0x1b1: {  	_ =	swait.ge [sflag:s29], $0x800  }
0x1b2: {  	[sflag:s29] =	ssyncset.done $0x0  }
0x1b3: {  	[sflag:s29] =	ssyncadd.s32 $0xFFFFF800  }
0x1b4: {  	_ =	swait.ge [sflag:s29], $0x800  }
0x1b5: {  	[sflag:s29] =	ssyncset.done $0x0  }
0x1b6: {  	[sflag:s29] =	ssyncadd.s32 $0xFFFFF800  }
0x1b7: {  	_ =	swait.ge [sflag:s29], $0x800  }
0x1b8: {  	[sflag:s29] =	ssyncset.done $0x0  }
0x1b9: {  	[sflag:s29] =	ssyncadd.s32 $0xFFFFF800  }
0x1ba: {  	_ =	swait.ge [sflag:s29], $0x800  }
0x1bb: {  	[sflag:s29] =	ssyncset.done $0x0  }
0x1bc: {  	[sflag:s29] =	ssyncadd.s32 $0xFFFFF800  }
0x1bd: {  	_ =	swait.ge [sflag:s29], $0x800  }
0x1be: {  	[sflag:s29] =	ssyncset.done $0x0  }
0x1bf: {  	[sflag:s29] =	ssyncadd.s32 $0xFFFFF800  }
0x1c0: {  	_ =	swait.ge [sflag:s29], $0x800  }
0x1c1: {  	[sflag:s29] =	ssyncset.done $0x0  }
0x1c2: {  	[sflag:s29] =	ssyncadd.s32 $0xFFFFF800  }
0x1c3: {  	_ =	swait.ge [sflag:s29], $0x800  }
0x1c4: {  	[sflag:s29] =	ssyncset.done $0x0  }
0x1c5: {  	[sflag:s29] =	ssyncadd.s32 $0xFFFFF800  }
0x1c6: {  	_ =	swait.ge [sflag:s29], $0x800  }
0x1c7: {  	[sflag:s29] =	ssyncset.done $0x0  }
0x1c8: {  	s21 =	simm.s32 $0x1C00;
	s25 =	simm.s32 $0xE00;
	[sflag:s29] =	ssyncadd.s32 $0xFFFFF800  }
0x1c9: {  	[spmem:s2] =	stream.indirect.scatter.add.f32 [tilespmem:s21], [sflag:$0x5], $0x10, s25, s19, $0xb8;
	[tilespmem:$0x1C400] =	vst v63  }
0x1ca: {  	s30 =	simm.s32 $0x2400;
	s9 =	simm.s32 $0xE80  }
0x1cb: {  	[spmem:s2] =	stream.indirect.scatter.add.f32 [tilespmem:s30], [sflag:$0x5], $0x10, s9, s19, $0xb8;
	[tilespmem:$0x1C400] =	vst v63  }
0x1cc: {  	s1 =	simm.s32 $0x2C00;
	s11 =	simm.s32 $0xF00  }
0x1cd: {  	[spmem:s2] =	stream.indirect.scatter.add.f32 [tilespmem:s1], [sflag:$0x5], $0x10, s11, s19, $0xb8;
	[tilespmem:$0x1C400] =	vst v63  }
0x1ce: {  	s13 =	simm.s32 $0xF80;
	s6 =	simm.s32 $0x3400  }
0x1cf: {  	[spmem:s2] =	stream.indirect.scatter.add.f32 [tilespmem:s6], [sflag:$0x5], $0x10, s13, s19, $0xb8;
	[tilespmem:$0x1C400] =	vst v63  }
0x1d0: {  	s0 =	simm.s32 $0x3C00;
	s7 =	simm.s32 $0x1000  }
0x1d1: {  	[spmem:s2] =	stream.indirect.scatter.add.f32 [tilespmem:s0], [sflag:$0x5], $0x10, s7, s19, $0xb8;
	[tilespmem:$0x1C400] =	vst v63  }
0x1d2: {  	s14 =	simm.s32 $0x1080;
	s11 =	simm.s32 $0x4400  }
0x1d3: {  	[spmem:s2] =	stream.indirect.scatter.add.f32 [tilespmem:s11], [sflag:$0x5], $0x10, s14, s19, $0xb8;
	[tilespmem:$0x1C400] =	vst v63  }
0x1d4: {  	s15 =	simm.s32 $0x1100;
	s13 =	simm.s32 $0x4C00  }
0x1d5: {  	[spmem:s2] =	stream.indirect.scatter.add.f32 [tilespmem:s13], [sflag:$0x5], $0x10, s15, s19, $0xb8;
	[tilespmem:$0x1C400] =	vst v63  }
0x1d6: {  	s16 =	simm.s32 $0x1180;
	s9 =	simm.s32 $0x5400  }
0x1d7: {  	[spmem:s2] =	stream.indirect.scatter.add.f32 [tilespmem:s9], [sflag:$0x5], $0x10, s16, s19, $0xb8;
	[tilespmem:$0x1C400] =	vst v63  }
0x1d8: {  	s17 =	simm.s32 $0x1200;
	s16 =	simm.s32 $0x5C00  }
0x1d9: {  	[spmem:s2] =	stream.indirect.scatter.add.f32 [tilespmem:s16], [sflag:$0x5], $0x10, s17, s19, $0xb8;
	[tilespmem:$0x1C400] =	vst v63  }
0x1da: {  	s20 =	simm.s32 $0x1280;
	s17 =	simm.s32 $0x6400  }
0x1db: {  	[spmem:s2] =	stream.indirect.scatter.add.f32 [tilespmem:s17], [sflag:$0x5], $0x10, s20, s19, $0xb8;
	[tilespmem:$0x1C400] =	vst v63  }
0x1dc: {  	s22 =	simm.s32 $0x1300;
	s15 =	simm.s32 $0x6C00  }
0x1dd: {  	[spmem:s2] =	stream.indirect.scatter.add.f32 [tilespmem:s15], [sflag:$0x5], $0x10, s22, s19, $0xb8;
	[tilespmem:$0x1C400] =	vst v63  }
0x1de: {  	s23 =	simm.s32 $0x1380;
	s20 =	simm.s32 $0x7400  }
0x1df: {  	[spmem:s2] =	stream.indirect.scatter.add.f32 [tilespmem:s20], [sflag:$0x5], $0x10, s23, s19, $0xb8;
	[tilespmem:$0x1C400] =	vst v63  }
0x1e0: {  	s24 =	simm.s32 $0x1400;
	s22 =	simm.s32 $0x7C00  }
0x1e1: {  	[spmem:s2] =	stream.indirect.scatter.add.f32 [tilespmem:s22], [sflag:$0x5], $0x10, s24, s19, $0xb8;
	[tilespmem:$0x1C400] =	vst v63  }
0x1e2: {  	s14 =	simm.s32 $0x1480;
	s24 =	simm.s32 $0x8400  }
0x1e3: {  	[spmem:s2] =	stream.indirect.scatter.add.f32 [tilespmem:s24], [sflag:$0x5], $0x10, s14, s19, $0xb8;
	[tilespmem:$0x1C400] =	vst v63  }
0x1e4: {  	_ =	swait.ge [sflag:s31], $0x800  }
0x1e5: {  	[sflag:s31] =	ssyncset.done $0x0  }
0x1e6: {  	[sflag:s31] =	ssyncadd.s32 $0xFFFFF800  }
0x1e7: {  	_ =	swait.ge [sflag:s31], $0x800  }
0x1e8: {  	[sflag:s31] =	ssyncset.done $0x0  }
0x1e9: {  	[sflag:s31] =	ssyncadd.s32 $0xFFFFF800  }
0x1ea: {  	_ =	swait.ge [sflag:s31], $0x800  }
0x1eb: {  	[sflag:s31] =	ssyncset.done $0x0  }
0x1ec: {  	[sflag:s31] =	ssyncadd.s32 $0xFFFFF800  }
0x1ed: {  	_ =	swait.ge [sflag:s31], $0x800  }
0x1ee: {  	[sflag:s31] =	ssyncset.done $0x0  }
0x1ef: {  	[sflag:s31] =	ssyncadd.s32 $0xFFFFF800  }
0x1f0: {  	_ =	swait.ge [sflag:s31], $0x800  }
0x1f1: {  	[sflag:s31] =	ssyncset.done $0x0  }
0x1f2: {  	[sflag:s31] =	ssyncadd.s32 $0xFFFFF800  }
0x1f3: {  	_ =	swait.ge [sflag:s31], $0x800  }
0x1f4: {  	[sflag:s31] =	ssyncset.done $0x0  }
0x1f5: {  	[sflag:s31] =	ssyncadd.s32 $0xFFFFF800  }
0x1f6: {  	_ =	swait.ge [sflag:s31], $0x800  }
0x1f7: {  	[sflag:s31] =	ssyncset.done $0x0  }
0x1f8: {  	[sflag:s31] =	ssyncadd.s32 $0xFFFFF800  }
0x1f9: {  	_ =	swait.ge [sflag:s31], $0x800  }
0x1fa: {  	[sflag:s31] =	ssyncset.done $0x0  }
0x1fb: {  	[sflag:s31] =	ssyncadd.s32 $0xFFFFF800  }
0x1fc: {  	_ =	swait.ge [sflag:s31], $0x800  }
0x1fd: {  	[sflag:s31] =	ssyncset.done $0x0  }
0x1fe: {  	[sflag:s31] =	ssyncadd.s32 $0xFFFFF800  }
0x1ff: {  	_ =	swait.ge [sflag:s31], $0x800  }
0x200: {  	[sflag:s31] =	ssyncset.done $0x0  }
0x201: {  	[sflag:s31] =	ssyncadd.s32 $0xFFFFF800  }
0x202: {  	_ =	swait.ge [sflag:s31], $0x800  }
0x203: {  	[sflag:s31] =	ssyncset.done $0x0  }
0x204: {  	[sflag:s31] =	ssyncadd.s32 $0xFFFFF800  }
0x205: {  	_ =	swait.ge [sflag:s31], $0x800  }
0x206: {  	[sflag:s31] =	ssyncset.done $0x0  }
0x207: {  	[sflag:s31] =	ssyncadd.s32 $0xFFFFF800  }
0x208: {  	_ =	swait.ge [sflag:s31], $0x800  }
0x209: {  	[sflag:s31] =	ssyncset.done $0x0  }
0x20a: {  	[sflag:s31] =	ssyncadd.s32 $0xFFFFF800  }
0x20b: {  	_ =	swait.ge [sflag:s31], $0x800  }
0x20c: {  	s12 =	smov.u32 s10;
	s14 =	rddreg [dreg:$0x6];
	[sflag:s31] =	ssyncset.done $0x0  }
0x20d: {  	s23 =	rddreg [dreg:$0x7];
	[sflag:s31] =	ssyncadd.s32 $0xFFFFF800;
	s14 =	sadd.s32 s12, s14  }
0x20e: {  	[tilespmem:s18], [sflag:$0x1] =	stream.linear.gather [hbm4b:s14+s18], $0x700, $0x38;
	[tilespmem:$0x1C400] =	vst v63  }
0x20f: {  	s7 =	sadd.s32 s12, s23  }
0x210: {  	[tilespmem:s25], [sflag:$0x1] =	stream.linear.gather [hbm4b:s7+s18], $0x700, $0x38;
	[tilespmem:$0x1C400] =	vst v63  }
0x211: {  	_ =	swait.ge [sflag:s28], $0x700  }
0x212: {  	[sflag:s28] =	ssyncset.done $0x0  }
0x213: {  	[sflag:s28] =	ssyncadd.s32 $0xFFFFF900  }
0x214: {  	_ =	swait.ge [sflag:s28], $0x700  }
0x215: {  	[sflag:s28] =	ssyncset.done $0x0  }
0x216: {  	[sflag:s28] =	ssyncadd.s32 $0xFFFFF900  }
0x217: {  	[tilespmem:s21], [sflag:$0x3] =	stream.indirect.gather [hbm4b:s5+s19], $0x10, s18, s19, $0xb8;
	[tilespmem:$0x1C400] =	vst v63  }
0x218: {  	_ = 	snop  }
0x219: {  	[tilespmem:s30], [sflag:$0x3] =	stream.indirect.gather [hbm4b:s5+s19], $0x10, s19, s19, $0xb8;
	[tilespmem:$0x1C400] =	vst v63  }
0x21a: {  	s25 =	simm.s32 $0x100  }
0x21b: {  	[tilespmem:s1], [sflag:$0x3] =	stream.indirect.gather [hbm4b:s5+s19], $0x10, s25, s19, $0xb8;
	[tilespmem:$0x1C400] =	vst v63  }
0x21c: {  	s14 =	simm.s32 $0x180  }
0x21d: {  	[tilespmem:s6], [sflag:$0x3] =	stream.indirect.gather [hbm4b:s5+s19], $0x10, s14, s19, $0xb8;
	[tilespmem:$0x1C400] =	vst v63  }
0x21e: {  	s14 =	simm.s32 $0x200  }
0x21f: {  	[tilespmem:s0], [sflag:$0x3] =	stream.indirect.gather [hbm4b:s5+s19], $0x10, s14, s19, $0xb8;
	[tilespmem:$0x1C400] =	vst v63  }
0x220: {  	s14 =	simm.s32 $0x280  }
0x221: {  	[tilespmem:s11], [sflag:$0x3] =	stream.indirect.gather [hbm4b:s5+s19], $0x10, s14, s19, $0xb8;
	[tilespmem:$0x1C400] =	vst v63  }
0x222: {  	s14 =	simm.s32 $0x300  }
0x223: {  	[tilespmem:s13], [sflag:$0x3] =	stream.indirect.gather [hbm4b:s5+s19], $0x10, s14, s19, $0xb8;
	[tilespmem:$0x1C400] =	vst v63  }
0x224: {  	s14 =	simm.s32 $0x380  }
0x225: {  	[tilespmem:s9], [sflag:$0x3] =	stream.indirect.gather [hbm4b:s5+s19], $0x10, s14, s19, $0xb8;
	[tilespmem:$0x1C400] =	vst v63  }
0x226: {  	s14 =	simm.s32 $0x400  }
0x227: {  	[tilespmem:s16], [sflag:$0x3] =	stream.indirect.gather [hbm4b:s5+s19], $0x10, s14, s19, $0xb8;
	[tilespmem:$0x1C400] =	vst v63  }
0x228: {  	s14 =	simm.s32 $0x480  }
0x229: {  	[tilespmem:s17], [sflag:$0x3] =	stream.indirect.gather [hbm4b:s5+s19], $0x10, s14, s19, $0xb8;
	[tilespmem:$0x1C400] =	vst v63  }
0x22a: {  	s14 =	simm.s32 $0x500  }
0x22b: {  	[tilespmem:s15], [sflag:$0x3] =	stream.indirect.gather [hbm4b:s5+s19], $0x10, s14, s19, $0xb8;
	[tilespmem:$0x1C400] =	vst v63  }
0x22c: {  	s14 =	simm.s32 $0x580  }
0x22d: {  	[tilespmem:s20], [sflag:$0x3] =	stream.indirect.gather [hbm4b:s5+s19], $0x10, s14, s19, $0xb8;
	[tilespmem:$0x1C400] =	vst v63  }
0x22e: {  	s14 =	simm.s32 $0x600  }
0x22f: {  	[tilespmem:s22], [sflag:$0x3] =	stream.indirect.gather [hbm4b:s5+s19], $0x10, s14, s19, $0xb8;
	[tilespmem:$0x1C400] =	vst v63  }
0x230: {  	s14 =	simm.s32 $0x680  }
0x231: {  	[tilespmem:s24], [sflag:$0x3] =	stream.indirect.gather [hbm4b:s5+s19], $0x10, s14, s19, $0xb8;
	[tilespmem:$0x1C400] =	vst v63  }
0x232: {  	_ =	swait.ge [sflag:s4], $0x800  }
0x233: {  	[sflag:s4] =	ssyncset.done $0x0  }
0x234: {  	[sflag:s4] =	ssyncadd.s32 $0xFFFFF800  }
0x235: {  	_ =	swait.ge [sflag:s4], $0x800  }
0x236: {  	[sflag:s4] =	ssyncset.done $0x0  }
0x237: {  	[sflag:s4] =	ssyncadd.s32 $0xFFFFF800  }
0x238: {  	_ =	swait.ge [sflag:s4], $0x800  }
0x239: {  	[sflag:s4] =	ssyncset.done $0x0  }
0x23a: {  	[sflag:s4] =	ssyncadd.s32 $0xFFFFF800  }
0x23b: {  	_ =	swait.ge [sflag:s4], $0x800  }
0x23c: {  	[sflag:s4] =	ssyncset.done $0x0  }
0x23d: {  	[sflag:s4] =	ssyncadd.s32 $0xFFFFF800  }
0x23e: {  	_ =	swait.ge [sflag:s4], $0x800  }
0x23f: {  	[sflag:s4] =	ssyncset.done $0x0  }
0x240: {  	[sflag:s4] =	ssyncadd.s32 $0xFFFFF800  }
0x241: {  	_ =	swait.ge [sflag:s4], $0x800  }
0x242: {  	[sflag:s4] =	ssyncset.done $0x0  }
0x243: {  	[sflag:s4] =	ssyncadd.s32 $0xFFFFF800  }
0x244: {  	_ =	swait.ge [sflag:s4], $0x800  }
0x245: {  	[sflag:s4] =	ssyncset.done $0x0  }
0x246: {  	[sflag:s4] =	ssyncadd.s32 $0xFFFFF800  }
0x247: {  	_ =	swait.ge [sflag:s4], $0x800  }
0x248: {  	[sflag:s4] =	ssyncset.done $0x0  }
0x249: {  	[sflag:s4] =	ssyncadd.s32 $0xFFFFF800  }
0x24a: {  	_ =	swait.ge [sflag:s4], $0x800  }
0x24b: {  	[sflag:s4] =	ssyncset.done $0x0  }
0x24c: {  	[sflag:s4] =	ssyncadd.s32 $0xFFFFF800  }
0x24d: {  	_ =	swait.ge [sflag:s4], $0x800  }
0x24e: {  	[sflag:s4] =	ssyncset.done $0x0  }
0x24f: {  	[sflag:s4] =	ssyncadd.s32 $0xFFFFF800  }
0x250: {  	_ =	swait.ge [sflag:s4], $0x800  }
0x251: {  	[sflag:s4] =	ssyncset.done $0x0  }
0x252: {  	[sflag:s4] =	ssyncadd.s32 $0xFFFFF800  }
0x253: {  	_ =	swait.ge [sflag:s4], $0x800  }
0x254: {  	[sflag:s4] =	ssyncset.done $0x0  }
0x255: {  	[sflag:s4] =	ssyncadd.s32 $0xFFFFF800  }
0x256: {  	_ =	swait.ge [sflag:s4], $0x800  }
0x257: {  	[sflag:s4] =	ssyncset.done $0x0  }
0x258: {  	[sflag:s4] =	ssyncadd.s32 $0xFFFFF800  }
0x259: {  	_ =	swait.ge [sflag:s4], $0x800  }
0x25a: {  	[sflag:s4] =	ssyncset.done $0x0  }
0x25b: {  	s24 =	simm.s32 $0x1500;
	[sflag:s4] =	ssyncadd.s32 $0xFFFFF800  }
0x25c: {  	[spmem:s2] =	stream.indirect.scatter.add.f32 [tilespmem:s3], [sflag:$0x6], $0x10, s24, s19, $0xb8;
	[tilespmem:$0x1C400] =	vst v63  }
0x25d: {  	s14 =	simm.s32 $0x1580  }
0x25e: {  	[spmem:s2] =	stream.indirect.scatter.add.f32 [tilespmem:s26], [sflag:$0x6], $0x10, s14, s19, $0xb8;
	[tilespmem:$0x1C400] =	vst v63  }
0x25f: {  	s24 =	simm.s32 $0x1600;
	s26 =	simm.s32 $0x9C00  }
0x260: {  	[spmem:s2] =	stream.indirect.scatter.add.f32 [tilespmem:s26], [sflag:$0x6], $0x10, s24, s19, $0xb8;
	[tilespmem:$0x1C400] =	vst v63  }
0x261: {  	s7 =	simm.s32 $0x1680;
	s14 =	simm.s32 $0xA400  }
0x262: {  	[spmem:s2] =	stream.indirect.scatter.add.f32 [tilespmem:s14], [sflag:$0x6], $0x10, s7, s19, $0xb8;
	[tilespmem:$0x1C400] =	vst v63  }
0x263: {  	s24 =	simm.s32 $0x1700;
	s26 =	simm.s32 $0xAC00  }
0x264: {  	[spmem:s2] =	stream.indirect.scatter.add.f32 [tilespmem:s26], [sflag:$0x6], $0x10, s24, s19, $0xb8;
	[tilespmem:$0x1C400] =	vst v63  }
0x265: {  	s7 =	simm.s32 $0x1780;
	s14 =	simm.s32 $0xB400  }
0x266: {  	[spmem:s2] =	stream.indirect.scatter.add.f32 [tilespmem:s14], [sflag:$0x6], $0x10, s7, s19, $0xb8;
	[tilespmem:$0x1C400] =	vst v63  }
0x267: {  	s24 =	simm.s32 $0x1800;
	s26 =	simm.s32 $0xBC00  }
0x268: {  	[spmem:s2] =	stream.indirect.scatter.add.f32 [tilespmem:s26], [sflag:$0x6], $0x10, s24, s19, $0xb8;
	[tilespmem:$0x1C400] =	vst v63  }
0x269: {  	s7 =	simm.s32 $0x1880;
	s14 =	simm.s32 $0xC400  }
0x26a: {  	[spmem:s2] =	stream.indirect.scatter.add.f32 [tilespmem:s14], [sflag:$0x6], $0x10, s7, s19, $0xb8;
	[tilespmem:$0x1C400] =	vst v63  }
0x26b: {  	s24 =	simm.s32 $0x1900;
	s26 =	simm.s32 $0xCC00  }
0x26c: {  	[spmem:s2] =	stream.indirect.scatter.add.f32 [tilespmem:s26], [sflag:$0x6], $0x10, s24, s19, $0xb8;
	[tilespmem:$0x1C400] =	vst v63  }
0x26d: {  	s7 =	simm.s32 $0x1980;
	s14 =	simm.s32 $0xD400  }
0x26e: {  	[spmem:s2] =	stream.indirect.scatter.add.f32 [tilespmem:s14], [sflag:$0x6], $0x10, s7, s19, $0xb8;
	[tilespmem:$0x1C400] =	vst v63  }
0x26f: {  	s24 =	simm.s32 $0x1A00;
	s26 =	simm.s32 $0xDC00  }
0x270: {  	[spmem:s2] =	stream.indirect.scatter.add.f32 [tilespmem:s26], [sflag:$0x6], $0x10, s24, s19, $0xb8;
	[tilespmem:$0x1C400] =	vst v63  }
0x271: {  	s7 =	simm.s32 $0x1A80;
	s14 =	simm.s32 $0xE400  }
0x272: {  	[spmem:s2] =	stream.indirect.scatter.add.f32 [tilespmem:s14], [sflag:$0x6], $0x10, s7, s19, $0xb8;
	[tilespmem:$0x1C400] =	vst v63  }
0x273: {  	s24 =	simm.s32 $0x1B00;
	s26 =	simm.s32 $0xEC00  }
0x274: {  	[spmem:s2] =	stream.indirect.scatter.add.f32 [tilespmem:s26], [sflag:$0x6], $0x10, s24, s19, $0xb8;
	[tilespmem:$0x1C400] =	vst v63  }
0x275: {  	s7 =	simm.s32 $0x1B80;
	s14 =	simm.s32 $0xF400  }
0x276: {  	[spmem:s2] =	stream.indirect.scatter.add.f32 [tilespmem:s14], [sflag:$0x6], $0x10, s7, s19, $0xb8;
	[tilespmem:$0x1C400] =	vst v63  }
0x277: {  	_ =	swait.ge [sflag:s8], $0x800  }
0x278: {  	[sflag:s8] =	ssyncset.done $0x0  }
0x279: {  	[sflag:s8] =	ssyncadd.s32 $0xFFFFF800  }
0x27a: {  	_ =	swait.ge [sflag:s8], $0x800  }
0x27b: {  	[sflag:s8] =	ssyncset.done $0x0  }
0x27c: {  	[sflag:s8] =	ssyncadd.s32 $0xFFFFF800  }
0x27d: {  	_ =	swait.ge [sflag:s8], $0x800  }
0x27e: {  	[sflag:s8] =	ssyncset.done $0x0  }
0x27f: {  	[sflag:s8] =	ssyncadd.s32 $0xFFFFF800  }
0x280: {  	_ =	swait.ge [sflag:s8], $0x800  }
0x281: {  	[sflag:s8] =	ssyncset.done $0x0  }
0x282: {  	[sflag:s8] =	ssyncadd.s32 $0xFFFFF800  }
0x283: {  	_ =	swait.ge [sflag:s8], $0x800  }
0x284: {  	[sflag:s8] =	ssyncset.done $0x0  }
0x285: {  	[sflag:s8] =	ssyncadd.s32 $0xFFFFF800  }
0x286: {  	_ =	swait.ge [sflag:s8], $0x800  }
0x287: {  	[sflag:s8] =	ssyncset.done $0x0  }
0x288: {  	[sflag:s8] =	ssyncadd.s32 $0xFFFFF800  }
0x289: {  	_ =	swait.ge [sflag:s8], $0x800  }
0x28a: {  	[sflag:s8] =	ssyncset.done $0x0  }
0x28b: {  	[sflag:s8] =	ssyncadd.s32 $0xFFFFF800  }
0x28c: {  	_ =	swait.ge [sflag:s8], $0x800  }
0x28d: {  	[sflag:s8] =	ssyncset.done $0x0  }
0x28e: {  	[sflag:s8] =	ssyncadd.s32 $0xFFFFF800  }
0x28f: {  	_ =	swait.ge [sflag:s8], $0x800  }
0x290: {  	[sflag:s8] =	ssyncset.done $0x0  }
0x291: {  	[sflag:s8] =	ssyncadd.s32 $0xFFFFF800  }
0x292: {  	_ =	swait.ge [sflag:s8], $0x800  }
0x293: {  	[sflag:s8] =	ssyncset.done $0x0  }
0x294: {  	[sflag:s8] =	ssyncadd.s32 $0xFFFFF800  }
0x295: {  	_ =	swait.ge [sflag:s8], $0x800  }
0x296: {  	[sflag:s8] =	ssyncset.done $0x0  }
0x297: {  	p0 =	sne.s32 s10, $0x2D80;
	s10 =	sadd.s32 $0x1C0, s10;
	[sflag:s8] =	ssyncadd.s32 $0xFFFFF800  }
0x298: {  	s23 =	simm.s32 $0xE00;
	s21 =	simm.s32 $0x2400;
	_ =	swait.ge [sflag:s8], $0x800  }
0x299: {  	s30 =	simm.s32 $0x2C00;
	s1 =	simm.s32 $0x3400;
	[sflag:s8] =	ssyncset.done $0x0  }
0x29a: {  	s6 =	simm.s32 $0x3C00;
	s0 =	simm.s32 $0x4400;
	[sflag:s8] =	ssyncadd.s32 $0xFFFFF800  }
0x29b: {  	s11 =	simm.s32 $0x4C00;
	s13 =	simm.s32 $0x5400;
	_ =	swait.ge [sflag:s8], $0x800  }
0x29c: {  	s9 =	simm.s32 $0x5C00;
	s16 =	simm.s32 $0x6400;
	[sflag:s8] =	ssyncset.done $0x0  }
0x29d: {  	s17 =	simm.s32 $0x6C00;
	s15 =	simm.s32 $0x7400;
	[sflag:s8] =	ssyncadd.s32 $0xFFFFF800  }
.Ltmp0:
0x29e: {  	s20 =	simm.s32 $0x7C00;
	_ =	swait.ge [sflag:s8], $0x800;
	(pc) =	sbr.rel @p0 .LBB2_2-.Ltmp0, $4  }
0x29f: {  	s22 =	simm.s32 $0x8400;
	s24 =	rddreg [dreg:$0x4];
	[sflag:s8] =	ssyncset.done $0x0  }
0x2a0: {  	s26 =	simm.s32 $0x700;
	s14 =	rddreg [dreg:$0x5];
	[sflag:s8] =	ssyncadd.s32 $0xFFFFF800  }
0x2a1: {  	s7 =	sadd.s32 s12, s24;
	s24 =	simm.s32 $0x700;
	s12 =	sadd.s32 s12, s14  }
0x2a2: {  	[tilespmem:s26], [sflag:$0x2] =	stream.linear.gather [hbm4b:s7+s18], $0x700, $0x38;
	[tilespmem:$0x1C400] =	vst v63  }
0x2a3: {  	s7 =	simm.s32 $0x1500;
	s3 =	simm.s32 $0x0;
	s18 =	simm.s32 $0x2  }
0x2a4: {  	[tilespmem:s7], [sflag:$0x2] =	stream.linear.gather [hbm4b:s12+s3], $0x700, $0x38;
	[tilespmem:$0x1C400] =	vst v63  }
0x2a5: {  	_ =	swait.ge [sflag:s18], $0x700  }
0x2a6: {  	[sflag:s18] =	ssyncset.done $0x0  }
0x2a7: {  	[sflag:s18] =	ssyncadd.s32 $0xFFFFF900  }
0x2a8: {  	_ =	swait.ge [sflag:s18], $0x700  }
0x2a9: {  	[sflag:s18] =	ssyncset.done $0x0  }
0x2aa: {  	s26 =	simm.s32 $0x8C00;
	[sflag:s18] =	ssyncadd.s32 $0xFFFFF900  }
0x2ab: {  	[tilespmem:s26], [sflag:$0x4] =	stream.indirect.gather [hbm4b:s5+s19], $0x10, s24, s19, $0xb8;
	[tilespmem:$0x1C400] =	vst v63  }
0x2ac: {  	s10 =	simm.s32 $0x780;
	s14 =	simm.s32 $0x9400  }
0x2ad: {  	[tilespmem:s14], [sflag:$0x4] =	stream.indirect.gather [hbm4b:s5+s19], $0x10, s10, s19, $0xb8;
	[tilespmem:$0x1C400] =	vst v63  }
0x2ae: {  	s28 =	simm.s32 $0x800;
	s24 =	simm.s32 $0x9C00  }
0x2af: {  	[tilespmem:s24], [sflag:$0x4] =	stream.indirect.gather [hbm4b:s5+s19], $0x10, s28, s19, $0xb8;
	[tilespmem:$0x1C400] =	vst v63  }
0x2b0: {  	s3 =	simm.s32 $0x880;
	s26 =	simm.s32 $0xA400  }
0x2b1: {  	[tilespmem:s26], [sflag:$0x4] =	stream.indirect.gather [hbm4b:s5+s19], $0x10, s3, s19, $0xb8;
	[tilespmem:$0x1C400] =	vst v63  }
0x2b2: {  	s7 =	simm.s32 $0x900;
	s28 =	simm.s32 $0xAC00  }
0x2b3: {  	[tilespmem:s28], [sflag:$0x4] =	stream.indirect.gather [hbm4b:s5+s19], $0x10, s7, s19, $0xb8;
	[tilespmem:$0x1C400] =	vst v63  }
0x2b4: {  	s12 =	simm.s32 $0x980;
	s3 =	simm.s32 $0xB400  }
0x2b5: {  	[tilespmem:s3], [sflag:$0x4] =	stream.indirect.gather [hbm4b:s5+s19], $0x10, s12, s19, $0xb8;
	[tilespmem:$0x1C400] =	vst v63  }
0x2b6: {  	s18 =	simm.s32 $0xA00;
	s7 =	simm.s32 $0xBC00  }
0x2b7: {  	[tilespmem:s7], [sflag:$0x4] =	stream.indirect.gather [hbm4b:s5+s19], $0x10, s18, s19, $0xb8;
	[tilespmem:$0x1C400] =	vst v63  }
0x2b8: {  	s12 =	simm.s32 $0xA80;
	s18 =	simm.s32 $0xC400  }
0x2b9: {  	[tilespmem:s18], [sflag:$0x4] =	stream.indirect.gather [hbm4b:s5+s19], $0x10, s12, s19, $0xb8;
	[tilespmem:$0x1C400] =	vst v63  }
0x2ba: {  	s10 =	simm.s32 $0xB00;
	s12 =	simm.s32 $0xCC00  }
0x2bb: {  	[tilespmem:s12], [sflag:$0x4] =	stream.indirect.gather [hbm4b:s5+s19], $0x10, s10, s19, $0xb8;
	[tilespmem:$0x1C400] =	vst v63  }
0x2bc: {  	s10 =	simm.s32 $0xB80;
	s12 =	simm.s32 $0xD400  }
0x2bd: {  	[tilespmem:s12], [sflag:$0x4] =	stream.indirect.gather [hbm4b:s5+s19], $0x10, s10, s19, $0xb8;
	[tilespmem:$0x1C400] =	vst v63  }
0x2be: {  	s10 =	simm.s32 $0xC00;
	s12 =	simm.s32 $0xDC00  }
0x2bf: {  	[tilespmem:s12], [sflag:$0x4] =	stream.indirect.gather [hbm4b:s5+s19], $0x10, s10, s19, $0xb8;
	[tilespmem:$0x1C400] =	vst v63  }
0x2c0: {  	s10 =	simm.s32 $0xC80;
	s12 =	simm.s32 $0xE400  }
0x2c1: {  	[tilespmem:s12], [sflag:$0x4] =	stream.indirect.gather [hbm4b:s5+s19], $0x10, s10, s19, $0xb8;
	[tilespmem:$0x1C400] =	vst v63  }
0x2c2: {  	s10 =	simm.s32 $0xD00;
	s12 =	simm.s32 $0xEC00  }
0x2c3: {  	[tilespmem:s12], [sflag:$0x4] =	stream.indirect.gather [hbm4b:s5+s19], $0x10, s10, s19, $0xb8;
	[tilespmem:$0x1C400] =	vst v63  }
0x2c4: {  	s10 =	simm.s32 $0xD80;
	s12 =	simm.s32 $0xF400  }
0x2c5: {  	[tilespmem:s12], [sflag:$0x4] =	stream.indirect.gather [hbm4b:s5+s19], $0x10, s10, s19, $0xb8;
	[tilespmem:$0x1C400] =	vst v63  }
0x2c6: {  	_ =	swait.ge [sflag:s29], $0x800  }
0x2c7: {  	[sflag:s29] =	ssyncset.done $0x0  }
0x2c8: {  	[sflag:s29] =	ssyncadd.s32 $0xFFFFF800  }
0x2c9: {  	_ =	swait.ge [sflag:s29], $0x800  }
0x2ca: {  	[sflag:s29] =	ssyncset.done $0x0  }
0x2cb: {  	[sflag:s29] =	ssyncadd.s32 $0xFFFFF800  }
0x2cc: {  	_ =	swait.ge [sflag:s29], $0x800  }
0x2cd: {  	[sflag:s29] =	ssyncset.done $0x0  }
0x2ce: {  	[sflag:s29] =	ssyncadd.s32 $0xFFFFF800  }
0x2cf: {  	_ =	swait.ge [sflag:s29], $0x800  }
0x2d0: {  	[sflag:s29] =	ssyncset.done $0x0  }
0x2d1: {  	[sflag:s29] =	ssyncadd.s32 $0xFFFFF800  }
0x2d2: {  	_ =	swait.ge [sflag:s29], $0x800  }
0x2d3: {  	[sflag:s29] =	ssyncset.done $0x0  }
0x2d4: {  	[sflag:s29] =	ssyncadd.s32 $0xFFFFF800  }
0x2d5: {  	_ =	swait.ge [sflag:s29], $0x800  }
0x2d6: {  	[sflag:s29] =	ssyncset.done $0x0  }
0x2d7: {  	[sflag:s29] =	ssyncadd.s32 $0xFFFFF800  }
0x2d8: {  	_ =	swait.ge [sflag:s29], $0x800  }
0x2d9: {  	[sflag:s29] =	ssyncset.done $0x0  }
0x2da: {  	[sflag:s29] =	ssyncadd.s32 $0xFFFFF800  }
0x2db: {  	_ =	swait.ge [sflag:s29], $0x800  }
0x2dc: {  	[sflag:s29] =	ssyncset.done $0x0  }
0x2dd: {  	[sflag:s29] =	ssyncadd.s32 $0xFFFFF800  }
0x2de: {  	_ =	swait.ge [sflag:s29], $0x800  }
0x2df: {  	[sflag:s29] =	ssyncset.done $0x0  }
0x2e0: {  	[sflag:s29] =	ssyncadd.s32 $0xFFFFF800  }
0x2e1: {  	_ =	swait.ge [sflag:s29], $0x800  }
0x2e2: {  	[sflag:s29] =	ssyncset.done $0x0  }
0x2e3: {  	[sflag:s29] =	ssyncadd.s32 $0xFFFFF800  }
0x2e4: {  	_ =	swait.ge [sflag:s29], $0x800  }
0x2e5: {  	[sflag:s29] =	ssyncset.done $0x0  }
0x2e6: {  	[sflag:s29] =	ssyncadd.s32 $0xFFFFF800  }
0x2e7: {  	_ =	swait.ge [sflag:s29], $0x800  }
0x2e8: {  	[sflag:s29] =	ssyncset.done $0x0  }
0x2e9: {  	[sflag:s29] =	ssyncadd.s32 $0xFFFFF800  }
0x2ea: {  	_ =	swait.ge [sflag:s29], $0x800  }
0x2eb: {  	[sflag:s29] =	ssyncset.done $0x0  }
0x2ec: {  	[sflag:s29] =	ssyncadd.s32 $0xFFFFF800  }
0x2ed: {  	_ =	swait.ge [sflag:s29], $0x800  }
0x2ee: {  	[sflag:s29] =	ssyncset.done $0x0  }
0x2ef: {  	s12 =	simm.s32 $0x1C00;
	[sflag:s29] =	ssyncadd.s32 $0xFFFFF800  }
0x2f0: {  	[spmem:s2] =	stream.indirect.scatter.add.f32 [tilespmem:s12], [sflag:$0x5], $0x10, s23, s19, $0xb8;
	[tilespmem:$0x1C400] =	vst v63  }
0x2f1: {  	s23 =	simm.s32 $0xE80  }
0x2f2: {  	[spmem:s2] =	stream.indirect.scatter.add.f32 [tilespmem:s21], [sflag:$0x5], $0x10, s23, s19, $0xb8;
	[tilespmem:$0x1C400] =	vst v63  }
0x2f3: {  	s21 =	simm.s32 $0xF00  }
0x2f4: {  	[spmem:s2] =	stream.indirect.scatter.add.f32 [tilespmem:s30], [sflag:$0x5], $0x10, s21, s19, $0xb8;
	[tilespmem:$0x1C400] =	vst v63  }
0x2f5: {  	s23 =	simm.s32 $0xF80  }
0x2f6: {  	[spmem:s2] =	stream.indirect.scatter.add.f32 [tilespmem:s1], [sflag:$0x5], $0x10, s23, s19, $0xb8;
	[tilespmem:$0x1C400] =	vst v63  }
0x2f7: {  	s10 =	simm.s32 $0x1000  }
0x2f8: {  	[spmem:s2] =	stream.indirect.scatter.add.f32 [tilespmem:s6], [sflag:$0x5], $0x10, s10, s19, $0xb8;
	[tilespmem:$0x1C400] =	vst v63  }
0x2f9: {  	s21 =	simm.s32 $0x1080  }
0x2fa: {  	[spmem:s2] =	stream.indirect.scatter.add.f32 [tilespmem:s0], [sflag:$0x5], $0x10, s21, s19, $0xb8;
	[tilespmem:$0x1C400] =	vst v63  }
0x2fb: {  	s23 =	simm.s32 $0x1100  }
0x2fc: {  	[spmem:s2] =	stream.indirect.scatter.add.f32 [tilespmem:s11], [sflag:$0x5], $0x10, s23, s19, $0xb8;
	[tilespmem:$0x1C400] =	vst v63  }
0x2fd: {  	s1 =	simm.s32 $0x1180  }
0x2fe: {  	[spmem:s2] =	stream.indirect.scatter.add.f32 [tilespmem:s13], [sflag:$0x5], $0x10, s1, s19, $0xb8;
	[tilespmem:$0x1C400] =	vst v63  }
0x2ff: {  	s6 =	simm.s32 $0x1200  }
0x300: {  	[spmem:s2] =	stream.indirect.scatter.add.f32 [tilespmem:s9], [sflag:$0x5], $0x10, s6, s19, $0xb8;
	[tilespmem:$0x1C400] =	vst v63  }
0x301: {  	s10 =	simm.s32 $0x1280  }
0x302: {  	[spmem:s2] =	stream.indirect.scatter.add.f32 [tilespmem:s16], [sflag:$0x5], $0x10, s10, s19, $0xb8;
	[tilespmem:$0x1C400] =	vst v63  }
0x303: {  	s11 =	simm.s32 $0x1300  }
0x304: {  	[spmem:s2] =	stream.indirect.scatter.add.f32 [tilespmem:s17], [sflag:$0x5], $0x10, s11, s19, $0xb8;
	[tilespmem:$0x1C400] =	vst v63  }
0x305: {  	s13 =	simm.s32 $0x1380  }
0x306: {  	[spmem:s2] =	stream.indirect.scatter.add.f32 [tilespmem:s15], [sflag:$0x5], $0x10, s13, s19, $0xb8;
	[tilespmem:$0x1C400] =	vst v63  }
0x307: {  	s16 =	simm.s32 $0x1400  }
0x308: {  	[spmem:s2] =	stream.indirect.scatter.add.f32 [tilespmem:s20], [sflag:$0x5], $0x10, s16, s19, $0xb8;
	[tilespmem:$0x1C400] =	vst v63  }
0x309: {  	s17 =	simm.s32 $0x1480  }
0x30a: {  	[spmem:s2] =	stream.indirect.scatter.add.f32 [tilespmem:s22], [sflag:$0x5], $0x10, s17, s19, $0xb8;
	[tilespmem:$0x1C400] =	vst v63  }
0x30b: {  	_ =	swait.ge [sflag:s31], $0x800  }
0x30c: {  	[sflag:s31] =	ssyncset.done $0x0  }
0x30d: {  	[sflag:s31] =	ssyncadd.s32 $0xFFFFF800  }
0x30e: {  	_ =	swait.ge [sflag:s31], $0x800  }
0x30f: {  	[sflag:s31] =	ssyncset.done $0x0  }
0x310: {  	[sflag:s31] =	ssyncadd.s32 $0xFFFFF800  }
0x311: {  	_ =	swait.ge [sflag:s31], $0x800  }
0x312: {  	[sflag:s31] =	ssyncset.done $0x0  }
0x313: {  	[sflag:s31] =	ssyncadd.s32 $0xFFFFF800  }
0x314: {  	_ =	swait.ge [sflag:s31], $0x800  }
0x315: {  	[sflag:s31] =	ssyncset.done $0x0  }
0x316: {  	[sflag:s31] =	ssyncadd.s32 $0xFFFFF800  }
0x317: {  	_ =	swait.ge [sflag:s31], $0x800  }
0x318: {  	[sflag:s31] =	ssyncset.done $0x0  }
0x319: {  	[sflag:s31] =	ssyncadd.s32 $0xFFFFF800  }
0x31a: {  	_ =	swait.ge [sflag:s31], $0x800  }
0x31b: {  	[sflag:s31] =	ssyncset.done $0x0  }
0x31c: {  	[sflag:s31] =	ssyncadd.s32 $0xFFFFF800  }
0x31d: {  	_ =	swait.ge [sflag:s31], $0x800  }
0x31e: {  	[sflag:s31] =	ssyncset.done $0x0  }
0x31f: {  	[sflag:s31] =	ssyncadd.s32 $0xFFFFF800  }
0x320: {  	_ =	swait.ge [sflag:s31], $0x800  }
0x321: {  	[sflag:s31] =	ssyncset.done $0x0  }
0x322: {  	[sflag:s31] =	ssyncadd.s32 $0xFFFFF800  }
0x323: {  	_ =	swait.ge [sflag:s31], $0x800  }
0x324: {  	[sflag:s31] =	ssyncset.done $0x0  }
0x325: {  	[sflag:s31] =	ssyncadd.s32 $0xFFFFF800  }
0x326: {  	_ =	swait.ge [sflag:s31], $0x800  }
0x327: {  	[sflag:s31] =	ssyncset.done $0x0  }
0x328: {  	[sflag:s31] =	ssyncadd.s32 $0xFFFFF800  }
0x329: {  	_ =	swait.ge [sflag:s31], $0x800  }
0x32a: {  	[sflag:s31] =	ssyncset.done $0x0  }
0x32b: {  	[sflag:s31] =	ssyncadd.s32 $0xFFFFF800  }
0x32c: {  	_ =	swait.ge [sflag:s31], $0x800  }
0x32d: {  	[sflag:s31] =	ssyncset.done $0x0  }
0x32e: {  	[sflag:s31] =	ssyncadd.s32 $0xFFFFF800  }
0x32f: {  	_ =	swait.ge [sflag:s31], $0x800  }
0x330: {  	[sflag:s31] =	ssyncset.done $0x0  }
0x331: {  	[sflag:s31] =	ssyncadd.s32 $0xFFFFF800  }
0x332: {  	_ =	swait.ge [sflag:s31], $0x800  }
0x333: {  	[sflag:s31] =	ssyncset.done $0x0  }
0x334: {  	[sflag:s31] =	ssyncadd.s32 $0xFFFFF800  }
0x335: {  	_ =	swait.ge [sflag:s4], $0x800  }
0x336: {  	[sflag:s4] =	ssyncset.done $0x0  }
0x337: {  	[sflag:s4] =	ssyncadd.s32 $0xFFFFF800  }
0x338: {  	_ =	swait.ge [sflag:s4], $0x800  }
0x339: {  	[sflag:s4] =	ssyncset.done $0x0  }
0x33a: {  	[sflag:s4] =	ssyncadd.s32 $0xFFFFF800  }
0x33b: {  	_ =	swait.ge [sflag:s4], $0x800  }
0x33c: {  	[sflag:s4] =	ssyncset.done $0x0  }
0x33d: {  	[sflag:s4] =	ssyncadd.s32 $0xFFFFF800  }
0x33e: {  	_ =	swait.ge [sflag:s4], $0x800  }
0x33f: {  	[sflag:s4] =	ssyncset.done $0x0  }
0x340: {  	[sflag:s4] =	ssyncadd.s32 $0xFFFFF800  }
0x341: {  	_ =	swait.ge [sflag:s4], $0x800  }
0x342: {  	[sflag:s4] =	ssyncset.done $0x0  }
0x343: {  	[sflag:s4] =	ssyncadd.s32 $0xFFFFF800  }
0x344: {  	_ =	swait.ge [sflag:s4], $0x800  }
0x345: {  	[sflag:s4] =	ssyncset.done $0x0  }
0x346: {  	[sflag:s4] =	ssyncadd.s32 $0xFFFFF800  }
0x347: {  	_ =	swait.ge [sflag:s4], $0x800  }
0x348: {  	[sflag:s4] =	ssyncset.done $0x0  }
0x349: {  	[sflag:s4] =	ssyncadd.s32 $0xFFFFF800  }
0x34a: {  	_ =	swait.ge [sflag:s4], $0x800  }
0x34b: {  	[sflag:s4] =	ssyncset.done $0x0  }
0x34c: {  	[sflag:s4] =	ssyncadd.s32 $0xFFFFF800  }
0x34d: {  	_ =	swait.ge [sflag:s4], $0x800  }
0x34e: {  	[sflag:s4] =	ssyncset.done $0x0  }
0x34f: {  	[sflag:s4] =	ssyncadd.s32 $0xFFFFF800  }
0x350: {  	_ =	swait.ge [sflag:s4], $0x800  }
0x351: {  	[sflag:s4] =	ssyncset.done $0x0  }
0x352: {  	[sflag:s4] =	ssyncadd.s32 $0xFFFFF800  }
0x353: {  	_ =	swait.ge [sflag:s4], $0x800  }
0x354: {  	[sflag:s4] =	ssyncset.done $0x0  }
0x355: {  	[sflag:s4] =	ssyncadd.s32 $0xFFFFF800  }
0x356: {  	_ =	swait.ge [sflag:s4], $0x800  }
0x357: {  	[sflag:s4] =	ssyncset.done $0x0  }
0x358: {  	[sflag:s4] =	ssyncadd.s32 $0xFFFFF800  }
0x359: {  	_ =	swait.ge [sflag:s4], $0x800  }
0x35a: {  	[sflag:s4] =	ssyncset.done $0x0  }
0x35b: {  	[sflag:s4] =	ssyncadd.s32 $0xFFFFF800  }
0x35c: {  	_ =	swait.ge [sflag:s4], $0x800  }
0x35d: {  	[sflag:s4] =	ssyncset.done $0x0  }
0x35e: {  	s21 =	simm.s32 $0x8C00;
	s20 =	simm.s32 $0x1500;
	[sflag:s4] =	ssyncadd.s32 $0xFFFFF800  }
0x35f: {  	[spmem:s2] =	stream.indirect.scatter.add.f32 [tilespmem:s21], [sflag:$0x6], $0x10, s20, s19, $0xb8;
	[tilespmem:$0x1C400] =	vst v63  }
0x360: {  	s22 =	simm.s32 $0x1580  }
0x361: {  	[spmem:s2] =	stream.indirect.scatter.add.f32 [tilespmem:s14], [sflag:$0x6], $0x10, s22, s19, $0xb8;
	[tilespmem:$0x1C400] =	vst v63  }
0x362: {  	s23 =	simm.s32 $0x1600  }
0x363: {  	[spmem:s2] =	stream.indirect.scatter.add.f32 [tilespmem:s24], [sflag:$0x6], $0x10, s23, s19, $0xb8;
	[tilespmem:$0x1C400] =	vst v63  }
0x364: {  	s24 =	simm.s32 $0x1680  }
0x365: {  	[spmem:s2] =	stream.indirect.scatter.add.f32 [tilespmem:s26], [sflag:$0x6], $0x10, s24, s19, $0xb8;
	[tilespmem:$0x1C400] =	vst v63  }
0x366: {  	s26 =	simm.s32 $0x1700  }
0x367: {  	[spmem:s2] =	stream.indirect.scatter.add.f32 [tilespmem:s28], [sflag:$0x6], $0x10, s26, s19, $0xb8;
	[tilespmem:$0x1C400] =	vst v63  }
0x368: {  	s1 =	simm.s32 $0x1780  }
0x369: {  	[spmem:s2] =	stream.indirect.scatter.add.f32 [tilespmem:s3], [sflag:$0x6], $0x10, s1, s19, $0xb8;
	[tilespmem:$0x1C400] =	vst v63  }
0x36a: {  	s3 =	simm.s32 $0x1800  }
0x36b: {  	[spmem:s2] =	stream.indirect.scatter.add.f32 [tilespmem:s7], [sflag:$0x6], $0x10, s3, s19, $0xb8;
	[tilespmem:$0x1C400] =	vst v63  }
0x36c: {  	s6 =	simm.s32 $0x1880  }
0x36d: {  	[spmem:s2] =	stream.indirect.scatter.add.f32 [tilespmem:s18], [sflag:$0x6], $0x10, s6, s19, $0xb8;
	[tilespmem:$0x1C400] =	vst v63  }
0x36e: {  	s9 =	simm.s32 $0xCC00;
	s7 =	simm.s32 $0x1900  }
0x36f: {  	[spmem:s2] =	stream.indirect.scatter.add.f32 [tilespmem:s9], [sflag:$0x6], $0x10, s7, s19, $0xb8;
	[tilespmem:$0x1C400] =	vst v63  }
0x370: {  	s10 =	simm.s32 $0x1980;
	s11 =	simm.s32 $0xD400  }
0x371: {  	[spmem:s2] =	stream.indirect.scatter.add.f32 [tilespmem:s11], [sflag:$0x6], $0x10, s10, s19, $0xb8;
	[tilespmem:$0x1C400] =	vst v63  }
0x372: {  	s13 =	simm.s32 $0x1A00;
	s14 =	simm.s32 $0xDC00  }
0x373: {  	[spmem:s2] =	stream.indirect.scatter.add.f32 [tilespmem:s14], [sflag:$0x6], $0x10, s13, s19, $0xb8;
	[tilespmem:$0x1C400] =	vst v63  }
0x374: {  	s15 =	simm.s32 $0x1A80;
	s16 =	simm.s32 $0xE400  }
0x375: {  	[spmem:s2] =	stream.indirect.scatter.add.f32 [tilespmem:s16], [sflag:$0x6], $0x10, s15, s19, $0xb8;
	[tilespmem:$0x1C400] =	vst v63  }
0x376: {  	s17 =	simm.s32 $0x1B00;
	s18 =	simm.s32 $0xEC00  }
0x377: {  	[spmem:s2] =	stream.indirect.scatter.add.f32 [tilespmem:s18], [sflag:$0x6], $0x10, s17, s19, $0xb8;
	[tilespmem:$0x1C400] =	vst v63  }
0x378: {  	s20 =	simm.s32 $0x1B80;
	s21 =	simm.s32 $0xF400  }
0x379: {  	[spmem:s2] =	stream.indirect.scatter.add.f32 [tilespmem:s21], [sflag:$0x6], $0x10, s20, s19, $0xb8;
	[tilespmem:$0x1C400] =	vst v63  }
0x37a: {  	_ =	swait.ge [sflag:s8], $0x800  }
0x37b: {  	[sflag:s8] =	ssyncset.done $0x0  }
0x37c: {  	[sflag:s8] =	ssyncadd.s32 $0xFFFFF800  }
0x37d: {  	_ =	swait.ge [sflag:s8], $0x800  }
0x37e: {  	[sflag:s8] =	ssyncset.done $0x0  }
0x37f: {  	[sflag:s8] =	ssyncadd.s32 $0xFFFFF800  }
0x380: {  	_ =	swait.ge [sflag:s8], $0x800  }
0x381: {  	[sflag:s8] =	ssyncset.done $0x0  }
0x382: {  	[sflag:s8] =	ssyncadd.s32 $0xFFFFF800  }
0x383: {  	_ =	swait.ge [sflag:s8], $0x800  }
0x384: {  	[sflag:s8] =	ssyncset.done $0x0  }
0x385: {  	[sflag:s8] =	ssyncadd.s32 $0xFFFFF800  }
0x386: {  	_ =	swait.ge [sflag:s8], $0x800  }
0x387: {  	[sflag:s8] =	ssyncset.done $0x0  }
0x388: {  	[sflag:s8] =	ssyncadd.s32 $0xFFFFF800  }
0x389: {  	_ =	swait.ge [sflag:s8], $0x800  }
0x38a: {  	[sflag:s8] =	ssyncset.done $0x0  }
0x38b: {  	[sflag:s8] =	ssyncadd.s32 $0xFFFFF800  }
0x38c: {  	_ =	swait.ge [sflag:s8], $0x800  }
0x38d: {  	[sflag:s8] =	ssyncset.done $0x0  }
0x38e: {  	[sflag:s8] =	ssyncadd.s32 $0xFFFFF800  }
0x38f: {  	_ =	swait.ge [sflag:s8], $0x800  }
0x390: {  	[sflag:s8] =	ssyncset.done $0x0  }
0x391: {  	[sflag:s8] =	ssyncadd.s32 $0xFFFFF800  }
0x392: {  	_ =	swait.ge [sflag:s8], $0x800  }
0x393: {  	[sflag:s8] =	ssyncset.done $0x0  }
0x394: {  	[sflag:s8] =	ssyncadd.s32 $0xFFFFF800  }
0x395: {  	_ =	swait.ge [sflag:s8], $0x800  }
0x396: {  	[sflag:s8] =	ssyncset.done $0x0  }
0x397: {  	[sflag:s8] =	ssyncadd.s32 $0xFFFFF800  }
0x398: {  	_ =	swait.ge [sflag:s8], $0x800  }
0x399: {  	[sflag:s8] =	ssyncset.done $0x0  }
0x39a: {  	[sflag:s8] =	ssyncadd.s32 $0xFFFFF800  }
0x39b: {  	_ =	swait.ge [sflag:s8], $0x800  }
0x39c: {  	[sflag:s8] =	ssyncset.done $0x0  }
0x39d: {  	[sflag:s8] =	ssyncadd.s32 $0xFFFFF800  }
0x39e: {  	_ =	swait.ge [sflag:s8], $0x800  }
0x39f: {  	[sflag:s8] =	ssyncset.done $0x0  }
0x3a0: {  	[sflag:s8] =	ssyncadd.s32 $0xFFFFF800  }
0x3a1: {  	_ =	swait.ge [sflag:s8], $0x800  }
0x3a2: {  	[sflag:s8] =	ssyncset.done $0x0  }
0x3a3: {  	[sflag:s8] =	ssyncadd.s32 $0xFFFFF800  }
0x3a4: {  	[bflag:$0x0] =	sbarrier.arrive $0xFFFF  }
0x3a5: {  	s21 =	simm.s32 $0x7;
	s14 =	rddreg [dreg:$0x8]  }
0x3a6: {  	[tilespmem:s12], [sflag:$0x7] =	stream.linear.gather [spmem:s14], $0x6400, $0x38;
	[tilespmem:$0x1C400] =	vst v63  }
0x3a7: {  	_ =	swait.ge [sflag:s21], $0x6400  }
0x3a8: {  	[sflag:s21] =	ssyncset.done $0x0  }
0x3a9: {  	s23 =	simm.s32 $0x0;
	s22 =	rddreg [dreg:$0xe];
	[sflag:s21] =	ssyncadd.s32 $0xFFFF9C00  }
0x3aa: {  	[hbm4b:s22+s23] =	stream.linear.scatter [tilespmem:s12], [sflag:$0x7], $0x6400, $0x38;
	[tilespmem:$0x1C400] =	vst v63  }
0x3ab: {  	_ =	swait.ge [sflag:s21], $0x6400  }
0x3ac: {  	[sflag:s21] =	ssyncset.done $0x0  }
0x3ad: {  	s10 =	rddreg [dreg:$0x9];
	[sflag:s21] =	ssyncadd.s32 $0xFFFF9C00  }
0x3ae: {  	[tilespmem:s12], [sflag:$0x7] =	stream.linear.gather [spmem:s10], $0x6400, $0x38;
	[tilespmem:$0x1C400] =	vst v63  }
0x3af: {  	_ =	swait.ge [sflag:s21], $0x6400  }
0x3b0: {  	[sflag:s21] =	ssyncset.done $0x0  }
0x3b1: {  	s24 =	rddreg [dreg:$0xf];
	[sflag:s21] =	ssyncadd.s32 $0xFFFF9C00  }
0x3b2: {  	[hbm4b:s24+s23] =	stream.linear.scatter [tilespmem:s12], [sflag:$0x7], $0x6400, $0x38;
	[tilespmem:$0x1C400] =	vst v63  }
0x3b3: {  	_ =	swait.ge [sflag:s21], $0x6400  }
0x3b4: {  	s26 =	rddreg [dreg:$0x11]  }
0x3b5: {  	s28 =	rddreg [dreg:$0x10];
	s1 =	sadd.s32 $0x1, s26  }
0x3b6: {  	p0 =	sne.s32 s1, s28  }
.Ltmp1:
0x3b7: {  	_ = 	snop;
	(pc) =	sbr.rel @p0 .LBB2_1-.Ltmp1, $4  }
0x3b8: {  	_ = 	snop  }
0x3b9: {  	s30 =	simm.s32 $0x280  }
0x3ba: {  	s0 =	simm.s32 $0x1;
	s11 =	simm.s32 $0x180;
	[sflag:s21] =	ssyncset.done $0x0  }
0x3bb: {  	s23 =	simm.s32 $0x200;
	s12 =	simm.s32 $0x300;
	[sflag:s21] =	ssyncadd.s32 $0xFFFF9C00  }
0x3bc: {  	_ =	sfence.sel $0x180000  }
0x3bd: {  	[bflag:$0x0] =	sbarrier.arrive $0xFFFF  }
0x3be: {  	_ =	strace $0x9000004D  }
0x3bf: {  	s0 =	stileid.u32;
	[bflag:$0x2] =	sbarrier.arrive $0xFFFF  }
0x3c0: {  	p0 =	sne.s32 s0, $0x0;
	s0 =	rddreg [dreg:$0x3]  }
0x3c1: {  	s0 =	sadd.s32 @!p0 $0x100000, s0  }
0x3c2: {  	[sflag:s0] =	ssyncadd.tile.s32 @!p0 $0x1;
	_ =	shalt  }
.Lfunc_end2:
_tile_overlayer_lowered:
.L_overlay_start_2:
0x3c3: {  	(tag) =	ssettag $0x2  }
0x3c4: {  	s0 =	rddreg [dreg:$0x0];
	s2 =	stileid.u32  }
0x3c5: {  	s1 =	rddreg [dreg:$0x1];
	p0 =	sne.s32 s2, $0x0  }
0x3c6: {  	s3 =	rddreg [dreg:$0x2];
	[bflag:$0x3] =	sbarrier.arrive $0xFFFF;
	s2 =	simm.s32 @!p0 $0x1C07  }
0x3c7: {  	[timem:s3], [sflag:s2] =	dma.local @!p0 [hbm:s0], s1  }
0x3c8: {  	s0 =	simm.s32 @!p0 $0x7  }
0x3c9: {  	_ =	swait.ge @!p0 [sflag:s0], s1  }
0x3ca: {  	s1 =	ssub.s32 @!p0 $0x0, s1;
	[sflag:s0] =	ssyncset.done @!p0 $0x0  }
0x3cb: {  	[sflag:s0] =	ssyncadd.s32 @!p0 s1  }
0x3cc: {  	[bflag:$0x3] =	sbarrier.arrive $0xFFFF  }
0x3cd: {  	_ =	shalt  }

</sc_bundles>
